<compile_context>
chip_gen: v7x
topology: tpu7x:2x2x1
jax: 0.10.2.dev20260603
libtpu: 0.0.44.dev20260713+nightly
codegen_flags: <defaults>
</compile_context>

<pallas_src>
import functools

import jax
import jax.numpy as jnp
from jax import lax
from jax.experimental import pallas as pl
from jax.experimental.pallas import tpu as pltpu
from jax.experimental.pallas import tpu_sc as plsc

VOCAB = 100000
HIDDEN = 512
BATCH = 16384

_NC = 2
_NS = 16
_NW = _NC * _NS
_BPW = BATCH // _NW
_CHUNK = 64
_NCHUNK = _BPW // _CHUNK
_NSL = HIDDEN // 16
_NBUF = 3


def _sc_gather(idx_hbm, table_hbm, emb_hbm, part_hbm,
               idx_v, buf0, buf1, buf2, acc_v,
               g0, g1, g2, s0, s1, s2):
    wid = lax.axis_index("s") * _NC + lax.axis_index("c")
    base = wid * _BPW

    bufs = (buf0, buf1, buf2)
    gsems = (g0, g1, g2)
    ssems = (s0, s1, s2)

    def gather(c, b):
        return pltpu.async_copy(
            table_hbm.at[idx_v.at[pl.ds(c * _CHUNK, _CHUNK)]],
            bufs[b], gsems[b])

    pltpu.sync_copy(idx_hbm.at[pl.ds(base, _CHUNK)],
                    idx_v.at[pl.ds(0, _CHUNK)])

    def accum_chunk(buf, accs):
        def body(r, accs):
            return tuple(accs[s] + buf[r, pl.ds(s * 16, 16)]
                         for s in range(_NSL))
        return lax.fori_loop(0, _CHUNK, body, accs)

    accs = tuple(jnp.zeros((16,), jnp.float32) for _ in range(_NSL))
    gath = [None] * _NBUF
    scat = [None] * _NBUF
    gath[0] = gather(0, 0)
    pltpu.sync_copy(idx_hbm.at[pl.ds(base + _CHUNK, _BPW - _CHUNK)],
                    idx_v.at[pl.ds(_CHUNK, _BPW - _CHUNK)])
    for k in range(1, _NBUF):
        gath[k] = gather(k, k)
    for c in range(_NCHUNK):
        b = c % _NBUF
        gath[b].wait()
        scat[b] = pltpu.async_copy(
            bufs[b], emb_hbm.at[pl.ds(base + c * _CHUNK, _CHUNK)], ssems[b])
        accs = accum_chunk(bufs[b], accs)
        if c + _NBUF < _NCHUNK:
            scat[b].wait()
            gath[b] = gather(c + _NBUF, b)
    for s in range(_NSL):
        acc_v[0, pl.ds(s * 16, 16)] = accs[s]
    pw = pltpu.async_copy(acc_v, part_hbm.at[pl.ds(wid, 1)], gsems[0])
    for c in range(max(0, _NCHUNK - _NBUF), _NCHUNK):
        scat[c % _NBUF].wait()
    pw.wait()


_gather_call = functools.partial(
    pl.kernel,
    mesh=plsc.VectorSubcoreMesh(core_axis_name="c", subcore_axis_name="s"),
    out_type=(
        jax.ShapeDtypeStruct((BATCH, HIDDEN), jnp.float32),
        jax.ShapeDtypeStruct((_NW, HIDDEN), jnp.float32),
    ),
    scratch_types=[
        pltpu.VMEM((_BPW,), jnp.int32),
        pltpu.VMEM((_CHUNK, HIDDEN), jnp.float32),
        pltpu.VMEM((_CHUNK, HIDDEN), jnp.float32),
        pltpu.VMEM((_CHUNK, HIDDEN), jnp.float32),
        pltpu.VMEM((1, HIDDEN), jnp.float32),
        pltpu.SemaphoreType.DMA,
        pltpu.SemaphoreType.DMA,
        pltpu.SemaphoreType.DMA,
        pltpu.SemaphoreType.DMA,
        pltpu.SemaphoreType.DMA,
        pltpu.SemaphoreType.DMA,
    ],
)(_sc_gather)


_ROWS = 4096
_NB = BATCH // _ROWS


def _weights_body(part_ref, m_ref, e_ref, o_ref, v_ref):
    @pl.when(pl.program_id(0) == 0)
    def _compute_v():
        ys = jnp.sum(part_ref[...], axis=0, keepdims=True) * (1.0 / BATCH)
        v_ref[...] = lax.dot_general(ys, m_ref[...], (((1,), (1,)), ((), ())),
                                     preferred_element_type=jnp.float32)

    o_ref[...] = lax.dot_general(
        v_ref[...], e_ref[...], (((1,), (1,)), ((), ())),
        preferred_element_type=jnp.float32)


def kernel(input_tensor, table, M):
    idx = input_tensor.astype(jnp.int32)
    embeddings, partials = _gather_call(idx, table)

    weights2d = pl.pallas_call(
        _weights_body,
        grid=(_NB,),
        in_specs=[
            pl.BlockSpec((_NW, HIDDEN), lambda i: (0, 0)),
            pl.BlockSpec((HIDDEN, HIDDEN), lambda i: (0, 0)),
            pl.BlockSpec((_ROWS, HIDDEN), lambda i: (i, 0)),
        ],
        out_specs=pl.BlockSpec((1, _ROWS), lambda i: (0, i)),
        out_shape=jax.ShapeDtypeStruct((1, BATCH), jnp.float32),
        scratch_shapes=[pltpu.VMEM((1, HIDDEN), jnp.float32)],
    )(partials, M, embeddings)

    return embeddings, weights2d[0]

# --- scband reference (transcript-rebuilt; emitter-appended) ---
"""Pipeline reference for scband-embedding-layer-49452253446297 (READ-ONLY COPY).

The authoritative reference and input builder live on the scoring server;
editing this copy changes nothing except your own understanding.
"""

import jax, jax.numpy as jnp
import numpy as np

VOCAB = 100000
HIDDEN = 512
BATCH = 16384

def setup_inputs(seed: int = 0) -> dict:
    key = jax.random.key(seed)
    k1, k2, k3 = jax.random.split(key, 3)
    input_tensor = jax.random.randint(k1, (BATCH,), 0, VOCAB, dtype=jnp.int64) if jax.config.jax_enable_x64 else jax.random.randint(k1, (BATCH,), 0, VOCAB, dtype=jnp.int32)
    table = jax.random.normal(k2, (VOCAB, HIDDEN), dtype=jnp.float32)
    M = jax.random.normal(k3, (HIDDEN, HIDDEN), dtype=jnp.float32)
    return {"input_tensor": input_tensor, "table": table, "M": M}

def reference(input_tensor, table, M):
    # embeddings[i] = table[input_tensor[i]]
    embeddings = jnp.take(table, input_tensor, axis=0)  # [B, H]
    # total = sum_i embedding_i ; ys = total / B
    ys = jnp.sum(embeddings, axis=0, keepdims=True) / embeddings.shape[0]  # [1, H]
    # weights[i] = (e_i @ M) @ ys^T
    weights = (embeddings @ M @ ys.T)[:, 0]  # [B]
    return (embeddings, weights)

if __name__ == "__main__":
    import jax
    _d = setup_inputs()
    print(jax.jit(kernel)(*tuple(_d.values())))

</pallas_src>

<mosaic_0001>
#map = affine_map<(d0, d1) -> (0)>
#map1 = affine_map<(d0, d1) -> (0, 0)>
module attributes {stable_mosaic.version = 14 : i64} {
  func.func @_sc_gather(%arg0: i32, %arg1: i32, %arg2: memref<16384xi32, #tpu.memory_space<hbm>>, %arg3: memref<100000x512xf32, #tpu.memory_space<hbm>>, %arg4: memref<16384x512xf32, #tpu.memory_space<hbm>>, %arg5: memref<32x512xf32, #tpu.memory_space<hbm>>, %arg6: memref<512xi32, #tpu.memory_space<vmem>>, %arg7: memref<64x512xf32, #tpu.memory_space<vmem>>, %arg8: memref<64x512xf32, #tpu.memory_space<vmem>>, %arg9: memref<64x512xf32, #tpu.memory_space<vmem>>, %arg10: memref<1x512xf32, #tpu.memory_space<vmem>>, %arg11: memref<!tpu.dma_semaphore, #tpu.memory_space<semaphore_mem>>, %arg12: memref<!tpu.dma_semaphore, #tpu.memory_space<semaphore_mem>>, %arg13: memref<!tpu.dma_semaphore, #tpu.memory_space<semaphore_mem>>, %arg14: memref<!tpu.dma_semaphore, #tpu.memory_space<semaphore_mem>>, %arg15: memref<!tpu.dma_semaphore, #tpu.memory_space<semaphore_mem>>, %arg16: memref<!tpu.dma_semaphore, #tpu.memory_space<semaphore_mem>>) attributes {dimension_semantics = [#tpu.dimension_semantics<core_parallel>, #tpu.dimension_semantics<subcore_parallel>], iteration_bounds = array<i64: 2, 16>, scalar_prefetch = 0 : i64, scratch_operands = 11 : i64, tpu.core_type = #tpu.core_type<sc_vector_subcore>, window_params = [{transform_indices = #map}, {transform_indices = #map1}, {transform_indices = #map1}, {transform_indices = #map1}]} {
    %mul3A = arith.constant 2 : i32
    %mul3A_0 = arith.muli %arg1, %mul3A : i32
    %add3A = arith.addi %mul3A_0, %arg0 : i32
    %mul3A_1 = arith.constant 512 : i32
    %mul3A_2 = arith.muli %add3A, %mul3A_1 : i32
    "tpu.region"() ({
      %run_scoped3A = tpu.sem_alloc : memref<!tpu.dma_semaphore, #tpu.memory_space<semaphore_mem>>
      %dma_start3A_472 = arith.constant 0 : i32
      %dma_start3A_473 = tpu.memref_slice %arg6[%dma_start3A_472] : memref<512xi32, #tpu.memory_space<vmem>> -> memref<64xi32, #tpu.memory_space<vmem>>
      %dma_start3A_474 = tpu.memref_slice %arg2[%mul3A_2] : memref<16384xi32, #tpu.memory_space<hbm>> -> memref<64xi32, #tpu.memory_space<hbm>>
      %dma_start3A_475 = arith.constant 0 : i32
      %dma_start3A_476 = tpu.memref_slice %arg6[%dma_start3A_475] : memref<512xi32, #tpu.memory_space<vmem>> -> memref<64xi32, #tpu.memory_space<vmem>>
      %dma_start3A_477 = tpu.memref_slice %arg2[%mul3A_2] : memref<16384xi32, #tpu.memory_space<hbm>> -> memref<64xi32, #tpu.memory_space<hbm>>
      tpu.enqueue_dma source(%dma_start3A_477 : memref<64xi32, #tpu.memory_space<hbm>>) target(%dma_start3A_476 : memref<64xi32, #tpu.memory_space<vmem>>) target_semaphore(%run_scoped3A : memref<!tpu.dma_semaphore, #tpu.memory_space<semaphore_mem>>)
      %dma_wait3A_478 = arith.constant 0 : i32
      %dma_wait3A_479 = tpu.memref_slice %arg6[%dma_wait3A_478] : memref<512xi32, #tpu.memory_space<vmem>> -> memref<64xi32, #tpu.memory_space<vmem>>
      %dma_wait3A_480 = tpu.memref_slice %arg2[%mul3A_2] : memref<16384xi32, #tpu.memory_space<hbm>> -> memref<64xi32, #tpu.memory_space<hbm>>
      %dma_wait3A_481 = arith.constant 0 : i32
      %dma_wait3A_482 = tpu.memref_slice %arg6[%dma_wait3A_481] : memref<512xi32, #tpu.memory_space<vmem>> -> memref<64xi32, #tpu.memory_space<vmem>>
      %dma_wait3A_483 = tpu.memref_slice %arg2[%mul3A_2] : memref<16384xi32, #tpu.memory_space<hbm>> -> memref<64xi32, #tpu.memory_space<hbm>>
      tpu.wait_dma2 semaphore(%run_scoped3A : memref<!tpu.dma_semaphore, #tpu.memory_space<semaphore_mem>>) src(%dma_wait3A_483 : memref<64xi32, #tpu.memory_space<hbm>>) dst(%dma_wait3A_482 : memref<64xi32, #tpu.memory_space<vmem>>)
      tpu.yield
    }) : () -> ()
    %broadcast_in_dim3A = arith.constant 0.000000e+00 : f32
    %broadcast_in_dim3A_3 = vector.broadcast %broadcast_in_dim3A : f32 to vector<16xf32>
    %broadcast_in_dim3A_4 = arith.constant 0.000000e+00 : f32
    %broadcast_in_dim3A_5 = vector.broadcast %broadcast_in_dim3A_4 : f32 to vector<16xf32>
    %broadcast_in_dim3A_6 = arith.constant 0.000000e+00 : f32
    %broadcast_in_dim3A_7 = vector.broadcast %broadcast_in_dim3A_6 : f32 to vector<16xf32>
    %broadcast_in_dim3A_8 = arith.constant 0.000000e+00 : f32
    %broadcast_in_dim3A_9 = vector.broadcast %broadcast_in_dim3A_8 : f32 to vector<16xf32>
    %broadcast_in_dim3A_10 = arith.constant 0.000000e+00 : f32
    %broadcast_in_dim3A_11 = vector.broadcast %broadcast_in_dim3A_10 : f32 to vector<16xf32>
    %broadcast_in_dim3A_12 = arith.constant 0.000000e+00 : f32
    %broadcast_in_dim3A_13 = vector.broadcast %broadcast_in_dim3A_12 : f32 to vector<16xf32>
    %broadcast_in_dim3A_14 = arith.constant 0.000000e+00 : f32
    %broadcast_in_dim3A_15 = vector.broadcast %broadcast_in_dim3A_14 : f32 to vector<16xf32>
    %broadcast_in_dim3A_16 = arith.constant 0.000000e+00 : f32
    %broadcast_in_dim3A_17 = vector.broadcast %broadcast_in_dim3A_16 : f32 to vector<16xf32>
    %broadcast_in_dim3A_18 = arith.constant 0.000000e+00 : f32
    %broadcast_in_dim3A_19 = vector.broadcast %broadcast_in_dim3A_18 : f32 to vector<16xf32>
    %broadcast_in_dim3A_20 = arith.constant 0.000000e+00 : f32
    %broadcast_in_dim3A_21 = vector.broadcast %broadcast_in_dim3A_20 : f32 to vector<16xf32>
    %broadcast_in_dim3A_22 = arith.constant 0.000000e+00 : f32
    %broadcast_in_dim3A_23 = vector.broadcast %broadcast_in_dim3A_22 : f32 to vector<16xf32>
    %broadcast_in_dim3A_24 = arith.constant 0.000000e+00 : f32
    %broadcast_in_dim3A_25 = vector.broadcast %broadcast_in_dim3A_24 : f32 to vector<16xf32>
    %broadcast_in_dim3A_26 = arith.constant 0.000000e+00 : f32
    %broadcast_in_dim3A_27 = vector.broadcast %broadcast_in_dim3A_26 : f32 to vector<16xf32>
    %broadcast_in_dim3A_28 = arith.constant 0.000000e+00 : f32
    %broadcast_in_dim3A_29 = vector.broadcast %broadcast_in_dim3A_28 : f32 to vector<16xf32>
    %broadcast_in_dim3A_30 = arith.constant 0.000000e+00 : f32
    %broadcast_in_dim3A_31 = vector.broadcast %broadcast_in_dim3A_30 : f32 to vector<16xf32>
    %broadcast_in_dim3A_32 = arith.constant 0.000000e+00 : f32
    %broadcast_in_dim3A_33 = vector.broadcast %broadcast_in_dim3A_32 : f32 to vector<16xf32>
    %broadcast_in_dim3A_34 = arith.constant 0.000000e+00 : f32
    %broadcast_in_dim3A_35 = vector.broadcast %broadcast_in_dim3A_34 : f32 to vector<16xf32>
    %broadcast_in_dim3A_36 = arith.constant 0.000000e+00 : f32
    %broadcast_in_dim3A_37 = vector.broadcast %broadcast_in_dim3A_36 : f32 to vector<16xf32>
    %broadcast_in_dim3A_38 = arith.constant 0.000000e+00 : f32
    %broadcast_in_dim3A_39 = vector.broadcast %broadcast_in_dim3A_38 : f32 to vector<16xf32>
    %broadcast_in_dim3A_40 = arith.constant 0.000000e+00 : f32
    %broadcast_in_dim3A_41 = vector.broadcast %broadcast_in_dim3A_40 : f32 to vector<16xf32>
    %broadcast_in_dim3A_42 = arith.constant 0.000000e+00 : f32
    %broadcast_in_dim3A_43 = vector.broadcast %broadcast_in_dim3A_42 : f32 to vector<16xf32>
    %broadcast_in_dim3A_44 = arith.constant 0.000000e+00 : f32
    %broadcast_in_dim3A_45 = vector.broadcast %broadcast_in_dim3A_44 : f32 to vector<16xf32>
    %broadcast_in_dim3A_46 = arith.constant 0.000000e+00 : f32
    %broadcast_in_dim3A_47 = vector.broadcast %broadcast_in_dim3A_46 : f32 to vector<16xf32>
    %broadcast_in_dim3A_48 = arith.constant 0.000000e+00 : f32
    %broadcast_in_dim3A_49 = vector.broadcast %broadcast_in_dim3A_48 : f32 to vector<16xf32>
    %broadcast_in_dim3A_50 = arith.constant 0.000000e+00 : f32
    %broadcast_in_dim3A_51 = vector.broadcast %broadcast_in_dim3A_50 : f32 to vector<16xf32>
    %broadcast_in_dim3A_52 = arith.constant 0.000000e+00 : f32
    %broadcast_in_dim3A_53 = vector.broadcast %broadcast_in_dim3A_52 : f32 to vector<16xf32>
    %broadcast_in_dim3A_54 = arith.constant 0.000000e+00 : f32
    %broadcast_in_dim3A_55 = vector.broadcast %broadcast_in_dim3A_54 : f32 to vector<16xf32>
    %broadcast_in_dim3A_56 = arith.constant 0.000000e+00 : f32
    %broadcast_in_dim3A_57 = vector.broadcast %broadcast_in_dim3A_56 : f32 to vector<16xf32>
    %broadcast_in_dim3A_58 = arith.constant 0.000000e+00 : f32
    %broadcast_in_dim3A_59 = vector.broadcast %broadcast_in_dim3A_58 : f32 to vector<16xf32>
    %broadcast_in_dim3A_60 = arith.constant 0.000000e+00 : f32
    %broadcast_in_dim3A_61 = vector.broadcast %broadcast_in_dim3A_60 : f32 to vector<16xf32>
    %broadcast_in_dim3A_62 = arith.constant 0.000000e+00 : f32
    %broadcast_in_dim3A_63 = vector.broadcast %broadcast_in_dim3A_62 : f32 to vector<16xf32>
    %broadcast_in_dim3A_64 = arith.constant 0.000000e+00 : f32
    %broadcast_in_dim3A_65 = vector.broadcast %broadcast_in_dim3A_64 : f32 to vector<16xf32>
    %dma_start3A = arith.constant 0 : i32
    %dma_start3A_66 = tpu.memref_slice %arg6[%dma_start3A] : memref<512xi32, #tpu.memory_space<vmem>> -> memref<64xi32, #tpu.memory_space<vmem>>
    %dma_start3A_67 = arith.constant 0 : i32
    %dma_start3A_68 = arith.constant 0 : i32
    %dma_start3A_69 = tpu.memref_slice %arg3[%dma_start3A_67, %dma_start3A_68] : memref<100000x512xf32, #tpu.memory_space<hbm>> -> memref<100000x512xf32, #tpu.memory_space<hbm>>
    tpu.enqueue_indirect_dma source(%dma_start3A_69 : memref<100000x512xf32, #tpu.memory_space<hbm>>) target(%arg7 : memref<64x512xf32, #tpu.memory_space<vmem>>) offsets(%dma_start3A_66 : memref<64xi32, #tpu.memory_space<vmem>>) semaphore(%arg11 : memref<!tpu.dma_semaphore, #tpu.memory_space<semaphore_mem>>)
    %add3A_70 = arith.constant 64 : i32
    %add3A_71 = arith.addi %mul3A_2, %add3A_70 : i32
    "tpu.region"() ({
      %run_scoped3A = tpu.sem_alloc : memref<!tpu.dma_semaphore, #tpu.memory_space<semaphore_mem>>
      %dma_start3A_472 = arith.constant 64 : i32
      %dma_start3A_473 = tpu.memref_slice %arg6[%dma_start3A_472] : memref<512xi32, #tpu.memory_space<vmem>> -> memref<448xi32, #tpu.memory_space<vmem>>
      %dma_start3A_474 = tpu.memref_slice %arg2[%add3A_71] : memref<16384xi32, #tpu.memory_space<hbm>> -> memref<448xi32, #tpu.memory_space<hbm>>
      %dma_start3A_475 = arith.constant 64 : i32
      %dma_start3A_476 = tpu.memref_slice %arg6[%dma_start3A_475] : memref<512xi32, #tpu.memory_space<vmem>> -> memref<448xi32, #tpu.memory_space<vmem>>
      %dma_start3A_477 = tpu.memref_slice %arg2[%add3A_71] : memref<16384xi32, #tpu.memory_space<hbm>> -> memref<448xi32, #tpu.memory_space<hbm>>
      tpu.enqueue_dma source(%dma_start3A_477 : memref<448xi32, #tpu.memory_space<hbm>>) target(%dma_start3A_476 : memref<448xi32, #tpu.memory_space<vmem>>) target_semaphore(%run_scoped3A : memref<!tpu.dma_semaphore, #tpu.memory_space<semaphore_mem>>)
      %dma_wait3A_478 = arith.constant 64 : i32
      %dma_wait3A_479 = tpu.memref_slice %arg6[%dma_wait3A_478] : memref<512xi32, #tpu.memory_space<vmem>> -> memref<448xi32, #tpu.memory_space<vmem>>
      %dma_wait3A_480 = tpu.memref_slice %arg2[%add3A_71] : memref<16384xi32, #tpu.memory_space<hbm>> -> memref<448xi32, #tpu.memory_space<hbm>>
      %dma_wait3A_481 = arith.constant 64 : i32
      %dma_wait3A_482 = tpu.memref_slice %arg6[%dma_wait3A_481] : memref<512xi32, #tpu.memory_space<vmem>> -> memref<448xi32, #tpu.memory_space<vmem>>
      %dma_wait3A_483 = tpu.memref_slice %arg2[%add3A_71] : memref<16384xi32, #tpu.memory_space<hbm>> -> memref<448xi32, #tpu.memory_space<hbm>>
      tpu.wait_dma2 semaphore(%run_scoped3A : memref<!tpu.dma_semaphore, #tpu.memory_space<semaphore_mem>>) src(%dma_wait3A_483 : memref<448xi32, #tpu.memory_space<hbm>>) dst(%dma_wait3A_482 : memref<448xi32, #tpu.memory_space<vmem>>)
      tpu.yield
    }) : () -> ()
    %dma_start3A_72 = arith.constant 64 : i32
    %dma_start3A_73 = tpu.memref_slice %arg6[%dma_start3A_72] : memref<512xi32, #tpu.memory_space<vmem>> -> memref<64xi32, #tpu.memory_space<vmem>>
    %dma_start3A_74 = arith.constant 0 : i32
    %dma_start3A_75 = arith.constant 0 : i32
    %dma_start3A_76 = tpu.memref_slice %arg3[%dma_start3A_74, %dma_start3A_75] : memref<100000x512xf32, #tpu.memory_space<hbm>> -> memref<100000x512xf32, #tpu.memory_space<hbm>>
    tpu.enqueue_indirect_dma source(%dma_start3A_76 : memref<100000x512xf32, #tpu.memory_space<hbm>>) target(%arg8 : memref<64x512xf32, #tpu.memory_space<vmem>>) offsets(%dma_start3A_73 : memref<64xi32, #tpu.memory_space<vmem>>) semaphore(%arg12 : memref<!tpu.dma_semaphore, #tpu.memory_space<semaphore_mem>>)
    %dma_start3A_77 = arith.constant 128 : i32
    %dma_start3A_78 = tpu.memref_slice %arg6[%dma_start3A_77] : memref<512xi32, #tpu.memory_space<vmem>> -> memref<64xi32, #tpu.memory_space<vmem>>
    %dma_start3A_79 = arith.constant 0 : i32
    %dma_start3A_80 = arith.constant 0 : i32
    %dma_start3A_81 = tpu.memref_slice %arg3[%dma_start3A_79, %dma_start3A_80] : memref<100000x512xf32, #tpu.memory_space<hbm>> -> memref<100000x512xf32, #tpu.memory_space<hbm>>
    tpu.enqueue_indirect_dma source(%dma_start3A_81 : memref<100000x512xf32, #tpu.memory_space<hbm>>) target(%arg9 : memref<64x512xf32, #tpu.memory_space<vmem>>) offsets(%dma_start3A_78 : memref<64xi32, #tpu.memory_space<vmem>>) semaphore(%arg13 : memref<!tpu.dma_semaphore, #tpu.memory_space<semaphore_mem>>)
    %dma_wait3A = arith.constant 0 : i32
    %dma_wait3A_82 = tpu.memref_slice %arg6[%dma_wait3A] : memref<512xi32, #tpu.memory_space<vmem>> -> memref<64xi32, #tpu.memory_space<vmem>>
    %dma_wait3A_83 = arith.constant 0 : i32
    %dma_wait3A_84 = arith.constant 0 : i32
    %dma_wait3A_85 = tpu.memref_slice %arg3[%dma_wait3A_83, %dma_wait3A_84] : memref<100000x512xf32, #tpu.memory_space<hbm>> -> memref<100000x512xf32, #tpu.memory_space<hbm>>
    tpu.wait_indirect_dma semaphore(%arg11 : memref<!tpu.dma_semaphore, #tpu.memory_space<semaphore_mem>>) src(%dma_wait3A_85 : memref<100000x512xf32, #tpu.memory_space<hbm>>) dst(%arg7 : memref<64x512xf32, #tpu.memory_space<vmem>>)
    %add3A_86 = arith.constant 0 : i32
    %add3A_87 = arith.addi %mul3A_2, %add3A_86 : i32
    %dma_start3A_88 = arith.constant 0 : i32
    %dma_start3A_89 = tpu.memref_slice %arg4[%add3A_87, %dma_start3A_88] : memref<16384x512xf32, #tpu.memory_space<hbm>> -> memref<64x512xf32, #tpu.memory_space<hbm>>
    %dma_start3A_90 = arith.constant 0 : i32
    %dma_start3A_91 = tpu.memref_slice %arg4[%add3A_87, %dma_start3A_90] : memref<16384x512xf32, #tpu.memory_space<hbm>> -> memref<64x512xf32, #tpu.memory_space<hbm>>
    tpu.enqueue_dma source(%arg7 : memref<64x512xf32, #tpu.memory_space<vmem>>) target(%dma_start3A_91 : memref<64x512xf32, #tpu.memory_space<hbm>>) target_semaphore(%arg14 : memref<!tpu.dma_semaphore, #tpu.memory_space<semaphore_mem>>)
    %scan3A = arith.constant 0 : i32
    %scan3A_92 = arith.constant 64 : i32
    %scan3A_93 = arith.addi %scan3A, %scan3A_92 : i32
    %scan3A_94 = arith.constant 1 : i32
    %scan3A_95:32 = scf.for %scan3A_472 = %scan3A to %scan3A_93 step %scan3A_94 iter_args(%scan3A_473 = %broadcast_in_dim3A_3, %scan3A_474 = %broadcast_in_dim3A_5, %scan3A_475 = %broadcast_in_dim3A_7, %scan3A_476 = %broadcast_in_dim3A_9, %scan3A_477 = %broadcast_in_dim3A_11, %scan3A_478 = %broadcast_in_dim3A_13, %scan3A_479 = %broadcast_in_dim3A_15, %scan3A_480 = %broadcast_in_dim3A_17, %scan3A_481 = %broadcast_in_dim3A_19, %scan3A_482 = %broadcast_in_dim3A_21, %scan3A_483 = %broadcast_in_dim3A_23, %scan3A_484 = %broadcast_in_dim3A_25, %scan3A_485 = %broadcast_in_dim3A_27, %scan3A_486 = %broadcast_in_dim3A_29, %scan3A_487 = %broadcast_in_dim3A_31, %scan3A_488 = %broadcast_in_dim3A_33, %scan3A_489 = %broadcast_in_dim3A_35, %scan3A_490 = %broadcast_in_dim3A_37, %scan3A_491 = %broadcast_in_dim3A_39, %scan3A_492 = %broadcast_in_dim3A_41, %scan3A_493 = %broadcast_in_dim3A_43, %scan3A_494 = %broadcast_in_dim3A_45, %scan3A_495 = %broadcast_in_dim3A_47, %scan3A_496 = %broadcast_in_dim3A_49, %scan3A_497 = %broadcast_in_dim3A_51, %scan3A_498 = %broadcast_in_dim3A_53, %scan3A_499 = %broadcast_in_dim3A_55, %scan3A_500 = %broadcast_in_dim3A_57, %scan3A_501 = %broadcast_in_dim3A_59, %scan3A_502 = %broadcast_in_dim3A_61, %scan3A_503 = %broadcast_in_dim3A_63, %scan3A_504 = %broadcast_in_dim3A_65) -> (vector<16xf32>, vector<16xf32>, vector<16xf32>, vector<16xf32>, vector<16xf32>, vector<16xf32>, vector<16xf32>, vector<16xf32>, vector<16xf32>, vector<16xf32>, vector<16xf32>, vector<16xf32>, vector<16xf32>, vector<16xf32>, vector<16xf32>, vector<16xf32>, vector<16xf32>, vector<16xf32>, vector<16xf32>, vector<16xf32>, vector<16xf32>, vector<16xf32>, vector<16xf32>, vector<16xf32>, vector<16xf32>, vector<16xf32>, vector<16xf32>, vector<16xf32>, vector<16xf32>, vector<16xf32>, vector<16xf32>, vector<16xf32>)  : i32 {
      %get3A = arith.index_cast %scan3A_472 : i32 to index
      %get3A_505 = arith.constant 0 : index
      %get3A_506 = tpu.vector_load %arg7[%get3A, %get3A_505] {strides = array<i32>} : memref<64x512xf32, #tpu.memory_space<vmem>>, vector<1x16xf32>,
      %get3A_507 = vector.shape_cast %get3A_506 : vector<1x16xf32> to vector<16xf32>
      %add3A_508 = arith.addf %scan3A_473, %get3A_507 : vector<16xf32>
      %get3A_509 = arith.index_cast %scan3A_472 : i32 to index
      %get3A_510 = arith.constant 16 : index
      %get3A_511 = tpu.vector_load %arg7[%get3A_509, %get3A_510] {strides = array<i32>} : memref<64x512xf32, #tpu.memory_space<vmem>>, vector<1x16xf32>,
      %get3A_512 = vector.shape_cast %get3A_511 : vector<1x16xf32> to vector<16xf32>
      %add3A_513 = arith.addf %scan3A_474, %get3A_512 : vector<16xf32>
      %get3A_514 = arith.index_cast %scan3A_472 : i32 to index
      %get3A_515 = arith.constant 32 : index
      %get3A_516 = tpu.vector_load %arg7[%get3A_514, %get3A_515] {strides = array<i32>} : memref<64x512xf32, #tpu.memory_space<vmem>>, vector<1x16xf32>,
      %get3A_517 = vector.shape_cast %get3A_516 : vector<1x16xf32> to vector<16xf32>
      %add3A_518 = arith.addf %scan3A_475, %get3A_517 : vector<16xf32>
      %get3A_519 = arith.index_cast %scan3A_472 : i32 to index
      %get3A_520 = arith.constant 48 : index
      %get3A_521 = tpu.vector_load %arg7[%get3A_519, %get3A_520] {strides = array<i32>} : memref<64x512xf32, #tpu.memory_space<vmem>>, vector<1x16xf32>,
      %get3A_522 = vector.shape_cast %get3A_521 : vector<1x16xf32> to vector<16xf32>
      %add3A_523 = arith.addf %scan3A_476, %get3A_522 : vector<16xf32>
      %get3A_524 = arith.index_cast %scan3A_472 : i32 to index
      %get3A_525 = arith.constant 64 : index
      %get3A_526 = tpu.vector_load %arg7[%get3A_524, %get3A_525] {strides = array<i32>} : memref<64x512xf32, #tpu.memory_space<vmem>>, vector<1x16xf32>,
      %get3A_527 = vector.shape_cast %get3A_526 : vector<1x16xf32> to vector<16xf32>
      %add3A_528 = arith.addf %scan3A_477, %get3A_527 : vector<16xf32>
      %get3A_529 = arith.index_cast %scan3A_472 : i32 to index
      %get3A_530 = arith.constant 80 : index
      %get3A_531 = tpu.vector_load %arg7[%get3A_529, %get3A_530] {strides = array<i32>} : memref<64x512xf32, #tpu.memory_space<vmem>>, vector<1x16xf32>,
      %get3A_532 = vector.shape_cast %get3A_531 : vector<1x16xf32> to vector<16xf32>
      %add3A_533 = arith.addf %scan3A_478, %get3A_532 : vector<16xf32>
      %get3A_534 = arith.index_cast %scan3A_472 : i32 to index
      %get3A_535 = arith.constant 96 : index
      %get3A_536 = tpu.vector_load %arg7[%get3A_534, %get3A_535] {strides = array<i32>} : memref<64x512xf32, #tpu.memory_space<vmem>>, vector<1x16xf32>,
      %get3A_537 = vector.shape_cast %get3A_536 : vector<1x16xf32> to vector<16xf32>
      %add3A_538 = arith.addf %scan3A_479, %get3A_537 : vector<16xf32>
      %get3A_539 = arith.index_cast %scan3A_472 : i32 to index
      %get3A_540 = arith.constant 112 : index
      %get3A_541 = tpu.vector_load %arg7[%get3A_539, %get3A_540] {strides = array<i32>} : memref<64x512xf32, #tpu.memory_space<vmem>>, vector<1x16xf32>,
      %get3A_542 = vector.shape_cast %get3A_541 : vector<1x16xf32> to vector<16xf32>
      %add3A_543 = arith.addf %scan3A_480, %get3A_542 : vector<16xf32>
      %get3A_544 = arith.index_cast %scan3A_472 : i32 to index
      %get3A_545 = arith.constant 128 : index
      %get3A_546 = tpu.vector_load %arg7[%get3A_544, %get3A_545] {strides = array<i32>} : memref<64x512xf32, #tpu.memory_space<vmem>>, vector<1x16xf32>,
      %get3A_547 = vector.shape_cast %get3A_546 : vector<1x16xf32> to vector<16xf32>
      %add3A_548 = arith.addf %scan3A_481, %get3A_547 : vector<16xf32>
      %get3A_549 = arith.index_cast %scan3A_472 : i32 to index
      %get3A_550 = arith.constant 144 : index
      %get3A_551 = tpu.vector_load %arg7[%get3A_549, %get3A_550] {strides = array<i32>} : memref<64x512xf32, #tpu.memory_space<vmem>>, vector<1x16xf32>,
      %get3A_552 = vector.shape_cast %get3A_551 : vector<1x16xf32> to vector<16xf32>
      %add3A_553 = arith.addf %scan3A_482, %get3A_552 : vector<16xf32>
      %get3A_554 = arith.index_cast %scan3A_472 : i32 to index
      %get3A_555 = arith.constant 160 : index
      %get3A_556 = tpu.vector_load %arg7[%get3A_554, %get3A_555] {strides = array<i32>} : memref<64x512xf32, #tpu.memory_space<vmem>>, vector<1x16xf32>,
      %get3A_557 = vector.shape_cast %get3A_556 : vector<1x16xf32> to vector<16xf32>
      %add3A_558 = arith.addf %scan3A_483, %get3A_557 : vector<16xf32>
      %get3A_559 = arith.index_cast %scan3A_472 : i32 to index
      %get3A_560 = arith.constant 176 : index
      %get3A_561 = tpu.vector_load %arg7[%get3A_559, %get3A_560] {strides = array<i32>} : memref<64x512xf32, #tpu.memory_space<vmem>>, vector<1x16xf32>,
      %get3A_562 = vector.shape_cast %get3A_561 : vector<1x16xf32> to vector<16xf32>
      %add3A_563 = arith.addf %scan3A_484, %get3A_562 : vector<16xf32>
      %get3A_564 = arith.index_cast %scan3A_472 : i32 to index
      %get3A_565 = arith.constant 192 : index
      %get3A_566 = tpu.vector_load %arg7[%get3A_564, %get3A_565] {strides = array<i32>} : memref<64x512xf32, #tpu.memory_space<vmem>>, vector<1x16xf32>,
      %get3A_567 = vector.shape_cast %get3A_566 : vector<1x16xf32> to vector<16xf32>
      %add3A_568 = arith.addf %scan3A_485, %get3A_567 : vector<16xf32>
      %get3A_569 = arith.index_cast %scan3A_472 : i32 to index
      %get3A_570 = arith.constant 208 : index
      %get3A_571 = tpu.vector_load %arg7[%get3A_569, %get3A_570] {strides = array<i32>} : memref<64x512xf32, #tpu.memory_space<vmem>>, vector<1x16xf32>,
      %get3A_572 = vector.shape_cast %get3A_571 : vector<1x16xf32> to vector<16xf32>
      %add3A_573 = arith.addf %scan3A_486, %get3A_572 : vector<16xf32>
      %get3A_574 = arith.index_cast %scan3A_472 : i32 to index
      %get3A_575 = arith.constant 224 : index
      %get3A_576 = tpu.vector_load %arg7[%get3A_574, %get3A_575] {strides = array<i32>} : memref<64x512xf32, #tpu.memory_space<vmem>>, vector<1x16xf32>,
      %get3A_577 = vector.shape_cast %get3A_576 : vector<1x16xf32> to vector<16xf32>
      %add3A_578 = arith.addf %scan3A_487, %get3A_577 : vector<16xf32>
      %get3A_579 = arith.index_cast %scan3A_472 : i32 to index
      %get3A_580 = arith.constant 240 : index
      %get3A_581 = tpu.vector_load %arg7[%get3A_579, %get3A_580] {strides = array<i32>} : memref<64x512xf32, #tpu.memory_space<vmem>>, vector<1x16xf32>,
      %get3A_582 = vector.shape_cast %get3A_581 : vector<1x16xf32> to vector<16xf32>
      %add3A_583 = arith.addf %scan3A_488, %get3A_582 : vector<16xf32>
      %get3A_584 = arith.index_cast %scan3A_472 : i32 to index
      %get3A_585 = arith.constant 256 : index
      %get3A_586 = tpu.vector_load %arg7[%get3A_584, %get3A_585] {strides = array<i32>} : memref<64x512xf32, #tpu.memory_space<vmem>>, vector<1x16xf32>,
      %get3A_587 = vector.shape_cast %get3A_586 : vector<1x16xf32> to vector<16xf32>
      %add3A_588 = arith.addf %scan3A_489, %get3A_587 : vector<16xf32>
      %get3A_589 = arith.index_cast %scan3A_472 : i32 to index
      %get3A_590 = arith.constant 272 : index
      %get3A_591 = tpu.vector_load %arg7[%get3A_589, %get3A_590] {strides = array<i32>} : memref<64x512xf32, #tpu.memory_space<vmem>>, vector<1x16xf32>,
      %get3A_592 = vector.shape_cast %get3A_591 : vector<1x16xf32> to vector<16xf32>
      %add3A_593 = arith.addf %scan3A_490, %get3A_592 : vector<16xf32>
      %get3A_594 = arith.index_cast %scan3A_472 : i32 to index
      %get3A_595 = arith.constant 288 : index
      %get3A_596 = tpu.vector_load %arg7[%get3A_594, %get3A_595] {strides = array<i32>} : memref<64x512xf32, #tpu.memory_space<vmem>>, vector<1x16xf32>,
      %get3A_597 = vector.shape_cast %get3A_596 : vector<1x16xf32> to vector<16xf32>
      %add3A_598 = arith.addf %scan3A_491, %get3A_597 : vector<16xf32>
      %get3A_599 = arith.index_cast %scan3A_472 : i32 to index
      %get3A_600 = arith.constant 304 : index
      %get3A_601 = tpu.vector_load %arg7[%get3A_599, %get3A_600] {strides = array<i32>} : memref<64x512xf32, #tpu.memory_space<vmem>>, vector<1x16xf32>,
      %get3A_602 = vector.shape_cast %get3A_601 : vector<1x16xf32> to vector<16xf32>
      %add3A_603 = arith.addf %scan3A_492, %get3A_602 : vector<16xf32>
      %get3A_604 = arith.index_cast %scan3A_472 : i32 to index
      %get3A_605 = arith.constant 320 : index
      %get3A_606 = tpu.vector_load %arg7[%get3A_604, %get3A_605] {strides = array<i32>} : memref<64x512xf32, #tpu.memory_space<vmem>>, vector<1x16xf32>,
      %get3A_607 = vector.shape_cast %get3A_606 : vector<1x16xf32> to vector<16xf32>
      %add3A_608 = arith.addf %scan3A_493, %get3A_607 : vector<16xf32>
      %get3A_609 = arith.index_cast %scan3A_472 : i32 to index
      %get3A_610 = arith.constant 336 : index
      %get3A_611 = tpu.vector_load %arg7[%get3A_609, %get3A_610] {strides = array<i32>} : memref<64x512xf32, #tpu.memory_space<vmem>>, vector<1x16xf32>,
      %get3A_612 = vector.shape_cast %get3A_611 : vector<1x16xf32> to vector<16xf32>
      %add3A_613 = arith.addf %scan3A_494, %get3A_612 : vector<16xf32>
      %get3A_614 = arith.index_cast %scan3A_472 : i32 to index
      %get3A_615 = arith.constant 352 : index
      %get3A_616 = tpu.vector_load %arg7[%get3A_614, %get3A_615] {strides = array<i32>} : memref<64x512xf32, #tpu.memory_space<vmem>>, vector<1x16xf32>,
      %get3A_617 = vector.shape_cast %get3A_616 : vector<1x16xf32> to vector<16xf32>
      %add3A_618 = arith.addf %scan3A_495, %get3A_617 : vector<16xf32>
      %get3A_619 = arith.index_cast %scan3A_472 : i32 to index
      %get3A_620 = arith.constant 368 : index
      %get3A_621 = tpu.vector_load %arg7[%get3A_619, %get3A_620] {strides = array<i32>} : memref<64x512xf32, #tpu.memory_space<vmem>>, vector<1x16xf32>,
      %get3A_622 = vector.shape_cast %get3A_621 : vector<1x16xf32> to vector<16xf32>
      %add3A_623 = arith.addf %scan3A_496, %get3A_622 : vector<16xf32>
      %get3A_624 = arith.index_cast %scan3A_472 : i32 to index
      %get3A_625 = arith.constant 384 : index
      %get3A_626 = tpu.vector_load %arg7[%get3A_624, %get3A_625] {strides = array<i32>} : memref<64x512xf32, #tpu.memory_space<vmem>>, vector<1x16xf32>,
      %get3A_627 = vector.shape_cast %get3A_626 : vector<1x16xf32> to vector<16xf32>
      %add3A_628 = arith.addf %scan3A_497, %get3A_627 : vector<16xf32>
      %get3A_629 = arith.index_cast %scan3A_472 : i32 to index
      %get3A_630 = arith.constant 400 : index
      %get3A_631 = tpu.vector_load %arg7[%get3A_629, %get3A_630] {strides = array<i32>} : memref<64x512xf32, #tpu.memory_space<vmem>>, vector<1x16xf32>,
      %get3A_632 = vector.shape_cast %get3A_631 : vector<1x16xf32> to vector<16xf32>
      %add3A_633 = arith.addf %scan3A_498, %get3A_632 : vector<16xf32>
      %get3A_634 = arith.index_cast %scan3A_472 : i32 to index
      %get3A_635 = arith.constant 416 : index
      %get3A_636 = tpu.vector_load %arg7[%get3A_634, %get3A_635] {strides = array<i32>} : memref<64x512xf32, #tpu.memory_space<vmem>>, vector<1x16xf32>,
      %get3A_637 = vector.shape_cast %get3A_636 : vector<1x16xf32> to vector<16xf32>
      %add3A_638 = arith.addf %scan3A_499, %get3A_637 : vector<16xf32>
      %get3A_639 = arith.index_cast %scan3A_472 : i32 to index
      %get3A_640 = arith.constant 432 : index
      %get3A_641 = tpu.vector_load %arg7[%get3A_639, %get3A_640] {strides = array<i32>} : memref<64x512xf32, #tpu.memory_space<vmem>>, vector<1x16xf32>,
      %get3A_642 = vector.shape_cast %get3A_641 : vector<1x16xf32> to vector<16xf32>
      %add3A_643 = arith.addf %scan3A_500, %get3A_642 : vector<16xf32>
      %get3A_644 = arith.index_cast %scan3A_472 : i32 to index
      %get3A_645 = arith.constant 448 : index
      %get3A_646 = tpu.vector_load %arg7[%get3A_644, %get3A_645] {strides = array<i32>} : memref<64x512xf32, #tpu.memory_space<vmem>>, vector<1x16xf32>,
      %get3A_647 = vector.shape_cast %get3A_646 : vector<1x16xf32> to vector<16xf32>
      %add3A_648 = arith.addf %scan3A_501, %get3A_647 : vector<16xf32>
      %get3A_649 = arith.index_cast %scan3A_472 : i32 to index
      %get3A_650 = arith.constant 464 : index
      %get3A_651 = tpu.vector_load %arg7[%get3A_649, %get3A_650] {strides = array<i32>} : memref<64x512xf32, #tpu.memory_space<vmem>>, vector<1x16xf32>,
      %get3A_652 = vector.shape_cast %get3A_651 : vector<1x16xf32> to vector<16xf32>
      %add3A_653 = arith.addf %scan3A_502, %get3A_652 : vector<16xf32>
      %get3A_654 = arith.index_cast %scan3A_472 : i32 to index
      %get3A_655 = arith.constant 480 : index
      %get3A_656 = tpu.vector_load %arg7[%get3A_654, %get3A_655] {strides = array<i32>} : memref<64x512xf32, #tpu.memory_space<vmem>>, vector<1x16xf32>,
      %get3A_657 = vector.shape_cast %get3A_656 : vector<1x16xf32> to vector<16xf32>
      %add3A_658 = arith.addf %scan3A_503, %get3A_657 : vector<16xf32>
      %get3A_659 = arith.index_cast %scan3A_472 : i32 to index
      %get3A_660 = arith.constant 496 : index
      %get3A_661 = tpu.vector_load %arg7[%get3A_659, %get3A_660] {strides = array<i32>} : memref<64x512xf32, #tpu.memory_space<vmem>>, vector<1x16xf32>,
      %get3A_662 = vector.shape_cast %get3A_661 : vector<1x16xf32> to vector<16xf32>
      %add3A_663 = arith.addf %scan3A_504, %get3A_662 : vector<16xf32>
      scf.yield %add3A_508, %add3A_513, %add3A_518, %add3A_523, %add3A_528, %add3A_533, %add3A_538, %add3A_543, %add3A_548, %add3A_553, %add3A_558, %add3A_563, %add3A_568, %add3A_573, %add3A_578, %add3A_583, %add3A_588, %add3A_593, %add3A_598, %add3A_603, %add3A_608, %add3A_613, %add3A_618, %add3A_623, %add3A_628, %add3A_633, %add3A_638, %add3A_643, %add3A_648, %add3A_653, %add3A_658, %add3A_663 : vector<16xf32>, vector<16xf32>, vector<16xf32>, vector<16xf32>, vector<16xf32>, vector<16xf32>, vector<16xf32>, vector<16xf32>, vector<16xf32>, vector<16xf32>, vector<16xf32>, vector<16xf32>, vector<16xf32>, vector<16xf32>, vector<16xf32>, vector<16xf32>, vector<16xf32>, vector<16xf32>, vector<16xf32>, vector<16xf32>, vector<16xf32>, vector<16xf32>, vector<16xf32>, vector<16xf32>, vector<16xf32>, vector<16xf32>, vector<16xf32>, vector<16xf32>, vector<16xf32>, vector<16xf32>, vector<16xf32>, vector<16xf32>
    }
    %scan3A_96 = arith.constant 64 : i32
    %dma_wait3A_97 = arith.constant 0 : i32
    %dma_wait3A_98 = tpu.memref_slice %arg4[%add3A_87, %dma_wait3A_97] : memref<16384x512xf32, #tpu.memory_space<hbm>> -> memref<64x512xf32, #tpu.memory_space<hbm>>
    %dma_wait3A_99 = arith.constant 0 : i32
    %dma_wait3A_100 = tpu.memref_slice %arg4[%add3A_87, %dma_wait3A_99] : memref<16384x512xf32, #tpu.memory_space<hbm>> -> memref<64x512xf32, #tpu.memory_space<hbm>>
    tpu.wait_dma2 semaphore(%arg14 : memref<!tpu.dma_semaphore, #tpu.memory_space<semaphore_mem>>) src(%arg7 : memref<64x512xf32, #tpu.memory_space<vmem>>) dst(%dma_wait3A_100 : memref<64x512xf32, #tpu.memory_space<hbm>>)
    %dma_start3A_101 = arith.constant 192 : i32
    %dma_start3A_102 = tpu.memref_slice %arg6[%dma_start3A_101] : memref<512xi32, #tpu.memory_space<vmem>> -> memref<64xi32, #tpu.memory_space<vmem>>
    %dma_start3A_103 = arith.constant 0 : i32
    %dma_start3A_104 = arith.constant 0 : i32
    %dma_start3A_105 = tpu.memref_slice %arg3[%dma_start3A_103, %dma_start3A_104] : memref<100000x512xf32, #tpu.memory_space<hbm>> -> memref<100000x512xf32, #tpu.memory_space<hbm>>
    tpu.enqueue_indirect_dma source(%dma_start3A_105 : memref<100000x512xf32, #tpu.memory_space<hbm>>) target(%arg7 : memref<64x512xf32, #tpu.memory_space<vmem>>) offsets(%dma_start3A_102 : memref<64xi32, #tpu.memory_space<vmem>>) semaphore(%arg11 : memref<!tpu.dma_semaphore, #tpu.memory_space<semaphore_mem>>)
    %dma_wait3A_106 = arith.constant 64 : i32
    %dma_wait3A_107 = tpu.memref_slice %arg6[%dma_wait3A_106] : memref<512xi32, #tpu.memory_space<vmem>> -> memref<64xi32, #tpu.memory_space<vmem>>
    %dma_wait3A_108 = arith.constant 0 : i32
    %dma_wait3A_109 = arith.constant 0 : i32
    %dma_wait3A_110 = tpu.memref_slice %arg3[%dma_wait3A_108, %dma_wait3A_109] : memref<100000x512xf32, #tpu.memory_space<hbm>> -> memref<100000x512xf32, #tpu.memory_space<hbm>>
    tpu.wait_indirect_dma semaphore(%arg12 : memref<!tpu.dma_semaphore, #tpu.memory_space<semaphore_mem>>) src(%dma_wait3A_110 : memref<100000x512xf32, #tpu.memory_space<hbm>>) dst(%arg8 : memref<64x512xf32, #tpu.memory_space<vmem>>)
    %add3A_111 = arith.constant 64 : i32
    %add3A_112 = arith.addi %mul3A_2, %add3A_111 : i32
    %dma_start3A_113 = arith.constant 0 : i32
    %dma_start3A_114 = tpu.memref_slice %arg4[%add3A_112, %dma_start3A_113] : memref<16384x512xf32, #tpu.memory_space<hbm>> -> memref<64x512xf32, #tpu.memory_space<hbm>>
    %dma_start3A_115 = arith.constant 0 : i32
    %dma_start3A_116 = tpu.memref_slice %arg4[%add3A_112, %dma_start3A_115] : memref<16384x512xf32, #tpu.memory_space<hbm>> -> memref<64x512xf32, #tpu.memory_space<hbm>>
    tpu.enqueue_dma source(%arg8 : memref<64x512xf32, #tpu.memory_space<vmem>>) target(%dma_start3A_116 : memref<64x512xf32, #tpu.memory_space<hbm>>) target_semaphore(%arg15 : memref<!tpu.dma_semaphore, #tpu.memory_space<semaphore_mem>>)
    %scan3A_117 = arith.constant 0 : i32
    %scan3A_118 = arith.constant 64 : i32
    %scan3A_119 = arith.addi %scan3A_117, %scan3A_118 : i32
    %scan3A_120 = arith.constant 1 : i32
    %scan3A_121:32 = scf.for %scan3A_472 = %scan3A_117 to %scan3A_119 step %scan3A_120 iter_args(%scan3A_473 = %scan3A_95#0, %scan3A_474 = %scan3A_95#1, %scan3A_475 = %scan3A_95#2, %scan3A_476 = %scan3A_95#3, %scan3A_477 = %scan3A_95#4, %scan3A_478 = %scan3A_95#5, %scan3A_479 = %scan3A_95#6, %scan3A_480 = %scan3A_95#7, %scan3A_481 = %scan3A_95#8, %scan3A_482 = %scan3A_95#9, %scan3A_483 = %scan3A_95#10, %scan3A_484 = %scan3A_95#11, %scan3A_485 = %scan3A_95#12, %scan3A_486 = %scan3A_95#13, %scan3A_487 = %scan3A_95#14, %scan3A_488 = %scan3A_95#15, %scan3A_489 = %scan3A_95#16, %scan3A_490 = %scan3A_95#17, %scan3A_491 = %scan3A_95#18, %scan3A_492 = %scan3A_95#19, %scan3A_493 = %scan3A_95#20, %scan3A_494 = %scan3A_95#21, %scan3A_495 = %scan3A_95#22, %scan3A_496 = %scan3A_95#23, %scan3A_497 = %scan3A_95#24, %scan3A_498 = %scan3A_95#25, %scan3A_499 = %scan3A_95#26, %scan3A_500 = %scan3A_95#27, %scan3A_501 = %scan3A_95#28, %scan3A_502 = %scan3A_95#29, %scan3A_503 = %scan3A_95#30, %scan3A_504 = %scan3A_95#31) -> (vector<16xf32>, vector<16xf32>, vector<16xf32>, vector<16xf32>, vector<16xf32>, vector<16xf32>, vector<16xf32>, vector<16xf32>, vector<16xf32>, vector<16xf32>, vector<16xf32>, vector<16xf32>, vector<16xf32>, vector<16xf32>, vector<16xf32>, vector<16xf32>, vector<16xf32>, vector<16xf32>, vector<16xf32>, vector<16xf32>, vector<16xf32>, vector<16xf32>, vector<16xf32>, vector<16xf32>, vector<16xf32>, vector<16xf32>, vector<16xf32>, vector<16xf32>, vector<16xf32>, vector<16xf32>, vector<16xf32>, vector<16xf32>)  : i32 {
      %get3A = arith.index_cast %scan3A_472 : i32 to index
      %get3A_505 = arith.constant 0 : index
      %get3A_506 = tpu.vector_load %arg8[%get3A, %get3A_505] {strides = array<i32>} : memref<64x512xf32, #tpu.memory_space<vmem>>, vector<1x16xf32>,
      %get3A_507 = vector.shape_cast %get3A_506 : vector<1x16xf32> to vector<16xf32>
      %add3A_508 = arith.addf %scan3A_473, %get3A_507 : vector<16xf32>
      %get3A_509 = arith.index_cast %scan3A_472 : i32 to index
      %get3A_510 = arith.constant 16 : index
      %get3A_511 = tpu.vector_load %arg8[%get3A_509, %get3A_510] {strides = array<i32>} : memref<64x512xf32, #tpu.memory_space<vmem>>, vector<1x16xf32>,
      %get3A_512 = vector.shape_cast %get3A_511 : vector<1x16xf32> to vector<16xf32>
      %add3A_513 = arith.addf %scan3A_474, %get3A_512 : vector<16xf32>
      %get3A_514 = arith.index_cast %scan3A_472 : i32 to index
      %get3A_515 = arith.constant 32 : index
      %get3A_516 = tpu.vector_load %arg8[%get3A_514, %get3A_515] {strides = array<i32>} : memref<64x512xf32, #tpu.memory_space<vmem>>, vector<1x16xf32>,
      %get3A_517 = vector.shape_cast %get3A_516 : vector<1x16xf32> to vector<16xf32>
      %add3A_518 = arith.addf %scan3A_475, %get3A_517 : vector<16xf32>
      %get3A_519 = arith.index_cast %scan3A_472 : i32 to index
      %get3A_520 = arith.constant 48 : index
      %get3A_521 = tpu.vector_load %arg8[%get3A_519, %get3A_520] {strides = array<i32>} : memref<64x512xf32, #tpu.memory_space<vmem>>, vector<1x16xf32>,
      %get3A_522 = vector.shape_cast %get3A_521 : vector<1x16xf32> to vector<16xf32>
      %add3A_523 = arith.addf %scan3A_476, %get3A_522 : vector<16xf32>
      %get3A_524 = arith.index_cast %scan3A_472 : i32 to index
      %get3A_525 = arith.constant 64 : index
      %get3A_526 = tpu.vector_load %arg8[%get3A_524, %get3A_525] {strides = array<i32>} : memref<64x512xf32, #tpu.memory_space<vmem>>, vector<1x16xf32>,
      %get3A_527 = vector.shape_cast %get3A_526 : vector<1x16xf32> to vector<16xf32>
      %add3A_528 = arith.addf %scan3A_477, %get3A_527 : vector<16xf32>
      %get3A_529 = arith.index_cast %scan3A_472 : i32 to index
      %get3A_530 = arith.constant 80 : index
      %get3A_531 = tpu.vector_load %arg8[%get3A_529, %get3A_530] {strides = array<i32>} : memref<64x512xf32, #tpu.memory_space<vmem>>, vector<1x16xf32>,
      %get3A_532 = vector.shape_cast %get3A_531 : vector<1x16xf32> to vector<16xf32>
      %add3A_533 = arith.addf %scan3A_478, %get3A_532 : vector<16xf32>
      %get3A_534 = arith.index_cast %scan3A_472 : i32 to index
      %get3A_535 = arith.constant 96 : index
      %get3A_536 = tpu.vector_load %arg8[%get3A_534, %get3A_535] {strides = array<i32>} : memref<64x512xf32, #tpu.memory_space<vmem>>, vector<1x16xf32>,
      %get3A_537 = vector.shape_cast %get3A_536 : vector<1x16xf32> to vector<16xf32>
      %add3A_538 = arith.addf %scan3A_479, %get3A_537 : vector<16xf32>
      %get3A_539 = arith.index_cast %scan3A_472 : i32 to index
      %get3A_540 = arith.constant 112 : index
      %get3A_541 = tpu.vector_load %arg8[%get3A_539, %get3A_540] {strides = array<i32>} : memref<64x512xf32, #tpu.memory_space<vmem>>, vector<1x16xf32>,
      %get3A_542 = vector.shape_cast %get3A_541 : vector<1x16xf32> to vector<16xf32>
      %add3A_543 = arith.addf %scan3A_480, %get3A_542 : vector<16xf32>
      %get3A_544 = arith.index_cast %scan3A_472 : i32 to index
      %get3A_545 = arith.constant 128 : index
      %get3A_546 = tpu.vector_load %arg8[%get3A_544, %get3A_545] {strides = array<i32>} : memref<64x512xf32, #tpu.memory_space<vmem>>, vector<1x16xf32>,
      %get3A_547 = vector.shape_cast %get3A_546 : vector<1x16xf32> to vector<16xf32>
      %add3A_548 = arith.addf %scan3A_481, %get3A_547 : vector<16xf32>
      %get3A_549 = arith.index_cast %scan3A_472 : i32 to index
      %get3A_550 = arith.constant 144 : index
      %get3A_551 = tpu.vector_load %arg8[%get3A_549, %get3A_550] {strides = array<i32>} : memref<64x512xf32, #tpu.memory_space<vmem>>, vector<1x16xf32>,
      %get3A_552 = vector.shape_cast %get3A_551 : vector<1x16xf32> to vector<16xf32>
      %add3A_553 = arith.addf %scan3A_482, %get3A_552 : vector<16xf32>
      %get3A_554 = arith.index_cast %scan3A_472 : i32 to index
      %get3A_555 = arith.constant 160 : index
      %get3A_556 = tpu.vector_load %arg8[%get3A_554, %get3A_555] {strides = array<i32>} : memref<64x512xf32, #tpu.memory_space<vmem>>, vector<1x16xf32>,
      %get3A_557 = vector.shape_cast %get3A_556 : vector<1x16xf32> to vector<16xf32>
      %add3A_558 = arith.addf %scan3A_483, %get3A_557 : vector<16xf32>
      %get3A_559 = arith.index_cast %scan3A_472 : i32 to index
      %get3A_560 = arith.constant 176 : index
      %get3A_561 = tpu.vector_load %arg8[%get3A_559, %get3A_560] {strides = array<i32>} : memref<64x512xf32, #tpu.memory_space<vmem>>, vector<1x16xf32>,
      %get3A_562 = vector.shape_cast %get3A_561 : vector<1x16xf32> to vector<16xf32>
      %add3A_563 = arith.addf %scan3A_484, %get3A_562 : vector<16xf32>
      %get3A_564 = arith.index_cast %scan3A_472 : i32 to index
      %get3A_565 = arith.constant 192 : index
      %get3A_566 = tpu.vector_load %arg8[%get3A_564, %get3A_565] {strides = array<i32>} : memref<64x512xf32, #tpu.memory_space<vmem>>, vector<1x16xf32>,
      %get3A_567 = vector.shape_cast %get3A_566 : vector<1x16xf32> to vector<16xf32>
      %add3A_568 = arith.addf %scan3A_485, %get3A_567 : vector<16xf32>
      %get3A_569 = arith.index_cast %scan3A_472 : i32 to index
      %get3A_570 = arith.constant 208 : index
      %get3A_571 = tpu.vector_load %arg8[%get3A_569, %get3A_570] {strides = array<i32>} : memref<64x512xf32, #tpu.memory_space<vmem>>, vector<1x16xf32>,
      %get3A_572 = vector.shape_cast %get3A_571 : vector<1x16xf32> to vector<16xf32>
      %add3A_573 = arith.addf %scan3A_486, %get3A_572 : vector<16xf32>
      %get3A_574 = arith.index_cast %scan3A_472 : i32 to index
      %get3A_575 = arith.constant 224 : index
      %get3A_576 = tpu.vector_load %arg8[%get3A_574, %get3A_575] {strides = array<i32>} : memref<64x512xf32, #tpu.memory_space<vmem>>, vector<1x16xf32>,
      %get3A_577 = vector.shape_cast %get3A_576 : vector<1x16xf32> to vector<16xf32>
      %add3A_578 = arith.addf %scan3A_487, %get3A_577 : vector<16xf32>
      %get3A_579 = arith.index_cast %scan3A_472 : i32 to index
      %get3A_580 = arith.constant 240 : index
      %get3A_581 = tpu.vector_load %arg8[%get3A_579, %get3A_580] {strides = array<i32>} : memref<64x512xf32, #tpu.memory_space<vmem>>, vector<1x16xf32>,
      %get3A_582 = vector.shape_cast %get3A_581 : vector<1x16xf32> to vector<16xf32>
      %add3A_583 = arith.addf %scan3A_488, %get3A_582 : vector<16xf32>
      %get3A_584 = arith.index_cast %scan3A_472 : i32 to index
      %get3A_585 = arith.constant 256 : index
      %get3A_586 = tpu.vector_load %arg8[%get3A_584, %get3A_585] {strides = array<i32>} : memref<64x512xf32, #tpu.memory_space<vmem>>, vector<1x16xf32>,
      %get3A_587 = vector.shape_cast %get3A_586 : vector<1x16xf32> to vector<16xf32>
      %add3A_588 = arith.addf %scan3A_489, %get3A_587 : vector<16xf32>
      %get3A_589 = arith.index_cast %scan3A_472 : i32 to index
      %get3A_590 = arith.constant 272 : index
      %get3A_591 = tpu.vector_load %arg8[%get3A_589, %get3A_590] {strides = array<i32>} : memref<64x512xf32, #tpu.memory_space<vmem>>, vector<1x16xf32>,
      %get3A_592 = vector.shape_cast %get3A_591 : vector<1x16xf32> to vector<16xf32>
      %add3A_593 = arith.addf %scan3A_490, %get3A_592 : vector<16xf32>
      %get3A_594 = arith.index_cast %scan3A_472 : i32 to index
      %get3A_595 = arith.constant 288 : index
      %get3A_596 = tpu.vector_load %arg8[%get3A_594, %get3A_595] {strides = array<i32>} : memref<64x512xf32, #tpu.memory_space<vmem>>, vector<1x16xf32>,
      %get3A_597 = vector.shape_cast %get3A_596 : vector<1x16xf32> to vector<16xf32>
      %add3A_598 = arith.addf %scan3A_491, %get3A_597 : vector<16xf32>
      %get3A_599 = arith.index_cast %scan3A_472 : i32 to index
      %get3A_600 = arith.constant 304 : index
      %get3A_601 = tpu.vector_load %arg8[%get3A_599, %get3A_600] {strides = array<i32>} : memref<64x512xf32, #tpu.memory_space<vmem>>, vector<1x16xf32>,
      %get3A_602 = vector.shape_cast %get3A_601 : vector<1x16xf32> to vector<16xf32>
      %add3A_603 = arith.addf %scan3A_492, %get3A_602 : vector<16xf32>
      %get3A_604 = arith.index_cast %scan3A_472 : i32 to index
      %get3A_605 = arith.constant 320 : index
      %get3A_606 = tpu.vector_load %arg8[%get3A_604, %get3A_605] {strides = array<i32>} : memref<64x512xf32, #tpu.memory_space<vmem>>, vector<1x16xf32>,
      %get3A_607 = vector.shape_cast %get3A_606 : vector<1x16xf32> to vector<16xf32>
      %add3A_608 = arith.addf %scan3A_493, %get3A_607 : vector<16xf32>
      %get3A_609 = arith.index_cast %scan3A_472 : i32 to index
      %get3A_610 = arith.constant 336 : index
      %get3A_611 = tpu.vector_load %arg8[%get3A_609, %get3A_610] {strides = array<i32>} : memref<64x512xf32, #tpu.memory_space<vmem>>, vector<1x16xf32>,
      %get3A_612 = vector.shape_cast %get3A_611 : vector<1x16xf32> to vector<16xf32>
      %add3A_613 = arith.addf %scan3A_494, %get3A_612 : vector<16xf32>
      %get3A_614 = arith.index_cast %scan3A_472 : i32 to index
      %get3A_615 = arith.constant 352 : index
      %get3A_616 = tpu.vector_load %arg8[%get3A_614, %get3A_615] {strides = array<i32>} : memref<64x512xf32, #tpu.memory_space<vmem>>, vector<1x16xf32>,
      %get3A_617 = vector.shape_cast %get3A_616 : vector<1x16xf32> to vector<16xf32>
      %add3A_618 = arith.addf %scan3A_495, %get3A_617 : vector<16xf32>
      %get3A_619 = arith.index_cast %scan3A_472 : i32 to index
      %get3A_620 = arith.constant 368 : index
      %get3A_621 = tpu.vector_load %arg8[%get3A_619, %get3A_620] {strides = array<i32>} : memref<64x512xf32, #tpu.memory_space<vmem>>, vector<1x16xf32>,
      %get3A_622 = vector.shape_cast %get3A_621 : vector<1x16xf32> to vector<16xf32>
      %add3A_623 = arith.addf %scan3A_496, %get3A_622 : vector<16xf32>
      %get3A_624 = arith.index_cast %scan3A_472 : i32 to index
      %get3A_625 = arith.constant 384 : index
      %get3A_626 = tpu.vector_load %arg8[%get3A_624, %get3A_625] {strides = array<i32>} : memref<64x512xf32, #tpu.memory_space<vmem>>, vector<1x16xf32>,
      %get3A_627 = vector.shape_cast %get3A_626 : vector<1x16xf32> to vector<16xf32>
      %add3A_628 = arith.addf %scan3A_497, %get3A_627 : vector<16xf32>
      %get3A_629 = arith.index_cast %scan3A_472 : i32 to index
      %get3A_630 = arith.constant 400 : index
      %get3A_631 = tpu.vector_load %arg8[%get3A_629, %get3A_630] {strides = array<i32>} : memref<64x512xf32, #tpu.memory_space<vmem>>, vector<1x16xf32>,
      %get3A_632 = vector.shape_cast %get3A_631 : vector<1x16xf32> to vector<16xf32>
      %add3A_633 = arith.addf %scan3A_498, %get3A_632 : vector<16xf32>
      %get3A_634 = arith.index_cast %scan3A_472 : i32 to index
      %get3A_635 = arith.constant 416 : index
      %get3A_636 = tpu.vector_load %arg8[%get3A_634, %get3A_635] {strides = array<i32>} : memref<64x512xf32, #tpu.memory_space<vmem>>, vector<1x16xf32>,
      %get3A_637 = vector.shape_cast %get3A_636 : vector<1x16xf32> to vector<16xf32>
      %add3A_638 = arith.addf %scan3A_499, %get3A_637 : vector<16xf32>
      %get3A_639 = arith.index_cast %scan3A_472 : i32 to index
      %get3A_640 = arith.constant 432 : index
      %get3A_641 = tpu.vector_load %arg8[%get3A_639, %get3A_640] {strides = array<i32>} : memref<64x512xf32, #tpu.memory_space<vmem>>, vector<1x16xf32>,
      %get3A_642 = vector.shape_cast %get3A_641 : vector<1x16xf32> to vector<16xf32>
      %add3A_643 = arith.addf %scan3A_500, %get3A_642 : vector<16xf32>
      %get3A_644 = arith.index_cast %scan3A_472 : i32 to index
      %get3A_645 = arith.constant 448 : index
      %get3A_646 = tpu.vector_load %arg8[%get3A_644, %get3A_645] {strides = array<i32>} : memref<64x512xf32, #tpu.memory_space<vmem>>, vector<1x16xf32>,
      %get3A_647 = vector.shape_cast %get3A_646 : vector<1x16xf32> to vector<16xf32>
      %add3A_648 = arith.addf %scan3A_501, %get3A_647 : vector<16xf32>
      %get3A_649 = arith.index_cast %scan3A_472 : i32 to index
      %get3A_650 = arith.constant 464 : index
      %get3A_651 = tpu.vector_load %arg8[%get3A_649, %get3A_650] {strides = array<i32>} : memref<64x512xf32, #tpu.memory_space<vmem>>, vector<1x16xf32>,
      %get3A_652 = vector.shape_cast %get3A_651 : vector<1x16xf32> to vector<16xf32>
      %add3A_653 = arith.addf %scan3A_502, %get3A_652 : vector<16xf32>
      %get3A_654 = arith.index_cast %scan3A_472 : i32 to index
      %get3A_655 = arith.constant 480 : index
      %get3A_656 = tpu.vector_load %arg8[%get3A_654, %get3A_655] {strides = array<i32>} : memref<64x512xf32, #tpu.memory_space<vmem>>, vector<1x16xf32>,
      %get3A_657 = vector.shape_cast %get3A_656 : vector<1x16xf32> to vector<16xf32>
      %add3A_658 = arith.addf %scan3A_503, %get3A_657 : vector<16xf32>
      %get3A_659 = arith.index_cast %scan3A_472 : i32 to index
      %get3A_660 = arith.constant 496 : index
      %get3A_661 = tpu.vector_load %arg8[%get3A_659, %get3A_660] {strides = array<i32>} : memref<64x512xf32, #tpu.memory_space<vmem>>, vector<1x16xf32>,
      %get3A_662 = vector.shape_cast %get3A_661 : vector<1x16xf32> to vector<16xf32>
      %add3A_663 = arith.addf %scan3A_504, %get3A_662 : vector<16xf32>
      scf.yield %add3A_508, %add3A_513, %add3A_518, %add3A_523, %add3A_528, %add3A_533, %add3A_538, %add3A_543, %add3A_548, %add3A_553, %add3A_558, %add3A_563, %add3A_568, %add3A_573, %add3A_578, %add3A_583, %add3A_588, %add3A_593, %add3A_598, %add3A_603, %add3A_608, %add3A_613, %add3A_618, %add3A_623, %add3A_628, %add3A_633, %add3A_638, %add3A_643, %add3A_648, %add3A_653, %add3A_658, %add3A_663 : vector<16xf32>, vector<16xf32>, vector<16xf32>, vector<16xf32>, vector<16xf32>, vector<16xf32>, vector<16xf32>, vector<16xf32>, vector<16xf32>, vector<16xf32>, vector<16xf32>, vector<16xf32>, vector<16xf32>, vector<16xf32>, vector<16xf32>, vector<16xf32>, vector<16xf32>, vector<16xf32>, vector<16xf32>, vector<16xf32>, vector<16xf32>, vector<16xf32>, vector<16xf32>, vector<16xf32>, vector<16xf32>, vector<16xf32>, vector<16xf32>, vector<16xf32>, vector<16xf32>, vector<16xf32>, vector<16xf32>, vector<16xf32>
    }
    %scan3A_122 = arith.constant 64 : i32
    %dma_wait3A_123 = arith.constant 0 : i32
    %dma_wait3A_124 = tpu.memref_slice %arg4[%add3A_112, %dma_wait3A_123] : memref<16384x512xf32, #tpu.memory_space<hbm>> -> memref<64x512xf32, #tpu.memory_space<hbm>>
    %dma_wait3A_125 = arith.constant 0 : i32
    %dma_wait3A_126 = tpu.memref_slice %arg4[%add3A_112, %dma_wait3A_125] : memref<16384x512xf32, #tpu.memory_space<hbm>> -> memref<64x512xf32, #tpu.memory_space<hbm>>
    tpu.wait_dma2 semaphore(%arg15 : memref<!tpu.dma_semaphore, #tpu.memory_space<semaphore_mem>>) src(%arg8 : memref<64x512xf32, #tpu.memory_space<vmem>>) dst(%dma_wait3A_126 : memref<64x512xf32, #tpu.memory_space<hbm>>)
    %dma_start3A_127 = arith.constant 256 : i32
    %dma_start3A_128 = tpu.memref_slice %arg6[%dma_start3A_127] : memref<512xi32, #tpu.memory_space<vmem>> -> memref<64xi32, #tpu.memory_space<vmem>>
    %dma_start3A_129 = arith.constant 0 : i32
    %dma_start3A_130 = arith.constant 0 : i32
    %dma_start3A_131 = tpu.memref_slice %arg3[%dma_start3A_129, %dma_start3A_130] : memref<100000x512xf32, #tpu.memory_space<hbm>> -> memref<100000x512xf32, #tpu.memory_space<hbm>>
    tpu.enqueue_indirect_dma source(%dma_start3A_131 : memref<100000x512xf32, #tpu.memory_space<hbm>>) target(%arg8 : memref<64x512xf32, #tpu.memory_space<vmem>>) offsets(%dma_start3A_128 : memref<64xi32, #tpu.memory_space<vmem>>) semaphore(%arg12 : memref<!tpu.dma_semaphore, #tpu.memory_space<semaphore_mem>>)
    %dma_wait3A_132 = arith.constant 128 : i32
    %dma_wait3A_133 = tpu.memref_slice %arg6[%dma_wait3A_132] : memref<512xi32, #tpu.memory_space<vmem>> -> memref<64xi32, #tpu.memory_space<vmem>>
    %dma_wait3A_134 = arith.constant 0 : i32
    %dma_wait3A_135 = arith.constant 0 : i32
    %dma_wait3A_136 = tpu.memref_slice %arg3[%dma_wait3A_134, %dma_wait3A_135] : memref<100000x512xf32, #tpu.memory_space<hbm>> -> memref<100000x512xf32, #tpu.memory_space<hbm>>
    tpu.wait_indirect_dma semaphore(%arg13 : memref<!tpu.dma_semaphore, #tpu.memory_space<semaphore_mem>>) src(%dma_wait3A_136 : memref<100000x512xf32, #tpu.memory_space<hbm>>) dst(%arg9 : memref<64x512xf32, #tpu.memory_space<vmem>>)
    %add3A_137 = arith.constant 128 : i32
    %add3A_138 = arith.addi %mul3A_2, %add3A_137 : i32
    %dma_start3A_139 = arith.constant 0 : i32
    %dma_start3A_140 = tpu.memref_slice %arg4[%add3A_138, %dma_start3A_139] : memref<16384x512xf32, #tpu.memory_space<hbm>> -> memref<64x512xf32, #tpu.memory_space<hbm>>
    %dma_start3A_141 = arith.constant 0 : i32
    %dma_start3A_142 = tpu.memref_slice %arg4[%add3A_138, %dma_start3A_141] : memref<16384x512xf32, #tpu.memory_space<hbm>> -> memref<64x512xf32, #tpu.memory_space<hbm>>
    tpu.enqueue_dma source(%arg9 : memref<64x512xf32, #tpu.memory_space<vmem>>) target(%dma_start3A_142 : memref<64x512xf32, #tpu.memory_space<hbm>>) target_semaphore(%arg16 : memref<!tpu.dma_semaphore, #tpu.memory_space<semaphore_mem>>)
    %scan3A_143 = arith.constant 0 : i32
    %scan3A_144 = arith.constant 64 : i32
    %scan3A_145 = arith.addi %scan3A_143, %scan3A_144 : i32
    %scan3A_146 = arith.constant 1 : i32
    %scan3A_147:32 = scf.for %scan3A_472 = %scan3A_143 to %scan3A_145 step %scan3A_146 iter_args(%scan3A_473 = %scan3A_121#0, %scan3A_474 = %scan3A_121#1, %scan3A_475 = %scan3A_121#2, %scan3A_476 = %scan3A_121#3, %scan3A_477 = %scan3A_121#4, %scan3A_478 = %scan3A_121#5, %scan3A_479 = %scan3A_121#6, %scan3A_480 = %scan3A_121#7, %scan3A_481 = %scan3A_121#8, %scan3A_482 = %scan3A_121#9, %scan3A_483 = %scan3A_121#10, %scan3A_484 = %scan3A_121#11, %scan3A_485 = %scan3A_121#12, %scan3A_486 = %scan3A_121#13, %scan3A_487 = %scan3A_121#14, %scan3A_488 = %scan3A_121#15, %scan3A_489 = %scan3A_121#16, %scan3A_490 = %scan3A_121#17, %scan3A_491 = %scan3A_121#18, %scan3A_492 = %scan3A_121#19, %scan3A_493 = %scan3A_121#20, %scan3A_494 = %scan3A_121#21, %scan3A_495 = %scan3A_121#22, %scan3A_496 = %scan3A_121#23, %scan3A_497 = %scan3A_121#24, %scan3A_498 = %scan3A_121#25, %scan3A_499 = %scan3A_121#26, %scan3A_500 = %scan3A_121#27, %scan3A_501 = %scan3A_121#28, %scan3A_502 = %scan3A_121#29, %scan3A_503 = %scan3A_121#30, %scan3A_504 = %scan3A_121#31) -> (vector<16xf32>, vector<16xf32>, vector<16xf32>, vector<16xf32>, vector<16xf32>, vector<16xf32>, vector<16xf32>, vector<16xf32>, vector<16xf32>, vector<16xf32>, vector<16xf32>, vector<16xf32>, vector<16xf32>, vector<16xf32>, vector<16xf32>, vector<16xf32>, vector<16xf32>, vector<16xf32>, vector<16xf32>, vector<16xf32>, vector<16xf32>, vector<16xf32>, vector<16xf32>, vector<16xf32>, vector<16xf32>, vector<16xf32>, vector<16xf32>, vector<16xf32>, vector<16xf32>, vector<16xf32>, vector<16xf32>, vector<16xf32>)  : i32 {
      %get3A = arith.index_cast %scan3A_472 : i32 to index
      %get3A_505 = arith.constant 0 : index
      %get3A_506 = tpu.vector_load %arg9[%get3A, %get3A_505] {strides = array<i32>} : memref<64x512xf32, #tpu.memory_space<vmem>>, vector<1x16xf32>,
      %get3A_507 = vector.shape_cast %get3A_506 : vector<1x16xf32> to vector<16xf32>
      %add3A_508 = arith.addf %scan3A_473, %get3A_507 : vector<16xf32>
      %get3A_509 = arith.index_cast %scan3A_472 : i32 to index
      %get3A_510 = arith.constant 16 : index
      %get3A_511 = tpu.vector_load %arg9[%get3A_509, %get3A_510] {strides = array<i32>} : memref<64x512xf32, #tpu.memory_space<vmem>>, vector<1x16xf32>,
      %get3A_512 = vector.shape_cast %get3A_511 : vector<1x16xf32> to vector<16xf32>
      %add3A_513 = arith.addf %scan3A_474, %get3A_512 : vector<16xf32>
      %get3A_514 = arith.index_cast %scan3A_472 : i32 to index
      %get3A_515 = arith.constant 32 : index
      %get3A_516 = tpu.vector_load %arg9[%get3A_514, %get3A_515] {strides = array<i32>} : memref<64x512xf32, #tpu.memory_space<vmem>>, vector<1x16xf32>,
      %get3A_517 = vector.shape_cast %get3A_516 : vector<1x16xf32> to vector<16xf32>
      %add3A_518 = arith.addf %scan3A_475, %get3A_517 : vector<16xf32>
      %get3A_519 = arith.index_cast %scan3A_472 : i32 to index
      %get3A_520 = arith.constant 48 : index
      %get3A_521 = tpu.vector_load %arg9[%get3A_519, %get3A_520] {strides = array<i32>} : memref<64x512xf32, #tpu.memory_space<vmem>>, vector<1x16xf32>,
      %get3A_522 = vector.shape_cast %get3A_521 : vector<1x16xf32> to vector<16xf32>
      %add3A_523 = arith.addf %scan3A_476, %get3A_522 : vector<16xf32>
      %get3A_524 = arith.index_cast %scan3A_472 : i32 to index
      %get3A_525 = arith.constant 64 : index
      %get3A_526 = tpu.vector_load %arg9[%get3A_524, %get3A_525] {strides = array<i32>} : memref<64x512xf32, #tpu.memory_space<vmem>>, vector<1x16xf32>,
      %get3A_527 = vector.shape_cast %get3A_526 : vector<1x16xf32> to vector<16xf32>
      %add3A_528 = arith.addf %scan3A_477, %get3A_527 : vector<16xf32>
      %get3A_529 = arith.index_cast %scan3A_472 : i32 to index
      %get3A_530 = arith.constant 80 : index
      %get3A_531 = tpu.vector_load %arg9[%get3A_529, %get3A_530] {strides = array<i32>} : memref<64x512xf32, #tpu.memory_space<vmem>>, vector<1x16xf32>,
      %get3A_532 = vector.shape_cast %get3A_531 : vector<1x16xf32> to vector<16xf32>
      %add3A_533 = arith.addf %scan3A_478, %get3A_532 : vector<16xf32>
      %get3A_534 = arith.index_cast %scan3A_472 : i32 to index
      %get3A_535 = arith.constant 96 : index
      %get3A_536 = tpu.vector_load %arg9[%get3A_534, %get3A_535] {strides = array<i32>} : memref<64x512xf32, #tpu.memory_space<vmem>>, vector<1x16xf32>,
      %get3A_537 = vector.shape_cast %get3A_536 : vector<1x16xf32> to vector<16xf32>
      %add3A_538 = arith.addf %scan3A_479, %get3A_537 : vector<16xf32>
      %get3A_539 = arith.index_cast %scan3A_472 : i32 to index
      %get3A_540 = arith.constant 112 : index
      %get3A_541 = tpu.vector_load %arg9[%get3A_539, %get3A_540] {strides = array<i32>} : memref<64x512xf32, #tpu.memory_space<vmem>>, vector<1x16xf32>,
      %get3A_542 = vector.shape_cast %get3A_541 : vector<1x16xf32> to vector<16xf32>
      %add3A_543 = arith.addf %scan3A_480, %get3A_542 : vector<16xf32>
      %get3A_544 = arith.index_cast %scan3A_472 : i32 to index
      %get3A_545 = arith.constant 128 : index
      %get3A_546 = tpu.vector_load %arg9[%get3A_544, %get3A_545] {strides = array<i32>} : memref<64x512xf32, #tpu.memory_space<vmem>>, vector<1x16xf32>,
      %get3A_547 = vector.shape_cast %get3A_546 : vector<1x16xf32> to vector<16xf32>
      %add3A_548 = arith.addf %scan3A_481, %get3A_547 : vector<16xf32>
      %get3A_549 = arith.index_cast %scan3A_472 : i32 to index
      %get3A_550 = arith.constant 144 : index
      %get3A_551 = tpu.vector_load %arg9[%get3A_549, %get3A_550] {strides = array<i32>} : memref<64x512xf32, #tpu.memory_space<vmem>>, vector<1x16xf32>,
      %get3A_552 = vector.shape_cast %get3A_551 : vector<1x16xf32> to vector<16xf32>
      %add3A_553 = arith.addf %scan3A_482, %get3A_552 : vector<16xf32>
      %get3A_554 = arith.index_cast %scan3A_472 : i32 to index
      %get3A_555 = arith.constant 160 : index
      %get3A_556 = tpu.vector_load %arg9[%get3A_554, %get3A_555] {strides = array<i32>} : memref<64x512xf32, #tpu.memory_space<vmem>>, vector<1x16xf32>,
      %get3A_557 = vector.shape_cast %get3A_556 : vector<1x16xf32> to vector<16xf32>
      %add3A_558 = arith.addf %scan3A_483, %get3A_557 : vector<16xf32>
      %get3A_559 = arith.index_cast %scan3A_472 : i32 to index
      %get3A_560 = arith.constant 176 : index
      %get3A_561 = tpu.vector_load %arg9[%get3A_559, %get3A_560] {strides = array<i32>} : memref<64x512xf32, #tpu.memory_space<vmem>>, vector<1x16xf32>,
      %get3A_562 = vector.shape_cast %get3A_561 : vector<1x16xf32> to vector<16xf32>
      %add3A_563 = arith.addf %scan3A_484, %get3A_562 : vector<16xf32>
      %get3A_564 = arith.index_cast %scan3A_472 : i32 to index
      %get3A_565 = arith.constant 192 : index
      %get3A_566 = tpu.vector_load %arg9[%get3A_564, %get3A_565] {strides = array<i32>} : memref<64x512xf32, #tpu.memory_space<vmem>>, vector<1x16xf32>,
      %get3A_567 = vector.shape_cast %get3A_566 : vector<1x16xf32> to vector<16xf32>
      %add3A_568 = arith.addf %scan3A_485, %get3A_567 : vector<16xf32>
      %get3A_569 = arith.index_cast %scan3A_472 : i32 to index
      %get3A_570 = arith.constant 208 : index
      %get3A_571 = tpu.vector_load %arg9[%get3A_569, %get3A_570] {strides = array<i32>} : memref<64x512xf32, #tpu.memory_space<vmem>>, vector<1x16xf32>,
      %get3A_572 = vector.shape_cast %get3A_571 : vector<1x16xf32> to vector<16xf32>
      %add3A_573 = arith.addf %scan3A_486, %get3A_572 : vector<16xf32>
      %get3A_574 = arith.index_cast %scan3A_472 : i32 to index
      %get3A_575 = arith.constant 224 : index
      %get3A_576 = tpu.vector_load %arg9[%get3A_574, %get3A_575] {strides = array<i32>} : memref<64x512xf32, #tpu.memory_space<vmem>>, vector<1x16xf32>,
      %get3A_577 = vector.shape_cast %get3A_576 : vector<1x16xf32> to vector<16xf32>
      %add3A_578 = arith.addf %scan3A_487, %get3A_577 : vector<16xf32>
      %get3A_579 = arith.index_cast %scan3A_472 : i32 to index
      %get3A_580 = arith.constant 240 : index
      %get3A_581 = tpu.vector_load %arg9[%get3A_579, %get3A_580] {strides = array<i32>} : memref<64x512xf32, #tpu.memory_space<vmem>>, vector<1x16xf32>,
      %get3A_582 = vector.shape_cast %get3A_581 : vector<1x16xf32> to vector<16xf32>
      %add3A_583 = arith.addf %scan3A_488, %get3A_582 : vector<16xf32>
      %get3A_584 = arith.index_cast %scan3A_472 : i32 to index
      %get3A_585 = arith.constant 256 : index
      %get3A_586 = tpu.vector_load %arg9[%get3A_584, %get3A_585] {strides = array<i32>} : memref<64x512xf32, #tpu.memory_space<vmem>>, vector<1x16xf32>,
      %get3A_587 = vector.shape_cast %get3A_586 : vector<1x16xf32> to vector<16xf32>
      %add3A_588 = arith.addf %scan3A_489, %get3A_587 : vector<16xf32>
      %get3A_589 = arith.index_cast %scan3A_472 : i32 to index
      %get3A_590 = arith.constant 272 : index
      %get3A_591 = tpu.vector_load %arg9[%get3A_589, %get3A_590] {strides = array<i32>} : memref<64x512xf32, #tpu.memory_space<vmem>>, vector<1x16xf32>,
      %get3A_592 = vector.shape_cast %get3A_591 : vector<1x16xf32> to vector<16xf32>
      %add3A_593 = arith.addf %scan3A_490, %get3A_592 : vector<16xf32>
      %get3A_594 = arith.index_cast %scan3A_472 : i32 to index
      %get3A_595 = arith.constant 288 : index
      %get3A_596 = tpu.vector_load %arg9[%get3A_594, %get3A_595] {strides = array<i32>} : memref<64x512xf32, #tpu.memory_space<vmem>>, vector<1x16xf32>,
      %get3A_597 = vector.shape_cast %get3A_596 : vector<1x16xf32> to vector<16xf32>
      %add3A_598 = arith.addf %scan3A_491, %get3A_597 : vector<16xf32>
      %get3A_599 = arith.index_cast %scan3A_472 : i32 to index
      %get3A_600 = arith.constant 304 : index
      %get3A_601 = tpu.vector_load %arg9[%get3A_599, %get3A_600] {strides = array<i32>} : memref<64x512xf32, #tpu.memory_space<vmem>>, vector<1x16xf32>,
      %get3A_602 = vector.shape_cast %get3A_601 : vector<1x16xf32> to vector<16xf32>
      %add3A_603 = arith.addf %scan3A_492, %get3A_602 : vector<16xf32>
      %get3A_604 = arith.index_cast %scan3A_472 : i32 to index
      %get3A_605 = arith.constant 320 : index
      %get3A_606 = tpu.vector_load %arg9[%get3A_604, %get3A_605] {strides = array<i32>} : memref<64x512xf32, #tpu.memory_space<vmem>>, vector<1x16xf32>,
      %get3A_607 = vector.shape_cast %get3A_606 : vector<1x16xf32> to vector<16xf32>
      %add3A_608 = arith.addf %scan3A_493, %get3A_607 : vector<16xf32>
      %get3A_609 = arith.index_cast %scan3A_472 : i32 to index
      %get3A_610 = arith.constant 336 : index
      %get3A_611 = tpu.vector_load %arg9[%get3A_609, %get3A_610] {strides = array<i32>} : memref<64x512xf32, #tpu.memory_space<vmem>>, vector<1x16xf32>,
      %get3A_612 = vector.shape_cast %get3A_611 : vector<1x16xf32> to vector<16xf32>
      %add3A_613 = arith.addf %scan3A_494, %get3A_612 : vector<16xf32>
      %get3A_614 = arith.index_cast %scan3A_472 : i32 to index
      %get3A_615 = arith.constant 352 : index
      %get3A_616 = tpu.vector_load %arg9[%get3A_614, %get3A_615] {strides = array<i32>} : memref<64x512xf32, #tpu.memory_space<vmem>>, vector<1x16xf32>,
      %get3A_617 = vector.shape_cast %get3A_616 : vector<1x16xf32> to vector<16xf32>
      %add3A_618 = arith.addf %scan3A_495, %get3A_617 : vector<16xf32>
      %get3A_619 = arith.index_cast %scan3A_472 : i32 to index
      %get3A_620 = arith.constant 368 : index
      %get3A_621 = tpu.vector_load %arg9[%get3A_619, %get3A_620] {strides = array<i32>} : memref<64x512xf32, #tpu.memory_space<vmem>>, vector<1x16xf32>,
      %get3A_622 = vector.shape_cast %get3A_621 : vector<1x16xf32> to vector<16xf32>
      %add3A_623 = arith.addf %scan3A_496, %get3A_622 : vector<16xf32>
      %get3A_624 = arith.index_cast %scan3A_472 : i32 to index
      %get3A_625 = arith.constant 384 : index
      %get3A_626 = tpu.vector_load %arg9[%get3A_624, %get3A_625] {strides = array<i32>} : memref<64x512xf32, #tpu.memory_space<vmem>>, vector<1x16xf32>,
      %get3A_627 = vector.shape_cast %get3A_626 : vector<1x16xf32> to vector<16xf32>
      %add3A_628 = arith.addf %scan3A_497, %get3A_627 : vector<16xf32>
      %get3A_629 = arith.index_cast %scan3A_472 : i32 to index
      %get3A_630 = arith.constant 400 : index
      %get3A_631 = tpu.vector_load %arg9[%get3A_629, %get3A_630] {strides = array<i32>} : memref<64x512xf32, #tpu.memory_space<vmem>>, vector<1x16xf32>,
      %get3A_632 = vector.shape_cast %get3A_631 : vector<1x16xf32> to vector<16xf32>
      %add3A_633 = arith.addf %scan3A_498, %get3A_632 : vector<16xf32>
      %get3A_634 = arith.index_cast %scan3A_472 : i32 to index
      %get3A_635 = arith.constant 416 : index
      %get3A_636 = tpu.vector_load %arg9[%get3A_634, %get3A_635] {strides = array<i32>} : memref<64x512xf32, #tpu.memory_space<vmem>>, vector<1x16xf32>,
      %get3A_637 = vector.shape_cast %get3A_636 : vector<1x16xf32> to vector<16xf32>
      %add3A_638 = arith.addf %scan3A_499, %get3A_637 : vector<16xf32>
      %get3A_639 = arith.index_cast %scan3A_472 : i32 to index
      %get3A_640 = arith.constant 432 : index
      %get3A_641 = tpu.vector_load %arg9[%get3A_639, %get3A_640] {strides = array<i32>} : memref<64x512xf32, #tpu.memory_space<vmem>>, vector<1x16xf32>,
      %get3A_642 = vector.shape_cast %get3A_641 : vector<1x16xf32> to vector<16xf32>
      %add3A_643 = arith.addf %scan3A_500, %get3A_642 : vector<16xf32>
      %get3A_644 = arith.index_cast %scan3A_472 : i32 to index
      %get3A_645 = arith.constant 448 : index
      %get3A_646 = tpu.vector_load %arg9[%get3A_644, %get3A_645] {strides = array<i32>} : memref<64x512xf32, #tpu.memory_space<vmem>>, vector<1x16xf32>,
      %get3A_647 = vector.shape_cast %get3A_646 : vector<1x16xf32> to vector<16xf32>
      %add3A_648 = arith.addf %scan3A_501, %get3A_647 : vector<16xf32>
      %get3A_649 = arith.index_cast %scan3A_472 : i32 to index
      %get3A_650 = arith.constant 464 : index
      %get3A_651 = tpu.vector_load %arg9[%get3A_649, %get3A_650] {strides = array<i32>} : memref<64x512xf32, #tpu.memory_space<vmem>>, vector<1x16xf32>,
      %get3A_652 = vector.shape_cast %get3A_651 : vector<1x16xf32> to vector<16xf32>
      %add3A_653 = arith.addf %scan3A_502, %get3A_652 : vector<16xf32>
      %get3A_654 = arith.index_cast %scan3A_472 : i32 to index
      %get3A_655 = arith.constant 480 : index
      %get3A_656 = tpu.vector_load %arg9[%get3A_654, %get3A_655] {strides = array<i32>} : memref<64x512xf32, #tpu.memory_space<vmem>>, vector<1x16xf32>,
      %get3A_657 = vector.shape_cast %get3A_656 : vector<1x16xf32> to vector<16xf32>
      %add3A_658 = arith.addf %scan3A_503, %get3A_657 : vector<16xf32>
      %get3A_659 = arith.index_cast %scan3A_472 : i32 to index
      %get3A_660 = arith.constant 496 : index
      %get3A_661 = tpu.vector_load %arg9[%get3A_659, %get3A_660] {strides = array<i32>} : memref<64x512xf32, #tpu.memory_space<vmem>>, vector<1x16xf32>,
      %get3A_662 = vector.shape_cast %get3A_661 : vector<1x16xf32> to vector<16xf32>
      %add3A_663 = arith.addf %scan3A_504, %get3A_662 : vector<16xf32>
      scf.yield %add3A_508, %add3A_513, %add3A_518, %add3A_523, %add3A_528, %add3A_533, %add3A_538, %add3A_543, %add3A_548, %add3A_553, %add3A_558, %add3A_563, %add3A_568, %add3A_573, %add3A_578, %add3A_583, %add3A_588, %add3A_593, %add3A_598, %add3A_603, %add3A_608, %add3A_613, %add3A_618, %add3A_623, %add3A_628, %add3A_633, %add3A_638, %add3A_643, %add3A_648, %add3A_653, %add3A_658, %add3A_663 : vector<16xf32>, vector<16xf32>, vector<16xf32>, vector<16xf32>, vector<16xf32>, vector<16xf32>, vector<16xf32>, vector<16xf32>, vector<16xf32>, vector<16xf32>, vector<16xf32>, vector<16xf32>, vector<16xf32>, vector<16xf32>, vector<16xf32>, vector<16xf32>, vector<16xf32>, vector<16xf32>, vector<16xf32>, vector<16xf32>, vector<16xf32>, vector<16xf32>, vector<16xf32>, vector<16xf32>, vector<16xf32>, vector<16xf32>, vector<16xf32>, vector<16xf32>, vector<16xf32>, vector<16xf32>, vector<16xf32>, vector<16xf32>
    }
    %scan3A_148 = arith.constant 64 : i32
    %dma_wait3A_149 = arith.constant 0 : i32
    %dma_wait3A_150 = tpu.memref_slice %arg4[%add3A_138, %dma_wait3A_149] : memref<16384x512xf32, #tpu.memory_space<hbm>> -> memref<64x512xf32, #tpu.memory_space<hbm>>
    %dma_wait3A_151 = arith.constant 0 : i32
    %dma_wait3A_152 = tpu.memref_slice %arg4[%add3A_138, %dma_wait3A_151] : memref<16384x512xf32, #tpu.memory_space<hbm>> -> memref<64x512xf32, #tpu.memory_space<hbm>>
    tpu.wait_dma2 semaphore(%arg16 : memref<!tpu.dma_semaphore, #tpu.memory_space<semaphore_mem>>) src(%arg9 : memref<64x512xf32, #tpu.memory_space<vmem>>) dst(%dma_wait3A_152 : memref<64x512xf32, #tpu.memory_space<hbm>>)
    %dma_start3A_153 = arith.constant 320 : i32
    %dma_start3A_154 = tpu.memref_slice %arg6[%dma_start3A_153] : memref<512xi32, #tpu.memory_space<vmem>> -> memref<64xi32, #tpu.memory_space<vmem>>
    %dma_start3A_155 = arith.constant 0 : i32
    %dma_start3A_156 = arith.constant 0 : i32
    %dma_start3A_157 = tpu.memref_slice %arg3[%dma_start3A_155, %dma_start3A_156] : memref<100000x512xf32, #tpu.memory_space<hbm>> -> memref<100000x512xf32, #tpu.memory_space<hbm>>
    tpu.enqueue_indirect_dma source(%dma_start3A_157 : memref<100000x512xf32, #tpu.memory_space<hbm>>) target(%arg9 : memref<64x512xf32, #tpu.memory_space<vmem>>) offsets(%dma_start3A_154 : memref<64xi32, #tpu.memory_space<vmem>>) semaphore(%arg13 : memref<!tpu.dma_semaphore, #tpu.memory_space<semaphore_mem>>)
    %dma_wait3A_158 = arith.constant 192 : i32
    %dma_wait3A_159 = tpu.memref_slice %arg6[%dma_wait3A_158] : memref<512xi32, #tpu.memory_space<vmem>> -> memref<64xi32, #tpu.memory_space<vmem>>
    %dma_wait3A_160 = arith.constant 0 : i32
    %dma_wait3A_161 = arith.constant 0 : i32
    %dma_wait3A_162 = tpu.memref_slice %arg3[%dma_wait3A_160, %dma_wait3A_161] : memref<100000x512xf32, #tpu.memory_space<hbm>> -> memref<100000x512xf32, #tpu.memory_space<hbm>>
    tpu.wait_indirect_dma semaphore(%arg11 : memref<!tpu.dma_semaphore, #tpu.memory_space<semaphore_mem>>) src(%dma_wait3A_162 : memref<100000x512xf32, #tpu.memory_space<hbm>>) dst(%arg7 : memref<64x512xf32, #tpu.memory_space<vmem>>)
    %add3A_163 = arith.constant 192 : i32
    %add3A_164 = arith.addi %mul3A_2, %add3A_163 : i32
    %dma_start3A_165 = arith.constant 0 : i32
    %dma_start3A_166 = tpu.memref_slice %arg4[%add3A_164, %dma_start3A_165] : memref<16384x512xf32, #tpu.memory_space<hbm>> -> memref<64x512xf32, #tpu.memory_space<hbm>>
    %dma_start3A_167 = arith.constant 0 : i32
    %dma_start3A_168 = tpu.memref_slice %arg4[%add3A_164, %dma_start3A_167] : memref<16384x512xf32, #tpu.memory_space<hbm>> -> memref<64x512xf32, #tpu.memory_space<hbm>>
    tpu.enqueue_dma source(%arg7 : memref<64x512xf32, #tpu.memory_space<vmem>>) target(%dma_start3A_168 : memref<64x512xf32, #tpu.memory_space<hbm>>) target_semaphore(%arg14 : memref<!tpu.dma_semaphore, #tpu.memory_space<semaphore_mem>>)
    %scan3A_169 = arith.constant 0 : i32
    %scan3A_170 = arith.constant 64 : i32
    %scan3A_171 = arith.addi %scan3A_169, %scan3A_170 : i32
    %scan3A_172 = arith.constant 1 : i32
    %scan3A_173:32 = scf.for %scan3A_472 = %scan3A_169 to %scan3A_171 step %scan3A_172 iter_args(%scan3A_473 = %scan3A_147#0, %scan3A_474 = %scan3A_147#1, %scan3A_475 = %scan3A_147#2, %scan3A_476 = %scan3A_147#3, %scan3A_477 = %scan3A_147#4, %scan3A_478 = %scan3A_147#5, %scan3A_479 = %scan3A_147#6, %scan3A_480 = %scan3A_147#7, %scan3A_481 = %scan3A_147#8, %scan3A_482 = %scan3A_147#9, %scan3A_483 = %scan3A_147#10, %scan3A_484 = %scan3A_147#11, %scan3A_485 = %scan3A_147#12, %scan3A_486 = %scan3A_147#13, %scan3A_487 = %scan3A_147#14, %scan3A_488 = %scan3A_147#15, %scan3A_489 = %scan3A_147#16, %scan3A_490 = %scan3A_147#17, %scan3A_491 = %scan3A_147#18, %scan3A_492 = %scan3A_147#19, %scan3A_493 = %scan3A_147#20, %scan3A_494 = %scan3A_147#21, %scan3A_495 = %scan3A_147#22, %scan3A_496 = %scan3A_147#23, %scan3A_497 = %scan3A_147#24, %scan3A_498 = %scan3A_147#25, %scan3A_499 = %scan3A_147#26, %scan3A_500 = %scan3A_147#27, %scan3A_501 = %scan3A_147#28, %scan3A_502 = %scan3A_147#29, %scan3A_503 = %scan3A_147#30, %scan3A_504 = %scan3A_147#31) -> (vector<16xf32>, vector<16xf32>, vector<16xf32>, vector<16xf32>, vector<16xf32>, vector<16xf32>, vector<16xf32>, vector<16xf32>, vector<16xf32>, vector<16xf32>, vector<16xf32>, vector<16xf32>, vector<16xf32>, vector<16xf32>, vector<16xf32>, vector<16xf32>, vector<16xf32>, vector<16xf32>, vector<16xf32>, vector<16xf32>, vector<16xf32>, vector<16xf32>, vector<16xf32>, vector<16xf32>, vector<16xf32>, vector<16xf32>, vector<16xf32>, vector<16xf32>, vector<16xf32>, vector<16xf32>, vector<16xf32>, vector<16xf32>)  : i32 {
      %get3A = arith.index_cast %scan3A_472 : i32 to index
      %get3A_505 = arith.constant 0 : index
      %get3A_506 = tpu.vector_load %arg7[%get3A, %get3A_505] {strides = array<i32>} : memref<64x512xf32, #tpu.memory_space<vmem>>, vector<1x16xf32>,
      %get3A_507 = vector.shape_cast %get3A_506 : vector<1x16xf32> to vector<16xf32>
      %add3A_508 = arith.addf %scan3A_473, %get3A_507 : vector<16xf32>
      %get3A_509 = arith.index_cast %scan3A_472 : i32 to index
      %get3A_510 = arith.constant 16 : index
      %get3A_511 = tpu.vector_load %arg7[%get3A_509, %get3A_510] {strides = array<i32>} : memref<64x512xf32, #tpu.memory_space<vmem>>, vector<1x16xf32>,
      %get3A_512 = vector.shape_cast %get3A_511 : vector<1x16xf32> to vector<16xf32>
      %add3A_513 = arith.addf %scan3A_474, %get3A_512 : vector<16xf32>
      %get3A_514 = arith.index_cast %scan3A_472 : i32 to index
      %get3A_515 = arith.constant 32 : index
      %get3A_516 = tpu.vector_load %arg7[%get3A_514, %get3A_515] {strides = array<i32>} : memref<64x512xf32, #tpu.memory_space<vmem>>, vector<1x16xf32>,
      %get3A_517 = vector.shape_cast %get3A_516 : vector<1x16xf32> to vector<16xf32>
      %add3A_518 = arith.addf %scan3A_475, %get3A_517 : vector<16xf32>
      %get3A_519 = arith.index_cast %scan3A_472 : i32 to index
      %get3A_520 = arith.constant 48 : index
      %get3A_521 = tpu.vector_load %arg7[%get3A_519, %get3A_520] {strides = array<i32>} : memref<64x512xf32, #tpu.memory_space<vmem>>, vector<1x16xf32>,
      %get3A_522 = vector.shape_cast %get3A_521 : vector<1x16xf32> to vector<16xf32>
      %add3A_523 = arith.addf %scan3A_476, %get3A_522 : vector<16xf32>
      %get3A_524 = arith.index_cast %scan3A_472 : i32 to index
      %get3A_525 = arith.constant 64 : index
      %get3A_526 = tpu.vector_load %arg7[%get3A_524, %get3A_525] {strides = array<i32>} : memref<64x512xf32, #tpu.memory_space<vmem>>, vector<1x16xf32>,
      %get3A_527 = vector.shape_cast %get3A_526 : vector<1x16xf32> to vector<16xf32>
      %add3A_528 = arith.addf %scan3A_477, %get3A_527 : vector<16xf32>
      %get3A_529 = arith.index_cast %scan3A_472 : i32 to index
      %get3A_530 = arith.constant 80 : index
      %get3A_531 = tpu.vector_load %arg7[%get3A_529, %get3A_530] {strides = array<i32>} : memref<64x512xf32, #tpu.memory_space<vmem>>, vector<1x16xf32>,
      %get3A_532 = vector.shape_cast %get3A_531 : vector<1x16xf32> to vector<16xf32>
      %add3A_533 = arith.addf %scan3A_478, %get3A_532 : vector<16xf32>
      %get3A_534 = arith.index_cast %scan3A_472 : i32 to index
      %get3A_535 = arith.constant 96 : index
      %get3A_536 = tpu.vector_load %arg7[%get3A_534, %get3A_535] {strides = array<i32>} : memref<64x512xf32, #tpu.memory_space<vmem>>, vector<1x16xf32>,
      %get3A_537 = vector.shape_cast %get3A_536 : vector<1x16xf32> to vector<16xf32>
      %add3A_538 = arith.addf %scan3A_479, %get3A_537 : vector<16xf32>
      %get3A_539 = arith.index_cast %scan3A_472 : i32 to index
      %get3A_540 = arith.constant 112 : index
      %get3A_541 = tpu.vector_load %arg7[%get3A_539, %get3A_540] {strides = array<i32>} : memref<64x512xf32, #tpu.memory_space<vmem>>, vector<1x16xf32>,
      %get3A_542 = vector.shape_cast %get3A_541 : vector<1x16xf32> to vector<16xf32>
      %add3A_543 = arith.addf %scan3A_480, %get3A_542 : vector<16xf32>
      %get3A_544 = arith.index_cast %scan3A_472 : i32 to index
      %get3A_545 = arith.constant 128 : index
      %get3A_546 = tpu.vector_load %arg7[%get3A_544, %get3A_545] {strides = array<i32>} : memref<64x512xf32, #tpu.memory_space<vmem>>, vector<1x16xf32>,
      %get3A_547 = vector.shape_cast %get3A_546 : vector<1x16xf32> to vector<16xf32>
      %add3A_548 = arith.addf %scan3A_481, %get3A_547 : vector<16xf32>
      %get3A_549 = arith.index_cast %scan3A_472 : i32 to index
      %get3A_550 = arith.constant 144 : index
      %get3A_551 = tpu.vector_load %arg7[%get3A_549, %get3A_550] {strides = array<i32>} : memref<64x512xf32, #tpu.memory_space<vmem>>, vector<1x16xf32>,
      %get3A_552 = vector.shape_cast %get3A_551 : vector<1x16xf32> to vector<16xf32>
      %add3A_553 = arith.addf %scan3A_482, %get3A_552 : vector<16xf32>
      %get3A_554 = arith.index_cast %scan3A_472 : i32 to index
      %get3A_555 = arith.constant 160 : index
      %get3A_556 = tpu.vector_load %arg7[%get3A_554, %get3A_555] {strides = array<i32>} : memref<64x512xf32, #tpu.memory_space<vmem>>, vector<1x16xf32>,
      %get3A_557 = vector.shape_cast %get3A_556 : vector<1x16xf32> to vector<16xf32>
      %add3A_558 = arith.addf %scan3A_483, %get3A_557 : vector<16xf32>
      %get3A_559 = arith.index_cast %scan3A_472 : i32 to index
      %get3A_560 = arith.constant 176 : index
      %get3A_561 = tpu.vector_load %arg7[%get3A_559, %get3A_560] {strides = array<i32>} : memref<64x512xf32, #tpu.memory_space<vmem>>, vector<1x16xf32>,
      %get3A_562 = vector.shape_cast %get3A_561 : vector<1x16xf32> to vector<16xf32>
      %add3A_563 = arith.addf %scan3A_484, %get3A_562 : vector<16xf32>
      %get3A_564 = arith.index_cast %scan3A_472 : i32 to index
      %get3A_565 = arith.constant 192 : index
      %get3A_566 = tpu.vector_load %arg7[%get3A_564, %get3A_565] {strides = array<i32>} : memref<64x512xf32, #tpu.memory_space<vmem>>, vector<1x16xf32>,
      %get3A_567 = vector.shape_cast %get3A_566 : vector<1x16xf32> to vector<16xf32>
      %add3A_568 = arith.addf %scan3A_485, %get3A_567 : vector<16xf32>
      %get3A_569 = arith.index_cast %scan3A_472 : i32 to index
      %get3A_570 = arith.constant 208 : index
      %get3A_571 = tpu.vector_load %arg7[%get3A_569, %get3A_570] {strides = array<i32>} : memref<64x512xf32, #tpu.memory_space<vmem>>, vector<1x16xf32>,
      %get3A_572 = vector.shape_cast %get3A_571 : vector<1x16xf32> to vector<16xf32>
      %add3A_573 = arith.addf %scan3A_486, %get3A_572 : vector<16xf32>
      %get3A_574 = arith.index_cast %scan3A_472 : i32 to index
      %get3A_575 = arith.constant 224 : index
      %get3A_576 = tpu.vector_load %arg7[%get3A_574, %get3A_575] {strides = array<i32>} : memref<64x512xf32, #tpu.memory_space<vmem>>, vector<1x16xf32>,
      %get3A_577 = vector.shape_cast %get3A_576 : vector<1x16xf32> to vector<16xf32>
      %add3A_578 = arith.addf %scan3A_487, %get3A_577 : vector<16xf32>
      %get3A_579 = arith.index_cast %scan3A_472 : i32 to index
      %get3A_580 = arith.constant 240 : index
      %get3A_581 = tpu.vector_load %arg7[%get3A_579, %get3A_580] {strides = array<i32>} : memref<64x512xf32, #tpu.memory_space<vmem>>, vector<1x16xf32>,
      %get3A_582 = vector.shape_cast %get3A_581 : vector<1x16xf32> to vector<16xf32>
      %add3A_583 = arith.addf %scan3A_488, %get3A_582 : vector<16xf32>
      %get3A_584 = arith.index_cast %scan3A_472 : i32 to index
      %get3A_585 = arith.constant 256 : index
      %get3A_586 = tpu.vector_load %arg7[%get3A_584, %get3A_585] {strides = array<i32>} : memref<64x512xf32, #tpu.memory_space<vmem>>, vector<1x16xf32>,
      %get3A_587 = vector.shape_cast %get3A_586 : vector<1x16xf32> to vector<16xf32>
      %add3A_588 = arith.addf %scan3A_489, %get3A_587 : vector<16xf32>
      %get3A_589 = arith.index_cast %scan3A_472 : i32 to index
      %get3A_590 = arith.constant 272 : index
      %get3A_591 = tpu.vector_load %arg7[%get3A_589, %get3A_590] {strides = array<i32>} : memref<64x512xf32, #tpu.memory_space<vmem>>, vector<1x16xf32>,
      %get3A_592 = vector.shape_cast %get3A_591 : vector<1x16xf32> to vector<16xf32>
      %add3A_593 = arith.addf %scan3A_490, %get3A_592 : vector<16xf32>
      %get3A_594 = arith.index_cast %scan3A_472 : i32 to index
      %get3A_595 = arith.constant 288 : index
      %get3A_596 = tpu.vector_load %arg7[%get3A_594, %get3A_595] {strides = array<i32>} : memref<64x512xf32, #tpu.memory_space<vmem>>, vector<1x16xf32>,
      %get3A_597 = vector.shape_cast %get3A_596 : vector<1x16xf32> to vector<16xf32>
      %add3A_598 = arith.addf %scan3A_491, %get3A_597 : vector<16xf32>
      %get3A_599 = arith.index_cast %scan3A_472 : i32 to index
      %get3A_600 = arith.constant 304 : index
      %get3A_601 = tpu.vector_load %arg7[%get3A_599, %get3A_600] {strides = array<i32>} : memref<64x512xf32, #tpu.memory_space<vmem>>, vector<1x16xf32>,
      %get3A_602 = vector.shape_cast %get3A_601 : vector<1x16xf32> to vector<16xf32>
      %add3A_603 = arith.addf %scan3A_492, %get3A_602 : vector<16xf32>
      %get3A_604 = arith.index_cast %scan3A_472 : i32 to index
      %get3A_605 = arith.constant 320 : index
      %get3A_606 = tpu.vector_load %arg7[%get3A_604, %get3A_605] {strides = array<i32>} : memref<64x512xf32, #tpu.memory_space<vmem>>, vector<1x16xf32>,
      %get3A_607 = vector.shape_cast %get3A_606 : vector<1x16xf32> to vector<16xf32>
      %add3A_608 = arith.addf %scan3A_493, %get3A_607 : vector<16xf32>
      %get3A_609 = arith.index_cast %scan3A_472 : i32 to index
      %get3A_610 = arith.constant 336 : index
      %get3A_611 = tpu.vector_load %arg7[%get3A_609, %get3A_610] {strides = array<i32>} : memref<64x512xf32, #tpu.memory_space<vmem>>, vector<1x16xf32>,
      %get3A_612 = vector.shape_cast %get3A_611 : vector<1x16xf32> to vector<16xf32>
      %add3A_613 = arith.addf %scan3A_494, %get3A_612 : vector<16xf32>
      %get3A_614 = arith.index_cast %scan3A_472 : i32 to index
      %get3A_615 = arith.constant 352 : index
      %get3A_616 = tpu.vector_load %arg7[%get3A_614, %get3A_615] {strides = array<i32>} : memref<64x512xf32, #tpu.memory_space<vmem>>, vector<1x16xf32>,
      %get3A_617 = vector.shape_cast %get3A_616 : vector<1x16xf32> to vector<16xf32>
      %add3A_618 = arith.addf %scan3A_495, %get3A_617 : vector<16xf32>
      %get3A_619 = arith.index_cast %scan3A_472 : i32 to index
      %get3A_620 = arith.constant 368 : index
      %get3A_621 = tpu.vector_load %arg7[%get3A_619, %get3A_620] {strides = array<i32>} : memref<64x512xf32, #tpu.memory_space<vmem>>, vector<1x16xf32>,
      %get3A_622 = vector.shape_cast %get3A_621 : vector<1x16xf32> to vector<16xf32>
      %add3A_623 = arith.addf %scan3A_496, %get3A_622 : vector<16xf32>
      %get3A_624 = arith.index_cast %scan3A_472 : i32 to index
      %get3A_625 = arith.constant 384 : index
      %get3A_626 = tpu.vector_load %arg7[%get3A_624, %get3A_625] {strides = array<i32>} : memref<64x512xf32, #tpu.memory_space<vmem>>, vector<1x16xf32>,
      %get3A_627 = vector.shape_cast %get3A_626 : vector<1x16xf32> to vector<16xf32>
      %add3A_628 = arith.addf %scan3A_497, %get3A_627 : vector<16xf32>
      %get3A_629 = arith.index_cast %scan3A_472 : i32 to index
      %get3A_630 = arith.constant 400 : index
      %get3A_631 = tpu.vector_load %arg7[%get3A_629, %get3A_630] {strides = array<i32>} : memref<64x512xf32, #tpu.memory_space<vmem>>, vector<1x16xf32>,
      %get3A_632 = vector.shape_cast %get3A_631 : vector<1x16xf32> to vector<16xf32>
      %add3A_633 = arith.addf %scan3A_498, %get3A_632 : vector<16xf32>
      %get3A_634 = arith.index_cast %scan3A_472 : i32 to index
      %get3A_635 = arith.constant 416 : index
      %get3A_636 = tpu.vector_load %arg7[%get3A_634, %get3A_635] {strides = array<i32>} : memref<64x512xf32, #tpu.memory_space<vmem>>, vector<1x16xf32>,
      %get3A_637 = vector.shape_cast %get3A_636 : vector<1x16xf32> to vector<16xf32>
      %add3A_638 = arith.addf %scan3A_499, %get3A_637 : vector<16xf32>
      %get3A_639 = arith.index_cast %scan3A_472 : i32 to index
      %get3A_640 = arith.constant 432 : index
      %get3A_641 = tpu.vector_load %arg7[%get3A_639, %get3A_640] {strides = array<i32>} : memref<64x512xf32, #tpu.memory_space<vmem>>, vector<1x16xf32>,
      %get3A_642 = vector.shape_cast %get3A_641 : vector<1x16xf32> to vector<16xf32>
      %add3A_643 = arith.addf %scan3A_500, %get3A_642 : vector<16xf32>
      %get3A_644 = arith.index_cast %scan3A_472 : i32 to index
      %get3A_645 = arith.constant 448 : index
      %get3A_646 = tpu.vector_load %arg7[%get3A_644, %get3A_645] {strides = array<i32>} : memref<64x512xf32, #tpu.memory_space<vmem>>, vector<1x16xf32>,
      %get3A_647 = vector.shape_cast %get3A_646 : vector<1x16xf32> to vector<16xf32>
      %add3A_648 = arith.addf %scan3A_501, %get3A_647 : vector<16xf32>
      %get3A_649 = arith.index_cast %scan3A_472 : i32 to index
      %get3A_650 = arith.constant 464 : index
      %get3A_651 = tpu.vector_load %arg7[%get3A_649, %get3A_650] {strides = array<i32>} : memref<64x512xf32, #tpu.memory_space<vmem>>, vector<1x16xf32>,
      %get3A_652 = vector.shape_cast %get3A_651 : vector<1x16xf32> to vector<16xf32>
      %add3A_653 = arith.addf %scan3A_502, %get3A_652 : vector<16xf32>
      %get3A_654 = arith.index_cast %scan3A_472 : i32 to index
      %get3A_655 = arith.constant 480 : index
      %get3A_656 = tpu.vector_load %arg7[%get3A_654, %get3A_655] {strides = array<i32>} : memref<64x512xf32, #tpu.memory_space<vmem>>, vector<1x16xf32>,
      %get3A_657 = vector.shape_cast %get3A_656 : vector<1x16xf32> to vector<16xf32>
      %add3A_658 = arith.addf %scan3A_503, %get3A_657 : vector<16xf32>
      %get3A_659 = arith.index_cast %scan3A_472 : i32 to index
      %get3A_660 = arith.constant 496 : index
      %get3A_661 = tpu.vector_load %arg7[%get3A_659, %get3A_660] {strides = array<i32>} : memref<64x512xf32, #tpu.memory_space<vmem>>, vector<1x16xf32>,
      %get3A_662 = vector.shape_cast %get3A_661 : vector<1x16xf32> to vector<16xf32>
      %add3A_663 = arith.addf %scan3A_504, %get3A_662 : vector<16xf32>
      scf.yield %add3A_508, %add3A_513, %add3A_518, %add3A_523, %add3A_528, %add3A_533, %add3A_538, %add3A_543, %add3A_548, %add3A_553, %add3A_558, %add3A_563, %add3A_568, %add3A_573, %add3A_578, %add3A_583, %add3A_588, %add3A_593, %add3A_598, %add3A_603, %add3A_608, %add3A_613, %add3A_618, %add3A_623, %add3A_628, %add3A_633, %add3A_638, %add3A_643, %add3A_648, %add3A_653, %add3A_658, %add3A_663 : vector<16xf32>, vector<16xf32>, vector<16xf32>, vector<16xf32>, vector<16xf32>, vector<16xf32>, vector<16xf32>, vector<16xf32>, vector<16xf32>, vector<16xf32>, vector<16xf32>, vector<16xf32>, vector<16xf32>, vector<16xf32>, vector<16xf32>, vector<16xf32>, vector<16xf32>, vector<16xf32>, vector<16xf32>, vector<16xf32>, vector<16xf32>, vector<16xf32>, vector<16xf32>, vector<16xf32>, vector<16xf32>, vector<16xf32>, vector<16xf32>, vector<16xf32>, vector<16xf32>, vector<16xf32>, vector<16xf32>, vector<16xf32>
    }
    %scan3A_174 = arith.constant 64 : i32
    %dma_wait3A_175 = arith.constant 0 : i32
    %dma_wait3A_176 = tpu.memref_slice %arg4[%add3A_164, %dma_wait3A_175] : memref<16384x512xf32, #tpu.memory_space<hbm>> -> memref<64x512xf32, #tpu.memory_space<hbm>>
    %dma_wait3A_177 = arith.constant 0 : i32
    %dma_wait3A_178 = tpu.memref_slice %arg4[%add3A_164, %dma_wait3A_177] : memref<16384x512xf32, #tpu.memory_space<hbm>> -> memref<64x512xf32, #tpu.memory_space<hbm>>
    tpu.wait_dma2 semaphore(%arg14 : memref<!tpu.dma_semaphore, #tpu.memory_space<semaphore_mem>>) src(%arg7 : memref<64x512xf32, #tpu.memory_space<vmem>>) dst(%dma_wait3A_178 : memref<64x512xf32, #tpu.memory_space<hbm>>)
    %dma_start3A_179 = arith.constant 384 : i32
    %dma_start3A_180 = tpu.memref_slice %arg6[%dma_start3A_179] : memref<512xi32, #tpu.memory_space<vmem>> -> memref<64xi32, #tpu.memory_space<vmem>>
    %dma_start3A_181 = arith.constant 0 : i32
    %dma_start3A_182 = arith.constant 0 : i32
    %dma_start3A_183 = tpu.memref_slice %arg3[%dma_start3A_181, %dma_start3A_182] : memref<100000x512xf32, #tpu.memory_space<hbm>> -> memref<100000x512xf32, #tpu.memory_space<hbm>>
    tpu.enqueue_indirect_dma source(%dma_start3A_183 : memref<100000x512xf32, #tpu.memory_space<hbm>>) target(%arg7 : memref<64x512xf32, #tpu.memory_space<vmem>>) offsets(%dma_start3A_180 : memref<64xi32, #tpu.memory_space<vmem>>) semaphore(%arg11 : memref<!tpu.dma_semaphore, #tpu.memory_space<semaphore_mem>>)
    %dma_wait3A_184 = arith.constant 256 : i32
    %dma_wait3A_185 = tpu.memref_slice %arg6[%dma_wait3A_184] : memref<512xi32, #tpu.memory_space<vmem>> -> memref<64xi32, #tpu.memory_space<vmem>>
    %dma_wait3A_186 = arith.constant 0 : i32
    %dma_wait3A_187 = arith.constant 0 : i32
    %dma_wait3A_188 = tpu.memref_slice %arg3[%dma_wait3A_186, %dma_wait3A_187] : memref<100000x512xf32, #tpu.memory_space<hbm>> -> memref<100000x512xf32, #tpu.memory_space<hbm>>
    tpu.wait_indirect_dma semaphore(%arg12 : memref<!tpu.dma_semaphore, #tpu.memory_space<semaphore_mem>>) src(%dma_wait3A_188 : memref<100000x512xf32, #tpu.memory_space<hbm>>) dst(%arg8 : memref<64x512xf32, #tpu.memory_space<vmem>>)
    %add3A_189 = arith.constant 256 : i32
    %add3A_190 = arith.addi %mul3A_2, %add3A_189 : i32
    %dma_start3A_191 = arith.constant 0 : i32
    %dma_start3A_192 = tpu.memref_slice %arg4[%add3A_190, %dma_start3A_191] : memref<16384x512xf32, #tpu.memory_space<hbm>> -> memref<64x512xf32, #tpu.memory_space<hbm>>
    %dma_start3A_193 = arith.constant 0 : i32
    %dma_start3A_194 = tpu.memref_slice %arg4[%add3A_190, %dma_start3A_193] : memref<16384x512xf32, #tpu.memory_space<hbm>> -> memref<64x512xf32, #tpu.memory_space<hbm>>
    tpu.enqueue_dma source(%arg8 : memref<64x512xf32, #tpu.memory_space<vmem>>) target(%dma_start3A_194 : memref<64x512xf32, #tpu.memory_space<hbm>>) target_semaphore(%arg15 : memref<!tpu.dma_semaphore, #tpu.memory_space<semaphore_mem>>)
    %scan3A_195 = arith.constant 0 : i32
    %scan3A_196 = arith.constant 64 : i32
    %scan3A_197 = arith.addi %scan3A_195, %scan3A_196 : i32
    %scan3A_198 = arith.constant 1 : i32
    %scan3A_199:32 = scf.for %scan3A_472 = %scan3A_195 to %scan3A_197 step %scan3A_198 iter_args(%scan3A_473 = %scan3A_173#0, %scan3A_474 = %scan3A_173#1, %scan3A_475 = %scan3A_173#2, %scan3A_476 = %scan3A_173#3, %scan3A_477 = %scan3A_173#4, %scan3A_478 = %scan3A_173#5, %scan3A_479 = %scan3A_173#6, %scan3A_480 = %scan3A_173#7, %scan3A_481 = %scan3A_173#8, %scan3A_482 = %scan3A_173#9, %scan3A_483 = %scan3A_173#10, %scan3A_484 = %scan3A_173#11, %scan3A_485 = %scan3A_173#12, %scan3A_486 = %scan3A_173#13, %scan3A_487 = %scan3A_173#14, %scan3A_488 = %scan3A_173#15, %scan3A_489 = %scan3A_173#16, %scan3A_490 = %scan3A_173#17, %scan3A_491 = %scan3A_173#18, %scan3A_492 = %scan3A_173#19, %scan3A_493 = %scan3A_173#20, %scan3A_494 = %scan3A_173#21, %scan3A_495 = %scan3A_173#22, %scan3A_496 = %scan3A_173#23, %scan3A_497 = %scan3A_173#24, %scan3A_498 = %scan3A_173#25, %scan3A_499 = %scan3A_173#26, %scan3A_500 = %scan3A_173#27, %scan3A_501 = %scan3A_173#28, %scan3A_502 = %scan3A_173#29, %scan3A_503 = %scan3A_173#30, %scan3A_504 = %scan3A_173#31) -> (vector<16xf32>, vector<16xf32>, vector<16xf32>, vector<16xf32>, vector<16xf32>, vector<16xf32>, vector<16xf32>, vector<16xf32>, vector<16xf32>, vector<16xf32>, vector<16xf32>, vector<16xf32>, vector<16xf32>, vector<16xf32>, vector<16xf32>, vector<16xf32>, vector<16xf32>, vector<16xf32>, vector<16xf32>, vector<16xf32>, vector<16xf32>, vector<16xf32>, vector<16xf32>, vector<16xf32>, vector<16xf32>, vector<16xf32>, vector<16xf32>, vector<16xf32>, vector<16xf32>, vector<16xf32>, vector<16xf32>, vector<16xf32>)  : i32 {
      %get3A = arith.index_cast %scan3A_472 : i32 to index
      %get3A_505 = arith.constant 0 : index
      %get3A_506 = tpu.vector_load %arg8[%get3A, %get3A_505] {strides = array<i32>} : memref<64x512xf32, #tpu.memory_space<vmem>>, vector<1x16xf32>,
      %get3A_507 = vector.shape_cast %get3A_506 : vector<1x16xf32> to vector<16xf32>
      %add3A_508 = arith.addf %scan3A_473, %get3A_507 : vector<16xf32>
      %get3A_509 = arith.index_cast %scan3A_472 : i32 to index
      %get3A_510 = arith.constant 16 : index
      %get3A_511 = tpu.vector_load %arg8[%get3A_509, %get3A_510] {strides = array<i32>} : memref<64x512xf32, #tpu.memory_space<vmem>>, vector<1x16xf32>,
      %get3A_512 = vector.shape_cast %get3A_511 : vector<1x16xf32> to vector<16xf32>
      %add3A_513 = arith.addf %scan3A_474, %get3A_512 : vector<16xf32>
      %get3A_514 = arith.index_cast %scan3A_472 : i32 to index
      %get3A_515 = arith.constant 32 : index
      %get3A_516 = tpu.vector_load %arg8[%get3A_514, %get3A_515] {strides = array<i32>} : memref<64x512xf32, #tpu.memory_space<vmem>>, vector<1x16xf32>,
      %get3A_517 = vector.shape_cast %get3A_516 : vector<1x16xf32> to vector<16xf32>
      %add3A_518 = arith.addf %scan3A_475, %get3A_517 : vector<16xf32>
      %get3A_519 = arith.index_cast %scan3A_472 : i32 to index
      %get3A_520 = arith.constant 48 : index
      %get3A_521 = tpu.vector_load %arg8[%get3A_519, %get3A_520] {strides = array<i32>} : memref<64x512xf32, #tpu.memory_space<vmem>>, vector<1x16xf32>,
      %get3A_522 = vector.shape_cast %get3A_521 : vector<1x16xf32> to vector<16xf32>
      %add3A_523 = arith.addf %scan3A_476, %get3A_522 : vector<16xf32>
      %get3A_524 = arith.index_cast %scan3A_472 : i32 to index
      %get3A_525 = arith.constant 64 : index
      %get3A_526 = tpu.vector_load %arg8[%get3A_524, %get3A_525] {strides = array<i32>} : memref<64x512xf32, #tpu.memory_space<vmem>>, vector<1x16xf32>,
      %get3A_527 = vector.shape_cast %get3A_526 : vector<1x16xf32> to vector<16xf32>
      %add3A_528 = arith.addf %scan3A_477, %get3A_527 : vector<16xf32>
      %get3A_529 = arith.index_cast %scan3A_472 : i32 to index
      %get3A_530 = arith.constant 80 : index
      %get3A_531 = tpu.vector_load %arg8[%get3A_529, %get3A_530] {strides = array<i32>} : memref<64x512xf32, #tpu.memory_space<vmem>>, vector<1x16xf32>,
      %get3A_532 = vector.shape_cast %get3A_531 : vector<1x16xf32> to vector<16xf32>
      %add3A_533 = arith.addf %scan3A_478, %get3A_532 : vector<16xf32>
      %get3A_534 = arith.index_cast %scan3A_472 : i32 to index
      %get3A_535 = arith.constant 96 : index
      %get3A_536 = tpu.vector_load %arg8[%get3A_534, %get3A_535] {strides = array<i32>} : memref<64x512xf32, #tpu.memory_space<vmem>>, vector<1x16xf32>,
      %get3A_537 = vector.shape_cast %get3A_536 : vector<1x16xf32> to vector<16xf32>
      %add3A_538 = arith.addf %scan3A_479, %get3A_537 : vector<16xf32>
      %get3A_539 = arith.index_cast %scan3A_472 : i32 to index
      %get3A_540 = arith.constant 112 : index
      %get3A_541 = tpu.vector_load %arg8[%get3A_539, %get3A_540] {strides = array<i32>} : memref<64x512xf32, #tpu.memory_space<vmem>>, vector<1x16xf32>,
      %get3A_542 = vector.shape_cast %get3A_541 : vector<1x16xf32> to vector<16xf32>
      %add3A_543 = arith.addf %scan3A_480, %get3A_542 : vector<16xf32>
      %get3A_544 = arith.index_cast %scan3A_472 : i32 to index
      %get3A_545 = arith.constant 128 : index
      %get3A_546 = tpu.vector_load %arg8[%get3A_544, %get3A_545] {strides = array<i32>} : memref<64x512xf32, #tpu.memory_space<vmem>>, vector<1x16xf32>,
      %get3A_547 = vector.shape_cast %get3A_546 : vector<1x16xf32> to vector<16xf32>
      %add3A_548 = arith.addf %scan3A_481, %get3A_547 : vector<16xf32>
      %get3A_549 = arith.index_cast %scan3A_472 : i32 to index
      %get3A_550 = arith.constant 144 : index
      %get3A_551 = tpu.vector_load %arg8[%get3A_549, %get3A_550] {strides = array<i32>} : memref<64x512xf32, #tpu.memory_space<vmem>>, vector<1x16xf32>,
      %get3A_552 = vector.shape_cast %get3A_551 : vector<1x16xf32> to vector<16xf32>
      %add3A_553 = arith.addf %scan3A_482, %get3A_552 : vector<16xf32>
      %get3A_554 = arith.index_cast %scan3A_472 : i32 to index
      %get3A_555 = arith.constant 160 : index
      %get3A_556 = tpu.vector_load %arg8[%get3A_554, %get3A_555] {strides = array<i32>} : memref<64x512xf32, #tpu.memory_space<vmem>>, vector<1x16xf32>,
      %get3A_557 = vector.shape_cast %get3A_556 : vector<1x16xf32> to vector<16xf32>
      %add3A_558 = arith.addf %scan3A_483, %get3A_557 : vector<16xf32>
      %get3A_559 = arith.index_cast %scan3A_472 : i32 to index
      %get3A_560 = arith.constant 176 : index
      %get3A_561 = tpu.vector_load %arg8[%get3A_559, %get3A_560] {strides = array<i32>} : memref<64x512xf32, #tpu.memory_space<vmem>>, vector<1x16xf32>,
      %get3A_562 = vector.shape_cast %get3A_561 : vector<1x16xf32> to vector<16xf32>
      %add3A_563 = arith.addf %scan3A_484, %get3A_562 : vector<16xf32>
      %get3A_564 = arith.index_cast %scan3A_472 : i32 to index
      %get3A_565 = arith.constant 192 : index
      %get3A_566 = tpu.vector_load %arg8[%get3A_564, %get3A_565] {strides = array<i32>} : memref<64x512xf32, #tpu.memory_space<vmem>>, vector<1x16xf32>,
      %get3A_567 = vector.shape_cast %get3A_566 : vector<1x16xf32> to vector<16xf32>
      %add3A_568 = arith.addf %scan3A_485, %get3A_567 : vector<16xf32>
      %get3A_569 = arith.index_cast %scan3A_472 : i32 to index
      %get3A_570 = arith.constant 208 : index
      %get3A_571 = tpu.vector_load %arg8[%get3A_569, %get3A_570] {strides = array<i32>} : memref<64x512xf32, #tpu.memory_space<vmem>>, vector<1x16xf32>,
      %get3A_572 = vector.shape_cast %get3A_571 : vector<1x16xf32> to vector<16xf32>
      %add3A_573 = arith.addf %scan3A_486, %get3A_572 : vector<16xf32>
      %get3A_574 = arith.index_cast %scan3A_472 : i32 to index
      %get3A_575 = arith.constant 224 : index
      %get3A_576 = tpu.vector_load %arg8[%get3A_574, %get3A_575] {strides = array<i32>} : memref<64x512xf32, #tpu.memory_space<vmem>>, vector<1x16xf32>,
      %get3A_577 = vector.shape_cast %get3A_576 : vector<1x16xf32> to vector<16xf32>
      %add3A_578 = arith.addf %scan3A_487, %get3A_577 : vector<16xf32>
      %get3A_579 = arith.index_cast %scan3A_472 : i32 to index
      %get3A_580 = arith.constant 240 : index
      %get3A_581 = tpu.vector_load %arg8[%get3A_579, %get3A_580] {strides = array<i32>} : memref<64x512xf32, #tpu.memory_space<vmem>>, vector<1x16xf32>,
      %get3A_582 = vector.shape_cast %get3A_581 : vector<1x16xf32> to vector<16xf32>
      %add3A_583 = arith.addf %scan3A_488, %get3A_582 : vector<16xf32>
      %get3A_584 = arith.index_cast %scan3A_472 : i32 to index
      %get3A_585 = arith.constant 256 : index
      %get3A_586 = tpu.vector_load %arg8[%get3A_584, %get3A_585] {strides = array<i32>} : memref<64x512xf32, #tpu.memory_space<vmem>>, vector<1x16xf32>,
      %get3A_587 = vector.shape_cast %get3A_586 : vector<1x16xf32> to vector<16xf32>
      %add3A_588 = arith.addf %scan3A_489, %get3A_587 : vector<16xf32>
      %get3A_589 = arith.index_cast %scan3A_472 : i32 to index
      %get3A_590 = arith.constant 272 : index
      %get3A_591 = tpu.vector_load %arg8[%get3A_589, %get3A_590] {strides = array<i32>} : memref<64x512xf32, #tpu.memory_space<vmem>>, vector<1x16xf32>,
      %get3A_592 = vector.shape_cast %get3A_591 : vector<1x16xf32> to vector<16xf32>
      %add3A_593 = arith.addf %scan3A_490, %get3A_592 : vector<16xf32>
      %get3A_594 = arith.index_cast %scan3A_472 : i32 to index
      %get3A_595 = arith.constant 288 : index
      %get3A_596 = tpu.vector_load %arg8[%get3A_594, %get3A_595] {strides = array<i32>} : memref<64x512xf32, #tpu.memory_space<vmem>>, vector<1x16xf32>,
      %get3A_597 = vector.shape_cast %get3A_596 : vector<1x16xf32> to vector<16xf32>
      %add3A_598 = arith.addf %scan3A_491, %get3A_597 : vector<16xf32>
      %get3A_599 = arith.index_cast %scan3A_472 : i32 to index
      %get3A_600 = arith.constant 304 : index
      %get3A_601 = tpu.vector_load %arg8[%get3A_599, %get3A_600] {strides = array<i32>} : memref<64x512xf32, #tpu.memory_space<vmem>>, vector<1x16xf32>,
      %get3A_602 = vector.shape_cast %get3A_601 : vector<1x16xf32> to vector<16xf32>
      %add3A_603 = arith.addf %scan3A_492, %get3A_602 : vector<16xf32>
      %get3A_604 = arith.index_cast %scan3A_472 : i32 to index
      %get3A_605 = arith.constant 320 : index
      %get3A_606 = tpu.vector_load %arg8[%get3A_604, %get3A_605] {strides = array<i32>} : memref<64x512xf32, #tpu.memory_space<vmem>>, vector<1x16xf32>,
      %get3A_607 = vector.shape_cast %get3A_606 : vector<1x16xf32> to vector<16xf32>
      %add3A_608 = arith.addf %scan3A_493, %get3A_607 : vector<16xf32>
      %get3A_609 = arith.index_cast %scan3A_472 : i32 to index
      %get3A_610 = arith.constant 336 : index
      %get3A_611 = tpu.vector_load %arg8[%get3A_609, %get3A_610] {strides = array<i32>} : memref<64x512xf32, #tpu.memory_space<vmem>>, vector<1x16xf32>,
      %get3A_612 = vector.shape_cast %get3A_611 : vector<1x16xf32> to vector<16xf32>
      %add3A_613 = arith.addf %scan3A_494, %get3A_612 : vector<16xf32>
      %get3A_614 = arith.index_cast %scan3A_472 : i32 to index
      %get3A_615 = arith.constant 352 : index
      %get3A_616 = tpu.vector_load %arg8[%get3A_614, %get3A_615] {strides = array<i32>} : memref<64x512xf32, #tpu.memory_space<vmem>>, vector<1x16xf32>,
      %get3A_617 = vector.shape_cast %get3A_616 : vector<1x16xf32> to vector<16xf32>
      %add3A_618 = arith.addf %scan3A_495, %get3A_617 : vector<16xf32>
      %get3A_619 = arith.index_cast %scan3A_472 : i32 to index
      %get3A_620 = arith.constant 368 : index
      %get3A_621 = tpu.vector_load %arg8[%get3A_619, %get3A_620] {strides = array<i32>} : memref<64x512xf32, #tpu.memory_space<vmem>>, vector<1x16xf32>,
      %get3A_622 = vector.shape_cast %get3A_621 : vector<1x16xf32> to vector<16xf32>
      %add3A_623 = arith.addf %scan3A_496, %get3A_622 : vector<16xf32>
      %get3A_624 = arith.index_cast %scan3A_472 : i32 to index
      %get3A_625 = arith.constant 384 : index
      %get3A_626 = tpu.vector_load %arg8[%get3A_624, %get3A_625] {strides = array<i32>} : memref<64x512xf32, #tpu.memory_space<vmem>>, vector<1x16xf32>,
      %get3A_627 = vector.shape_cast %get3A_626 : vector<1x16xf32> to vector<16xf32>
      %add3A_628 = arith.addf %scan3A_497, %get3A_627 : vector<16xf32>
      %get3A_629 = arith.index_cast %scan3A_472 : i32 to index
      %get3A_630 = arith.constant 400 : index
      %get3A_631 = tpu.vector_load %arg8[%get3A_629, %get3A_630] {strides = array<i32>} : memref<64x512xf32, #tpu.memory_space<vmem>>, vector<1x16xf32>,
      %get3A_632 = vector.shape_cast %get3A_631 : vector<1x16xf32> to vector<16xf32>
      %add3A_633 = arith.addf %scan3A_498, %get3A_632 : vector<16xf32>
      %get3A_634 = arith.index_cast %scan3A_472 : i32 to index
      %get3A_635 = arith.constant 416 : index
      %get3A_636 = tpu.vector_load %arg8[%get3A_634, %get3A_635] {strides = array<i32>} : memref<64x512xf32, #tpu.memory_space<vmem>>, vector<1x16xf32>,
      %get3A_637 = vector.shape_cast %get3A_636 : vector<1x16xf32> to vector<16xf32>
      %add3A_638 = arith.addf %scan3A_499, %get3A_637 : vector<16xf32>
      %get3A_639 = arith.index_cast %scan3A_472 : i32 to index
      %get3A_640 = arith.constant 432 : index
      %get3A_641 = tpu.vector_load %arg8[%get3A_639, %get3A_640] {strides = array<i32>} : memref<64x512xf32, #tpu.memory_space<vmem>>, vector<1x16xf32>,
      %get3A_642 = vector.shape_cast %get3A_641 : vector<1x16xf32> to vector<16xf32>
      %add3A_643 = arith.addf %scan3A_500, %get3A_642 : vector<16xf32>
      %get3A_644 = arith.index_cast %scan3A_472 : i32 to index
      %get3A_645 = arith.constant 448 : index
      %get3A_646 = tpu.vector_load %arg8[%get3A_644, %get3A_645] {strides = array<i32>} : memref<64x512xf32, #tpu.memory_space<vmem>>, vector<1x16xf32>,
      %get3A_647 = vector.shape_cast %get3A_646 : vector<1x16xf32> to vector<16xf32>
      %add3A_648 = arith.addf %scan3A_501, %get3A_647 : vector<16xf32>
      %get3A_649 = arith.index_cast %scan3A_472 : i32 to index
      %get3A_650 = arith.constant 464 : index
      %get3A_651 = tpu.vector_load %arg8[%get3A_649, %get3A_650] {strides = array<i32>} : memref<64x512xf32, #tpu.memory_space<vmem>>, vector<1x16xf32>,
      %get3A_652 = vector.shape_cast %get3A_651 : vector<1x16xf32> to vector<16xf32>
      %add3A_653 = arith.addf %scan3A_502, %get3A_652 : vector<16xf32>
      %get3A_654 = arith.index_cast %scan3A_472 : i32 to index
      %get3A_655 = arith.constant 480 : index
      %get3A_656 = tpu.vector_load %arg8[%get3A_654, %get3A_655] {strides = array<i32>} : memref<64x512xf32, #tpu.memory_space<vmem>>, vector<1x16xf32>,
      %get3A_657 = vector.shape_cast %get3A_656 : vector<1x16xf32> to vector<16xf32>
      %add3A_658 = arith.addf %scan3A_503, %get3A_657 : vector<16xf32>
      %get3A_659 = arith.index_cast %scan3A_472 : i32 to index
      %get3A_660 = arith.constant 496 : index
      %get3A_661 = tpu.vector_load %arg8[%get3A_659, %get3A_660] {strides = array<i32>} : memref<64x512xf32, #tpu.memory_space<vmem>>, vector<1x16xf32>,
      %get3A_662 = vector.shape_cast %get3A_661 : vector<1x16xf32> to vector<16xf32>
      %add3A_663 = arith.addf %scan3A_504, %get3A_662 : vector<16xf32>
      scf.yield %add3A_508, %add3A_513, %add3A_518, %add3A_523, %add3A_528, %add3A_533, %add3A_538, %add3A_543, %add3A_548, %add3A_553, %add3A_558, %add3A_563, %add3A_568, %add3A_573, %add3A_578, %add3A_583, %add3A_588, %add3A_593, %add3A_598, %add3A_603, %add3A_608, %add3A_613, %add3A_618, %add3A_623, %add3A_628, %add3A_633, %add3A_638, %add3A_643, %add3A_648, %add3A_653, %add3A_658, %add3A_663 : vector<16xf32>, vector<16xf32>, vector<16xf32>, vector<16xf32>, vector<16xf32>, vector<16xf32>, vector<16xf32>, vector<16xf32>, vector<16xf32>, vector<16xf32>, vector<16xf32>, vector<16xf32>, vector<16xf32>, vector<16xf32>, vector<16xf32>, vector<16xf32>, vector<16xf32>, vector<16xf32>, vector<16xf32>, vector<16xf32>, vector<16xf32>, vector<16xf32>, vector<16xf32>, vector<16xf32>, vector<16xf32>, vector<16xf32>, vector<16xf32>, vector<16xf32>, vector<16xf32>, vector<16xf32>, vector<16xf32>, vector<16xf32>
    }
    %scan3A_200 = arith.constant 64 : i32
    %dma_wait3A_201 = arith.constant 0 : i32
    %dma_wait3A_202 = tpu.memref_slice %arg4[%add3A_190, %dma_wait3A_201] : memref<16384x512xf32, #tpu.memory_space<hbm>> -> memref<64x512xf32, #tpu.memory_space<hbm>>
    %dma_wait3A_203 = arith.constant 0 : i32
    %dma_wait3A_204 = tpu.memref_slice %arg4[%add3A_190, %dma_wait3A_203] : memref<16384x512xf32, #tpu.memory_space<hbm>> -> memref<64x512xf32, #tpu.memory_space<hbm>>
    tpu.wait_dma2 semaphore(%arg15 : memref<!tpu.dma_semaphore, #tpu.memory_space<semaphore_mem>>) src(%arg8 : memref<64x512xf32, #tpu.memory_space<vmem>>) dst(%dma_wait3A_204 : memref<64x512xf32, #tpu.memory_space<hbm>>)
    %dma_start3A_205 = arith.constant 448 : i32
    %dma_start3A_206 = tpu.memref_slice %arg6[%dma_start3A_205] : memref<512xi32, #tpu.memory_space<vmem>> -> memref<64xi32, #tpu.memory_space<vmem>>
    %dma_start3A_207 = arith.constant 0 : i32
    %dma_start3A_208 = arith.constant 0 : i32
    %dma_start3A_209 = tpu.memref_slice %arg3[%dma_start3A_207, %dma_start3A_208] : memref<100000x512xf32, #tpu.memory_space<hbm>> -> memref<100000x512xf32, #tpu.memory_space<hbm>>
    tpu.enqueue_indirect_dma source(%dma_start3A_209 : memref<100000x512xf32, #tpu.memory_space<hbm>>) target(%arg8 : memref<64x512xf32, #tpu.memory_space<vmem>>) offsets(%dma_start3A_206 : memref<64xi32, #tpu.memory_space<vmem>>) semaphore(%arg12 : memref<!tpu.dma_semaphore, #tpu.memory_space<semaphore_mem>>)
    %dma_wait3A_210 = arith.constant 320 : i32
    %dma_wait3A_211 = tpu.memref_slice %arg6[%dma_wait3A_210] : memref<512xi32, #tpu.memory_space<vmem>> -> memref<64xi32, #tpu.memory_space<vmem>>
    %dma_wait3A_212 = arith.constant 0 : i32
    %dma_wait3A_213 = arith.constant 0 : i32
    %dma_wait3A_214 = tpu.memref_slice %arg3[%dma_wait3A_212, %dma_wait3A_213] : memref<100000x512xf32, #tpu.memory_space<hbm>> -> memref<100000x512xf32, #tpu.memory_space<hbm>>
    tpu.wait_indirect_dma semaphore(%arg13 : memref<!tpu.dma_semaphore, #tpu.memory_space<semaphore_mem>>) src(%dma_wait3A_214 : memref<100000x512xf32, #tpu.memory_space<hbm>>) dst(%arg9 : memref<64x512xf32, #tpu.memory_space<vmem>>)
    %add3A_215 = arith.constant 320 : i32
    %add3A_216 = arith.addi %mul3A_2, %add3A_215 : i32
    %dma_start3A_217 = arith.constant 0 : i32
    %dma_start3A_218 = tpu.memref_slice %arg4[%add3A_216, %dma_start3A_217] : memref<16384x512xf32, #tpu.memory_space<hbm>> -> memref<64x512xf32, #tpu.memory_space<hbm>>
    %dma_start3A_219 = arith.constant 0 : i32
    %dma_start3A_220 = tpu.memref_slice %arg4[%add3A_216, %dma_start3A_219] : memref<16384x512xf32, #tpu.memory_space<hbm>> -> memref<64x512xf32, #tpu.memory_space<hbm>>
    tpu.enqueue_dma source(%arg9 : memref<64x512xf32, #tpu.memory_space<vmem>>) target(%dma_start3A_220 : memref<64x512xf32, #tpu.memory_space<hbm>>) target_semaphore(%arg16 : memref<!tpu.dma_semaphore, #tpu.memory_space<semaphore_mem>>)
    %scan3A_221 = arith.constant 0 : i32
    %scan3A_222 = arith.constant 64 : i32
    %scan3A_223 = arith.addi %scan3A_221, %scan3A_222 : i32
    %scan3A_224 = arith.constant 1 : i32
    %scan3A_225:32 = scf.for %scan3A_472 = %scan3A_221 to %scan3A_223 step %scan3A_224 iter_args(%scan3A_473 = %scan3A_199#0, %scan3A_474 = %scan3A_199#1, %scan3A_475 = %scan3A_199#2, %scan3A_476 = %scan3A_199#3, %scan3A_477 = %scan3A_199#4, %scan3A_478 = %scan3A_199#5, %scan3A_479 = %scan3A_199#6, %scan3A_480 = %scan3A_199#7, %scan3A_481 = %scan3A_199#8, %scan3A_482 = %scan3A_199#9, %scan3A_483 = %scan3A_199#10, %scan3A_484 = %scan3A_199#11, %scan3A_485 = %scan3A_199#12, %scan3A_486 = %scan3A_199#13, %scan3A_487 = %scan3A_199#14, %scan3A_488 = %scan3A_199#15, %scan3A_489 = %scan3A_199#16, %scan3A_490 = %scan3A_199#17, %scan3A_491 = %scan3A_199#18, %scan3A_492 = %scan3A_199#19, %scan3A_493 = %scan3A_199#20, %scan3A_494 = %scan3A_199#21, %scan3A_495 = %scan3A_199#22, %scan3A_496 = %scan3A_199#23, %scan3A_497 = %scan3A_199#24, %scan3A_498 = %scan3A_199#25, %scan3A_499 = %scan3A_199#26, %scan3A_500 = %scan3A_199#27, %scan3A_501 = %scan3A_199#28, %scan3A_502 = %scan3A_199#29, %scan3A_503 = %scan3A_199#30, %scan3A_504 = %scan3A_199#31) -> (vector<16xf32>, vector<16xf32>, vector<16xf32>, vector<16xf32>, vector<16xf32>, vector<16xf32>, vector<16xf32>, vector<16xf32>, vector<16xf32>, vector<16xf32>, vector<16xf32>, vector<16xf32>, vector<16xf32>, vector<16xf32>, vector<16xf32>, vector<16xf32>, vector<16xf32>, vector<16xf32>, vector<16xf32>, vector<16xf32>, vector<16xf32>, vector<16xf32>, vector<16xf32>, vector<16xf32>, vector<16xf32>, vector<16xf32>, vector<16xf32>, vector<16xf32>, vector<16xf32>, vector<16xf32>, vector<16xf32>, vector<16xf32>)  : i32 {
      %get3A = arith.index_cast %scan3A_472 : i32 to index
      %get3A_505 = arith.constant 0 : index
      %get3A_506 = tpu.vector_load %arg9[%get3A, %get3A_505] {strides = array<i32>} : memref<64x512xf32, #tpu.memory_space<vmem>>, vector<1x16xf32>,
      %get3A_507 = vector.shape_cast %get3A_506 : vector<1x16xf32> to vector<16xf32>
      %add3A_508 = arith.addf %scan3A_473, %get3A_507 : vector<16xf32>
      %get3A_509 = arith.index_cast %scan3A_472 : i32 to index
      %get3A_510 = arith.constant 16 : index
      %get3A_511 = tpu.vector_load %arg9[%get3A_509, %get3A_510] {strides = array<i32>} : memref<64x512xf32, #tpu.memory_space<vmem>>, vector<1x16xf32>,
      %get3A_512 = vector.shape_cast %get3A_511 : vector<1x16xf32> to vector<16xf32>
      %add3A_513 = arith.addf %scan3A_474, %get3A_512 : vector<16xf32>
      %get3A_514 = arith.index_cast %scan3A_472 : i32 to index
      %get3A_515 = arith.constant 32 : index
      %get3A_516 = tpu.vector_load %arg9[%get3A_514, %get3A_515] {strides = array<i32>} : memref<64x512xf32, #tpu.memory_space<vmem>>, vector<1x16xf32>,
      %get3A_517 = vector.shape_cast %get3A_516 : vector<1x16xf32> to vector<16xf32>
      %add3A_518 = arith.addf %scan3A_475, %get3A_517 : vector<16xf32>
      %get3A_519 = arith.index_cast %scan3A_472 : i32 to index
      %get3A_520 = arith.constant 48 : index
      %get3A_521 = tpu.vector_load %arg9[%get3A_519, %get3A_520] {strides = array<i32>} : memref<64x512xf32, #tpu.memory_space<vmem>>, vector<1x16xf32>,
      %get3A_522 = vector.shape_cast %get3A_521 : vector<1x16xf32> to vector<16xf32>
      %add3A_523 = arith.addf %scan3A_476, %get3A_522 : vector<16xf32>
      %get3A_524 = arith.index_cast %scan3A_472 : i32 to index
      %get3A_525 = arith.constant 64 : index
      %get3A_526 = tpu.vector_load %arg9[%get3A_524, %get3A_525] {strides = array<i32>} : memref<64x512xf32, #tpu.memory_space<vmem>>, vector<1x16xf32>,
      %get3A_527 = vector.shape_cast %get3A_526 : vector<1x16xf32> to vector<16xf32>
      %add3A_528 = arith.addf %scan3A_477, %get3A_527 : vector<16xf32>
      %get3A_529 = arith.index_cast %scan3A_472 : i32 to index
      %get3A_530 = arith.constant 80 : index
      %get3A_531 = tpu.vector_load %arg9[%get3A_529, %get3A_530] {strides = array<i32>} : memref<64x512xf32, #tpu.memory_space<vmem>>, vector<1x16xf32>,
      %get3A_532 = vector.shape_cast %get3A_531 : vector<1x16xf32> to vector<16xf32>
      %add3A_533 = arith.addf %scan3A_478, %get3A_532 : vector<16xf32>
      %get3A_534 = arith.index_cast %scan3A_472 : i32 to index
      %get3A_535 = arith.constant 96 : index
      %get3A_536 = tpu.vector_load %arg9[%get3A_534, %get3A_535] {strides = array<i32>} : memref<64x512xf32, #tpu.memory_space<vmem>>, vector<1x16xf32>,
      %get3A_537 = vector.shape_cast %get3A_536 : vector<1x16xf32> to vector<16xf32>
      %add3A_538 = arith.addf %scan3A_479, %get3A_537 : vector<16xf32>
      %get3A_539 = arith.index_cast %scan3A_472 : i32 to index
      %get3A_540 = arith.constant 112 : index
      %get3A_541 = tpu.vector_load %arg9[%get3A_539, %get3A_540] {strides = array<i32>} : memref<64x512xf32, #tpu.memory_space<vmem>>, vector<1x16xf32>,
      %get3A_542 = vector.shape_cast %get3A_541 : vector<1x16xf32> to vector<16xf32>
      %add3A_543 = arith.addf %scan3A_480, %get3A_542 : vector<16xf32>
      %get3A_544 = arith.index_cast %scan3A_472 : i32 to index
      %get3A_545 = arith.constant 128 : index
      %get3A_546 = tpu.vector_load %arg9[%get3A_544, %get3A_545] {strides = array<i32>} : memref<64x512xf32, #tpu.memory_space<vmem>>, vector<1x16xf32>,
      %get3A_547 = vector.shape_cast %get3A_546 : vector<1x16xf32> to vector<16xf32>
      %add3A_548 = arith.addf %scan3A_481, %get3A_547 : vector<16xf32>
      %get3A_549 = arith.index_cast %scan3A_472 : i32 to index
      %get3A_550 = arith.constant 144 : index
      %get3A_551 = tpu.vector_load %arg9[%get3A_549, %get3A_550] {strides = array<i32>} : memref<64x512xf32, #tpu.memory_space<vmem>>, vector<1x16xf32>,
      %get3A_552 = vector.shape_cast %get3A_551 : vector<1x16xf32> to vector<16xf32>
      %add3A_553 = arith.addf %scan3A_482, %get3A_552 : vector<16xf32>
      %get3A_554 = arith.index_cast %scan3A_472 : i32 to index
      %get3A_555 = arith.constant 160 : index
      %get3A_556 = tpu.vector_load %arg9[%get3A_554, %get3A_555] {strides = array<i32>} : memref<64x512xf32, #tpu.memory_space<vmem>>, vector<1x16xf32>,
      %get3A_557 = vector.shape_cast %get3A_556 : vector<1x16xf32> to vector<16xf32>
      %add3A_558 = arith.addf %scan3A_483, %get3A_557 : vector<16xf32>
      %get3A_559 = arith.index_cast %scan3A_472 : i32 to index
      %get3A_560 = arith.constant 176 : index
      %get3A_561 = tpu.vector_load %arg9[%get3A_559, %get3A_560] {strides = array<i32>} : memref<64x512xf32, #tpu.memory_space<vmem>>, vector<1x16xf32>,
      %get3A_562 = vector.shape_cast %get3A_561 : vector<1x16xf32> to vector<16xf32>
      %add3A_563 = arith.addf %scan3A_484, %get3A_562 : vector<16xf32>
      %get3A_564 = arith.index_cast %scan3A_472 : i32 to index
      %get3A_565 = arith.constant 192 : index
      %get3A_566 = tpu.vector_load %arg9[%get3A_564, %get3A_565] {strides = array<i32>} : memref<64x512xf32, #tpu.memory_space<vmem>>, vector<1x16xf32>,
      %get3A_567 = vector.shape_cast %get3A_566 : vector<1x16xf32> to vector<16xf32>
      %add3A_568 = arith.addf %scan3A_485, %get3A_567 : vector<16xf32>
      %get3A_569 = arith.index_cast %scan3A_472 : i32 to index
      %get3A_570 = arith.constant 208 : index
      %get3A_571 = tpu.vector_load %arg9[%get3A_569, %get3A_570] {strides = array<i32>} : memref<64x512xf32, #tpu.memory_space<vmem>>, vector<1x16xf32>,
      %get3A_572 = vector.shape_cast %get3A_571 : vector<1x16xf32> to vector<16xf32>
      %add3A_573 = arith.addf %scan3A_486, %get3A_572 : vector<16xf32>
      %get3A_574 = arith.index_cast %scan3A_472 : i32 to index
      %get3A_575 = arith.constant 224 : index
      %get3A_576 = tpu.vector_load %arg9[%get3A_574, %get3A_575] {strides = array<i32>} : memref<64x512xf32, #tpu.memory_space<vmem>>, vector<1x16xf32>,
      %get3A_577 = vector.shape_cast %get3A_576 : vector<1x16xf32> to vector<16xf32>
      %add3A_578 = arith.addf %scan3A_487, %get3A_577 : vector<16xf32>
      %get3A_579 = arith.index_cast %scan3A_472 : i32 to index
      %get3A_580 = arith.constant 240 : index
      %get3A_581 = tpu.vector_load %arg9[%get3A_579, %get3A_580] {strides = array<i32>} : memref<64x512xf32, #tpu.memory_space<vmem>>, vector<1x16xf32>,
      %get3A_582 = vector.shape_cast %get3A_581 : vector<1x16xf32> to vector<16xf32>
      %add3A_583 = arith.addf %scan3A_488, %get3A_582 : vector<16xf32>
      %get3A_584 = arith.index_cast %scan3A_472 : i32 to index
      %get3A_585 = arith.constant 256 : index
      %get3A_586 = tpu.vector_load %arg9[%get3A_584, %get3A_585] {strides = array<i32>} : memref<64x512xf32, #tpu.memory_space<vmem>>, vector<1x16xf32>,
      %get3A_587 = vector.shape_cast %get3A_586 : vector<1x16xf32> to vector<16xf32>
      %add3A_588 = arith.addf %scan3A_489, %get3A_587 : vector<16xf32>
      %get3A_589 = arith.index_cast %scan3A_472 : i32 to index
      %get3A_590 = arith.constant 272 : index
      %get3A_591 = tpu.vector_load %arg9[%get3A_589, %get3A_590] {strides = array<i32>} : memref<64x512xf32, #tpu.memory_space<vmem>>, vector<1x16xf32>,
      %get3A_592 = vector.shape_cast %get3A_591 : vector<1x16xf32> to vector<16xf32>
      %add3A_593 = arith.addf %scan3A_490, %get3A_592 : vector<16xf32>
      %get3A_594 = arith.index_cast %scan3A_472 : i32 to index
      %get3A_595 = arith.constant 288 : index
      %get3A_596 = tpu.vector_load %arg9[%get3A_594, %get3A_595] {strides = array<i32>} : memref<64x512xf32, #tpu.memory_space<vmem>>, vector<1x16xf32>,
      %get3A_597 = vector.shape_cast %get3A_596 : vector<1x16xf32> to vector<16xf32>
      %add3A_598 = arith.addf %scan3A_491, %get3A_597 : vector<16xf32>
      %get3A_599 = arith.index_cast %scan3A_472 : i32 to index
      %get3A_600 = arith.constant 304 : index
      %get3A_601 = tpu.vector_load %arg9[%get3A_599, %get3A_600] {strides = array<i32>} : memref<64x512xf32, #tpu.memory_space<vmem>>, vector<1x16xf32>,
      %get3A_602 = vector.shape_cast %get3A_601 : vector<1x16xf32> to vector<16xf32>
      %add3A_603 = arith.addf %scan3A_492, %get3A_602 : vector<16xf32>
      %get3A_604 = arith.index_cast %scan3A_472 : i32 to index
      %get3A_605 = arith.constant 320 : index
      %get3A_606 = tpu.vector_load %arg9[%get3A_604, %get3A_605] {strides = array<i32>} : memref<64x512xf32, #tpu.memory_space<vmem>>, vector<1x16xf32>,
      %get3A_607 = vector.shape_cast %get3A_606 : vector<1x16xf32> to vector<16xf32>
      %add3A_608 = arith.addf %scan3A_493, %get3A_607 : vector<16xf32>
      %get3A_609 = arith.index_cast %scan3A_472 : i32 to index
      %get3A_610 = arith.constant 336 : index
      %get3A_611 = tpu.vector_load %arg9[%get3A_609, %get3A_610] {strides = array<i32>} : memref<64x512xf32, #tpu.memory_space<vmem>>, vector<1x16xf32>,
      %get3A_612 = vector.shape_cast %get3A_611 : vector<1x16xf32> to vector<16xf32>
      %add3A_613 = arith.addf %scan3A_494, %get3A_612 : vector<16xf32>
      %get3A_614 = arith.index_cast %scan3A_472 : i32 to index
      %get3A_615 = arith.constant 352 : index
      %get3A_616 = tpu.vector_load %arg9[%get3A_614, %get3A_615] {strides = array<i32>} : memref<64x512xf32, #tpu.memory_space<vmem>>, vector<1x16xf32>,
      %get3A_617 = vector.shape_cast %get3A_616 : vector<1x16xf32> to vector<16xf32>
      %add3A_618 = arith.addf %scan3A_495, %get3A_617 : vector<16xf32>
      %get3A_619 = arith.index_cast %scan3A_472 : i32 to index
      %get3A_620 = arith.constant 368 : index
      %get3A_621 = tpu.vector_load %arg9[%get3A_619, %get3A_620] {strides = array<i32>} : memref<64x512xf32, #tpu.memory_space<vmem>>, vector<1x16xf32>,
      %get3A_622 = vector.shape_cast %get3A_621 : vector<1x16xf32> to vector<16xf32>
      %add3A_623 = arith.addf %scan3A_496, %get3A_622 : vector<16xf32>
      %get3A_624 = arith.index_cast %scan3A_472 : i32 to index
      %get3A_625 = arith.constant 384 : index
      %get3A_626 = tpu.vector_load %arg9[%get3A_624, %get3A_625] {strides = array<i32>} : memref<64x512xf32, #tpu.memory_space<vmem>>, vector<1x16xf32>,
      %get3A_627 = vector.shape_cast %get3A_626 : vector<1x16xf32> to vector<16xf32>
      %add3A_628 = arith.addf %scan3A_497, %get3A_627 : vector<16xf32>
      %get3A_629 = arith.index_cast %scan3A_472 : i32 to index
      %get3A_630 = arith.constant 400 : index
      %get3A_631 = tpu.vector_load %arg9[%get3A_629, %get3A_630] {strides = array<i32>} : memref<64x512xf32, #tpu.memory_space<vmem>>, vector<1x16xf32>,
      %get3A_632 = vector.shape_cast %get3A_631 : vector<1x16xf32> to vector<16xf32>
      %add3A_633 = arith.addf %scan3A_498, %get3A_632 : vector<16xf32>
      %get3A_634 = arith.index_cast %scan3A_472 : i32 to index
      %get3A_635 = arith.constant 416 : index
      %get3A_636 = tpu.vector_load %arg9[%get3A_634, %get3A_635] {strides = array<i32>} : memref<64x512xf32, #tpu.memory_space<vmem>>, vector<1x16xf32>,
      %get3A_637 = vector.shape_cast %get3A_636 : vector<1x16xf32> to vector<16xf32>
      %add3A_638 = arith.addf %scan3A_499, %get3A_637 : vector<16xf32>
      %get3A_639 = arith.index_cast %scan3A_472 : i32 to index
      %get3A_640 = arith.constant 432 : index
      %get3A_641 = tpu.vector_load %arg9[%get3A_639, %get3A_640] {strides = array<i32>} : memref<64x512xf32, #tpu.memory_space<vmem>>, vector<1x16xf32>,
      %get3A_642 = vector.shape_cast %get3A_641 : vector<1x16xf32> to vector<16xf32>
      %add3A_643 = arith.addf %scan3A_500, %get3A_642 : vector<16xf32>
      %get3A_644 = arith.index_cast %scan3A_472 : i32 to index
      %get3A_645 = arith.constant 448 : index
      %get3A_646 = tpu.vector_load %arg9[%get3A_644, %get3A_645] {strides = array<i32>} : memref<64x512xf32, #tpu.memory_space<vmem>>, vector<1x16xf32>,
      %get3A_647 = vector.shape_cast %get3A_646 : vector<1x16xf32> to vector<16xf32>
      %add3A_648 = arith.addf %scan3A_501, %get3A_647 : vector<16xf32>
      %get3A_649 = arith.index_cast %scan3A_472 : i32 to index
      %get3A_650 = arith.constant 464 : index
      %get3A_651 = tpu.vector_load %arg9[%get3A_649, %get3A_650] {strides = array<i32>} : memref<64x512xf32, #tpu.memory_space<vmem>>, vector<1x16xf32>,
      %get3A_652 = vector.shape_cast %get3A_651 : vector<1x16xf32> to vector<16xf32>
      %add3A_653 = arith.addf %scan3A_502, %get3A_652 : vector<16xf32>
      %get3A_654 = arith.index_cast %scan3A_472 : i32 to index
      %get3A_655 = arith.constant 480 : index
      %get3A_656 = tpu.vector_load %arg9[%get3A_654, %get3A_655] {strides = array<i32>} : memref<64x512xf32, #tpu.memory_space<vmem>>, vector<1x16xf32>,
      %get3A_657 = vector.shape_cast %get3A_656 : vector<1x16xf32> to vector<16xf32>
      %add3A_658 = arith.addf %scan3A_503, %get3A_657 : vector<16xf32>
      %get3A_659 = arith.index_cast %scan3A_472 : i32 to index
      %get3A_660 = arith.constant 496 : index
      %get3A_661 = tpu.vector_load %arg9[%get3A_659, %get3A_660] {strides = array<i32>} : memref<64x512xf32, #tpu.memory_space<vmem>>, vector<1x16xf32>,
      %get3A_662 = vector.shape_cast %get3A_661 : vector<1x16xf32> to vector<16xf32>
      %add3A_663 = arith.addf %scan3A_504, %get3A_662 : vector<16xf32>
      scf.yield %add3A_508, %add3A_513, %add3A_518, %add3A_523, %add3A_528, %add3A_533, %add3A_538, %add3A_543, %add3A_548, %add3A_553, %add3A_558, %add3A_563, %add3A_568, %add3A_573, %add3A_578, %add3A_583, %add3A_588, %add3A_593, %add3A_598, %add3A_603, %add3A_608, %add3A_613, %add3A_618, %add3A_623, %add3A_628, %add3A_633, %add3A_638, %add3A_643, %add3A_648, %add3A_653, %add3A_658, %add3A_663 : vector<16xf32>, vector<16xf32>, vector<16xf32>, vector<16xf32>, vector<16xf32>, vector<16xf32>, vector<16xf32>, vector<16xf32>, vector<16xf32>, vector<16xf32>, vector<16xf32>, vector<16xf32>, vector<16xf32>, vector<16xf32>, vector<16xf32>, vector<16xf32>, vector<16xf32>, vector<16xf32>, vector<16xf32>, vector<16xf32>, vector<16xf32>, vector<16xf32>, vector<16xf32>, vector<16xf32>, vector<16xf32>, vector<16xf32>, vector<16xf32>, vector<16xf32>, vector<16xf32>, vector<16xf32>, vector<16xf32>, vector<16xf32>
    }
    %scan3A_226 = arith.constant 64 : i32
    %dma_wait3A_227 = arith.constant 384 : i32
    %dma_wait3A_228 = tpu.memref_slice %arg6[%dma_wait3A_227] : memref<512xi32, #tpu.memory_space<vmem>> -> memref<64xi32, #tpu.memory_space<vmem>>
    %dma_wait3A_229 = arith.constant 0 : i32
    %dma_wait3A_230 = arith.constant 0 : i32
    %dma_wait3A_231 = tpu.memref_slice %arg3[%dma_wait3A_229, %dma_wait3A_230] : memref<100000x512xf32, #tpu.memory_space<hbm>> -> memref<100000x512xf32, #tpu.memory_space<hbm>>
    tpu.wait_indirect_dma semaphore(%arg11 : memref<!tpu.dma_semaphore, #tpu.memory_space<semaphore_mem>>) src(%dma_wait3A_231 : memref<100000x512xf32, #tpu.memory_space<hbm>>) dst(%arg7 : memref<64x512xf32, #tpu.memory_space<vmem>>)
    %add3A_232 = arith.constant 384 : i32
    %add3A_233 = arith.addi %mul3A_2, %add3A_232 : i32
    %dma_start3A_234 = arith.constant 0 : i32
    %dma_start3A_235 = tpu.memref_slice %arg4[%add3A_233, %dma_start3A_234] : memref<16384x512xf32, #tpu.memory_space<hbm>> -> memref<64x512xf32, #tpu.memory_space<hbm>>
    %dma_start3A_236 = arith.constant 0 : i32
    %dma_start3A_237 = tpu.memref_slice %arg4[%add3A_233, %dma_start3A_236] : memref<16384x512xf32, #tpu.memory_space<hbm>> -> memref<64x512xf32, #tpu.memory_space<hbm>>
    tpu.enqueue_dma source(%arg7 : memref<64x512xf32, #tpu.memory_space<vmem>>) target(%dma_start3A_237 : memref<64x512xf32, #tpu.memory_space<hbm>>) target_semaphore(%arg14 : memref<!tpu.dma_semaphore, #tpu.memory_space<semaphore_mem>>)
    %scan3A_238 = arith.constant 0 : i32
    %scan3A_239 = arith.constant 64 : i32
    %scan3A_240 = arith.addi %scan3A_238, %scan3A_239 : i32
    %scan3A_241 = arith.constant 1 : i32
    %scan3A_242:32 = scf.for %scan3A_472 = %scan3A_238 to %scan3A_240 step %scan3A_241 iter_args(%scan3A_473 = %scan3A_225#0, %scan3A_474 = %scan3A_225#1, %scan3A_475 = %scan3A_225#2, %scan3A_476 = %scan3A_225#3, %scan3A_477 = %scan3A_225#4, %scan3A_478 = %scan3A_225#5, %scan3A_479 = %scan3A_225#6, %scan3A_480 = %scan3A_225#7, %scan3A_481 = %scan3A_225#8, %scan3A_482 = %scan3A_225#9, %scan3A_483 = %scan3A_225#10, %scan3A_484 = %scan3A_225#11, %scan3A_485 = %scan3A_225#12, %scan3A_486 = %scan3A_225#13, %scan3A_487 = %scan3A_225#14, %scan3A_488 = %scan3A_225#15, %scan3A_489 = %scan3A_225#16, %scan3A_490 = %scan3A_225#17, %scan3A_491 = %scan3A_225#18, %scan3A_492 = %scan3A_225#19, %scan3A_493 = %scan3A_225#20, %scan3A_494 = %scan3A_225#21, %scan3A_495 = %scan3A_225#22, %scan3A_496 = %scan3A_225#23, %scan3A_497 = %scan3A_225#24, %scan3A_498 = %scan3A_225#25, %scan3A_499 = %scan3A_225#26, %scan3A_500 = %scan3A_225#27, %scan3A_501 = %scan3A_225#28, %scan3A_502 = %scan3A_225#29, %scan3A_503 = %scan3A_225#30, %scan3A_504 = %scan3A_225#31) -> (vector<16xf32>, vector<16xf32>, vector<16xf32>, vector<16xf32>, vector<16xf32>, vector<16xf32>, vector<16xf32>, vector<16xf32>, vector<16xf32>, vector<16xf32>, vector<16xf32>, vector<16xf32>, vector<16xf32>, vector<16xf32>, vector<16xf32>, vector<16xf32>, vector<16xf32>, vector<16xf32>, vector<16xf32>, vector<16xf32>, vector<16xf32>, vector<16xf32>, vector<16xf32>, vector<16xf32>, vector<16xf32>, vector<16xf32>, vector<16xf32>, vector<16xf32>, vector<16xf32>, vector<16xf32>, vector<16xf32>, vector<16xf32>)  : i32 {
      %get3A = arith.index_cast %scan3A_472 : i32 to index
      %get3A_505 = arith.constant 0 : index
      %get3A_506 = tpu.vector_load %arg7[%get3A, %get3A_505] {strides = array<i32>} : memref<64x512xf32, #tpu.memory_space<vmem>>, vector<1x16xf32>,
      %get3A_507 = vector.shape_cast %get3A_506 : vector<1x16xf32> to vector<16xf32>
      %add3A_508 = arith.addf %scan3A_473, %get3A_507 : vector<16xf32>
      %get3A_509 = arith.index_cast %scan3A_472 : i32 to index
      %get3A_510 = arith.constant 16 : index
      %get3A_511 = tpu.vector_load %arg7[%get3A_509, %get3A_510] {strides = array<i32>} : memref<64x512xf32, #tpu.memory_space<vmem>>, vector<1x16xf32>,
      %get3A_512 = vector.shape_cast %get3A_511 : vector<1x16xf32> to vector<16xf32>
      %add3A_513 = arith.addf %scan3A_474, %get3A_512 : vector<16xf32>
      %get3A_514 = arith.index_cast %scan3A_472 : i32 to index
      %get3A_515 = arith.constant 32 : index
      %get3A_516 = tpu.vector_load %arg7[%get3A_514, %get3A_515] {strides = array<i32>} : memref<64x512xf32, #tpu.memory_space<vmem>>, vector<1x16xf32>,
      %get3A_517 = vector.shape_cast %get3A_516 : vector<1x16xf32> to vector<16xf32>
      %add3A_518 = arith.addf %scan3A_475, %get3A_517 : vector<16xf32>
      %get3A_519 = arith.index_cast %scan3A_472 : i32 to index
      %get3A_520 = arith.constant 48 : index
      %get3A_521 = tpu.vector_load %arg7[%get3A_519, %get3A_520] {strides = array<i32>} : memref<64x512xf32, #tpu.memory_space<vmem>>, vector<1x16xf32>,
      %get3A_522 = vector.shape_cast %get3A_521 : vector<1x16xf32> to vector<16xf32>
      %add3A_523 = arith.addf %scan3A_476, %get3A_522 : vector<16xf32>
      %get3A_524 = arith.index_cast %scan3A_472 : i32 to index
      %get3A_525 = arith.constant 64 : index
      %get3A_526 = tpu.vector_load %arg7[%get3A_524, %get3A_525] {strides = array<i32>} : memref<64x512xf32, #tpu.memory_space<vmem>>, vector<1x16xf32>,
      %get3A_527 = vector.shape_cast %get3A_526 : vector<1x16xf32> to vector<16xf32>
      %add3A_528 = arith.addf %scan3A_477, %get3A_527 : vector<16xf32>
      %get3A_529 = arith.index_cast %scan3A_472 : i32 to index
      %get3A_530 = arith.constant 80 : index
      %get3A_531 = tpu.vector_load %arg7[%get3A_529, %get3A_530] {strides = array<i32>} : memref<64x512xf32, #tpu.memory_space<vmem>>, vector<1x16xf32>,
      %get3A_532 = vector.shape_cast %get3A_531 : vector<1x16xf32> to vector<16xf32>
      %add3A_533 = arith.addf %scan3A_478, %get3A_532 : vector<16xf32>
      %get3A_534 = arith.index_cast %scan3A_472 : i32 to index
      %get3A_535 = arith.constant 96 : index
      %get3A_536 = tpu.vector_load %arg7[%get3A_534, %get3A_535] {strides = array<i32>} : memref<64x512xf32, #tpu.memory_space<vmem>>, vector<1x16xf32>,
      %get3A_537 = vector.shape_cast %get3A_536 : vector<1x16xf32> to vector<16xf32>
      %add3A_538 = arith.addf %scan3A_479, %get3A_537 : vector<16xf32>
      %get3A_539 = arith.index_cast %scan3A_472 : i32 to index
      %get3A_540 = arith.constant 112 : index
      %get3A_541 = tpu.vector_load %arg7[%get3A_539, %get3A_540] {strides = array<i32>} : memref<64x512xf32, #tpu.memory_space<vmem>>, vector<1x16xf32>,
      %get3A_542 = vector.shape_cast %get3A_541 : vector<1x16xf32> to vector<16xf32>
      %add3A_543 = arith.addf %scan3A_480, %get3A_542 : vector<16xf32>
      %get3A_544 = arith.index_cast %scan3A_472 : i32 to index
      %get3A_545 = arith.constant 128 : index
      %get3A_546 = tpu.vector_load %arg7[%get3A_544, %get3A_545] {strides = array<i32>} : memref<64x512xf32, #tpu.memory_space<vmem>>, vector<1x16xf32>,
      %get3A_547 = vector.shape_cast %get3A_546 : vector<1x16xf32> to vector<16xf32>
      %add3A_548 = arith.addf %scan3A_481, %get3A_547 : vector<16xf32>
      %get3A_549 = arith.index_cast %scan3A_472 : i32 to index
      %get3A_550 = arith.constant 144 : index
      %get3A_551 = tpu.vector_load %arg7[%get3A_549, %get3A_550] {strides = array<i32>} : memref<64x512xf32, #tpu.memory_space<vmem>>, vector<1x16xf32>,
      %get3A_552 = vector.shape_cast %get3A_551 : vector<1x16xf32> to vector<16xf32>
      %add3A_553 = arith.addf %scan3A_482, %get3A_552 : vector<16xf32>
      %get3A_554 = arith.index_cast %scan3A_472 : i32 to index
      %get3A_555 = arith.constant 160 : index
      %get3A_556 = tpu.vector_load %arg7[%get3A_554, %get3A_555] {strides = array<i32>} : memref<64x512xf32, #tpu.memory_space<vmem>>, vector<1x16xf32>,
      %get3A_557 = vector.shape_cast %get3A_556 : vector<1x16xf32> to vector<16xf32>
      %add3A_558 = arith.addf %scan3A_483, %get3A_557 : vector<16xf32>
      %get3A_559 = arith.index_cast %scan3A_472 : i32 to index
      %get3A_560 = arith.constant 176 : index
      %get3A_561 = tpu.vector_load %arg7[%get3A_559, %get3A_560] {strides = array<i32>} : memref<64x512xf32, #tpu.memory_space<vmem>>, vector<1x16xf32>,
      %get3A_562 = vector.shape_cast %get3A_561 : vector<1x16xf32> to vector<16xf32>
      %add3A_563 = arith.addf %scan3A_484, %get3A_562 : vector<16xf32>
      %get3A_564 = arith.index_cast %scan3A_472 : i32 to index
      %get3A_565 = arith.constant 192 : index
      %get3A_566 = tpu.vector_load %arg7[%get3A_564, %get3A_565] {strides = array<i32>} : memref<64x512xf32, #tpu.memory_space<vmem>>, vector<1x16xf32>,
      %get3A_567 = vector.shape_cast %get3A_566 : vector<1x16xf32> to vector<16xf32>
      %add3A_568 = arith.addf %scan3A_485, %get3A_567 : vector<16xf32>
      %get3A_569 = arith.index_cast %scan3A_472 : i32 to index
      %get3A_570 = arith.constant 208 : index
      %get3A_571 = tpu.vector_load %arg7[%get3A_569, %get3A_570] {strides = array<i32>} : memref<64x512xf32, #tpu.memory_space<vmem>>, vector<1x16xf32>,
      %get3A_572 = vector.shape_cast %get3A_571 : vector<1x16xf32> to vector<16xf32>
      %add3A_573 = arith.addf %scan3A_486, %get3A_572 : vector<16xf32>
      %get3A_574 = arith.index_cast %scan3A_472 : i32 to index
      %get3A_575 = arith.constant 224 : index
      %get3A_576 = tpu.vector_load %arg7[%get3A_574, %get3A_575] {strides = array<i32>} : memref<64x512xf32, #tpu.memory_space<vmem>>, vector<1x16xf32>,
      %get3A_577 = vector.shape_cast %get3A_576 : vector<1x16xf32> to vector<16xf32>
      %add3A_578 = arith.addf %scan3A_487, %get3A_577 : vector<16xf32>
      %get3A_579 = arith.index_cast %scan3A_472 : i32 to index
      %get3A_580 = arith.constant 240 : index
      %get3A_581 = tpu.vector_load %arg7[%get3A_579, %get3A_580] {strides = array<i32>} : memref<64x512xf32, #tpu.memory_space<vmem>>, vector<1x16xf32>,
      %get3A_582 = vector.shape_cast %get3A_581 : vector<1x16xf32> to vector<16xf32>
      %add3A_583 = arith.addf %scan3A_488, %get3A_582 : vector<16xf32>
      %get3A_584 = arith.index_cast %scan3A_472 : i32 to index
      %get3A_585 = arith.constant 256 : index
      %get3A_586 = tpu.vector_load %arg7[%get3A_584, %get3A_585] {strides = array<i32>} : memref<64x512xf32, #tpu.memory_space<vmem>>, vector<1x16xf32>,
      %get3A_587 = vector.shape_cast %get3A_586 : vector<1x16xf32> to vector<16xf32>
      %add3A_588 = arith.addf %scan3A_489, %get3A_587 : vector<16xf32>
      %get3A_589 = arith.index_cast %scan3A_472 : i32 to index
      %get3A_590 = arith.constant 272 : index
      %get3A_591 = tpu.vector_load %arg7[%get3A_589, %get3A_590] {strides = array<i32>} : memref<64x512xf32, #tpu.memory_space<vmem>>, vector<1x16xf32>,
      %get3A_592 = vector.shape_cast %get3A_591 : vector<1x16xf32> to vector<16xf32>
      %add3A_593 = arith.addf %scan3A_490, %get3A_592 : vector<16xf32>
      %get3A_594 = arith.index_cast %scan3A_472 : i32 to index
      %get3A_595 = arith.constant 288 : index
      %get3A_596 = tpu.vector_load %arg7[%get3A_594, %get3A_595] {strides = array<i32>} : memref<64x512xf32, #tpu.memory_space<vmem>>, vector<1x16xf32>,
      %get3A_597 = vector.shape_cast %get3A_596 : vector<1x16xf32> to vector<16xf32>
      %add3A_598 = arith.addf %scan3A_491, %get3A_597 : vector<16xf32>
      %get3A_599 = arith.index_cast %scan3A_472 : i32 to index
      %get3A_600 = arith.constant 304 : index
      %get3A_601 = tpu.vector_load %arg7[%get3A_599, %get3A_600] {strides = array<i32>} : memref<64x512xf32, #tpu.memory_space<vmem>>, vector<1x16xf32>,
      %get3A_602 = vector.shape_cast %get3A_601 : vector<1x16xf32> to vector<16xf32>
      %add3A_603 = arith.addf %scan3A_492, %get3A_602 : vector<16xf32>
      %get3A_604 = arith.index_cast %scan3A_472 : i32 to index
      %get3A_605 = arith.constant 320 : index
      %get3A_606 = tpu.vector_load %arg7[%get3A_604, %get3A_605] {strides = array<i32>} : memref<64x512xf32, #tpu.memory_space<vmem>>, vector<1x16xf32>,
      %get3A_607 = vector.shape_cast %get3A_606 : vector<1x16xf32> to vector<16xf32>
      %add3A_608 = arith.addf %scan3A_493, %get3A_607 : vector<16xf32>
      %get3A_609 = arith.index_cast %scan3A_472 : i32 to index
      %get3A_610 = arith.constant 336 : index
      %get3A_611 = tpu.vector_load %arg7[%get3A_609, %get3A_610] {strides = array<i32>} : memref<64x512xf32, #tpu.memory_space<vmem>>, vector<1x16xf32>,
      %get3A_612 = vector.shape_cast %get3A_611 : vector<1x16xf32> to vector<16xf32>
      %add3A_613 = arith.addf %scan3A_494, %get3A_612 : vector<16xf32>
      %get3A_614 = arith.index_cast %scan3A_472 : i32 to index
      %get3A_615 = arith.constant 352 : index
      %get3A_616 = tpu.vector_load %arg7[%get3A_614, %get3A_615] {strides = array<i32>} : memref<64x512xf32, #tpu.memory_space<vmem>>, vector<1x16xf32>,
      %get3A_617 = vector.shape_cast %get3A_616 : vector<1x16xf32> to vector<16xf32>
      %add3A_618 = arith.addf %scan3A_495, %get3A_617 : vector<16xf32>
      %get3A_619 = arith.index_cast %scan3A_472 : i32 to index
      %get3A_620 = arith.constant 368 : index
      %get3A_621 = tpu.vector_load %arg7[%get3A_619, %get3A_620] {strides = array<i32>} : memref<64x512xf32, #tpu.memory_space<vmem>>, vector<1x16xf32>,
      %get3A_622 = vector.shape_cast %get3A_621 : vector<1x16xf32> to vector<16xf32>
      %add3A_623 = arith.addf %scan3A_496, %get3A_622 : vector<16xf32>
      %get3A_624 = arith.index_cast %scan3A_472 : i32 to index
      %get3A_625 = arith.constant 384 : index
      %get3A_626 = tpu.vector_load %arg7[%get3A_624, %get3A_625] {strides = array<i32>} : memref<64x512xf32, #tpu.memory_space<vmem>>, vector<1x16xf32>,
      %get3A_627 = vector.shape_cast %get3A_626 : vector<1x16xf32> to vector<16xf32>
      %add3A_628 = arith.addf %scan3A_497, %get3A_627 : vector<16xf32>
      %get3A_629 = arith.index_cast %scan3A_472 : i32 to index
      %get3A_630 = arith.constant 400 : index
      %get3A_631 = tpu.vector_load %arg7[%get3A_629, %get3A_630] {strides = array<i32>} : memref<64x512xf32, #tpu.memory_space<vmem>>, vector<1x16xf32>,
      %get3A_632 = vector.shape_cast %get3A_631 : vector<1x16xf32> to vector<16xf32>
      %add3A_633 = arith.addf %scan3A_498, %get3A_632 : vector<16xf32>
      %get3A_634 = arith.index_cast %scan3A_472 : i32 to index
      %get3A_635 = arith.constant 416 : index
      %get3A_636 = tpu.vector_load %arg7[%get3A_634, %get3A_635] {strides = array<i32>} : memref<64x512xf32, #tpu.memory_space<vmem>>, vector<1x16xf32>,
      %get3A_637 = vector.shape_cast %get3A_636 : vector<1x16xf32> to vector<16xf32>
      %add3A_638 = arith.addf %scan3A_499, %get3A_637 : vector<16xf32>
      %get3A_639 = arith.index_cast %scan3A_472 : i32 to index
      %get3A_640 = arith.constant 432 : index
      %get3A_641 = tpu.vector_load %arg7[%get3A_639, %get3A_640] {strides = array<i32>} : memref<64x512xf32, #tpu.memory_space<vmem>>, vector<1x16xf32>,
      %get3A_642 = vector.shape_cast %get3A_641 : vector<1x16xf32> to vector<16xf32>
      %add3A_643 = arith.addf %scan3A_500, %get3A_642 : vector<16xf32>
      %get3A_644 = arith.index_cast %scan3A_472 : i32 to index
      %get3A_645 = arith.constant 448 : index
      %get3A_646 = tpu.vector_load %arg7[%get3A_644, %get3A_645] {strides = array<i32>} : memref<64x512xf32, #tpu.memory_space<vmem>>, vector<1x16xf32>,
      %get3A_647 = vector.shape_cast %get3A_646 : vector<1x16xf32> to vector<16xf32>
      %add3A_648 = arith.addf %scan3A_501, %get3A_647 : vector<16xf32>
      %get3A_649 = arith.index_cast %scan3A_472 : i32 to index
      %get3A_650 = arith.constant 464 : index
      %get3A_651 = tpu.vector_load %arg7[%get3A_649, %get3A_650] {strides = array<i32>} : memref<64x512xf32, #tpu.memory_space<vmem>>, vector<1x16xf32>,
      %get3A_652 = vector.shape_cast %get3A_651 : vector<1x16xf32> to vector<16xf32>
      %add3A_653 = arith.addf %scan3A_502, %get3A_652 : vector<16xf32>
      %get3A_654 = arith.index_cast %scan3A_472 : i32 to index
      %get3A_655 = arith.constant 480 : index
      %get3A_656 = tpu.vector_load %arg7[%get3A_654, %get3A_655] {strides = array<i32>} : memref<64x512xf32, #tpu.memory_space<vmem>>, vector<1x16xf32>,
      %get3A_657 = vector.shape_cast %get3A_656 : vector<1x16xf32> to vector<16xf32>
      %add3A_658 = arith.addf %scan3A_503, %get3A_657 : vector<16xf32>
      %get3A_659 = arith.index_cast %scan3A_472 : i32 to index
      %get3A_660 = arith.constant 496 : index
      %get3A_661 = tpu.vector_load %arg7[%get3A_659, %get3A_660] {strides = array<i32>} : memref<64x512xf32, #tpu.memory_space<vmem>>, vector<1x16xf32>,
      %get3A_662 = vector.shape_cast %get3A_661 : vector<1x16xf32> to vector<16xf32>
      %add3A_663 = arith.addf %scan3A_504, %get3A_662 : vector<16xf32>
      scf.yield %add3A_508, %add3A_513, %add3A_518, %add3A_523, %add3A_528, %add3A_533, %add3A_538, %add3A_543, %add3A_548, %add3A_553, %add3A_558, %add3A_563, %add3A_568, %add3A_573, %add3A_578, %add3A_583, %add3A_588, %add3A_593, %add3A_598, %add3A_603, %add3A_608, %add3A_613, %add3A_618, %add3A_623, %add3A_628, %add3A_633, %add3A_638, %add3A_643, %add3A_648, %add3A_653, %add3A_658, %add3A_663 : vector<16xf32>, vector<16xf32>, vector<16xf32>, vector<16xf32>, vector<16xf32>, vector<16xf32>, vector<16xf32>, vector<16xf32>, vector<16xf32>, vector<16xf32>, vector<16xf32>, vector<16xf32>, vector<16xf32>, vector<16xf32>, vector<16xf32>, vector<16xf32>, vector<16xf32>, vector<16xf32>, vector<16xf32>, vector<16xf32>, vector<16xf32>, vector<16xf32>, vector<16xf32>, vector<16xf32>, vector<16xf32>, vector<16xf32>, vector<16xf32>, vector<16xf32>, vector<16xf32>, vector<16xf32>, vector<16xf32>, vector<16xf32>
    }
    %scan3A_243 = arith.constant 64 : i32
    %dma_wait3A_244 = arith.constant 448 : i32
    %dma_wait3A_245 = tpu.memref_slice %arg6[%dma_wait3A_244] : memref<512xi32, #tpu.memory_space<vmem>> -> memref<64xi32, #tpu.memory_space<vmem>>
    %dma_wait3A_246 = arith.constant 0 : i32
    %dma_wait3A_247 = arith.constant 0 : i32
    %dma_wait3A_248 = tpu.memref_slice %arg3[%dma_wait3A_246, %dma_wait3A_247] : memref<100000x512xf32, #tpu.memory_space<hbm>> -> memref<100000x512xf32, #tpu.memory_space<hbm>>
    tpu.wait_indirect_dma semaphore(%arg12 : memref<!tpu.dma_semaphore, #tpu.memory_space<semaphore_mem>>) src(%dma_wait3A_248 : memref<100000x512xf32, #tpu.memory_space<hbm>>) dst(%arg8 : memref<64x512xf32, #tpu.memory_space<vmem>>)
    %add3A_249 = arith.constant 448 : i32
    %add3A_250 = arith.addi %mul3A_2, %add3A_249 : i32
    %dma_start3A_251 = arith.constant 0 : i32
    %dma_start3A_252 = tpu.memref_slice %arg4[%add3A_250, %dma_start3A_251] : memref<16384x512xf32, #tpu.memory_space<hbm>> -> memref<64x512xf32, #tpu.memory_space<hbm>>
    %dma_start3A_253 = arith.constant 0 : i32
    %dma_start3A_254 = tpu.memref_slice %arg4[%add3A_250, %dma_start3A_253] : memref<16384x512xf32, #tpu.memory_space<hbm>> -> memref<64x512xf32, #tpu.memory_space<hbm>>
    tpu.enqueue_dma source(%arg8 : memref<64x512xf32, #tpu.memory_space<vmem>>) target(%dma_start3A_254 : memref<64x512xf32, #tpu.memory_space<hbm>>) target_semaphore(%arg15 : memref<!tpu.dma_semaphore, #tpu.memory_space<semaphore_mem>>)
    %scan3A_255 = arith.constant 0 : i32
    %scan3A_256 = arith.constant 64 : i32
    %scan3A_257 = arith.addi %scan3A_255, %scan3A_256 : i32
    %scan3A_258 = arith.constant 1 : i32
    %scan3A_259:32 = scf.for %scan3A_472 = %scan3A_255 to %scan3A_257 step %scan3A_258 iter_args(%scan3A_473 = %scan3A_242#0, %scan3A_474 = %scan3A_242#1, %scan3A_475 = %scan3A_242#2, %scan3A_476 = %scan3A_242#3, %scan3A_477 = %scan3A_242#4, %scan3A_478 = %scan3A_242#5, %scan3A_479 = %scan3A_242#6, %scan3A_480 = %scan3A_242#7, %scan3A_481 = %scan3A_242#8, %scan3A_482 = %scan3A_242#9, %scan3A_483 = %scan3A_242#10, %scan3A_484 = %scan3A_242#11, %scan3A_485 = %scan3A_242#12, %scan3A_486 = %scan3A_242#13, %scan3A_487 = %scan3A_242#14, %scan3A_488 = %scan3A_242#15, %scan3A_489 = %scan3A_242#16, %scan3A_490 = %scan3A_242#17, %scan3A_491 = %scan3A_242#18, %scan3A_492 = %scan3A_242#19, %scan3A_493 = %scan3A_242#20, %scan3A_494 = %scan3A_242#21, %scan3A_495 = %scan3A_242#22, %scan3A_496 = %scan3A_242#23, %scan3A_497 = %scan3A_242#24, %scan3A_498 = %scan3A_242#25, %scan3A_499 = %scan3A_242#26, %scan3A_500 = %scan3A_242#27, %scan3A_501 = %scan3A_242#28, %scan3A_502 = %scan3A_242#29, %scan3A_503 = %scan3A_242#30, %scan3A_504 = %scan3A_242#31) -> (vector<16xf32>, vector<16xf32>, vector<16xf32>, vector<16xf32>, vector<16xf32>, vector<16xf32>, vector<16xf32>, vector<16xf32>, vector<16xf32>, vector<16xf32>, vector<16xf32>, vector<16xf32>, vector<16xf32>, vector<16xf32>, vector<16xf32>, vector<16xf32>, vector<16xf32>, vector<16xf32>, vector<16xf32>, vector<16xf32>, vector<16xf32>, vector<16xf32>, vector<16xf32>, vector<16xf32>, vector<16xf32>, vector<16xf32>, vector<16xf32>, vector<16xf32>, vector<16xf32>, vector<16xf32>, vector<16xf32>, vector<16xf32>)  : i32 {
      %get3A = arith.index_cast %scan3A_472 : i32 to index
      %get3A_505 = arith.constant 0 : index
      %get3A_506 = tpu.vector_load %arg8[%get3A, %get3A_505] {strides = array<i32>} : memref<64x512xf32, #tpu.memory_space<vmem>>, vector<1x16xf32>,
      %get3A_507 = vector.shape_cast %get3A_506 : vector<1x16xf32> to vector<16xf32>
      %add3A_508 = arith.addf %scan3A_473, %get3A_507 : vector<16xf32>
      %get3A_509 = arith.index_cast %scan3A_472 : i32 to index
      %get3A_510 = arith.constant 16 : index
      %get3A_511 = tpu.vector_load %arg8[%get3A_509, %get3A_510] {strides = array<i32>} : memref<64x512xf32, #tpu.memory_space<vmem>>, vector<1x16xf32>,
      %get3A_512 = vector.shape_cast %get3A_511 : vector<1x16xf32> to vector<16xf32>
      %add3A_513 = arith.addf %scan3A_474, %get3A_512 : vector<16xf32>
      %get3A_514 = arith.index_cast %scan3A_472 : i32 to index
      %get3A_515 = arith.constant 32 : index
      %get3A_516 = tpu.vector_load %arg8[%get3A_514, %get3A_515] {strides = array<i32>} : memref<64x512xf32, #tpu.memory_space<vmem>>, vector<1x16xf32>,
      %get3A_517 = vector.shape_cast %get3A_516 : vector<1x16xf32> to vector<16xf32>
      %add3A_518 = arith.addf %scan3A_475, %get3A_517 : vector<16xf32>
      %get3A_519 = arith.index_cast %scan3A_472 : i32 to index
      %get3A_520 = arith.constant 48 : index
      %get3A_521 = tpu.vector_load %arg8[%get3A_519, %get3A_520] {strides = array<i32>} : memref<64x512xf32, #tpu.memory_space<vmem>>, vector<1x16xf32>,
      %get3A_522 = vector.shape_cast %get3A_521 : vector<1x16xf32> to vector<16xf32>
      %add3A_523 = arith.addf %scan3A_476, %get3A_522 : vector<16xf32>
      %get3A_524 = arith.index_cast %scan3A_472 : i32 to index
      %get3A_525 = arith.constant 64 : index
      %get3A_526 = tpu.vector_load %arg8[%get3A_524, %get3A_525] {strides = array<i32>} : memref<64x512xf32, #tpu.memory_space<vmem>>, vector<1x16xf32>,
      %get3A_527 = vector.shape_cast %get3A_526 : vector<1x16xf32> to vector<16xf32>
      %add3A_528 = arith.addf %scan3A_477, %get3A_527 : vector<16xf32>
      %get3A_529 = arith.index_cast %scan3A_472 : i32 to index
      %get3A_530 = arith.constant 80 : index
      %get3A_531 = tpu.vector_load %arg8[%get3A_529, %get3A_530] {strides = array<i32>} : memref<64x512xf32, #tpu.memory_space<vmem>>, vector<1x16xf32>,
      %get3A_532 = vector.shape_cast %get3A_531 : vector<1x16xf32> to vector<16xf32>
      %add3A_533 = arith.addf %scan3A_478, %get3A_532 : vector<16xf32>
      %get3A_534 = arith.index_cast %scan3A_472 : i32 to index
      %get3A_535 = arith.constant 96 : index
      %get3A_536 = tpu.vector_load %arg8[%get3A_534, %get3A_535] {strides = array<i32>} : memref<64x512xf32, #tpu.memory_space<vmem>>, vector<1x16xf32>,
      %get3A_537 = vector.shape_cast %get3A_536 : vector<1x16xf32> to vector<16xf32>
      %add3A_538 = arith.addf %scan3A_479, %get3A_537 : vector<16xf32>
      %get3A_539 = arith.index_cast %scan3A_472 : i32 to index
      %get3A_540 = arith.constant 112 : index
      %get3A_541 = tpu.vector_load %arg8[%get3A_539, %get3A_540] {strides = array<i32>} : memref<64x512xf32, #tpu.memory_space<vmem>>, vector<1x16xf32>,
      %get3A_542 = vector.shape_cast %get3A_541 : vector<1x16xf32> to vector<16xf32>
      %add3A_543 = arith.addf %scan3A_480, %get3A_542 : vector<16xf32>
      %get3A_544 = arith.index_cast %scan3A_472 : i32 to index
      %get3A_545 = arith.constant 128 : index
      %get3A_546 = tpu.vector_load %arg8[%get3A_544, %get3A_545] {strides = array<i32>} : memref<64x512xf32, #tpu.memory_space<vmem>>, vector<1x16xf32>,
      %get3A_547 = vector.shape_cast %get3A_546 : vector<1x16xf32> to vector<16xf32>
      %add3A_548 = arith.addf %scan3A_481, %get3A_547 : vector<16xf32>
      %get3A_549 = arith.index_cast %scan3A_472 : i32 to index
      %get3A_550 = arith.constant 144 : index
      %get3A_551 = tpu.vector_load %arg8[%get3A_549, %get3A_550] {strides = array<i32>} : memref<64x512xf32, #tpu.memory_space<vmem>>, vector<1x16xf32>,
      %get3A_552 = vector.shape_cast %get3A_551 : vector<1x16xf32> to vector<16xf32>
      %add3A_553 = arith.addf %scan3A_482, %get3A_552 : vector<16xf32>
      %get3A_554 = arith.index_cast %scan3A_472 : i32 to index
      %get3A_555 = arith.constant 160 : index
      %get3A_556 = tpu.vector_load %arg8[%get3A_554, %get3A_555] {strides = array<i32>} : memref<64x512xf32, #tpu.memory_space<vmem>>, vector<1x16xf32>,
      %get3A_557 = vector.shape_cast %get3A_556 : vector<1x16xf32> to vector<16xf32>
      %add3A_558 = arith.addf %scan3A_483, %get3A_557 : vector<16xf32>
      %get3A_559 = arith.index_cast %scan3A_472 : i32 to index
      %get3A_560 = arith.constant 176 : index
      %get3A_561 = tpu.vector_load %arg8[%get3A_559, %get3A_560] {strides = array<i32>} : memref<64x512xf32, #tpu.memory_space<vmem>>, vector<1x16xf32>,
      %get3A_562 = vector.shape_cast %get3A_561 : vector<1x16xf32> to vector<16xf32>
      %add3A_563 = arith.addf %scan3A_484, %get3A_562 : vector<16xf32>
      %get3A_564 = arith.index_cast %scan3A_472 : i32 to index
      %get3A_565 = arith.constant 192 : index
      %get3A_566 = tpu.vector_load %arg8[%get3A_564, %get3A_565] {strides = array<i32>} : memref<64x512xf32, #tpu.memory_space<vmem>>, vector<1x16xf32>,
      %get3A_567 = vector.shape_cast %get3A_566 : vector<1x16xf32> to vector<16xf32>
      %add3A_568 = arith.addf %scan3A_485, %get3A_567 : vector<16xf32>
      %get3A_569 = arith.index_cast %scan3A_472 : i32 to index
      %get3A_570 = arith.constant 208 : index
      %get3A_571 = tpu.vector_load %arg8[%get3A_569, %get3A_570] {strides = array<i32>} : memref<64x512xf32, #tpu.memory_space<vmem>>, vector<1x16xf32>,
      %get3A_572 = vector.shape_cast %get3A_571 : vector<1x16xf32> to vector<16xf32>
      %add3A_573 = arith.addf %scan3A_486, %get3A_572 : vector<16xf32>
      %get3A_574 = arith.index_cast %scan3A_472 : i32 to index
      %get3A_575 = arith.constant 224 : index
      %get3A_576 = tpu.vector_load %arg8[%get3A_574, %get3A_575] {strides = array<i32>} : memref<64x512xf32, #tpu.memory_space<vmem>>, vector<1x16xf32>,
      %get3A_577 = vector.shape_cast %get3A_576 : vector<1x16xf32> to vector<16xf32>
      %add3A_578 = arith.addf %scan3A_487, %get3A_577 : vector<16xf32>
      %get3A_579 = arith.index_cast %scan3A_472 : i32 to index
      %get3A_580 = arith.constant 240 : index
      %get3A_581 = tpu.vector_load %arg8[%get3A_579, %get3A_580] {strides = array<i32>} : memref<64x512xf32, #tpu.memory_space<vmem>>, vector<1x16xf32>,
      %get3A_582 = vector.shape_cast %get3A_581 : vector<1x16xf32> to vector<16xf32>
      %add3A_583 = arith.addf %scan3A_488, %get3A_582 : vector<16xf32>
      %get3A_584 = arith.index_cast %scan3A_472 : i32 to index
      %get3A_585 = arith.constant 256 : index
      %get3A_586 = tpu.vector_load %arg8[%get3A_584, %get3A_585] {strides = array<i32>} : memref<64x512xf32, #tpu.memory_space<vmem>>, vector<1x16xf32>,
      %get3A_587 = vector.shape_cast %get3A_586 : vector<1x16xf32> to vector<16xf32>
      %add3A_588 = arith.addf %scan3A_489, %get3A_587 : vector<16xf32>
      %get3A_589 = arith.index_cast %scan3A_472 : i32 to index
      %get3A_590 = arith.constant 272 : index
      %get3A_591 = tpu.vector_load %arg8[%get3A_589, %get3A_590] {strides = array<i32>} : memref<64x512xf32, #tpu.memory_space<vmem>>, vector<1x16xf32>,
      %get3A_592 = vector.shape_cast %get3A_591 : vector<1x16xf32> to vector<16xf32>
      %add3A_593 = arith.addf %scan3A_490, %get3A_592 : vector<16xf32>
      %get3A_594 = arith.index_cast %scan3A_472 : i32 to index
      %get3A_595 = arith.constant 288 : index
      %get3A_596 = tpu.vector_load %arg8[%get3A_594, %get3A_595] {strides = array<i32>} : memref<64x512xf32, #tpu.memory_space<vmem>>, vector<1x16xf32>,
      %get3A_597 = vector.shape_cast %get3A_596 : vector<1x16xf32> to vector<16xf32>
      %add3A_598 = arith.addf %scan3A_491, %get3A_597 : vector<16xf32>
      %get3A_599 = arith.index_cast %scan3A_472 : i32 to index
      %get3A_600 = arith.constant 304 : index
      %get3A_601 = tpu.vector_load %arg8[%get3A_599, %get3A_600] {strides = array<i32>} : memref<64x512xf32, #tpu.memory_space<vmem>>, vector<1x16xf32>,
      %get3A_602 = vector.shape_cast %get3A_601 : vector<1x16xf32> to vector<16xf32>
      %add3A_603 = arith.addf %scan3A_492, %get3A_602 : vector<16xf32>
      %get3A_604 = arith.index_cast %scan3A_472 : i32 to index
      %get3A_605 = arith.constant 320 : index
      %get3A_606 = tpu.vector_load %arg8[%get3A_604, %get3A_605] {strides = array<i32>} : memref<64x512xf32, #tpu.memory_space<vmem>>, vector<1x16xf32>,
      %get3A_607 = vector.shape_cast %get3A_606 : vector<1x16xf32> to vector<16xf32>
      %add3A_608 = arith.addf %scan3A_493, %get3A_607 : vector<16xf32>
      %get3A_609 = arith.index_cast %scan3A_472 : i32 to index
      %get3A_610 = arith.constant 336 : index
      %get3A_611 = tpu.vector_load %arg8[%get3A_609, %get3A_610] {strides = array<i32>} : memref<64x512xf32, #tpu.memory_space<vmem>>, vector<1x16xf32>,
      %get3A_612 = vector.shape_cast %get3A_611 : vector<1x16xf32> to vector<16xf32>
      %add3A_613 = arith.addf %scan3A_494, %get3A_612 : vector<16xf32>
      %get3A_614 = arith.index_cast %scan3A_472 : i32 to index
      %get3A_615 = arith.constant 352 : index
      %get3A_616 = tpu.vector_load %arg8[%get3A_614, %get3A_615] {strides = array<i32>} : memref<64x512xf32, #tpu.memory_space<vmem>>, vector<1x16xf32>,
      %get3A_617 = vector.shape_cast %get3A_616 : vector<1x16xf32> to vector<16xf32>
      %add3A_618 = arith.addf %scan3A_495, %get3A_617 : vector<16xf32>
      %get3A_619 = arith.index_cast %scan3A_472 : i32 to index
      %get3A_620 = arith.constant 368 : index
      %get3A_621 = tpu.vector_load %arg8[%get3A_619, %get3A_620] {strides = array<i32>} : memref<64x512xf32, #tpu.memory_space<vmem>>, vector<1x16xf32>,
      %get3A_622 = vector.shape_cast %get3A_621 : vector<1x16xf32> to vector<16xf32>
      %add3A_623 = arith.addf %scan3A_496, %get3A_622 : vector<16xf32>
      %get3A_624 = arith.index_cast %scan3A_472 : i32 to index
      %get3A_625 = arith.constant 384 : index
      %get3A_626 = tpu.vector_load %arg8[%get3A_624, %get3A_625] {strides = array<i32>} : memref<64x512xf32, #tpu.memory_space<vmem>>, vector<1x16xf32>,
      %get3A_627 = vector.shape_cast %get3A_626 : vector<1x16xf32> to vector<16xf32>
      %add3A_628 = arith.addf %scan3A_497, %get3A_627 : vector<16xf32>
      %get3A_629 = arith.index_cast %scan3A_472 : i32 to index
      %get3A_630 = arith.constant 400 : index
      %get3A_631 = tpu.vector_load %arg8[%get3A_629, %get3A_630] {strides = array<i32>} : memref<64x512xf32, #tpu.memory_space<vmem>>, vector<1x16xf32>,
      %get3A_632 = vector.shape_cast %get3A_631 : vector<1x16xf32> to vector<16xf32>
      %add3A_633 = arith.addf %scan3A_498, %get3A_632 : vector<16xf32>
      %get3A_634 = arith.index_cast %scan3A_472 : i32 to index
      %get3A_635 = arith.constant 416 : index
      %get3A_636 = tpu.vector_load %arg8[%get3A_634, %get3A_635] {strides = array<i32>} : memref<64x512xf32, #tpu.memory_space<vmem>>, vector<1x16xf32>,
      %get3A_637 = vector.shape_cast %get3A_636 : vector<1x16xf32> to vector<16xf32>
      %add3A_638 = arith.addf %scan3A_499, %get3A_637 : vector<16xf32>
      %get3A_639 = arith.index_cast %scan3A_472 : i32 to index
      %get3A_640 = arith.constant 432 : index
      %get3A_641 = tpu.vector_load %arg8[%get3A_639, %get3A_640] {strides = array<i32>} : memref<64x512xf32, #tpu.memory_space<vmem>>, vector<1x16xf32>,
      %get3A_642 = vector.shape_cast %get3A_641 : vector<1x16xf32> to vector<16xf32>
      %add3A_643 = arith.addf %scan3A_500, %get3A_642 : vector<16xf32>
      %get3A_644 = arith.index_cast %scan3A_472 : i32 to index
      %get3A_645 = arith.constant 448 : index
      %get3A_646 = tpu.vector_load %arg8[%get3A_644, %get3A_645] {strides = array<i32>} : memref<64x512xf32, #tpu.memory_space<vmem>>, vector<1x16xf32>,
      %get3A_647 = vector.shape_cast %get3A_646 : vector<1x16xf32> to vector<16xf32>
      %add3A_648 = arith.addf %scan3A_501, %get3A_647 : vector<16xf32>
      %get3A_649 = arith.index_cast %scan3A_472 : i32 to index
      %get3A_650 = arith.constant 464 : index
      %get3A_651 = tpu.vector_load %arg8[%get3A_649, %get3A_650] {strides = array<i32>} : memref<64x512xf32, #tpu.memory_space<vmem>>, vector<1x16xf32>,
      %get3A_652 = vector.shape_cast %get3A_651 : vector<1x16xf32> to vector<16xf32>
      %add3A_653 = arith.addf %scan3A_502, %get3A_652 : vector<16xf32>
      %get3A_654 = arith.index_cast %scan3A_472 : i32 to index
      %get3A_655 = arith.constant 480 : index
      %get3A_656 = tpu.vector_load %arg8[%get3A_654, %get3A_655] {strides = array<i32>} : memref<64x512xf32, #tpu.memory_space<vmem>>, vector<1x16xf32>,
      %get3A_657 = vector.shape_cast %get3A_656 : vector<1x16xf32> to vector<16xf32>
      %add3A_658 = arith.addf %scan3A_503, %get3A_657 : vector<16xf32>
      %get3A_659 = arith.index_cast %scan3A_472 : i32 to index
      %get3A_660 = arith.constant 496 : index
      %get3A_661 = tpu.vector_load %arg8[%get3A_659, %get3A_660] {strides = array<i32>} : memref<64x512xf32, #tpu.memory_space<vmem>>, vector<1x16xf32>,
      %get3A_662 = vector.shape_cast %get3A_661 : vector<1x16xf32> to vector<16xf32>
      %add3A_663 = arith.addf %scan3A_504, %get3A_662 : vector<16xf32>
      scf.yield %add3A_508, %add3A_513, %add3A_518, %add3A_523, %add3A_528, %add3A_533, %add3A_538, %add3A_543, %add3A_548, %add3A_553, %add3A_558, %add3A_563, %add3A_568, %add3A_573, %add3A_578, %add3A_583, %add3A_588, %add3A_593, %add3A_598, %add3A_603, %add3A_608, %add3A_613, %add3A_618, %add3A_623, %add3A_628, %add3A_633, %add3A_638, %add3A_643, %add3A_648, %add3A_653, %add3A_658, %add3A_663 : vector<16xf32>, vector<16xf32>, vector<16xf32>, vector<16xf32>, vector<16xf32>, vector<16xf32>, vector<16xf32>, vector<16xf32>, vector<16xf32>, vector<16xf32>, vector<16xf32>, vector<16xf32>, vector<16xf32>, vector<16xf32>, vector<16xf32>, vector<16xf32>, vector<16xf32>, vector<16xf32>, vector<16xf32>, vector<16xf32>, vector<16xf32>, vector<16xf32>, vector<16xf32>, vector<16xf32>, vector<16xf32>, vector<16xf32>, vector<16xf32>, vector<16xf32>, vector<16xf32>, vector<16xf32>, vector<16xf32>, vector<16xf32>
    }
    %scan3A_260 = arith.constant 64 : i32
    %swap3A = arith.constant 0 : i32
    %swap3A_261 = arith.index_cast %swap3A : i32 to index
    %swap3A_262 = arith.constant 0 : index
    %swap3A_263 = tpu.vector_load %arg10[%swap3A_261, %swap3A_262] {strides = array<i32>} : memref<1x512xf32, #tpu.memory_space<vmem>>, vector<1x16xf32>,
    %swap3A_264 = vector.shape_cast %swap3A_263 : vector<1x16xf32> to vector<16xf32>
    %swap3A_265 = vector.shape_cast %scan3A_259#0 : vector<16xf32> to vector<1x16xf32>
    tpu.vector_store %arg10[%swap3A_261, %swap3A_262], %swap3A_265 {strides = array<i32>} : memref<1x512xf32, #tpu.memory_space<vmem>>, vector<1x16xf32>,
    %swap3A_266 = arith.constant 0 : i32
    %swap3A_267 = arith.index_cast %swap3A_266 : i32 to index
    %swap3A_268 = arith.constant 16 : index
    %swap3A_269 = tpu.vector_load %arg10[%swap3A_267, %swap3A_268] {strides = array<i32>} : memref<1x512xf32, #tpu.memory_space<vmem>>, vector<1x16xf32>,
    %swap3A_270 = vector.shape_cast %swap3A_269 : vector<1x16xf32> to vector<16xf32>
    %swap3A_271 = vector.shape_cast %scan3A_259#1 : vector<16xf32> to vector<1x16xf32>
    tpu.vector_store %arg10[%swap3A_267, %swap3A_268], %swap3A_271 {strides = array<i32>} : memref<1x512xf32, #tpu.memory_space<vmem>>, vector<1x16xf32>,
    %swap3A_272 = arith.constant 0 : i32
    %swap3A_273 = arith.index_cast %swap3A_272 : i32 to index
    %swap3A_274 = arith.constant 32 : index
    %swap3A_275 = tpu.vector_load %arg10[%swap3A_273, %swap3A_274] {strides = array<i32>} : memref<1x512xf32, #tpu.memory_space<vmem>>, vector<1x16xf32>,
    %swap3A_276 = vector.shape_cast %swap3A_275 : vector<1x16xf32> to vector<16xf32>
    %swap3A_277 = vector.shape_cast %scan3A_259#2 : vector<16xf32> to vector<1x16xf32>
    tpu.vector_store %arg10[%swap3A_273, %swap3A_274], %swap3A_277 {strides = array<i32>} : memref<1x512xf32, #tpu.memory_space<vmem>>, vector<1x16xf32>,
    %swap3A_278 = arith.constant 0 : i32
    %swap3A_279 = arith.index_cast %swap3A_278 : i32 to index
    %swap3A_280 = arith.constant 48 : index
    %swap3A_281 = tpu.vector_load %arg10[%swap3A_279, %swap3A_280] {strides = array<i32>} : memref<1x512xf32, #tpu.memory_space<vmem>>, vector<1x16xf32>,
    %swap3A_282 = vector.shape_cast %swap3A_281 : vector<1x16xf32> to vector<16xf32>
    %swap3A_283 = vector.shape_cast %scan3A_259#3 : vector<16xf32> to vector<1x16xf32>
    tpu.vector_store %arg10[%swap3A_279, %swap3A_280], %swap3A_283 {strides = array<i32>} : memref<1x512xf32, #tpu.memory_space<vmem>>, vector<1x16xf32>,
    %swap3A_284 = arith.constant 0 : i32
    %swap3A_285 = arith.index_cast %swap3A_284 : i32 to index
    %swap3A_286 = arith.constant 64 : index
    %swap3A_287 = tpu.vector_load %arg10[%swap3A_285, %swap3A_286] {strides = array<i32>} : memref<1x512xf32, #tpu.memory_space<vmem>>, vector<1x16xf32>,
    %swap3A_288 = vector.shape_cast %swap3A_287 : vector<1x16xf32> to vector<16xf32>
    %swap3A_289 = vector.shape_cast %scan3A_259#4 : vector<16xf32> to vector<1x16xf32>
    tpu.vector_store %arg10[%swap3A_285, %swap3A_286], %swap3A_289 {strides = array<i32>} : memref<1x512xf32, #tpu.memory_space<vmem>>, vector<1x16xf32>,
    %swap3A_290 = arith.constant 0 : i32
    %swap3A_291 = arith.index_cast %swap3A_290 : i32 to index
    %swap3A_292 = arith.constant 80 : index
    %swap3A_293 = tpu.vector_load %arg10[%swap3A_291, %swap3A_292] {strides = array<i32>} : memref<1x512xf32, #tpu.memory_space<vmem>>, vector<1x16xf32>,
    %swap3A_294 = vector.shape_cast %swap3A_293 : vector<1x16xf32> to vector<16xf32>
    %swap3A_295 = vector.shape_cast %scan3A_259#5 : vector<16xf32> to vector<1x16xf32>
    tpu.vector_store %arg10[%swap3A_291, %swap3A_292], %swap3A_295 {strides = array<i32>} : memref<1x512xf32, #tpu.memory_space<vmem>>, vector<1x16xf32>,
    %swap3A_296 = arith.constant 0 : i32
    %swap3A_297 = arith.index_cast %swap3A_296 : i32 to index
    %swap3A_298 = arith.constant 96 : index
    %swap3A_299 = tpu.vector_load %arg10[%swap3A_297, %swap3A_298] {strides = array<i32>} : memref<1x512xf32, #tpu.memory_space<vmem>>, vector<1x16xf32>,
    %swap3A_300 = vector.shape_cast %swap3A_299 : vector<1x16xf32> to vector<16xf32>
    %swap3A_301 = vector.shape_cast %scan3A_259#6 : vector<16xf32> to vector<1x16xf32>
    tpu.vector_store %arg10[%swap3A_297, %swap3A_298], %swap3A_301 {strides = array<i32>} : memref<1x512xf32, #tpu.memory_space<vmem>>, vector<1x16xf32>,
    %swap3A_302 = arith.constant 0 : i32
    %swap3A_303 = arith.index_cast %swap3A_302 : i32 to index
    %swap3A_304 = arith.constant 112 : index
    %swap3A_305 = tpu.vector_load %arg10[%swap3A_303, %swap3A_304] {strides = array<i32>} : memref<1x512xf32, #tpu.memory_space<vmem>>, vector<1x16xf32>,
    %swap3A_306 = vector.shape_cast %swap3A_305 : vector<1x16xf32> to vector<16xf32>
    %swap3A_307 = vector.shape_cast %scan3A_259#7 : vector<16xf32> to vector<1x16xf32>
    tpu.vector_store %arg10[%swap3A_303, %swap3A_304], %swap3A_307 {strides = array<i32>} : memref<1x512xf32, #tpu.memory_space<vmem>>, vector<1x16xf32>,
    %swap3A_308 = arith.constant 0 : i32
    %swap3A_309 = arith.index_cast %swap3A_308 : i32 to index
    %swap3A_310 = arith.constant 128 : index
    %swap3A_311 = tpu.vector_load %arg10[%swap3A_309, %swap3A_310] {strides = array<i32>} : memref<1x512xf32, #tpu.memory_space<vmem>>, vector<1x16xf32>,
    %swap3A_312 = vector.shape_cast %swap3A_311 : vector<1x16xf32> to vector<16xf32>
    %swap3A_313 = vector.shape_cast %scan3A_259#8 : vector<16xf32> to vector<1x16xf32>
    tpu.vector_store %arg10[%swap3A_309, %swap3A_310], %swap3A_313 {strides = array<i32>} : memref<1x512xf32, #tpu.memory_space<vmem>>, vector<1x16xf32>,
    %swap3A_314 = arith.constant 0 : i32
    %swap3A_315 = arith.index_cast %swap3A_314 : i32 to index
    %swap3A_316 = arith.constant 144 : index
    %swap3A_317 = tpu.vector_load %arg10[%swap3A_315, %swap3A_316] {strides = array<i32>} : memref<1x512xf32, #tpu.memory_space<vmem>>, vector<1x16xf32>,
    %swap3A_318 = vector.shape_cast %swap3A_317 : vector<1x16xf32> to vector<16xf32>
    %swap3A_319 = vector.shape_cast %scan3A_259#9 : vector<16xf32> to vector<1x16xf32>
    tpu.vector_store %arg10[%swap3A_315, %swap3A_316], %swap3A_319 {strides = array<i32>} : memref<1x512xf32, #tpu.memory_space<vmem>>, vector<1x16xf32>,
    %swap3A_320 = arith.constant 0 : i32
    %swap3A_321 = arith.index_cast %swap3A_320 : i32 to index
    %swap3A_322 = arith.constant 160 : index
    %swap3A_323 = tpu.vector_load %arg10[%swap3A_321, %swap3A_322] {strides = array<i32>} : memref<1x512xf32, #tpu.memory_space<vmem>>, vector<1x16xf32>,
    %swap3A_324 = vector.shape_cast %swap3A_323 : vector<1x16xf32> to vector<16xf32>
    %swap3A_325 = vector.shape_cast %scan3A_259#10 : vector<16xf32> to vector<1x16xf32>
    tpu.vector_store %arg10[%swap3A_321, %swap3A_322], %swap3A_325 {strides = array<i32>} : memref<1x512xf32, #tpu.memory_space<vmem>>, vector<1x16xf32>,
    %swap3A_326 = arith.constant 0 : i32
    %swap3A_327 = arith.index_cast %swap3A_326 : i32 to index
    %swap3A_328 = arith.constant 176 : index
    %swap3A_329 = tpu.vector_load %arg10[%swap3A_327, %swap3A_328] {strides = array<i32>} : memref<1x512xf32, #tpu.memory_space<vmem>>, vector<1x16xf32>,
    %swap3A_330 = vector.shape_cast %swap3A_329 : vector<1x16xf32> to vector<16xf32>
    %swap3A_331 = vector.shape_cast %scan3A_259#11 : vector<16xf32> to vector<1x16xf32>
    tpu.vector_store %arg10[%swap3A_327, %swap3A_328], %swap3A_331 {strides = array<i32>} : memref<1x512xf32, #tpu.memory_space<vmem>>, vector<1x16xf32>,
    %swap3A_332 = arith.constant 0 : i32
    %swap3A_333 = arith.index_cast %swap3A_332 : i32 to index
    %swap3A_334 = arith.constant 192 : index
    %swap3A_335 = tpu.vector_load %arg10[%swap3A_333, %swap3A_334] {strides = array<i32>} : memref<1x512xf32, #tpu.memory_space<vmem>>, vector<1x16xf32>,
    %swap3A_336 = vector.shape_cast %swap3A_335 : vector<1x16xf32> to vector<16xf32>
    %swap3A_337 = vector.shape_cast %scan3A_259#12 : vector<16xf32> to vector<1x16xf32>
    tpu.vector_store %arg10[%swap3A_333, %swap3A_334], %swap3A_337 {strides = array<i32>} : memref<1x512xf32, #tpu.memory_space<vmem>>, vector<1x16xf32>,
    %swap3A_338 = arith.constant 0 : i32
    %swap3A_339 = arith.index_cast %swap3A_338 : i32 to index
    %swap3A_340 = arith.constant 208 : index
    %swap3A_341 = tpu.vector_load %arg10[%swap3A_339, %swap3A_340] {strides = array<i32>} : memref<1x512xf32, #tpu.memory_space<vmem>>, vector<1x16xf32>,
    %swap3A_342 = vector.shape_cast %swap3A_341 : vector<1x16xf32> to vector<16xf32>
    %swap3A_343 = vector.shape_cast %scan3A_259#13 : vector<16xf32> to vector<1x16xf32>
    tpu.vector_store %arg10[%swap3A_339, %swap3A_340], %swap3A_343 {strides = array<i32>} : memref<1x512xf32, #tpu.memory_space<vmem>>, vector<1x16xf32>,
    %swap3A_344 = arith.constant 0 : i32
    %swap3A_345 = arith.index_cast %swap3A_344 : i32 to index
    %swap3A_346 = arith.constant 224 : index
    %swap3A_347 = tpu.vector_load %arg10[%swap3A_345, %swap3A_346] {strides = array<i32>} : memref<1x512xf32, #tpu.memory_space<vmem>>, vector<1x16xf32>,
    %swap3A_348 = vector.shape_cast %swap3A_347 : vector<1x16xf32> to vector<16xf32>
    %swap3A_349 = vector.shape_cast %scan3A_259#14 : vector<16xf32> to vector<1x16xf32>
    tpu.vector_store %arg10[%swap3A_345, %swap3A_346], %swap3A_349 {strides = array<i32>} : memref<1x512xf32, #tpu.memory_space<vmem>>, vector<1x16xf32>,
    %swap3A_350 = arith.constant 0 : i32
    %swap3A_351 = arith.index_cast %swap3A_350 : i32 to index
    %swap3A_352 = arith.constant 240 : index
    %swap3A_353 = tpu.vector_load %arg10[%swap3A_351, %swap3A_352] {strides = array<i32>} : memref<1x512xf32, #tpu.memory_space<vmem>>, vector<1x16xf32>,
    %swap3A_354 = vector.shape_cast %swap3A_353 : vector<1x16xf32> to vector<16xf32>
    %swap3A_355 = vector.shape_cast %scan3A_259#15 : vector<16xf32> to vector<1x16xf32>
    tpu.vector_store %arg10[%swap3A_351, %swap3A_352], %swap3A_355 {strides = array<i32>} : memref<1x512xf32, #tpu.memory_space<vmem>>, vector<1x16xf32>,
    %swap3A_356 = arith.constant 0 : i32
    %swap3A_357 = arith.index_cast %swap3A_356 : i32 to index
    %swap3A_358 = arith.constant 256 : index
    %swap3A_359 = tpu.vector_load %arg10[%swap3A_357, %swap3A_358] {strides = array<i32>} : memref<1x512xf32, #tpu.memory_space<vmem>>, vector<1x16xf32>,
    %swap3A_360 = vector.shape_cast %swap3A_359 : vector<1x16xf32> to vector<16xf32>
    %swap3A_361 = vector.shape_cast %scan3A_259#16 : vector<16xf32> to vector<1x16xf32>
    tpu.vector_store %arg10[%swap3A_357, %swap3A_358], %swap3A_361 {strides = array<i32>} : memref<1x512xf32, #tpu.memory_space<vmem>>, vector<1x16xf32>,
    %swap3A_362 = arith.constant 0 : i32
    %swap3A_363 = arith.index_cast %swap3A_362 : i32 to index
    %swap3A_364 = arith.constant 272 : index
    %swap3A_365 = tpu.vector_load %arg10[%swap3A_363, %swap3A_364] {strides = array<i32>} : memref<1x512xf32, #tpu.memory_space<vmem>>, vector<1x16xf32>,
    %swap3A_366 = vector.shape_cast %swap3A_365 : vector<1x16xf32> to vector<16xf32>
    %swap3A_367 = vector.shape_cast %scan3A_259#17 : vector<16xf32> to vector<1x16xf32>
    tpu.vector_store %arg10[%swap3A_363, %swap3A_364], %swap3A_367 {strides = array<i32>} : memref<1x512xf32, #tpu.memory_space<vmem>>, vector<1x16xf32>,
    %swap3A_368 = arith.constant 0 : i32
    %swap3A_369 = arith.index_cast %swap3A_368 : i32 to index
    %swap3A_370 = arith.constant 288 : index
    %swap3A_371 = tpu.vector_load %arg10[%swap3A_369, %swap3A_370] {strides = array<i32>} : memref<1x512xf32, #tpu.memory_space<vmem>>, vector<1x16xf32>,
    %swap3A_372 = vector.shape_cast %swap3A_371 : vector<1x16xf32> to vector<16xf32>
    %swap3A_373 = vector.shape_cast %scan3A_259#18 : vector<16xf32> to vector<1x16xf32>
    tpu.vector_store %arg10[%swap3A_369, %swap3A_370], %swap3A_373 {strides = array<i32>} : memref<1x512xf32, #tpu.memory_space<vmem>>, vector<1x16xf32>,
    %swap3A_374 = arith.constant 0 : i32
    %swap3A_375 = arith.index_cast %swap3A_374 : i32 to index
    %swap3A_376 = arith.constant 304 : index
    %swap3A_377 = tpu.vector_load %arg10[%swap3A_375, %swap3A_376] {strides = array<i32>} : memref<1x512xf32, #tpu.memory_space<vmem>>, vector<1x16xf32>,
    %swap3A_378 = vector.shape_cast %swap3A_377 : vector<1x16xf32> to vector<16xf32>
    %swap3A_379 = vector.shape_cast %scan3A_259#19 : vector<16xf32> to vector<1x16xf32>
    tpu.vector_store %arg10[%swap3A_375, %swap3A_376], %swap3A_379 {strides = array<i32>} : memref<1x512xf32, #tpu.memory_space<vmem>>, vector<1x16xf32>,
    %swap3A_380 = arith.constant 0 : i32
    %swap3A_381 = arith.index_cast %swap3A_380 : i32 to index
    %swap3A_382 = arith.constant 320 : index
    %swap3A_383 = tpu.vector_load %arg10[%swap3A_381, %swap3A_382] {strides = array<i32>} : memref<1x512xf32, #tpu.memory_space<vmem>>, vector<1x16xf32>,
    %swap3A_384 = vector.shape_cast %swap3A_383 : vector<1x16xf32> to vector<16xf32>
    %swap3A_385 = vector.shape_cast %scan3A_259#20 : vector<16xf32> to vector<1x16xf32>
    tpu.vector_store %arg10[%swap3A_381, %swap3A_382], %swap3A_385 {strides = array<i32>} : memref<1x512xf32, #tpu.memory_space<vmem>>, vector<1x16xf32>,
    %swap3A_386 = arith.constant 0 : i32
    %swap3A_387 = arith.index_cast %swap3A_386 : i32 to index
    %swap3A_388 = arith.constant 336 : index
    %swap3A_389 = tpu.vector_load %arg10[%swap3A_387, %swap3A_388] {strides = array<i32>} : memref<1x512xf32, #tpu.memory_space<vmem>>, vector<1x16xf32>,
    %swap3A_390 = vector.shape_cast %swap3A_389 : vector<1x16xf32> to vector<16xf32>
    %swap3A_391 = vector.shape_cast %scan3A_259#21 : vector<16xf32> to vector<1x16xf32>
    tpu.vector_store %arg10[%swap3A_387, %swap3A_388], %swap3A_391 {strides = array<i32>} : memref<1x512xf32, #tpu.memory_space<vmem>>, vector<1x16xf32>,
    %swap3A_392 = arith.constant 0 : i32
    %swap3A_393 = arith.index_cast %swap3A_392 : i32 to index
    %swap3A_394 = arith.constant 352 : index
    %swap3A_395 = tpu.vector_load %arg10[%swap3A_393, %swap3A_394] {strides = array<i32>} : memref<1x512xf32, #tpu.memory_space<vmem>>, vector<1x16xf32>,
    %swap3A_396 = vector.shape_cast %swap3A_395 : vector<1x16xf32> to vector<16xf32>
    %swap3A_397 = vector.shape_cast %scan3A_259#22 : vector<16xf32> to vector<1x16xf32>
    tpu.vector_store %arg10[%swap3A_393, %swap3A_394], %swap3A_397 {strides = array<i32>} : memref<1x512xf32, #tpu.memory_space<vmem>>, vector<1x16xf32>,
    %swap3A_398 = arith.constant 0 : i32
    %swap3A_399 = arith.index_cast %swap3A_398 : i32 to index
    %swap3A_400 = arith.constant 368 : index
    %swap3A_401 = tpu.vector_load %arg10[%swap3A_399, %swap3A_400] {strides = array<i32>} : memref<1x512xf32, #tpu.memory_space<vmem>>, vector<1x16xf32>,
    %swap3A_402 = vector.shape_cast %swap3A_401 : vector<1x16xf32> to vector<16xf32>
    %swap3A_403 = vector.shape_cast %scan3A_259#23 : vector<16xf32> to vector<1x16xf32>
    tpu.vector_store %arg10[%swap3A_399, %swap3A_400], %swap3A_403 {strides = array<i32>} : memref<1x512xf32, #tpu.memory_space<vmem>>, vector<1x16xf32>,
    %swap3A_404 = arith.constant 0 : i32
    %swap3A_405 = arith.index_cast %swap3A_404 : i32 to index
    %swap3A_406 = arith.constant 384 : index
    %swap3A_407 = tpu.vector_load %arg10[%swap3A_405, %swap3A_406] {strides = array<i32>} : memref<1x512xf32, #tpu.memory_space<vmem>>, vector<1x16xf32>,
    %swap3A_408 = vector.shape_cast %swap3A_407 : vector<1x16xf32> to vector<16xf32>
    %swap3A_409 = vector.shape_cast %scan3A_259#24 : vector<16xf32> to vector<1x16xf32>
    tpu.vector_store %arg10[%swap3A_405, %swap3A_406], %swap3A_409 {strides = array<i32>} : memref<1x512xf32, #tpu.memory_space<vmem>>, vector<1x16xf32>,
    %swap3A_410 = arith.constant 0 : i32
    %swap3A_411 = arith.index_cast %swap3A_410 : i32 to index
    %swap3A_412 = arith.constant 400 : index
    %swap3A_413 = tpu.vector_load %arg10[%swap3A_411, %swap3A_412] {strides = array<i32>} : memref<1x512xf32, #tpu.memory_space<vmem>>, vector<1x16xf32>,
    %swap3A_414 = vector.shape_cast %swap3A_413 : vector<1x16xf32> to vector<16xf32>
    %swap3A_415 = vector.shape_cast %scan3A_259#25 : vector<16xf32> to vector<1x16xf32>
    tpu.vector_store %arg10[%swap3A_411, %swap3A_412], %swap3A_415 {strides = array<i32>} : memref<1x512xf32, #tpu.memory_space<vmem>>, vector<1x16xf32>,
    %swap3A_416 = arith.constant 0 : i32
    %swap3A_417 = arith.index_cast %swap3A_416 : i32 to index
    %swap3A_418 = arith.constant 416 : index
    %swap3A_419 = tpu.vector_load %arg10[%swap3A_417, %swap3A_418] {strides = array<i32>} : memref<1x512xf32, #tpu.memory_space<vmem>>, vector<1x16xf32>,
    %swap3A_420 = vector.shape_cast %swap3A_419 : vector<1x16xf32> to vector<16xf32>
    %swap3A_421 = vector.shape_cast %scan3A_259#26 : vector<16xf32> to vector<1x16xf32>
    tpu.vector_store %arg10[%swap3A_417, %swap3A_418], %swap3A_421 {strides = array<i32>} : memref<1x512xf32, #tpu.memory_space<vmem>>, vector<1x16xf32>,
    %swap3A_422 = arith.constant 0 : i32
    %swap3A_423 = arith.index_cast %swap3A_422 : i32 to index
    %swap3A_424 = arith.constant 432 : index
    %swap3A_425 = tpu.vector_load %arg10[%swap3A_423, %swap3A_424] {strides = array<i32>} : memref<1x512xf32, #tpu.memory_space<vmem>>, vector<1x16xf32>,
    %swap3A_426 = vector.shape_cast %swap3A_425 : vector<1x16xf32> to vector<16xf32>
    %swap3A_427 = vector.shape_cast %scan3A_259#27 : vector<16xf32> to vector<1x16xf32>
    tpu.vector_store %arg10[%swap3A_423, %swap3A_424], %swap3A_427 {strides = array<i32>} : memref<1x512xf32, #tpu.memory_space<vmem>>, vector<1x16xf32>,
    %swap3A_428 = arith.constant 0 : i32
    %swap3A_429 = arith.index_cast %swap3A_428 : i32 to index
    %swap3A_430 = arith.constant 448 : index
    %swap3A_431 = tpu.vector_load %arg10[%swap3A_429, %swap3A_430] {strides = array<i32>} : memref<1x512xf32, #tpu.memory_space<vmem>>, vector<1x16xf32>,
    %swap3A_432 = vector.shape_cast %swap3A_431 : vector<1x16xf32> to vector<16xf32>
    %swap3A_433 = vector.shape_cast %scan3A_259#28 : vector<16xf32> to vector<1x16xf32>
    tpu.vector_store %arg10[%swap3A_429, %swap3A_430], %swap3A_433 {strides = array<i32>} : memref<1x512xf32, #tpu.memory_space<vmem>>, vector<1x16xf32>,
    %swap3A_434 = arith.constant 0 : i32
    %swap3A_435 = arith.index_cast %swap3A_434 : i32 to index
    %swap3A_436 = arith.constant 464 : index
    %swap3A_437 = tpu.vector_load %arg10[%swap3A_435, %swap3A_436] {strides = array<i32>} : memref<1x512xf32, #tpu.memory_space<vmem>>, vector<1x16xf32>,
    %swap3A_438 = vector.shape_cast %swap3A_437 : vector<1x16xf32> to vector<16xf32>
    %swap3A_439 = vector.shape_cast %scan3A_259#29 : vector<16xf32> to vector<1x16xf32>
    tpu.vector_store %arg10[%swap3A_435, %swap3A_436], %swap3A_439 {strides = array<i32>} : memref<1x512xf32, #tpu.memory_space<vmem>>, vector<1x16xf32>,
    %swap3A_440 = arith.constant 0 : i32
    %swap3A_441 = arith.index_cast %swap3A_440 : i32 to index
    %swap3A_442 = arith.constant 480 : index
    %swap3A_443 = tpu.vector_load %arg10[%swap3A_441, %swap3A_442] {strides = array<i32>} : memref<1x512xf32, #tpu.memory_space<vmem>>, vector<1x16xf32>,
    %swap3A_444 = vector.shape_cast %swap3A_443 : vector<1x16xf32> to vector<16xf32>
    %swap3A_445 = vector.shape_cast %scan3A_259#30 : vector<16xf32> to vector<1x16xf32>
    tpu.vector_store %arg10[%swap3A_441, %swap3A_442], %swap3A_445 {strides = array<i32>} : memref<1x512xf32, #tpu.memory_space<vmem>>, vector<1x16xf32>,
    %swap3A_446 = arith.constant 0 : i32
    %swap3A_447 = arith.index_cast %swap3A_446 : i32 to index
    %swap3A_448 = arith.constant 496 : index
    %swap3A_449 = tpu.vector_load %arg10[%swap3A_447, %swap3A_448] {strides = array<i32>} : memref<1x512xf32, #tpu.memory_space<vmem>>, vector<1x16xf32>,
    %swap3A_450 = vector.shape_cast %swap3A_449 : vector<1x16xf32> to vector<16xf32>
    %swap3A_451 = vector.shape_cast %scan3A_259#31 : vector<16xf32> to vector<1x16xf32>
    tpu.vector_store %arg10[%swap3A_447, %swap3A_448], %swap3A_451 {strides = array<i32>} : memref<1x512xf32, #tpu.memory_space<vmem>>, vector<1x16xf32>,
    %dma_start3A_452 = arith.constant 0 : i32
    %dma_start3A_453 = tpu.memref_slice %arg5[%add3A, %dma_start3A_452] : memref<32x512xf32, #tpu.memory_space<hbm>> -> memref<1x512xf32, #tpu.memory_space<hbm>>
    %dma_start3A_454 = arith.constant 0 : i32
    %dma_start3A_455 = tpu.memref_slice %arg5[%add3A, %dma_start3A_454] : memref<32x512xf32, #tpu.memory_space<hbm>> -> memref<1x512xf32, #tpu.memory_space<hbm>>
    tpu.enqueue_dma source(%arg10 : memref<1x512xf32, #tpu.memory_space<vmem>>) target(%dma_start3A_455 : memref<1x512xf32, #tpu.memory_space<hbm>>) target_semaphore(%arg11 : memref<!tpu.dma_semaphore, #tpu.memory_space<semaphore_mem>>)
    %dma_wait3A_456 = arith.constant 0 : i32
    %dma_wait3A_457 = tpu.memref_slice %arg4[%add3A_216, %dma_wait3A_456] : memref<16384x512xf32, #tpu.memory_space<hbm>> -> memref<64x512xf32, #tpu.memory_space<hbm>>
    %dma_wait3A_458 = arith.constant 0 : i32
    %dma_wait3A_459 = tpu.memref_slice %arg4[%add3A_216, %dma_wait3A_458] : memref<16384x512xf32, #tpu.memory_space<hbm>> -> memref<64x512xf32, #tpu.memory_space<hbm>>
    tpu.wait_dma2 semaphore(%arg16 : memref<!tpu.dma_semaphore, #tpu.memory_space<semaphore_mem>>) src(%arg9 : memref<64x512xf32, #tpu.memory_space<vmem>>) dst(%dma_wait3A_459 : memref<64x512xf32, #tpu.memory_space<hbm>>)
    %dma_wait3A_460 = arith.constant 0 : i32
    %dma_wait3A_461 = tpu.memref_slice %arg4[%add3A_233, %dma_wait3A_460] : memref<16384x512xf32, #tpu.memory_space<hbm>> -> memref<64x512xf32, #tpu.memory_space<hbm>>
    %dma_wait3A_462 = arith.constant 0 : i32
    %dma_wait3A_463 = tpu.memref_slice %arg4[%add3A_233, %dma_wait3A_462] : memref<16384x512xf32, #tpu.memory_space<hbm>> -> memref<64x512xf32, #tpu.memory_space<hbm>>
    tpu.wait_dma2 semaphore(%arg14 : memref<!tpu.dma_semaphore, #tpu.memory_space<semaphore_mem>>) src(%arg7 : memref<64x512xf32, #tpu.memory_space<vmem>>) dst(%dma_wait3A_463 : memref<64x512xf32, #tpu.memory_space<hbm>>)
    %dma_wait3A_464 = arith.constant 0 : i32
    %dma_wait3A_465 = tpu.memref_slice %arg4[%add3A_250, %dma_wait3A_464] : memref<16384x512xf32, #tpu.memory_space<hbm>> -> memref<64x512xf32, #tpu.memory_space<hbm>>
    %dma_wait3A_466 = arith.constant 0 : i32
    %dma_wait3A_467 = tpu.memref_slice %arg4[%add3A_250, %dma_wait3A_466] : memref<16384x512xf32, #tpu.memory_space<hbm>> -> memref<64x512xf32, #tpu.memory_space<hbm>>
    tpu.wait_dma2 semaphore(%arg15 : memref<!tpu.dma_semaphore, #tpu.memory_space<semaphore_mem>>) src(%arg8 : memref<64x512xf32, #tpu.memory_space<vmem>>) dst(%dma_wait3A_467 : memref<64x512xf32, #tpu.memory_space<hbm>>)
    %dma_wait3A_468 = arith.constant 0 : i32
    %dma_wait3A_469 = tpu.memref_slice %arg5[%add3A, %dma_wait3A_468] : memref<32x512xf32, #tpu.memory_space<hbm>> -> memref<1x512xf32, #tpu.memory_space<hbm>>
    %dma_wait3A_470 = arith.constant 0 : i32
    %dma_wait3A_471 = tpu.memref_slice %arg5[%add3A, %dma_wait3A_470] : memref<32x512xf32, #tpu.memory_space<hbm>> -> memref<1x512xf32, #tpu.memory_space<hbm>>
    tpu.wait_dma2 semaphore(%arg11 : memref<!tpu.dma_semaphore, #tpu.memory_space<semaphore_mem>>) src(%arg10 : memref<1x512xf32, #tpu.memory_space<vmem>>) dst(%dma_wait3A_471 : memref<1x512xf32, #tpu.memory_space<hbm>>)
    return
  }
}

module attributes {stable_mosaic.version = 14 : i64} {
  func.func @_weights_body(%arg0: i32, %arg1: memref<32x512xf32, #tpu.memory_space<vmem>>, %arg2: memref<512x512xf32, #tpu.memory_space<vmem>>, %arg3: memref<4096x512xf32, #tpu.memory_space<vmem>>, %arg4: memref<1x4096xf32, #tpu.memory_space<vmem>>, %arg5: memref<1x512xf32, #tpu.memory_space<vmem>>) attributes {dimension_semantics = [#tpu.dimension_semantics<arbitrary>], iteration_bounds = array<i64: 4>, scalar_prefetch = 0 : i64, scratch_operands = 1 : i64, tpu.core_type = #tpu.core_type<tc>, window_params = [{pipeline_mode = #tpu.pipeline_mode<synchronous>, transform_indices = @transform_0, window_bounds = array<i64: 32, 512>}, {pipeline_mode = #tpu.pipeline_mode<synchronous>, transform_indices = @transform_1, window_bounds = array<i64: 512, 512>}, {transform_indices = @transform_2, window_bounds = array<i64: 4096, 512>}, {transform_indices = @transform_3, window_bounds = array<i64: 1, 4096>}]} {
    %eq3A = arith.constant 0 : i32
    %eq3A_0 = arith.cmpi eq, %arg0, %eq3A : i32
    %convert_element_type3A = arith.extui %eq3A_0 : i1 to i32
    %cond3A = arith.constant 0 : i32
    %cond3A_1 = arith.cmpi ne, %convert_element_type3A, %cond3A : i32
    scf.if %cond3A_1 {
      %get3A_10 = arith.constant 0 : index
      %get3A_11 = arith.constant 0 : index
      %get3A_12 = vector.load %arg1[%get3A_10, %get3A_11] : memref<32x512xf32, #tpu.memory_space<vmem>>, vector<32x512xf32>
      %reduce_sum3A = arith.constant dense<0.000000e+00> : vector<512xf32>
      %reduce_sum3A_13 = vector.multi_reduction <add>, %get3A_12, %reduce_sum3A [0] : vector<32x512xf32> to vector<512xf32>
      %broadcast_in_dim3A = vector.shape_cast %reduce_sum3A_13 : vector<512xf32> to vector<1x512xf32>
      %mul3A = arith.constant 6.10351563E-5 : f32
      %mul3A_14 = vector.broadcast %mul3A : f32 to vector<1x512xf32>
      %mul3A_15 = arith.mulf %broadcast_in_dim3A, %mul3A_14 : vector<1x512xf32>
      %get3A_16 = arith.constant 0 : index
      %get3A_17 = arith.constant 0 : index
      %get3A_18 = vector.load %arg2[%get3A_16, %get3A_17] : memref<512x512xf32, #tpu.memory_space<vmem>>, vector<512x512xf32>
      %dot_general3A_19 = arith.constant dense<0.000000e+00> : vector<1x512xf32>
      %dot_general3A_20 = tpu.matmul %mul3A_15, %get3A_18, %dot_general3A_19 {dimension_numbers = #tpu.dot_dimension_numbers<[1], [1], [0], [0], [0, 0, 1, 0], [], []>, transpose_lhs_hint = false} : vector<1x512xf32>, vector<512x512xf32>, vector<1x512xf32> -> vector<1x512xf32>
      %swap3A_21 = arith.constant 0 : index
      %swap3A_22 = arith.constant 0 : index
      %swap3A_23 = vector.load %arg5[%swap3A_21, %swap3A_22] : memref<1x512xf32, #tpu.memory_space<vmem>>, vector<1x512xf32>
      tpu.vector_store %arg5[%swap3A_21, %swap3A_22], %dot_general3A_20 {strides = array<i32>} : memref<1x512xf32, #tpu.memory_space<vmem>>, vector<1x512xf32>,
    } else {
    }
    %get3A = arith.constant 0 : index
    %get3A_2 = arith.constant 0 : index
    %get3A_3 = vector.load %arg5[%get3A, %get3A_2] : memref<1x512xf32, #tpu.memory_space<vmem>>, vector<1x512xf32>
    %get3A_4 = arith.constant 0 : index
    %get3A_5 = arith.constant 0 : index
    %get3A_6 = vector.load %arg3[%get3A_4, %get3A_5] : memref<4096x512xf32, #tpu.memory_space<vmem>>, vector<4096x512xf32>
    %dot_general3A = arith.constant dense<0.000000e+00> : vector<1x4096xf32>
    %dot_general3A_7 = tpu.matmul %get3A_3, %get3A_6, %dot_general3A {dimension_numbers = #tpu.dot_dimension_numbers<[1], [1], [0], [0], [0, 0, 1, 0], [], []>, transpose_lhs_hint = false} : vector<1x512xf32>, vector<4096x512xf32>, vector<1x4096xf32> -> vector<1x4096xf32>
    %swap3A = arith.constant 0 : index
    %swap3A_8 = arith.constant 0 : index
    %swap3A_9 = vector.load %arg4[%swap3A, %swap3A_8] : memref<1x4096xf32, #tpu.memory_space<vmem>>, vector<1x4096xf32>
    tpu.vector_store %arg4[%swap3A, %swap3A_8], %dot_general3A_7 {strides = array<i32>} : memref<1x4096xf32, #tpu.memory_space<vmem>>, vector<1x4096xf32>,
    return
  }
  func.func @transform_0(%arg0: i32) -> (i32, i32) {
    %c0_i32 = arith.constant 0 : i32
    %c0_i32_0 = arith.constant 0 : i32
    %c0_i32_1 = arith.constant 0 : i32
    return %c0_i32, %c0_i32_0 : i32, i32
  }
  func.func @transform_1(%arg0: i32) -> (i32, i32) {
    %c0_i32 = arith.constant 0 : i32
    %c0_i32_0 = arith.constant 0 : i32
    %c0_i32_1 = arith.constant 0 : i32
    return %c0_i32, %c0_i32_0 : i32, i32
  }
  func.func @transform_2(%arg0: i32) -> (i32, i32) {
    %c0_i32 = arith.constant 0 : i32
    %c0_i32_0 = arith.constant 0 : i32
    return %arg0, %c0_i32 : i32, i32
  }
  func.func @transform_3(%arg0: i32) -> (i32, i32) {
    %c0_i32 = arith.constant 0 : i32
    %c0_i32_0 = arith.constant 0 : i32
    return %c0_i32, %arg0 : i32, i32
  }
}

</mosaic_0001>

<sc_bundles>
// kernel: kernel.4.cloned.1.call-start
scs
__scs_entry_jumppad:
0x0: {  	(pc) =	sbr.rel $0x88, $3  }
0x1: {  	(tag) =	ssettag $0x0;
	lr =	simm.s32 $0x1  }
0x2: {  	[smem:$0x3F9E] =	sst lr;
	_ =	strace $0xD0000000  }
0x3: {  	_ = 	snop  }
0x4: {  	_ = 	snop  }
0x5: {  	_ = 	snop  }
0x6: {  	_ = 	snop  }
0x7: {  	_ = 	snop  }
__scs_overlays_trampoline_lowered:
0x8: {  	[smem:$0x3FAD] =	sst s0  }
0x9: {  	[smem:$0x3FAE] =	sst s1  }
0xa: {  	[smem:$0x3FAF] =	sst s2  }
0xb: {  	[smem:$0x3FB0] =	sst s3  }
0xc: {  	[smem:$0x3FB1] =	sst s4  }
0xd: {  	[smem:$0x3FB2] =	sst s5  }
0xe: {  	[smem:$0x3FB3] =	sst s6  }
0xf: {  	[smem:$0x3FB4] =	sst s7  }
0x10: {  	[smem:$0x3FB5] =	sst s8  }
0x11: {  	[smem:$0x3FB6] =	sst s9;
	s0 =	simm.s32 @!p0 $0x0  }
0x12: {  	s1 =	sld [smem:$0x3F9C];
	s0 =	simm.s32 @p0 $0x1  }
0x13: {  	[smem:$0x3FB7] =	sst s0;
	s0 =	simm.s32 @!p1 $0x0  }
0x14: {  	s2 =	sld [smem:$0x3F9B];
	s0 =	simm.s32 @p1 $0x1  }
0x15: {  	[smem:$0x3FB8] =	sst s0;
	s0 =	simm.s32 @!p2 $0x0  }
0x16: {  	s3 =	sld [smem:$0x3FDB];
	s0 =	simm.s32 @p2 $0x1  }
0x17: {  	s4 =	simm.s32 $0x1BF5;
	[smem:$0x3FBA] =	sst s0  }
0x18: {  	s0 =	sld [smem:$0x3F9D];
	_ =	swait.ge [sflag:s4], $0x0  }
0x19: {  	s7 =	sld [smem:$0x3F9E]  }
0x1a: {  	s8 =	sadd.s32 $0xFFFFE003, lr  }
0x1b: {  	s9 =	sadd.s32 $0xFFFFFEF7, lr;
	s5 =	simm.s32 $0xFFFFFFFF;
	p2 =	slt.u32 s8, $0xFFFFF086  }
0x1c: {  	p1 =	slt.u32 s9, $0xF7A;
	s5 =	simm.s32 @!p2 $0x0  }
0x1d: {  	s5 =	simm.s32 @p1 $0x1;
	p0 =	seq.s32 s7, s2  }
0x1e: {  	s7 =	smul.u32 @!p0 $0xF7A, s2;
	p2 =	seq.s32 @!p0 s5, $0x0  }
0x1f: {  	s9 =	smul.u32 $0xF7A, s1;
	s8 =	simm.s32 @!p0 $0x1BF5;
	p2 =	por !p2, p0  }
0x20: {  	[sflag:s8] =	ssyncset.s32 @!p0 $0xFFFFF086;
	s6 =	sadd.s32 @!p0 s3, s7;
	s7 =	simm.s32 @!p0 $0x108  }
0x21: {  	s3 =	sadd.s32 s3, s9;
	s6 =	sadd.s32 @!p0 $0x88, s6;
	s7 =	simm.s32 @p2 $0x1082  }
0x22: {  	[simem:s7], [sflag:s8] =	dma.local @!p0 [hbm:s6], $0xF7A  }
0x23: {  	s9 =	sor.u32 $0xD0000000, s2;
	s6 =	simm.s32 $0x108;
	_ =	swait.ge @!p0 [sflag:s8], $0x0  }
0x24: {  	s3 =	sadd.s32 $0x88, s3;
	s6 =	simm.s32 @!p1 $0x1082;
	[sflag:s4] =	ssyncset.s32 $0xFFFFF086  }
0x25: {  	[simem:s6], [sflag:s4] =	dma.local [hbm:s3], $0xF7A  }
0x26: {  	[smem:$0x3F9E] =	sst s1;
	(tag) =	ssettag s2;
	_ =	strace s9  }
0x27: {  	s1 =	sld [smem:$0x3FAE]  }
0x28: {  	s2 =	sld [smem:$0x3FAF]  }
0x29: {  	s4 =	sld [smem:$0x3FB1]  }
0x2a: {  	p0 =	seq.s32 s5, $0x0;
	s5 =	sld [smem:$0x3FB2]  }
0x2b: {  	s6 =	sld [smem:$0x3FB3]  }
0x2c: {  	s7 =	sld [smem:$0x3FB4]  }
0x2d: {  	s3 =	simm.s32 $0x108;
	s8 =	sld [smem:$0x3FB5]  }
0x2e: {  	s3 =	simm.s32 @!p0 $0x1082;
	s9 =	sld [smem:$0x3FB6]  }
0x2f: {  	lr =	sadd.s32 s0, s3;
	s0 =	sld [smem:$0x3FAD]  }
0x30: {  	s3 =	sld [smem:$0x3FB0]  }
0x31: {  	[smem:$0x3FB9] =	sst s10  }
0x32: {  	s10 =	sld [smem:$0x3FB7];
	_ =	sdelay $0x3  }
0x33: {  	p0 =	seq.s32 s10, $0x1;
	s10 =	sld [smem:$0x3FB9];
	_ =	sdelay $0x3  }
0x34: {  	[smem:$0x3FB9] =	sst s10  }
0x35: {  	s10 =	sld [smem:$0x3FB8];
	_ =	sdelay $0x3  }
0x36: {  	p1 =	seq.s32 s10, $0x1;
	s10 =	sld [smem:$0x3FB9];
	_ =	sdelay $0x3  }
0x37: {  	[smem:$0x3FB9] =	sst s10  }
0x38: {  	s10 =	sld [smem:$0x3FBA]  }
0x39: {  	_ = 	snop;
	(pc) =	sbr.ind lr, $3  }
0x3a: {  	_ = 	snop  }
0x3b: {  	_ = 	snop  }
0x3c: {  	p2 =	seq.s32 s10, $0x1;
	s10 =	sld [smem:$0x3FB9]  }
0x3d: {  	_ =	shalt  }
0x3e: {  	_ =	shalt  }
0x3f: {  	_ =	shalt  }
0x40: {  	_ =	shalt  }
0x41: {  	_ =	shalt  }
0x42: {  	_ =	shalt  }
0x43: {  	_ =	shalt  }
0x44: {  	_ =	shalt  }
0x45: {  	_ =	shalt  }
0x46: {  	_ =	shalt  }
0x47: {  	_ =	shalt  }
0x48: {  	_ =	shalt  }
0x49: {  	_ =	shalt  }
0x4a: {  	_ =	shalt  }
0x4b: {  	_ =	shalt  }
0x4c: {  	_ =	shalt  }
0x4d: {  	_ =	shalt  }
0x4e: {  	_ =	shalt  }
0x4f: {  	_ =	shalt  }
0x50: {  	_ =	shalt  }
0x51: {  	_ =	shalt  }
0x52: {  	_ =	shalt  }
0x53: {  	_ =	shalt  }
0x54: {  	_ =	shalt  }
0x55: {  	_ =	shalt  }
0x56: {  	_ =	shalt  }
0x57: {  	_ =	shalt  }
0x58: {  	_ =	shalt  }
0x59: {  	_ =	shalt  }
0x5a: {  	_ =	shalt  }
0x5b: {  	_ =	shalt  }
0x5c: {  	_ =	shalt  }
0x5d: {  	_ =	shalt  }
0x5e: {  	_ =	shalt  }
0x5f: {  	_ =	shalt  }
0x60: {  	_ =	shalt  }
0x61: {  	_ =	shalt  }
0x62: {  	_ =	shalt  }
0x63: {  	_ =	shalt  }
0x64: {  	_ =	shalt  }
0x65: {  	_ =	shalt  }
0x66: {  	_ =	shalt  }
0x67: {  	_ =	shalt  }
0x68: {  	_ =	shalt  }
0x69: {  	_ =	shalt  }
0x6a: {  	_ =	shalt  }
0x6b: {  	_ =	shalt  }
0x6c: {  	_ =	shalt  }
0x6d: {  	_ =	shalt  }
0x6e: {  	_ =	shalt  }
0x6f: {  	_ =	shalt  }
0x70: {  	_ =	shalt  }
0x71: {  	_ =	shalt  }
0x72: {  	_ =	shalt  }
0x73: {  	_ =	shalt  }
0x74: {  	_ =	shalt  }
0x75: {  	_ =	shalt  }
0x76: {  	_ =	shalt  }
0x77: {  	_ =	shalt  }
0x78: {  	_ =	shalt  }
0x79: {  	_ =	shalt  }
0x7a: {  	_ =	shalt  }
0x7b: {  	_ =	shalt  }
0x7c: {  	_ =	shalt  }
0x7d: {  	_ =	shalt  }
0x7e: {  	_ =	shalt  }
0x7f: {  	_ =	shalt  }
0x80: {  	_ =	shalt  }
0x81: {  	_ =	shalt  }
0x82: {  	_ =	shalt  }
0x83: {  	_ =	shalt  }
0x84: {  	_ =	shalt  }
0x85: {  	_ =	shalt  }
0x86: {  	_ =	shalt  }
0x87: {  	_ =	shalt  }
.Lfunc_end0:
.L_simem_size_0:
called_computation_lowered:
.L_overlay_start_0:
0x88: {  	s2 =	sld [smem:$0x3FD9]  }
0x89: {  	s3 =	sld [smem:$0x3FFE];
	_ =	sdelay $0x1  }
0x8a: {  	s1 =	srdreg.scid  }
0x8b: {  	s0 =	sand.u32 $0x1, s1  }
0x8c: {  	s15 =	sshll.u32 s0, $0xA;
	s2 =	sadd.s32 s3, s2  }
0x8d: {  	s2 =	sadd.s32 s2, s15  }
0x8e: {  	[smem:$0x3FC5] =	sst s2  }
0x8f: {  	_ = 	snop  }
0x90: {  	s2 =	sld [smem:$0x3FD0];
	_ =	sdelay $0x1  }
0x91: {  	s16 =	sld [smem:$0x3FC9]  }
0x92: {  	s5 =	simm.s32 $0xA;
	s6 =	simm.s32 $0x10;
	s4 =	sld [smem:$0x3FC8]  }
0x93: {  	[smem:s6], [sflag:s5] =	dma.local [hbm:s2], $0x1  }
0x94: {  	_ =	swait.eq [sflag:s5], $0x1  }
0x95: {  	[sflag:s5] =	ssyncset.done $0x0  }
0x96: {  	s17 =	sld [smem:$0x10];
	[sflag:s5] =	ssyncadd.s32 $0xFFFFFFFF  }
0x97: {  	s18 =	sld [smem:$0x11];
	(tm) =	ssettm $0x1  }
0x98: {  	s19 =	sld [smem:$0x3FFB];
	_ =	sdelay $0x3  }
0x99: {  	_ =	strace s19  }
0x9a: {  	s6 =	sld [smem:$0x3FFC];
	_ =	sdelay $0x3  }
0x9b: {  	_ =	strace s6  }
0x9c: {  	s6 =	sld [smem:$0x3FFD];
	_ =	sdelay $0x3  }
0x9d: {  	_ =	strace s6  }
0x9e: {  	_ =	strace $0x8FFFFFFF  }
0x9f: {  	s20 =	sld [smem:$0x3FDB];
	_ =	sdelay $0x1  }
0xa0: {  	s7 =	simm.s32 $_scs_section_size  }
0xa1: {  	s8 =	simm.s32 $_size__tile_overlayer_lowered;
	s9 =	simm.s32 $_tile_overlayer_lowered  }
0xa2: {  	s23 =	simm.s32 $0x1BFF;
	s22 =	sshll.u32 s9, $0x1;
	s6 =	sadd.s32 s7, s20  }
0xa3: {  	s10 =	simm.s32 $0x0;
	s21 =	sshll.u32 s8, $0x1;
	s8 =	sadd.s32 s22, s6  }
0xa4: {  	[timem:s10], [sflag:s23] =	dma.local [hbm:s8], s21  }
0xa5: {  	_ =	swait.ge [sflag:s23], s21  }
0xa6: {  	s7 =	ssub.s32 $0x0, s21;
	[sflag:s23] =	ssyncset.done $0x0  }
0xa7: {  	[sflag:s23] =	ssyncadd.s32 s7;
	_ =	sdelay $0x1  }
0xa8: {  	s24 =	simm.s32 $0x1B8B  }
0xa9: {  	_ =	swait.ge [sflag:s24], $0x1  }
0xaa: {  	[sflag:s24] =	ssyncset.done $0x0  }
0xab: {  	s25 =	simm.s32 $0x1B8E;
	[sflag:s24] =	ssyncadd.s32 $0xFFFFFFFF  }
0xac: {  	s26 =	simm.s32 $execute0_lowered;
	[smem:$0x3FD2] =	sst s25  }
0xad: {  	s7 =	sshll.u32 s26, $0x1;
	_ =	strace $0x80000046;
	[dreg:$0x1] =	wrdreg $0xFFFFFFFF  }
0xae: {  	s28 =	simm.s32 $_size_execute0_lowered;
	s6 =	sadd.s32 s6, s7;
	[dreg:$0x0] =	wrdreg $0x0  }
0xaf: {  	s7 =	sshll.u32 s28, $0x1;
	[dreg:$0x2] =	wrdreg s6  }
0xb0: {  	[dreg:$0x3] =	wrdreg s7  }
0xb1: {  	[dreg:$0x4] =	wrdreg $0xC0  }
0xb2: {  	_ =	task [dreg:s10], $0x5FFFF  }
0xb3: {  	[dreg:$0x1] =	wrdreg $0xFFFFFFFF  }
0xb4: {  	[dreg:$0x0] =	wrdreg $0x60  }
0xb5: {  	[dreg:$0x2] =	wrdreg s16  }
0xb6: {  	[dreg:$0x3] =	wrdreg s4  }
0xb7: {  	[dreg:$0x4] =	wrdreg s17  }
0xb8: {  	[dreg:$0x5] =	wrdreg s18  }
0xb9: {  	[dreg:$0x6] =	wrdreg $0x9  }
0xba: {  	_ =	task.clear_ibuf [dreg:s10], $0x7FFFF;
	_ =	strace $0x90000046  }
0xbb: {  	s29 =	simm.s32 $0x9;
	_ =	strace $0x80000048  }
0xbc: {  	_ =	swait.ge [sflag:s29], $0x1  }
0xbd: {  	[sflag:s29] =	ssyncadd.s32 $0xFFFFFFFF  }
0xbe: {  	_ =	strace $0x90000048  }
0xbf: {  	_ =	sfence  }
0xc0: {  	s30 =	sld [smem:$0x0];
	_ =	sdelay $0x2  }
0xc1: {  	s31 =	sshll.u32 s1, $0xD;
	s1 =	sshrl.u32 s1, $0x2  }
0xc2: {  	s3 =	sand.u32 $0x4000, s31;
	s1 =	sadd.s32 s1, s30  }
0xc3: {  	s0 =	sor.u32 s3, s0;
	s1 =	sshll.u32 s1, $0x11  }
0xc4: {  	s0 =	sor.u32 s1, s0  }
0xc5: {  	s0 =	sadd.s32 $0x8F2B, s0  }
0xc6: {  	[sflag:s0] =	ssyncadd.remote.s32 $0x1  }
0xc7: {  	_ =	sfence.sel $0xFFFF  }
0xc8: {  	[dreg:$0x0] =	wrdreg $0xFFFFFFFF;
	(pc) =	sbr.abs _section_cstart, $3  }
0xc9: {  	[dreg:$0x1] =	wrdreg $0xFFFFFFFF  }
0xca: {  	_ =	task.clear_ibuf [dreg:s10], $0x2FFFF;
	_ =	strace $0x9FFFFFFF  }
0xcb: {  	(tm) =	ssettm $0x7FFFFFFF  }
tec
execute0_lowered:
.L_overlay_start_1:
0x0: {  	(tag) =	ssettag $0x1  }
0x1: {  	s0 =	rddreg [dreg:$0x0]  }
0x2: {  	s1 =	rddreg [dreg:$0x1]  }
0x3: {  	s2 =	rddreg [dreg:$0x2]  }
0x4: {  	s4 =	rddreg [dreg:$0x3];
	s5 =	srdreg.scid  }
0x5: {  	s6 =	stileid.u32;
	s3 =	simm.s32 $0x0;
	s11 =	simm.s32 $0xA200  }
0x6: {  	s12 =	simm.s32 $0xAA00;
	s28 =	simm.s32 $0x2;
	s29 =	simm.s32 $0x5  }
0x7: {  	s30 =	simm.s32 $0x3;
	s31 =	simm.s32 $0x6;
	s5 =	sand.u32 $0x1, s5  }
0x8: {  	s6 =	sshll.u32 s6, $0x1;
	[smem:$0x7FF] =	sst s3;
	s7 =	ssub.s32 $0x2, s5  }
0x9: {  	s6 =	sor.u32 s5, s6;
	_ =	strace $0x80000047;
	s13 =	sshrl.u32 s7, $0x1  }
0xa: {  	s8 =	sshll.u32 s6, $0x9;
	s14 =	sshll.u32 s6, $0x6;
	s15 =	sshll.u32 s6, $0xF  }
0xb: {  	s18 =	sshll.u32 s6, $0x7;
	s6 =	simm.s32 $0x8200;
	s7 =	ssub.s32 s7, s13  }
0xc: {  	s9 =	sor.u32 $0x40, s8;
	s5 =	sadd.s32 s0, s14;
	s16 =	sadd.s32 s2, s15  }
0xd: {  	s20 =	sand.u32 $0x3000, s8;
	s13 =	simm.s32 $0xB200;
	[dreg:$0x5] =	wrdreg s5  }
0xe: {  	s14 =	simm.s32 $0xBA00;
	s19 =	sadd.s32 $0x2000, s16;
	[dreg:$0x7] =	wrdreg s16  }
0xf: {  	s15 =	simm.s32 $0xC200;
	s21 =	sadd.s32 $0x3000, s16;
	[dreg:$0x9] =	wrdreg s19  }
0x10: {  	s5 =	sadd.s32 $0x100, s1;
	s22 =	sadd.s32 $0x4000, s16;
	[dreg:$0xa] =	wrdreg s21  }
0x11: {  	s10 =	sshrl.u32 s9, $0x3;
	s23 =	sadd.s32 $0x5000, s16;
	[dreg:$0xb] =	wrdreg s22  }
0x12: {  	s9 =	sshll.u32 s9, $0x6;
	s24 =	sadd.s32 $0x6000, s16;
	[dreg:$0xc] =	wrdreg s23  }
0x13: {  	s25 =	sadd.s32 $0x7000, s16;
	s26 =	smax.u32 s7, $0x1;
	[dreg:$0xd] =	wrdreg s24  }
0x14: {  	s16 =	simm.s32 $0xCA00;
	s7 =	simm.s32 $0xD200;
	[dreg:$0xe] =	wrdreg s25  }
0x15: {  	s0 =	sadd.s32 s0, s10;
	s17 =	sadd.s32 s2, s9;
	[dreg:$0x10] =	wrdreg s26  }
0x16: {  	s19 =	simm.s32 $0xDA00;
	s21 =	simm.s32 $0xEA00;
	s22 =	simm.s32 $0xF200  }
0x17: {  	v0 =	vlaneseq.u32;
	s23 =	simm.s32 $0xFA00;
	[dreg:$0x6] =	wrdreg s0;
	s0 =	sand.u32 $0x380, s18  }
0x18: {  	v1 =	vand.u32 $0x7, v0;
	v63 =	vshrl.u32 v0, $0x3;
	s24 =	simm.s32 $0x10200;
	s25 =	simm.s32 $0x1;
	s0 =	sor.u32 s0, s20  }
0x19: {  	v0 =	vor.u32 $0x8, v0;
	[tilespmem:$0x1FFD0] =	vst v1;
	v1 =	vmul.u32 $0x8, v63;
	s26 =	simm.s32 $0x4;
	[dreg:$0x8] =	wrdreg s17;
	s0 =	sshrl.u32 s0, $0x3  }
0x1a: {  	[tilespmem:$0x1FFF0] =	vst v0;
	s17 =	simm.s32 $0x7;
	s18 =	simm.s32 $0x200;
	s0 =	sadd.s32 s4, s0  }
0x1b: {  	vm0 =	vmmov $0xffff;
	[tilespmem:$0x1FFE0] =	vst v1;
	s20 =	simm.s32 $0xE200;
	[dreg:$0xf] =	wrdreg s0;
	s0 =	simm.s32 $0x0  }
.LBB2_1:
0x1c: {  	s2 =	rddreg [dreg:$0x5]  }
0x1d: {  	[tilespmem:s3], [sflag:$0x7] =	stream.linear.gather [hbm4b:s2+s3], $0x40, $0x38;
	[tilespmem:$0x18400] =	vst v63  }
0x1e: {  	_ =	swait.ge [sflag:s17], $0x40  }
0x1f: {  	[sflag:s17] =	ssyncset.done $0x0  }
0x20: {  	[sflag:s17] =	ssyncadd.s32 $0xFFFFFFC0  }
0x21: {  	v3 =	vld [tilespmem:$0x0];
	_ =	sdelay $0x2  }
0x22: {  	v0 =	vld [tilespmem:$0x1FFD0];
	_ =	sdelay $0x1  }
0x23: {  	v1 =	vld [tilespmem:$0x1FFE0];
	v4 =	vshll.u32 v3, $0x2  }
0x24: {  	v3 =	vand.u32 $0x7, v3;
	v4 =	vand.u32 $0xFFFFFFE0, v4  }
0x25: {  	v2 =	vld [tilespmem:$0x1FFF0];
	v3 =	vor.u32 v3, v4  }
0x26: {  	v4 =	vperm.xlane v3, v0;
	_ =	sdelay $0x1  }
0x27: {  	v4 =	vadd.s32 v1, v4;
	_ =	sdelay $0x1  }
0x28: {  	v3 =	vperm.xlane v3, v2;
	_ =	sdelay $0x1  }
0x29: {  	v3 =	vadd.s32 v1, v3  }
0x2a: {  	[tilespmem:s18], [sflag:$0x1] =	stream.indirect_vreg.gather [hbm4b:s1+s3], $0x80, v4, vm0, $0xb8;
	[tilespmem:$0x18400] =	vst v63  }
0x2b: {  	s10 =	simm.s32 $0xA00  }
0x2c: {  	[tilespmem:s10], [sflag:$0x1] =	stream.indirect_vreg.gather [hbm4b:s5+s3], $0x80, v4, vm0, $0xb8;
	[tilespmem:$0x18400] =	vst v63  }
0x2d: {  	s4 =	simm.s32 $0x1200  }
0x2e: {  	[tilespmem:s4], [sflag:$0x1] =	stream.indirect_vreg.gather [hbm4b:s1+s3], $0x80, v3, vm0, $0xb8;
	[tilespmem:$0x18400] =	vst v63  }
0x2f: {  	s8 =	simm.s32 $0x1A00  }
0x30: {  	[tilespmem:s8], [sflag:$0x1] =	stream.indirect_vreg.gather [hbm4b:s5+s3], $0x80, v3, vm0, $0xb8;
	[tilespmem:$0x18400] =	vst v63  }
0x31: {  	v3 =	vld [tilespmem:$0x10];
	_ =	sdelay $0x4  }
0x32: {  	v4 =	vshll.u32 v3, $0x2  }
0x33: {  	v3 =	vand.u32 $0x7, v3;
	v4 =	vand.u32 $0xFFFFFFE0, v4  }
0x34: {  	v3 =	vor.u32 v3, v4  }
0x35: {  	v4 =	vperm.xlane v3, v0;
	_ =	sdelay $0x1  }
0x36: {  	v4 =	vadd.s32 v1, v4;
	_ =	sdelay $0x1  }
0x37: {  	v3 =	vperm.xlane v3, v2;
	_ =	sdelay $0x1  }
0x38: {  	s9 =	simm.s32 $0x2200;
	v3 =	vadd.s32 v1, v3  }
0x39: {  	[tilespmem:s9], [sflag:$0x1] =	stream.indirect_vreg.gather [hbm4b:s1+s3], $0x80, v4, vm0, $0xb8;
	[tilespmem:$0x18400] =	vst v63  }
0x3a: {  	s10 =	simm.s32 $0x2A00  }
0x3b: {  	[tilespmem:s10], [sflag:$0x1] =	stream.indirect_vreg.gather [hbm4b:s5+s3], $0x80, v4, vm0, $0xb8;
	[tilespmem:$0x18400] =	vst v63  }
0x3c: {  	s4 =	simm.s32 $0x3200  }
0x3d: {  	[tilespmem:s4], [sflag:$0x1] =	stream.indirect_vreg.gather [hbm4b:s1+s3], $0x80, v3, vm0, $0xb8;
	[tilespmem:$0x18400] =	vst v63  }
0x3e: {  	s8 =	simm.s32 $0x3A00  }
0x3f: {  	[tilespmem:s8], [sflag:$0x1] =	stream.indirect_vreg.gather [hbm4b:s5+s3], $0x80, v3, vm0, $0xb8;
	[tilespmem:$0x18400] =	vst v63  }
0x40: {  	v3 =	vld [tilespmem:$0x20];
	_ =	sdelay $0x4  }
0x41: {  	v4 =	vshll.u32 v3, $0x2  }
0x42: {  	v3 =	vand.u32 $0x7, v3;
	v4 =	vand.u32 $0xFFFFFFE0, v4  }
0x43: {  	v3 =	vor.u32 v3, v4  }
0x44: {  	v4 =	vperm.xlane v3, v0;
	_ =	sdelay $0x1  }
0x45: {  	v4 =	vadd.s32 v1, v4;
	_ =	sdelay $0x1  }
0x46: {  	v3 =	vperm.xlane v3, v2;
	_ =	sdelay $0x1  }
0x47: {  	s9 =	simm.s32 $0x4200;
	v3 =	vadd.s32 v1, v3  }
0x48: {  	[tilespmem:s9], [sflag:$0x1] =	stream.indirect_vreg.gather [hbm4b:s1+s3], $0x80, v4, vm0, $0xb8;
	[tilespmem:$0x18400] =	vst v63  }
0x49: {  	s10 =	simm.s32 $0x4A00  }
0x4a: {  	[tilespmem:s10], [sflag:$0x1] =	stream.indirect_vreg.gather [hbm4b:s5+s3], $0x80, v4, vm0, $0xb8;
	[tilespmem:$0x18400] =	vst v63  }
0x4b: {  	s4 =	simm.s32 $0x5200  }
0x4c: {  	[tilespmem:s4], [sflag:$0x1] =	stream.indirect_vreg.gather [hbm4b:s1+s3], $0x80, v3, vm0, $0xb8;
	[tilespmem:$0x18400] =	vst v63  }
0x4d: {  	s8 =	simm.s32 $0x5A00  }
0x4e: {  	[tilespmem:s8], [sflag:$0x1] =	stream.indirect_vreg.gather [hbm4b:s5+s3], $0x80, v3, vm0, $0xb8;
	[tilespmem:$0x18400] =	vst v63  }
0x4f: {  	v3 =	vld [tilespmem:$0x30];
	_ =	sdelay $0x4  }
0x50: {  	v4 =	vshll.u32 v3, $0x2  }
0x51: {  	v3 =	vand.u32 $0x7, v3;
	v4 =	vand.u32 $0xFFFFFFE0, v4  }
0x52: {  	v3 =	vor.u32 v3, v4  }
0x53: {  	v4 =	vperm.xlane v3, v0;
	_ =	sdelay $0x1  }
0x54: {  	v4 =	vadd.s32 v1, v4;
	_ =	sdelay $0x1  }
0x55: {  	v3 =	vperm.xlane v3, v2;
	_ =	sdelay $0x1  }
0x56: {  	s9 =	simm.s32 $0x6200;
	v3 =	vadd.s32 v1, v3  }
0x57: {  	[tilespmem:s9], [sflag:$0x1] =	stream.indirect_vreg.gather [hbm4b:s1+s3], $0x80, v4, vm0, $0xb8;
	[tilespmem:$0x18400] =	vst v63  }
0x58: {  	s10 =	simm.s32 $0x6A00  }
0x59: {  	[tilespmem:s10], [sflag:$0x1] =	stream.indirect_vreg.gather [hbm4b:s5+s3], $0x80, v4, vm0, $0xb8;
	[tilespmem:$0x18400] =	vst v63  }
0x5a: {  	s4 =	simm.s32 $0x7200  }
0x5b: {  	[tilespmem:s4], [sflag:$0x1] =	stream.indirect_vreg.gather [hbm4b:s1+s3], $0x80, v3, vm0, $0xb8;
	[tilespmem:$0x18400] =	vst v63  }
0x5c: {  	s8 =	simm.s32 $0x7A00  }
0x5d: {  	[tilespmem:s8], [sflag:$0x1] =	stream.indirect_vreg.gather [hbm4b:s5+s3], $0x80, v3, vm0, $0xb8;
	[tilespmem:$0x18400] =	vst v63  }
0x5e: {  	s9 =	rddreg [dreg:$0x6];
	s4 =	simm.s32 $0x40  }
0x5f: {  	[tilespmem:s4], [sflag:$0x7] =	stream.linear.gather [hbm4b:s9+s3], $0x1C0, $0x38;
	[tilespmem:$0x18400] =	vst v63  }
0x60: {  	_ =	swait.ge [sflag:s17], $0x1C0  }
0x61: {  	[sflag:s17] =	ssyncset.done $0x0  }
0x62: {  	[sflag:s17] =	ssyncadd.s32 $0xFFFFFE40  }
0x63: {  	v3 =	vld [tilespmem:$0x40];
	_ =	sdelay $0x4  }
0x64: {  	v4 =	vshll.u32 v3, $0x2  }
0x65: {  	v3 =	vand.u32 $0x7, v3;
	v4 =	vand.u32 $0xFFFFFFE0, v4  }
0x66: {  	v3 =	vor.u32 v3, v4  }
0x67: {  	v4 =	vperm.xlane v3, v0;
	_ =	sdelay $0x1  }
0x68: {  	v4 =	vadd.s32 v1, v4;
	_ =	sdelay $0x1  }
0x69: {  	v3 =	vperm.xlane v3, v2;
	_ =	sdelay $0x1  }
0x6a: {  	v3 =	vadd.s32 v1, v3  }
0x6b: {  	[tilespmem:s6], [sflag:$0x2] =	stream.indirect_vreg.gather [hbm4b:s1+s3], $0x80, v4, vm0, $0xb8;
	[tilespmem:$0x18400] =	vst v63  }
0x6c: {  	s10 =	simm.s32 $0x8A00  }
0x6d: {  	[tilespmem:s10], [sflag:$0x2] =	stream.indirect_vreg.gather [hbm4b:s5+s3], $0x80, v4, vm0, $0xb8;
	[tilespmem:$0x18400] =	vst v63  }
0x6e: {  	s4 =	simm.s32 $0x9200  }
0x6f: {  	[tilespmem:s4], [sflag:$0x2] =	stream.indirect_vreg.gather [hbm4b:s1+s3], $0x80, v3, vm0, $0xb8;
	[tilespmem:$0x18400] =	vst v63  }
0x70: {  	s8 =	simm.s32 $0x9A00  }
0x71: {  	[tilespmem:s8], [sflag:$0x2] =	stream.indirect_vreg.gather [hbm4b:s5+s3], $0x80, v3, vm0, $0xb8;
	[tilespmem:$0x18400] =	vst v63  }
0x72: {  	v3 =	vld [tilespmem:$0x50];
	_ =	sdelay $0x4  }
0x73: {  	v4 =	vshll.u32 v3, $0x2  }
0x74: {  	v3 =	vand.u32 $0x7, v3;
	v4 =	vand.u32 $0xFFFFFFE0, v4  }
0x75: {  	v3 =	vor.u32 v3, v4  }
0x76: {  	v4 =	vperm.xlane v3, v0;
	_ =	sdelay $0x1  }
0x77: {  	v4 =	vadd.s32 v1, v4;
	_ =	sdelay $0x1  }
0x78: {  	v3 =	vperm.xlane v3, v2;
	_ =	sdelay $0x1  }
0x79: {  	v3 =	vadd.s32 v1, v3  }
0x7a: {  	[tilespmem:s11], [sflag:$0x2] =	stream.indirect_vreg.gather [hbm4b:s1+s3], $0x80, v4, vm0, $0xb8;
	[tilespmem:$0x18400] =	vst v63  }
0x7b: {  	_ = 	snop  }
0x7c: {  	[tilespmem:s12], [sflag:$0x2] =	stream.indirect_vreg.gather [hbm4b:s5+s3], $0x80, v4, vm0, $0xb8;
	[tilespmem:$0x18400] =	vst v63  }
0x7d: {  	_ = 	snop  }
0x7e: {  	[tilespmem:s13], [sflag:$0x2] =	stream.indirect_vreg.gather [hbm4b:s1+s3], $0x80, v3, vm0, $0xb8;
	[tilespmem:$0x18400] =	vst v63  }
0x7f: {  	_ = 	snop  }
0x80: {  	[tilespmem:s14], [sflag:$0x2] =	stream.indirect_vreg.gather [hbm4b:s5+s3], $0x80, v3, vm0, $0xb8;
	[tilespmem:$0x18400] =	vst v63  }
0x81: {  	v3 =	vld [tilespmem:$0x60];
	_ =	sdelay $0x4  }
0x82: {  	v4 =	vshll.u32 v3, $0x2  }
0x83: {  	v3 =	vand.u32 $0x7, v3;
	v4 =	vand.u32 $0xFFFFFFE0, v4  }
0x84: {  	v3 =	vor.u32 v3, v4  }
0x85: {  	v4 =	vperm.xlane v3, v0;
	_ =	sdelay $0x1  }
0x86: {  	v4 =	vadd.s32 v1, v4;
	_ =	sdelay $0x1  }
0x87: {  	v3 =	vperm.xlane v3, v2;
	_ =	sdelay $0x1  }
0x88: {  	v3 =	vadd.s32 v1, v3  }
0x89: {  	[tilespmem:s15], [sflag:$0x2] =	stream.indirect_vreg.gather [hbm4b:s1+s3], $0x80, v4, vm0, $0xb8;
	[tilespmem:$0x18400] =	vst v63  }
0x8a: {  	_ = 	snop  }
0x8b: {  	[tilespmem:s16], [sflag:$0x2] =	stream.indirect_vreg.gather [hbm4b:s5+s3], $0x80, v4, vm0, $0xb8;
	[tilespmem:$0x18400] =	vst v63  }
0x8c: {  	_ = 	snop  }
0x8d: {  	[tilespmem:s7], [sflag:$0x2] =	stream.indirect_vreg.gather [hbm4b:s1+s3], $0x80, v3, vm0, $0xb8;
	[tilespmem:$0x18400] =	vst v63  }
0x8e: {  	_ = 	snop  }
0x8f: {  	[tilespmem:s19], [sflag:$0x2] =	stream.indirect_vreg.gather [hbm4b:s5+s3], $0x80, v3, vm0, $0xb8;
	[tilespmem:$0x18400] =	vst v63  }
0x90: {  	v3 =	vld [tilespmem:$0x70];
	_ =	sdelay $0x4  }
0x91: {  	v4 =	vshll.u32 v3, $0x2  }
0x92: {  	v3 =	vand.u32 $0x7, v3;
	v4 =	vand.u32 $0xFFFFFFE0, v4  }
0x93: {  	v3 =	vor.u32 v3, v4  }
0x94: {  	v4 =	vperm.xlane v3, v0;
	_ =	sdelay $0x1  }
0x95: {  	v4 =	vadd.s32 v1, v4;
	_ =	sdelay $0x1  }
0x96: {  	v3 =	vperm.xlane v3, v2;
	_ =	sdelay $0x1  }
0x97: {  	v3 =	vadd.s32 v1, v3  }
0x98: {  	[tilespmem:s20], [sflag:$0x2] =	stream.indirect_vreg.gather [hbm4b:s1+s3], $0x80, v4, vm0, $0xb8;
	[tilespmem:$0x18400] =	vst v63  }
0x99: {  	_ = 	snop  }
0x9a: {  	[tilespmem:s21], [sflag:$0x2] =	stream.indirect_vreg.gather [hbm4b:s5+s3], $0x80, v4, vm0, $0xb8;
	[tilespmem:$0x18400] =	vst v63  }
0x9b: {  	_ = 	snop  }
0x9c: {  	[tilespmem:s22], [sflag:$0x2] =	stream.indirect_vreg.gather [hbm4b:s1+s3], $0x80, v3, vm0, $0xb8;
	[tilespmem:$0x18400] =	vst v63  }
0x9d: {  	_ = 	snop  }
0x9e: {  	[tilespmem:s23], [sflag:$0x2] =	stream.indirect_vreg.gather [hbm4b:s5+s3], $0x80, v3, vm0, $0xb8;
	[tilespmem:$0x18400] =	vst v63  }
0x9f: {  	v3 =	vld [tilespmem:$0x80];
	_ =	sdelay $0x4  }
0xa0: {  	v4 =	vshll.u32 v3, $0x2  }
0xa1: {  	v3 =	vand.u32 $0x7, v3;
	v4 =	vand.u32 $0xFFFFFFE0, v4  }
0xa2: {  	v3 =	vor.u32 v3, v4  }
0xa3: {  	v4 =	vperm.xlane v3, v0;
	_ =	sdelay $0x1  }
0xa4: {  	v4 =	vadd.s32 v1, v4;
	_ =	sdelay $0x1  }
0xa5: {  	v3 =	vperm.xlane v3, v2;
	_ =	sdelay $0x1  }
0xa6: {  	v3 =	vadd.s32 v1, v3  }
0xa7: {  	[tilespmem:s24], [sflag:$0x3] =	stream.indirect_vreg.gather [hbm4b:s1+s3], $0x80, v4, vm0, $0xb8;
	[tilespmem:$0x18400] =	vst v63  }
0xa8: {  	s9 =	simm.s32 $0x10A00  }
0xa9: {  	[tilespmem:s9], [sflag:$0x3] =	stream.indirect_vreg.gather [hbm4b:s5+s3], $0x80, v4, vm0, $0xb8;
	[tilespmem:$0x18400] =	vst v63  }
0xaa: {  	s10 =	simm.s32 $0x11200  }
0xab: {  	[tilespmem:s10], [sflag:$0x3] =	stream.indirect_vreg.gather [hbm4b:s1+s3], $0x80, v3, vm0, $0xb8;
	[tilespmem:$0x18400] =	vst v63  }
0xac: {  	s4 =	simm.s32 $0x11A00  }
0xad: {  	[tilespmem:s4], [sflag:$0x3] =	stream.indirect_vreg.gather [hbm4b:s5+s3], $0x80, v3, vm0, $0xb8;
	[tilespmem:$0x18400] =	vst v63  }
0xae: {  	v3 =	vld [tilespmem:$0x90];
	_ =	sdelay $0x4  }
0xaf: {  	v4 =	vshll.u32 v3, $0x2  }
0xb0: {  	v3 =	vand.u32 $0x7, v3;
	v4 =	vand.u32 $0xFFFFFFE0, v4  }
0xb1: {  	v3 =	vor.u32 v3, v4  }
0xb2: {  	v4 =	vperm.xlane v3, v0;
	_ =	sdelay $0x1  }
0xb3: {  	v4 =	vadd.s32 v1, v4;
	_ =	sdelay $0x1  }
0xb4: {  	v3 =	vperm.xlane v3, v2;
	_ =	sdelay $0x1  }
0xb5: {  	s8 =	simm.s32 $0x12200;
	v3 =	vadd.s32 v1, v3  }
0xb6: {  	[tilespmem:s8], [sflag:$0x3] =	stream.indirect_vreg.gather [hbm4b:s1+s3], $0x80, v4, vm0, $0xb8;
	[tilespmem:$0x18400] =	vst v63  }
0xb7: {  	s9 =	simm.s32 $0x12A00  }
0xb8: {  	[tilespmem:s9], [sflag:$0x3] =	stream.indirect_vreg.gather [hbm4b:s5+s3], $0x80, v4, vm0, $0xb8;
	[tilespmem:$0x18400] =	vst v63  }
0xb9: {  	s10 =	simm.s32 $0x13200  }
0xba: {  	[tilespmem:s10], [sflag:$0x3] =	stream.indirect_vreg.gather [hbm4b:s1+s3], $0x80, v3, vm0, $0xb8;
	[tilespmem:$0x18400] =	vst v63  }
0xbb: {  	s4 =	simm.s32 $0x13A00  }
0xbc: {  	[tilespmem:s4], [sflag:$0x3] =	stream.indirect_vreg.gather [hbm4b:s5+s3], $0x80, v3, vm0, $0xb8;
	[tilespmem:$0x18400] =	vst v63  }
0xbd: {  	v3 =	vld [tilespmem:$0xA0];
	_ =	sdelay $0x4  }
0xbe: {  	v4 =	vshll.u32 v3, $0x2  }
0xbf: {  	v3 =	vand.u32 $0x7, v3;
	v4 =	vand.u32 $0xFFFFFFE0, v4  }
0xc0: {  	v3 =	vor.u32 v3, v4  }
0xc1: {  	v4 =	vperm.xlane v3, v0;
	_ =	sdelay $0x1  }
0xc2: {  	v4 =	vadd.s32 v1, v4;
	_ =	sdelay $0x1  }
0xc3: {  	v3 =	vperm.xlane v3, v2;
	_ =	sdelay $0x1  }
0xc4: {  	s8 =	simm.s32 $0x14200;
	v3 =	vadd.s32 v1, v3  }
0xc5: {  	[tilespmem:s8], [sflag:$0x3] =	stream.indirect_vreg.gather [hbm4b:s1+s3], $0x80, v4, vm0, $0xb8;
	[tilespmem:$0x18400] =	vst v63  }
0xc6: {  	s9 =	simm.s32 $0x14A00  }
0xc7: {  	[tilespmem:s9], [sflag:$0x3] =	stream.indirect_vreg.gather [hbm4b:s5+s3], $0x80, v4, vm0, $0xb8;
	[tilespmem:$0x18400] =	vst v63  }
0xc8: {  	s10 =	simm.s32 $0x15200  }
0xc9: {  	[tilespmem:s10], [sflag:$0x3] =	stream.indirect_vreg.gather [hbm4b:s1+s3], $0x80, v3, vm0, $0xb8;
	[tilespmem:$0x18400] =	vst v63  }
0xca: {  	s4 =	simm.s32 $0x15A00  }
0xcb: {  	[tilespmem:s4], [sflag:$0x3] =	stream.indirect_vreg.gather [hbm4b:s5+s3], $0x80, v3, vm0, $0xb8;
	[tilespmem:$0x18400] =	vst v63  }
0xcc: {  	v3 =	vld [tilespmem:$0xB0];
	_ =	sdelay $0x4  }
0xcd: {  	v4 =	vshll.u32 v3, $0x2  }
0xce: {  	v3 =	vand.u32 $0x7, v3;
	v4 =	vand.u32 $0xFFFFFFE0, v4  }
0xcf: {  	v3 =	vor.u32 v3, v4  }
0xd0: {  	v4 =	vperm.xlane v3, v0;
	_ =	sdelay $0x1  }
0xd1: {  	v4 =	vadd.s32 v1, v4;
	_ =	sdelay $0x1  }
0xd2: {  	v3 =	vperm.xlane v3, v2;
	_ =	sdelay $0x1  }
0xd3: {  	s8 =	simm.s32 $0x16200;
	v3 =	vadd.s32 v1, v3  }
0xd4: {  	[tilespmem:s8], [sflag:$0x3] =	stream.indirect_vreg.gather [hbm4b:s1+s3], $0x80, v4, vm0, $0xb8;
	[tilespmem:$0x18400] =	vst v63  }
0xd5: {  	s9 =	simm.s32 $0x16A00  }
0xd6: {  	[tilespmem:s9], [sflag:$0x3] =	stream.indirect_vreg.gather [hbm4b:s5+s3], $0x80, v4, vm0, $0xb8;
	[tilespmem:$0x18400] =	vst v63  }
0xd7: {  	s10 =	simm.s32 $0x17200  }
0xd8: {  	[tilespmem:s10], [sflag:$0x3] =	stream.indirect_vreg.gather [hbm4b:s1+s3], $0x80, v3, vm0, $0xb8;
	[tilespmem:$0x18400] =	vst v63  }
0xd9: {  	s4 =	simm.s32 $0x17A00  }
0xda: {  	[tilespmem:s4], [sflag:$0x3] =	stream.indirect_vreg.gather [hbm4b:s5+s3], $0x80, v3, vm0, $0xb8;
	[tilespmem:$0x18400] =	vst v63  }
0xdb: {  	_ =	swait.ge [sflag:s25], $0x8000  }
0xdc: {  	s9 =	sand.u32 $0x7000, s3;
	s10 =	sand.u32 $0x380, s3;
	[sflag:s25] =	ssyncset.done $0x0  }
0xdd: {  	s2 =	sor.u32 s10, s9;
	s8 =	rddreg [dreg:$0x7];
	[sflag:s25] =	ssyncadd.s32 $0xFFFF8000  }
0xde: {  	[hbm4b:s8+s3] =	stream.linear.scatter [tilespmem:s18], [sflag:$0x4], $0x8000, $0x38;
	[tilespmem:$0x18400] =	vst v63  }
0xdf: {  	v3 =	vld [tilespmem:s2+$0xE70]  }
0xe0: {  	v4 =	vld [tilespmem:s2+$0x200]  }
0xe1: {  	v6 =	vld [tilespmem:s2+$0x210]  }
0xe2: {  	v7 =	vld [tilespmem:s2+$0x220]  }
0xe3: {  	v8 =	vld [tilespmem:s2+$0x230]  }
0xe4: {  	v9 =	vld [tilespmem:s2+$0x240]  }
0xe5: {  	v10 =	vld [tilespmem:s2+$0x250]  }
0xe6: {  	v11 =	vld [tilespmem:s2+$0x260]  }
0xe7: {  	v12 =	vld [tilespmem:s2+$0x270]  }
0xe8: {  	v13 =	vld [tilespmem:s2+$0x600]  }
0xe9: {  	v14 =	vld [tilespmem:s2+$0x610]  }
0xea: {  	v15 =	vld [tilespmem:s2+$0x620]  }
0xeb: {  	v16 =	vld [tilespmem:s2+$0x630]  }
0xec: {  	v17 =	vld [tilespmem:s2+$0x640]  }
0xed: {  	v18 =	vld [tilespmem:s2+$0x650]  }
0xee: {  	v26 =	vld [tilespmem:s2+$0x660]  }
0xef: {  	v29 =	vimm.f32 $0.0e+00;
	v27 =	vld [tilespmem:s2+$0x670]  }
0xf0: {  	v28 =	vld [tilespmem:s2+$0xA20];
	v5 =	vadd.f32 v3, v29  }
0xf1: {  	v30 =	vld [tilespmem:s2+$0xA30];
	v19 =	vadd.f32 v4, v29;
	v6 =	vadd.f32 v6, v29  }
0xf2: {  	v31 =	vld [tilespmem:s2+$0xA40];
	v20 =	vadd.f32 v7, v29;
	v7 =	vadd.f32 v8, v29  }
0xf3: {  	v33 =	vld [tilespmem:s2+$0xA60];
	v21 =	vadd.f32 v9, v29;
	v8 =	vadd.f32 v10, v29  }
0xf4: {  	v34 =	vld [tilespmem:s2+$0xE00];
	v22 =	vadd.f32 v11, v29;
	v9 =	vadd.f32 v12, v29  }
0xf5: {  	v3 =	vld [tilespmem:s2+$0xA00];
	v23 =	vadd.f32 v13, v29;
	v10 =	vadd.f32 v14, v29  }
0xf6: {  	v4 =	vld [tilespmem:s2+$0xA10];
	v24 =	vadd.f32 v15, v29;
	v11 =	vadd.f32 v16, v29  }
0xf7: {  	v32 =	vld [tilespmem:s2+$0xA50];
	v25 =	vadd.f32 v17, v29;
	v12 =	vadd.f32 v18, v29  }
0xf8: {  	v18 =	vld [tilespmem:s2+$0xA70];
	v26 =	vadd.f32 v26, v29;
	v13 =	vadd.f32 v27, v29  }
0xf9: {  	v35 =	vld [tilespmem:s2+$0xE10];
	v15 =	vadd.f32 v28, v29;
	v16 =	vadd.f32 v31, v29  }
0xfa: {  	v36 =	vld [tilespmem:s2+$0xE20];
	v17 =	vadd.f32 v33, v29;
	v28 =	vadd.f32 v34, v29;
	v31 =	vimm.f32 $0.0e+00  }
0xfb: {  	v37 =	vld [tilespmem:s2+$0xE30];
	v34 =	vimm.f32 $0.0e+00;
	v27 =	vadd.f32 v3, v29;
	v14 =	vadd.f32 v4, v29  }
0xfc: {  	s4 =	simm.s32 $0x80;
	s8 =	simm.s32 $0x200;
	v38 =	vld [tilespmem:s2+$0xE40];
	v33 =	vimm.f32 $0.0e+00;
	v3 =	vadd.f32 v30, v29;
	v4 =	vadd.f32 v32, v29  }
0xfd: {  	s10 =	sand.u32 $0x380, s4;
	s9 =	sand.u32 $0x7000, s8;
	s8 =	simm.s32 $0x400;
	v39 =	vld [tilespmem:s2+$0xE50];
	v18 =	vadd.f32 v18, v29;
	v30 =	vimm.f32 $0.0e+00;
	v32 =	vimm.f32 $0.0e+00  }
.LBB2_2:
0xfe: {  	p0 =	sne.s32 s8, $0x7E00;
	v29 =	vadd.f32 v35, v29;
	v35 =	vld [tilespmem:s2+$0xE60];
	s2 =	sor.u32 s10, s9  }
0xff: {  	v40 =	vld [tilespmem:s2+$0xE70];
	v31 =	vadd.f32 v36, v31  }
0x100: {  	v36 =	vld [tilespmem:s2+$0x200];
	v30 =	vadd.f32 v37, v30  }
0x101: {  	v37 =	vld [tilespmem:s2+$0x210];
	v34 =	vadd.f32 v38, v34  }
0x102: {  	v38 =	vld [tilespmem:s2+$0x220];
	v32 =	vadd.f32 v39, v32  }
0x103: {  	v39 =	vld [tilespmem:s2+$0x230];
	v33 =	vadd.f32 v35, v33  }
0x104: {  	v35 =	vld [tilespmem:s2+$0x240];
	v5 =	vadd.f32 v40, v5  }
0x105: {  	v19 =	vadd.f32 v36, v19;
	v36 =	vld [tilespmem:s2+$0x250]  }
0x106: {  	v6 =	vadd.f32 v37, v6;
	v37 =	vld [tilespmem:s2+$0x260]  }
0x107: {  	v20 =	vadd.f32 v38, v20;
	v38 =	vld [tilespmem:s2+$0x270]  }
0x108: {  	v7 =	vadd.f32 v39, v7;
	v39 =	vld [tilespmem:s2+$0x600]  }
0x109: {  	v21 =	vadd.f32 v35, v21;
	v35 =	vld [tilespmem:s2+$0x610]  }
0x10a: {  	v8 =	vadd.f32 v36, v8;
	v36 =	vld [tilespmem:s2+$0x620]  }
0x10b: {  	v22 =	vadd.f32 v37, v22;
	v37 =	vld [tilespmem:s2+$0x630]  }
0x10c: {  	v9 =	vadd.f32 v38, v9;
	v38 =	vld [tilespmem:s2+$0x640]  }
0x10d: {  	v23 =	vadd.f32 v39, v23;
	v39 =	vld [tilespmem:s2+$0x650]  }
0x10e: {  	v10 =	vadd.f32 v35, v10;
	v35 =	vld [tilespmem:s2+$0x660]  }
0x10f: {  	v24 =	vadd.f32 v36, v24;
	v36 =	vld [tilespmem:s2+$0x670]  }
0x110: {  	v11 =	vadd.f32 v37, v11;
	v37 =	vld [tilespmem:s2+$0xA00]  }
0x111: {  	v25 =	vadd.f32 v38, v25;
	v38 =	vld [tilespmem:s2+$0xA10]  }
0x112: {  	v12 =	vadd.f32 v39, v12;
	v39 =	vld [tilespmem:s2+$0xA20]  }
0x113: {  	v26 =	vadd.f32 v35, v26;
	v35 =	vld [tilespmem:s2+$0xA30]  }
0x114: {  	v13 =	vadd.f32 v36, v13;
	v36 =	vld [tilespmem:s2+$0xA40]  }
0x115: {  	v27 =	vadd.f32 v37, v27;
	v37 =	vld [tilespmem:s2+$0xA50]  }
0x116: {  	v14 =	vadd.f32 v38, v14;
	v38 =	vld [tilespmem:s2+$0xA60]  }
0x117: {  	v15 =	vadd.f32 v39, v15;
	v39 =	vld [tilespmem:s2+$0xA70]  }
0x118: {  	v3 =	vadd.f32 v35, v3;
	v40 =	vld [tilespmem:s2+$0xE00]  }
.Ltmp0:
0x119: {  	v16 =	vadd.f32 v36, v16;
	v35 =	vld [tilespmem:s2+$0xE10];
	(pc) =	sbr.rel @p0 .LBB2_2-.Ltmp0, $4  }
0x11a: {  	v4 =	vadd.f32 v37, v4;
	v36 =	vld [tilespmem:s2+$0xE20]  }
0x11b: {  	v17 =	vadd.f32 v38, v17;
	v37 =	vld [tilespmem:s2+$0xE30]  }
0x11c: {  	s4 =	sadd.s32 $0x80, s4;
	v18 =	vadd.f32 v39, v18;
	v38 =	vld [tilespmem:s2+$0xE40]  }
0x11d: {  	s9 =	sand.u32 $0x7000, s8;
	s8 =	sadd.s32 $0x200, s8;
	s10 =	sand.u32 $0x380, s4;
	v28 =	vadd.f32 v40, v28;
	v39 =	vld [tilespmem:s2+$0xE50]  }
0x11e: {  	s4 =	sor.u32 s10, s9  }
0x11f: {  	v0 =	vld [tilespmem:s4+$0xA40];
	_ =	sdelay $0x4  }
0x120: {  	[tilespmem:$0x1FF20] =	vst v0;
	v0 =	vld [tilespmem:s4+$0xA50];
	_ =	sdelay $0x4  }
0x121: {  	[tilespmem:$0x1FF30] =	vst v0;
	v0 =	vld [tilespmem:s4+$0xA60];
	_ =	sdelay $0x4  }
0x122: {  	[tilespmem:$0x1FF40] =	vst v0;
	v0 =	vld [tilespmem:s4+$0xA70];
	_ =	sdelay $0x4  }
0x123: {  	[tilespmem:$0x1FF50] =	vst v0;
	v0 =	vld [tilespmem:s4+$0xE00];
	_ =	sdelay $0x4  }
0x124: {  	[tilespmem:$0x1FF60] =	vst v0;
	v0 =	vld [tilespmem:s4+$0xE10];
	_ =	sdelay $0x4  }
0x125: {  	[tilespmem:$0x1FF70] =	vst v0;
	v0 =	vld [tilespmem:s4+$0xE20]  }
0x126: {  	v42 =	vld [tilespmem:s2+$0xE60]  }
0x127: {  	v43 =	vld [tilespmem:s4+$0xE70]  }
0x128: {  	v44 =	vld [tilespmem:s4+$0x200]  }
0x129: {  	v45 =	vld [tilespmem:s4+$0x210]  }
0x12a: {  	[tilespmem:$0x1FF80] =	vst v0;
	v0 =	vld [tilespmem:s4+$0xE30]  }
0x12b: {  	v46 =	vld [tilespmem:s4+$0x220]  }
0x12c: {  	v47 =	vld [tilespmem:s4+$0x230]  }
0x12d: {  	v48 =	vld [tilespmem:s4+$0x240]  }
0x12e: {  	v49 =	vld [tilespmem:s4+$0x250]  }
0x12f: {  	[tilespmem:$0x1FF90] =	vst v0;
	v0 =	vld [tilespmem:s4+$0xE40]  }
0x130: {  	v50 =	vld [tilespmem:s4+$0x260]  }
0x131: {  	v51 =	vld [tilespmem:s4+$0x270]  }
0x132: {  	v52 =	vld [tilespmem:s4+$0x600]  }
0x133: {  	v53 =	vld [tilespmem:s4+$0x610]  }
0x134: {  	[tilespmem:$0x1FFA0] =	vst v0;
	v0 =	vld [tilespmem:s4+$0xE50]  }
0x135: {  	v54 =	vld [tilespmem:s4+$0x620]  }
0x136: {  	v55 =	vld [tilespmem:s4+$0x630]  }
0x137: {  	v56 =	vld [tilespmem:s4+$0x640]  }
0x138: {  	v57 =	vld [tilespmem:s4+$0x650]  }
0x139: {  	[tilespmem:$0x1FFB0] =	vst v0;
	v0 =	vld [tilespmem:s4+$0xE60]  }
0x13a: {  	v58 =	vld [tilespmem:s4+$0x660]  }
0x13b: {  	v59 =	vld [tilespmem:s4+$0x670]  }
0x13c: {  	v60 =	vld [tilespmem:s4+$0xA00]  }
0x13d: {  	v61 =	vld [tilespmem:s4+$0xA10]  }
0x13e: {  	v62 =	vld [tilespmem:s4+$0xA20];
	[tilespmem:$0x1FFC0] =	vst v0  }
0x13f: {  	v63 =	vld [tilespmem:s4+$0xA30];
	_ =	swait.ge [sflag:s26], $0x8000  }
0x140: {  	[sflag:s26] =	ssyncset.done $0x0  }
0x141: {  	[sflag:s26] =	ssyncadd.s32 $0xFFFF8000  }
0x142: {  	v0 =	vld [tilespmem:$0xC0];
	_ =	sdelay $0x2  }
0x143: {  	v40 =	vld [tilespmem:$0x1FFD0];
	_ =	sdelay $0x1  }
0x144: {  	v2 =	vld [tilespmem:$0x1FFE0];
	v1 =	vshll.u32 v0, $0x2  }
0x145: {  	v0 =	vand.u32 $0x7, v0;
	v1 =	vand.u32 $0xFFFFFFE0, v1  }
0x146: {  	v41 =	vld [tilespmem:$0x1FFF0];
	v0 =	vor.u32 v0, v1  }
0x147: {  	v1 =	vperm.xlane v0, v40;
	_ =	sdelay $0x1  }
0x148: {  	v1 =	vadd.s32 v2, v1;
	_ =	sdelay $0x1  }
0x149: {  	v0 =	vperm.xlane v0, v41;
	_ =	sdelay $0x1  }
0x14a: {  	s2 =	simm.s32 $0x0;
	v0 =	vadd.s32 v2, v0  }
0x14b: {  	[tilespmem:s18], [sflag:$0x1] =	stream.indirect_vreg.gather [hbm4b:s1+s2], $0x80, v1, vm0, $0xb8;
	[tilespmem:$0x18400] =	vst v63  }
0x14c: {  	s9 =	simm.s32 $0xA00  }
0x14d: {  	[tilespmem:s9], [sflag:$0x1] =	stream.indirect_vreg.gather [hbm4b:s5+s2], $0x80, v1, vm0, $0xb8;
	[tilespmem:$0x18400] =	vst v63  }
0x14e: {  	s10 =	simm.s32 $0x1200  }
0x14f: {  	[tilespmem:s10], [sflag:$0x1] =	stream.indirect_vreg.gather [hbm4b:s1+s2], $0x80, v0, vm0, $0xb8;
	[tilespmem:$0x18400] =	vst v63  }
0x150: {  	s8 =	simm.s32 $0x1A00  }
0x151: {  	[tilespmem:s8], [sflag:$0x1] =	stream.indirect_vreg.gather [hbm4b:s5+s2], $0x80, v0, vm0, $0xb8;
	[tilespmem:$0x18400] =	vst v63  }
0x152: {  	v0 =	vld [tilespmem:$0xD0];
	_ =	sdelay $0x4  }
0x153: {  	v1 =	vshll.u32 v0, $0x2  }
0x154: {  	v0 =	vand.u32 $0x7, v0;
	v1 =	vand.u32 $0xFFFFFFE0, v1  }
0x155: {  	v0 =	vor.u32 v0, v1  }
0x156: {  	v1 =	vperm.xlane v0, v40;
	_ =	sdelay $0x1  }
0x157: {  	v1 =	vadd.s32 v2, v1;
	_ =	sdelay $0x1  }
0x158: {  	v0 =	vperm.xlane v0, v41;
	_ =	sdelay $0x1  }
0x159: {  	s9 =	simm.s32 $0x2200;
	v0 =	vadd.s32 v2, v0  }
0x15a: {  	[tilespmem:s9], [sflag:$0x1] =	stream.indirect_vreg.gather [hbm4b:s1+s2], $0x80, v1, vm0, $0xb8;
	[tilespmem:$0x18400] =	vst v63  }
0x15b: {  	s10 =	simm.s32 $0x2A00  }
0x15c: {  	[tilespmem:s10], [sflag:$0x1] =	stream.indirect_vreg.gather [hbm4b:s5+s2], $0x80, v1, vm0, $0xb8;
	[tilespmem:$0x18400] =	vst v63  }
0x15d: {  	s8 =	simm.s32 $0x3200  }
0x15e: {  	[tilespmem:s8], [sflag:$0x1] =	stream.indirect_vreg.gather [hbm4b:s1+s2], $0x80, v0, vm0, $0xb8;
	[tilespmem:$0x18400] =	vst v63  }
0x15f: {  	s9 =	simm.s32 $0x3A00  }
0x160: {  	[tilespmem:s9], [sflag:$0x1] =	stream.indirect_vreg.gather [hbm4b:s5+s2], $0x80, v0, vm0, $0xb8;
	[tilespmem:$0x18400] =	vst v63  }
0x161: {  	v0 =	vld [tilespmem:$0xE0];
	_ =	sdelay $0x4  }
0x162: {  	v1 =	vshll.u32 v0, $0x2  }
0x163: {  	v0 =	vand.u32 $0x7, v0;
	v1 =	vand.u32 $0xFFFFFFE0, v1  }
0x164: {  	v0 =	vor.u32 v0, v1  }
0x165: {  	v1 =	vperm.xlane v0, v40;
	_ =	sdelay $0x1  }
0x166: {  	v1 =	vadd.s32 v2, v1;
	_ =	sdelay $0x1  }
0x167: {  	v0 =	vperm.xlane v0, v41;
	_ =	sdelay $0x1  }
0x168: {  	s10 =	simm.s32 $0x4200;
	v0 =	vadd.s32 v2, v0  }
0x169: {  	[tilespmem:s10], [sflag:$0x1] =	stream.indirect_vreg.gather [hbm4b:s1+s2], $0x80, v1, vm0, $0xb8;
	[tilespmem:$0x18400] =	vst v63  }
0x16a: {  	s8 =	simm.s32 $0x4A00  }
0x16b: {  	[tilespmem:s8], [sflag:$0x1] =	stream.indirect_vreg.gather [hbm4b:s5+s2], $0x80, v1, vm0, $0xb8;
	[tilespmem:$0x18400] =	vst v63  }
0x16c: {  	s9 =	simm.s32 $0x5200  }
0x16d: {  	[tilespmem:s9], [sflag:$0x1] =	stream.indirect_vreg.gather [hbm4b:s1+s2], $0x80, v0, vm0, $0xb8;
	[tilespmem:$0x18400] =	vst v63  }
0x16e: {  	s10 =	simm.s32 $0x5A00  }
0x16f: {  	[tilespmem:s10], [sflag:$0x1] =	stream.indirect_vreg.gather [hbm4b:s5+s2], $0x80, v0, vm0, $0xb8;
	[tilespmem:$0x18400] =	vst v63  }
0x170: {  	v0 =	vld [tilespmem:$0xF0];
	_ =	sdelay $0x4  }
0x171: {  	v1 =	vshll.u32 v0, $0x2  }
0x172: {  	v0 =	vand.u32 $0x7, v0;
	v1 =	vand.u32 $0xFFFFFFE0, v1  }
0x173: {  	v0 =	vor.u32 v0, v1  }
0x174: {  	v1 =	vperm.xlane v0, v40;
	_ =	sdelay $0x1  }
0x175: {  	v1 =	vadd.s32 v2, v1;
	_ =	sdelay $0x1  }
0x176: {  	v0 =	vperm.xlane v0, v41;
	_ =	sdelay $0x1  }
0x177: {  	s8 =	simm.s32 $0x6200;
	v0 =	vadd.s32 v2, v0  }
0x178: {  	[tilespmem:s8], [sflag:$0x1] =	stream.indirect_vreg.gather [hbm4b:s1+s2], $0x80, v1, vm0, $0xb8;
	[tilespmem:$0x18400] =	vst v63  }
0x179: {  	s9 =	simm.s32 $0x6A00  }
0x17a: {  	[tilespmem:s9], [sflag:$0x1] =	stream.indirect_vreg.gather [hbm4b:s5+s2], $0x80, v1, vm0, $0xb8;
	[tilespmem:$0x18400] =	vst v63  }
0x17b: {  	s10 =	simm.s32 $0x7200  }
0x17c: {  	[tilespmem:s10], [sflag:$0x1] =	stream.indirect_vreg.gather [hbm4b:s1+s2], $0x80, v0, vm0, $0xb8;
	[tilespmem:$0x18400] =	vst v63  }
0x17d: {  	s8 =	simm.s32 $0x7A00  }
0x17e: {  	[tilespmem:s8], [sflag:$0x1] =	stream.indirect_vreg.gather [hbm4b:s5+s2], $0x80, v0, vm0, $0xb8;
	[tilespmem:$0x18400] =	vst v63  }
0x17f: {  	_ =	swait.ge [sflag:s28], $0x8000  }
0x180: {  	v2 =	vld [tilespmem:$0x1FF20];
	_ =	sdelay $0x1  }
0x181: {  	[sflag:s28] =	ssyncset.done $0x0  }
0x182: {  	s9 =	rddreg [dreg:$0x8];
	[sflag:s28] =	ssyncadd.s32 $0xFFFF8000  }
0x183: {  	v41 =	vadd.f32 v49, v8;
	[hbm4b:s9+s2] =	stream.linear.scatter [tilespmem:s6], [sflag:$0x5], $0x8000, $0x38;
	[tilespmem:$0x18400] =	vst v63  }
0x184: {  	v49 =	vadd.f32 v57, v12;
	s10 =	sand.u32 $0x7000, s2;
	s2 =	sand.u32 $0x380, s2;
	v57 =	vadd.f32 v2, v16;
	v2 =	vld [tilespmem:$0x1FF30]  }
0x185: {  	v25 =	vadd.f32 v56, v25;
	v56 =	vadd.f32 v63, v3;
	v3 =	vld [tilespmem:$0x1FF70];
	s2 =	sor.u32 s2, s10  }
0x186: {  	v1 =	vadd.f32 v36, v31;
	v31 =	vadd.f32 v38, v34;
	v34 =	vld [tilespmem:s2+$0x8E70]  }
0x187: {  	v0 =	vadd.f32 v35, v29;
	v35 =	vld [tilespmem:s2+$0x8200]  }
0x188: {  	v5 =	vadd.f32 v43, v5;
	v43 =	vadd.f32 v51, v9;
	v36 =	vld [tilespmem:s2+$0x8210]  }
0x189: {  	v51 =	vadd.f32 v59, v13;
	v59 =	vadd.f32 v2, v4;
	v2 =	vld [tilespmem:$0x1FF40]  }
0x18a: {  	v38 =	vld [tilespmem:s2+$0x8220]  }
0x18b: {  	v40 =	vld [tilespmem:s2+$0x8230]  }
0x18c: {  	v33 =	vadd.f32 v42, v33;
	v42 =	vld [tilespmem:s2+$0x8240]  }
0x18d: {  	v19 =	vadd.f32 v44, v19;
	v44 =	vld [tilespmem:s2+$0x8250]  }
0x18e: {  	v27 =	vadd.f32 v60, v27;
	v60 =	vadd.f32 v2, v17;
	v2 =	vld [tilespmem:$0x1FF50]  }
0x18f: {  	v20 =	vadd.f32 v46, v20;
	v46 =	vld [tilespmem:s2+$0x8260]  }
0x190: {  	v30 =	vadd.f32 v37, v30;
	v21 =	vadd.f32 v48, v21;
	v48 =	vld [tilespmem:s2+$0x8270]  }
0x191: {  	v32 =	vadd.f32 v39, v32;
	v22 =	vadd.f32 v50, v22;
	v50 =	vld [tilespmem:s2+$0x8600]  }
0x192: {  	v23 =	vadd.f32 v52, v23;
	v24 =	vadd.f32 v54, v24;
	v52 =	vld [tilespmem:s2+$0x8610]  }
0x193: {  	v54 =	vadd.f32 v62, v15;
	v62 =	vadd.f32 v2, v18;
	v2 =	vld [tilespmem:$0x1FF60]  }
0x194: {  	v39 =	vadd.f32 v47, v7;
	v47 =	vadd.f32 v55, v11;
	v55 =	vld [tilespmem:s2+$0x8620]  }
0x195: {  	v37 =	vadd.f32 v45, v6;
	v26 =	vadd.f32 v58, v26;
	v58 =	vld [tilespmem:s2+$0x8630]  }
0x196: {  	v45 =	vadd.f32 v53, v10;
	v53 =	vadd.f32 v61, v14;
	v61 =	vld [tilespmem:s2+$0x8640]  }
0x197: {  	v5 =	vadd.f32 v34, v5;
	v34 =	vld [tilespmem:s2+$0x8A20]  }
0x198: {  	v63 =	vadd.f32 v2, v28;
	v28 =	vadd.f32 v3, v0;
	v0 =	vld [tilespmem:$0x1FF80]  }
0x199: {  	v7 =	vadd.f32 v36, v37;
	v37 =	vld [tilespmem:s2+$0x8A30]  }
0x19a: {  	v4 =	vld [tilespmem:$0x1FFC0]  }
0x19b: {  	v12 =	vadd.f32 v46, v22;
	v46 =	vld [tilespmem:s2+$0x8A40]  }
0x19c: {  	v14 =	vadd.f32 v50, v23;
	v50 =	vld [tilespmem:s2+$0x8A50]  }
0x19d: {  	v29 =	vadd.f32 v0, v1;
	v1 =	vld [tilespmem:$0x1FF90]  }
0x19e: {  	v16 =	vadd.f32 v55, v24;
	v55 =	vld [tilespmem:s2+$0x8A60]  }
0x19f: {  	v4 =	vadd.f32 v4, v33;
	v33 =	vld [tilespmem:s2+$0x8A10]  }
0x1a0: {  	v3 =	vld [tilespmem:$0x1FFB0]  }
0x1a1: {  	v6 =	vadd.f32 v35, v19;
	v8 =	vadd.f32 v38, v20;
	v0 =	vld [tilespmem:s2+$0x8660]  }
0x1a2: {  	v9 =	vadd.f32 v40, v39;
	v30 =	vadd.f32 v1, v30;
	v1 =	vld [tilespmem:$0x1FFA0]  }
0x1a3: {  	v10 =	vadd.f32 v42, v21;
	v18 =	vadd.f32 v61, v25;
	v61 =	vld [tilespmem:s2+$0x8A70]  }
0x1a4: {  	v11 =	vadd.f32 v44, v41;
	v13 =	vadd.f32 v48, v43;
	v2 =	vld [tilespmem:s2+$0x8650]  }
0x1a5: {  	v15 =	vadd.f32 v52, v45;
	v3 =	vadd.f32 v3, v32;
	v32 =	vld [tilespmem:s2+$0x8A00]  }
0x1a6: {  	v24 =	vadd.f32 v34, v54;
	v20 =	vadd.f32 v0, v26;
	v0 =	vld [tilespmem:s2+$0x8E00]  }
0x1a7: {  	v17 =	vadd.f32 v58, v47;
	v31 =	vadd.f32 v1, v31;
	v1 =	vld [tilespmem:s2+$0x8670]  }
0x1a8: {  	v35 =	vld [tilespmem:s2+$0x8E10];
	v23 =	vadd.f32 v33, v53;
	v25 =	vadd.f32 v37, v56  }
0x1a9: {  	v36 =	vld [tilespmem:s2+$0x8E20];
	v33 =	vadd.f32 v61, v62;
	v19 =	vadd.f32 v2, v49  }
0x1aa: {  	v37 =	vld [tilespmem:s2+$0x8E30];
	v22 =	vadd.f32 v32, v27;
	v26 =	vadd.f32 v46, v57  }
0x1ab: {  	s4 =	simm.s32 $0x80;
	s8 =	simm.s32 $0x200;
	v38 =	vld [tilespmem:s2+$0x8E40];
	v27 =	vadd.f32 v50, v59;
	v32 =	vadd.f32 v55, v60  }
0x1ac: {  	s9 =	sand.u32 $0x7000, s8;
	s8 =	simm.s32 $0x400;
	s10 =	sand.u32 $0x380, s4;
	v39 =	vld [tilespmem:s2+$0x8E50];
	v34 =	vadd.f32 v0, v63;
	v21 =	vadd.f32 v1, v51  }
.LBB2_4:
0x1ad: {  	p0 =	sne.s32 s8, $0x7E00;
	v28 =	vadd.f32 v35, v28;
	v0 =	vld [tilespmem:s2+$0x8E60];
	s2 =	sor.u32 s10, s9  }
0x1ae: {  	v1 =	vld [tilespmem:s2+$0x8E70];
	v29 =	vadd.f32 v36, v29  }
0x1af: {  	v2 =	vld [tilespmem:s2+$0x8200];
	v30 =	vadd.f32 v37, v30  }
0x1b0: {  	v35 =	vld [tilespmem:s2+$0x8210];
	v31 =	vadd.f32 v38, v31  }
0x1b1: {  	v36 =	vld [tilespmem:s2+$0x8220];
	v3 =	vadd.f32 v39, v3  }
0x1b2: {  	v37 =	vld [tilespmem:s2+$0x8230];
	v4 =	vadd.f32 v0, v4  }
0x1b3: {  	v0 =	vld [tilespmem:s2+$0x8240];
	v5 =	vadd.f32 v1, v5  }
0x1b4: {  	v6 =	vadd.f32 v2, v6;
	v1 =	vld [tilespmem:s2+$0x8250]  }
0x1b5: {  	v7 =	vadd.f32 v35, v7;
	v2 =	vld [tilespmem:s2+$0x8260]  }
0x1b6: {  	v8 =	vadd.f32 v36, v8;
	v35 =	vld [tilespmem:s2+$0x8270]  }
0x1b7: {  	v9 =	vadd.f32 v37, v9;
	v36 =	vld [tilespmem:s2+$0x8600]  }
0x1b8: {  	v10 =	vadd.f32 v0, v10;
	v0 =	vld [tilespmem:s2+$0x8610]  }
0x1b9: {  	v11 =	vadd.f32 v1, v11;
	v1 =	vld [tilespmem:s2+$0x8620]  }
0x1ba: {  	v12 =	vadd.f32 v2, v12;
	v2 =	vld [tilespmem:s2+$0x8630]  }
0x1bb: {  	v13 =	vadd.f32 v35, v13;
	v35 =	vld [tilespmem:s2+$0x8640]  }
0x1bc: {  	v14 =	vadd.f32 v36, v14;
	v36 =	vld [tilespmem:s2+$0x8650]  }
0x1bd: {  	v15 =	vadd.f32 v0, v15;
	v0 =	vld [tilespmem:s2+$0x8660]  }
0x1be: {  	v16 =	vadd.f32 v1, v16;
	v1 =	vld [tilespmem:s2+$0x8670]  }
0x1bf: {  	v17 =	vadd.f32 v2, v17;
	v2 =	vld [tilespmem:s2+$0x8A00]  }
0x1c0: {  	v18 =	vadd.f32 v35, v18;
	v35 =	vld [tilespmem:s2+$0x8A10]  }
0x1c1: {  	v19 =	vadd.f32 v36, v19;
	v36 =	vld [tilespmem:s2+$0x8A20]  }
0x1c2: {  	v20 =	vadd.f32 v0, v20;
	v0 =	vld [tilespmem:s2+$0x8A30]  }
0x1c3: {  	v21 =	vadd.f32 v1, v21;
	v1 =	vld [tilespmem:s2+$0x8A40]  }
0x1c4: {  	v22 =	vadd.f32 v2, v22;
	v2 =	vld [tilespmem:s2+$0x8A50]  }
0x1c5: {  	v23 =	vadd.f32 v35, v23;
	v37 =	vld [tilespmem:s2+$0x8A60]  }
0x1c6: {  	v24 =	vadd.f32 v36, v24;
	v38 =	vld [tilespmem:s2+$0x8A70]  }
0x1c7: {  	v25 =	vadd.f32 v0, v25;
	v0 =	vld [tilespmem:s2+$0x8E00]  }
.Ltmp1:
0x1c8: {  	v26 =	vadd.f32 v1, v26;
	v35 =	vld [tilespmem:s2+$0x8E10];
	(pc) =	sbr.rel @p0 .LBB2_4-.Ltmp1, $4  }
0x1c9: {  	v27 =	vadd.f32 v2, v27;
	v36 =	vld [tilespmem:s2+$0x8E20]  }
0x1ca: {  	v32 =	vadd.f32 v37, v32;
	v37 =	vld [tilespmem:s2+$0x8E30]  }
0x1cb: {  	s4 =	sadd.s32 $0x80, s4;
	v33 =	vadd.f32 v38, v33;
	v38 =	vld [tilespmem:s2+$0x8E40]  }
0x1cc: {  	s9 =	sand.u32 $0x7000, s8;
	s8 =	sadd.s32 $0x200, s8;
	s10 =	sand.u32 $0x380, s4;
	v34 =	vadd.f32 v0, v34;
	v39 =	vld [tilespmem:s2+$0x8E50]  }
0x1cd: {  	s4 =	sor.u32 s10, s9  }
0x1ce: {  	v0 =	vld [tilespmem:s4+$0x8A40];
	_ =	sdelay $0x4  }
0x1cf: {  	[tilespmem:$0x1FE70] =	vst v0;
	v0 =	vld [tilespmem:s4+$0x8A50];
	_ =	sdelay $0x4  }
0x1d0: {  	[tilespmem:$0x1FE80] =	vst v0;
	v0 =	vld [tilespmem:s4+$0x8A60];
	_ =	sdelay $0x4  }
0x1d1: {  	[tilespmem:$0x1FE90] =	vst v0;
	v0 =	vld [tilespmem:s4+$0x8A70];
	_ =	sdelay $0x4  }
0x1d2: {  	[tilespmem:$0x1FEA0] =	vst v0;
	v0 =	vld [tilespmem:s4+$0x8E00];
	_ =	sdelay $0x4  }
0x1d3: {  	[tilespmem:$0x1FEB0] =	vst v0;
	v0 =	vld [tilespmem:s4+$0x8E10];
	_ =	sdelay $0x4  }
0x1d4: {  	[tilespmem:$0x1FEC0] =	vst v0;
	v0 =	vld [tilespmem:s4+$0x8E20]  }
0x1d5: {  	v40 =	vld [tilespmem:s2+$0x8E60]  }
0x1d6: {  	v42 =	vld [tilespmem:s4+$0x8E70]  }
0x1d7: {  	v41 =	vld [tilespmem:s4+$0x8200]  }
0x1d8: {  	v44 =	vld [tilespmem:s4+$0x8210]  }
0x1d9: {  	[tilespmem:$0x1FED0] =	vst v0;
	v0 =	vld [tilespmem:s4+$0x8E30]  }
0x1da: {  	v43 =	vld [tilespmem:s4+$0x8220]  }
0x1db: {  	v46 =	vld [tilespmem:s4+$0x8230]  }
0x1dc: {  	v45 =	vld [tilespmem:s4+$0x8240]  }
0x1dd: {  	v48 =	vld [tilespmem:s4+$0x8250]  }
0x1de: {  	[tilespmem:$0x1FEE0] =	vst v0;
	v0 =	vld [tilespmem:s4+$0x8E40]  }
0x1df: {  	v47 =	vld [tilespmem:s4+$0x8260]  }
0x1e0: {  	v51 =	vld [tilespmem:s4+$0x8270]  }
0x1e1: {  	v49 =	vld [tilespmem:s4+$0x8600]  }
0x1e2: {  	v52 =	vld [tilespmem:s4+$0x8610]  }
0x1e3: {  	[tilespmem:$0x1FEF0] =	vst v0;
	v0 =	vld [tilespmem:s4+$0x8E50]  }
0x1e4: {  	v53 =	vld [tilespmem:s4+$0x8620]  }
0x1e5: {  	v54 =	vld [tilespmem:s4+$0x8630]  }
0x1e6: {  	v55 =	vld [tilespmem:s4+$0x8640]  }
0x1e7: {  	v56 =	vld [tilespmem:s4+$0x8650]  }
0x1e8: {  	[tilespmem:$0x1FF00] =	vst v0;
	v0 =	vld [tilespmem:s4+$0x8E60]  }
0x1e9: {  	v57 =	vld [tilespmem:s4+$0x8660]  }
0x1ea: {  	v58 =	vld [tilespmem:s4+$0x8670]  }
0x1eb: {  	v59 =	vld [tilespmem:s4+$0x8A00]  }
0x1ec: {  	v60 =	vld [tilespmem:s4+$0x8A10]  }
0x1ed: {  	v61 =	vld [tilespmem:s4+$0x8A20];
	[tilespmem:$0x1FF10] =	vst v0  }
0x1ee: {  	v62 =	vld [tilespmem:s4+$0x8A30];
	_ =	swait.ge [sflag:s29], $0x8000  }
0x1ef: {  	[sflag:s29] =	ssyncset.done $0x0  }
0x1f0: {  	[sflag:s29] =	ssyncadd.s32 $0xFFFF8000  }
0x1f1: {  	v0 =	vld [tilespmem:$0x100];
	_ =	sdelay $0x2  }
0x1f2: {  	v50 =	vld [tilespmem:$0x1FFD0];
	_ =	sdelay $0x1  }
0x1f3: {  	v63 =	vld [tilespmem:$0x1FFE0];
	v1 =	vshll.u32 v0, $0x2  }
0x1f4: {  	v0 =	vand.u32 $0x7, v0;
	v1 =	vand.u32 $0xFFFFFFE0, v1  }
0x1f5: {  	v2 =	vld [tilespmem:$0x1FFF0];
	v0 =	vor.u32 v0, v1  }
0x1f6: {  	v1 =	vperm.xlane v0, v50;
	_ =	sdelay $0x1  }
0x1f7: {  	v1 =	vadd.s32 v63, v1;
	_ =	sdelay $0x1  }
0x1f8: {  	v0 =	vperm.xlane v0, v2;
	_ =	sdelay $0x1  }
0x1f9: {  	s2 =	simm.s32 $0x0;
	v0 =	vadd.s32 v63, v0  }
0x1fa: {  	[tilespmem:s6], [sflag:$0x2] =	stream.indirect_vreg.gather [hbm4b:s1+s2], $0x80, v1, vm0, $0xb8;
	[tilespmem:$0x18400] =	vst v63  }
0x1fb: {  	s9 =	simm.s32 $0x8A00  }
0x1fc: {  	[tilespmem:s9], [sflag:$0x2] =	stream.indirect_vreg.gather [hbm4b:s5+s2], $0x80, v1, vm0, $0xb8;
	[tilespmem:$0x18400] =	vst v63  }
0x1fd: {  	s10 =	simm.s32 $0x9200  }
0x1fe: {  	[tilespmem:s10], [sflag:$0x2] =	stream.indirect_vreg.gather [hbm4b:s1+s2], $0x80, v0, vm0, $0xb8;
	[tilespmem:$0x18400] =	vst v63  }
0x1ff: {  	s8 =	simm.s32 $0x9A00  }
0x200: {  	[tilespmem:s8], [sflag:$0x2] =	stream.indirect_vreg.gather [hbm4b:s5+s2], $0x80, v0, vm0, $0xb8;
	[tilespmem:$0x18400] =	vst v63  }
0x201: {  	v0 =	vld [tilespmem:$0x110];
	_ =	sdelay $0x4  }
0x202: {  	v1 =	vshll.u32 v0, $0x2  }
0x203: {  	v0 =	vand.u32 $0x7, v0;
	v1 =	vand.u32 $0xFFFFFFE0, v1  }
0x204: {  	v0 =	vor.u32 v0, v1  }
0x205: {  	v1 =	vperm.xlane v0, v50;
	_ =	sdelay $0x1  }
0x206: {  	v1 =	vadd.s32 v63, v1;
	_ =	sdelay $0x1  }
0x207: {  	v0 =	vperm.xlane v0, v2;
	_ =	sdelay $0x1  }
0x208: {  	v0 =	vadd.s32 v63, v0  }
0x209: {  	[tilespmem:s11], [sflag:$0x2] =	stream.indirect_vreg.gather [hbm4b:s1+s2], $0x80, v1, vm0, $0xb8;
	[tilespmem:$0x18400] =	vst v63  }
0x20a: {  	_ = 	snop  }
0x20b: {  	[tilespmem:s12], [sflag:$0x2] =	stream.indirect_vreg.gather [hbm4b:s5+s2], $0x80, v1, vm0, $0xb8;
	[tilespmem:$0x18400] =	vst v63  }
0x20c: {  	_ = 	snop  }
0x20d: {  	[tilespmem:s13], [sflag:$0x2] =	stream.indirect_vreg.gather [hbm4b:s1+s2], $0x80, v0, vm0, $0xb8;
	[tilespmem:$0x18400] =	vst v63  }
0x20e: {  	_ = 	snop  }
0x20f: {  	[tilespmem:s14], [sflag:$0x2] =	stream.indirect_vreg.gather [hbm4b:s5+s2], $0x80, v0, vm0, $0xb8;
	[tilespmem:$0x18400] =	vst v63  }
0x210: {  	v0 =	vld [tilespmem:$0x120];
	_ =	sdelay $0x4  }
0x211: {  	v1 =	vshll.u32 v0, $0x2  }
0x212: {  	v0 =	vand.u32 $0x7, v0;
	v1 =	vand.u32 $0xFFFFFFE0, v1  }
0x213: {  	v0 =	vor.u32 v0, v1  }
0x214: {  	v1 =	vperm.xlane v0, v50;
	_ =	sdelay $0x1  }
0x215: {  	v1 =	vadd.s32 v63, v1;
	_ =	sdelay $0x1  }
0x216: {  	v0 =	vperm.xlane v0, v2;
	_ =	sdelay $0x1  }
0x217: {  	v0 =	vadd.s32 v63, v0  }
0x218: {  	[tilespmem:s15], [sflag:$0x2] =	stream.indirect_vreg.gather [hbm4b:s1+s2], $0x80, v1, vm0, $0xb8;
	[tilespmem:$0x18400] =	vst v63  }
0x219: {  	_ = 	snop  }
0x21a: {  	[tilespmem:s16], [sflag:$0x2] =	stream.indirect_vreg.gather [hbm4b:s5+s2], $0x80, v1, vm0, $0xb8;
	[tilespmem:$0x18400] =	vst v63  }
0x21b: {  	_ = 	snop  }
0x21c: {  	[tilespmem:s7], [sflag:$0x2] =	stream.indirect_vreg.gather [hbm4b:s1+s2], $0x80, v0, vm0, $0xb8;
	[tilespmem:$0x18400] =	vst v63  }
0x21d: {  	_ = 	snop  }
0x21e: {  	[tilespmem:s19], [sflag:$0x2] =	stream.indirect_vreg.gather [hbm4b:s5+s2], $0x80, v0, vm0, $0xb8;
	[tilespmem:$0x18400] =	vst v63  }
0x21f: {  	v0 =	vld [tilespmem:$0x130];
	_ =	sdelay $0x4  }
0x220: {  	v1 =	vshll.u32 v0, $0x2  }
0x221: {  	v0 =	vand.u32 $0x7, v0;
	v1 =	vand.u32 $0xFFFFFFE0, v1  }
0x222: {  	v0 =	vor.u32 v0, v1  }
0x223: {  	v1 =	vperm.xlane v0, v50;
	_ =	sdelay $0x1  }
0x224: {  	v1 =	vadd.s32 v63, v1;
	_ =	sdelay $0x1  }
0x225: {  	v0 =	vperm.xlane v0, v2;
	_ =	sdelay $0x1  }
0x226: {  	v0 =	vadd.s32 v63, v0  }
0x227: {  	[tilespmem:s20], [sflag:$0x2] =	stream.indirect_vreg.gather [hbm4b:s1+s2], $0x80, v1, vm0, $0xb8;
	[tilespmem:$0x18400] =	vst v63  }
0x228: {  	_ = 	snop  }
0x229: {  	[tilespmem:s21], [sflag:$0x2] =	stream.indirect_vreg.gather [hbm4b:s5+s2], $0x80, v1, vm0, $0xb8;
	[tilespmem:$0x18400] =	vst v63  }
0x22a: {  	_ = 	snop  }
0x22b: {  	[tilespmem:s22], [sflag:$0x2] =	stream.indirect_vreg.gather [hbm4b:s1+s2], $0x80, v0, vm0, $0xb8;
	[tilespmem:$0x18400] =	vst v63  }
0x22c: {  	_ = 	snop  }
0x22d: {  	[tilespmem:s23], [sflag:$0x2] =	stream.indirect_vreg.gather [hbm4b:s5+s2], $0x80, v0, vm0, $0xb8;
	[tilespmem:$0x18400] =	vst v63  }
0x22e: {  	_ =	swait.ge [sflag:s30], $0x8000  }
0x22f: {  	v50 =	vadd.f32 v36, v29;
	v1 =	vld [tilespmem:$0x1FE70]  }
0x230: {  	v29 =	vadd.f32 v38, v31;
	v31 =	vadd.f32 v39, v3;
	v3 =	vld [tilespmem:$0x1FE90]  }
0x231: {  	v2 =	vadd.f32 v40, v4;
	[sflag:s30] =	ssyncset.done $0x0;
	v4 =	vld [tilespmem:$0x1FED0]  }
0x232: {  	v35 =	vadd.f32 v35, v28;
	v36 =	vadd.f32 v42, v5;
	s9 =	rddreg [dreg:$0x9];
	v5 =	vld [tilespmem:$0x1FEE0];
	[sflag:s30] =	ssyncadd.s32 $0xFFFF8000  }
0x233: {  	v28 =	vadd.f32 v37, v30;
	v37 =	vadd.f32 v41, v6;
	v6 =	vld [tilespmem:$0x1FEF0];
	[hbm4b:s9+s2] =	stream.linear.scatter [tilespmem:s24], [sflag:$0x6], $0x8000, $0x38  }
0x234: {  	s10 =	sand.u32 $0x7000, s2;
	v39 =	vadd.f32 v44, v7;
	v7 =	vld [tilespmem:$0x1FF00];
	s2 =	sand.u32 $0x380, s2  }
0x235: {  	v40 =	vadd.f32 v43, v8;
	v8 =	vld [tilespmem:$0x1FF10];
	s4 =	sor.u32 s2, s10  }
0x236: {  	s2 =	sadd.s32 $0x10200, s4;
	v63 =	vld [tilespmem:s4+$0x10200]  }
0x237: {  	v30 =	vld [tilespmem:s2+$0xC70]  }
0x238: {  	v38 =	vld [tilespmem:s2+$0x10]  }
0x239: {  	v41 =	vld [tilespmem:s2+$0x20]  }
0x23a: {  	v44 =	vld [tilespmem:s2+$0x30]  }
0x23b: {  	v42 =	vadd.f32 v46, v9;
	v46 =	vadd.f32 v47, v12;
	v47 =	vld [tilespmem:s2+$0x40]  }
0x23c: {  	v43 =	vadd.f32 v45, v10;
	v45 =	vadd.f32 v48, v11;
	v0 =	vld [tilespmem:s2+$0x50]  }
0x23d: {  	v48 =	vadd.f32 v51, v13;
	v51 =	vadd.f32 v53, v16;
	v16 =	vld [tilespmem:s2+$0x60]  }
0x23e: {  	v54 =	vadd.f32 v54, v17;
	v17 =	vld [tilespmem:s2+$0x70]  }
0x23f: {  	v53 =	vadd.f32 v55, v18;
	v18 =	vld [tilespmem:s2+$0x400]  }
0x240: {  	v56 =	vadd.f32 v56, v19;
	v19 =	vld [tilespmem:s2+$0x410]  }
0x241: {  	v55 =	vadd.f32 v57, v20;
	v20 =	vld [tilespmem:s2+$0x420]  }
0x242: {  	v58 =	vadd.f32 v58, v21;
	v57 =	vadd.f32 v59, v22;
	v21 =	vld [tilespmem:s2+$0x430]  }
0x243: {  	v59 =	vadd.f32 v61, v24;
	v61 =	vadd.f32 v1, v26;
	v1 =	vld [tilespmem:$0x1FE80]  }
0x244: {  	v22 =	vld [tilespmem:s2+$0x440]  }
0x245: {  	v49 =	vadd.f32 v49, v14;
	v32 =	vadd.f32 v3, v32;
	v3 =	vld [tilespmem:$0x1FEA0]  }
0x246: {  	v52 =	vadd.f32 v52, v15;
	v60 =	vadd.f32 v60, v23;
	v23 =	vld [tilespmem:s2+$0x450]  }
0x247: {  	v62 =	vadd.f32 v62, v25;
	v4 =	vadd.f32 v4, v50;
	v24 =	vld [tilespmem:s2+$0x460]  }
0x248: {  	v5 =	vadd.f32 v5, v28;
	v6 =	vadd.f32 v6, v29;
	v25 =	vld [tilespmem:s2+$0x470]  }
0x249: {  	v7 =	vadd.f32 v7, v31;
	v8 =	vadd.f32 v8, v2;
	v2 =	vld [tilespmem:s2+$0x800]  }
0x24a: {  	v9 =	vadd.f32 v63, v37;
	v33 =	vadd.f32 v3, v33;
	v3 =	vld [tilespmem:$0x1FEB0]  }
0x24b: {  	v28 =	vld [tilespmem:s2+$0x820];
	v1 =	vadd.f32 v1, v27;
	v10 =	vadd.f32 v30, v36  }
0x24c: {  	v29 =	vld [tilespmem:s2+$0x830];
	v11 =	vadd.f32 v38, v39;
	v12 =	vadd.f32 v41, v40  }
0x24d: {  	v31 =	vld [tilespmem:s2+$0x850];
	v13 =	vadd.f32 v44, v42;
	v14 =	vadd.f32 v47, v43  }
0x24e: {  	v63 =	vld [tilespmem:s2+$0xC00];
	v15 =	vadd.f32 v0, v45;
	v16 =	vadd.f32 v16, v46  }
0x24f: {  	v17 =	vadd.f32 v17, v48;
	v34 =	vadd.f32 v3, v34;
	v3 =	vld [tilespmem:$0x1FEC0]  }
0x250: {  	v27 =	vld [tilespmem:s2+$0x810];
	v18 =	vadd.f32 v18, v49;
	v19 =	vadd.f32 v19, v52  }
0x251: {  	v0 =	vld [tilespmem:s2+$0x840];
	v20 =	vadd.f32 v20, v51;
	v21 =	vadd.f32 v21, v54  }
0x252: {  	v52 =	vld [tilespmem:s2+$0x860];
	v22 =	vadd.f32 v22, v53;
	v23 =	vadd.f32 v23, v56  }
0x253: {  	v54 =	vld [tilespmem:s2+$0x870];
	v24 =	vadd.f32 v24, v55;
	v25 =	vadd.f32 v25, v58  }
0x254: {  	v26 =	vadd.f32 v2, v57;
	v3 =	vadd.f32 v3, v35;
	v35 =	vld [tilespmem:s2+$0xC10]  }
0x255: {  	v28 =	vadd.f32 v28, v59;
	v36 =	vld [tilespmem:s2+$0xC20];
	v29 =	vadd.f32 v29, v62  }
0x256: {  	v37 =	vld [tilespmem:s2+$0xC30];
	v31 =	vadd.f32 v31, v1;
	v27 =	vadd.f32 v27, v60  }
0x257: {  	s8 =	simm.s32 $0x200;
	s4 =	simm.s32 $0x80;
	v38 =	vld [tilespmem:s2+$0xC40];
	v30 =	vadd.f32 v0, v61;
	v32 =	vadd.f32 v52, v32  }
0x258: {  	s9 =	sand.u32 $0x7000, s8;
	s8 =	simm.s32 $0x400;
	s10 =	sand.u32 $0x380, s4;
	v39 =	vld [tilespmem:s2+$0xC50];
	v33 =	vadd.f32 v54, v33;
	v34 =	vadd.f32 v63, v34  }
.LBB2_6:
0x259: {  	p0 =	sne.s32 s8, $0x7E00;
	s9 =	sor.u32 s10, s9;
	v3 =	vadd.f32 v35, v3;
	v0 =	vld [tilespmem:s2+$0xC60]  }
0x25a: {  	s2 =	sadd.s32 $0x10200, s9;
	v1 =	vld [tilespmem:s9+$0x10200];
	v4 =	vadd.f32 v36, v4  }
0x25b: {  	v2 =	vld [tilespmem:s2+$0xC70];
	v5 =	vadd.f32 v37, v5  }
0x25c: {  	v35 =	vld [tilespmem:s2+$0x10];
	v6 =	vadd.f32 v38, v6  }
0x25d: {  	v36 =	vld [tilespmem:s2+$0x20];
	v7 =	vadd.f32 v39, v7  }
0x25e: {  	v37 =	vld [tilespmem:s2+$0x30];
	v8 =	vadd.f32 v0, v8  }
0x25f: {  	v9 =	vadd.f32 v1, v9;
	v0 =	vld [tilespmem:s2+$0x40]  }
0x260: {  	v1 =	vld [tilespmem:s2+$0x50];
	v10 =	vadd.f32 v2, v10  }
0x261: {  	v11 =	vadd.f32 v35, v11;
	v2 =	vld [tilespmem:s2+$0x60]  }
0x262: {  	v12 =	vadd.f32 v36, v12;
	v35 =	vld [tilespmem:s2+$0x70]  }
0x263: {  	v13 =	vadd.f32 v37, v13;
	v36 =	vld [tilespmem:s2+$0x400]  }
0x264: {  	v14 =	vadd.f32 v0, v14;
	v0 =	vld [tilespmem:s2+$0x410]  }
0x265: {  	v15 =	vadd.f32 v1, v15;
	v1 =	vld [tilespmem:s2+$0x420]  }
0x266: {  	v16 =	vadd.f32 v2, v16;
	v2 =	vld [tilespmem:s2+$0x430]  }
0x267: {  	v17 =	vadd.f32 v35, v17;
	v35 =	vld [tilespmem:s2+$0x440]  }
0x268: {  	v18 =	vadd.f32 v36, v18;
	v36 =	vld [tilespmem:s2+$0x450]  }
0x269: {  	v19 =	vadd.f32 v0, v19;
	v0 =	vld [tilespmem:s2+$0x460]  }
0x26a: {  	v20 =	vadd.f32 v1, v20;
	v1 =	vld [tilespmem:s2+$0x470]  }
0x26b: {  	v21 =	vadd.f32 v2, v21;
	v2 =	vld [tilespmem:s2+$0x800]  }
0x26c: {  	v22 =	vadd.f32 v35, v22;
	v35 =	vld [tilespmem:s2+$0x810]  }
0x26d: {  	v23 =	vadd.f32 v36, v23;
	v36 =	vld [tilespmem:s2+$0x820]  }
0x26e: {  	v24 =	vadd.f32 v0, v24;
	v0 =	vld [tilespmem:s2+$0x830]  }
0x26f: {  	v25 =	vadd.f32 v1, v25;
	v1 =	vld [tilespmem:s2+$0x840]  }
0x270: {  	v26 =	vadd.f32 v2, v26;
	v2 =	vld [tilespmem:s2+$0x850]  }
0x271: {  	v27 =	vadd.f32 v35, v27;
	v37 =	vld [tilespmem:s2+$0x860]  }
0x272: {  	v28 =	vadd.f32 v36, v28;
	v38 =	vld [tilespmem:s2+$0x870]  }
0x273: {  	v29 =	vadd.f32 v0, v29;
	v0 =	vld [tilespmem:s2+$0xC00]  }
.Ltmp2:
0x274: {  	v30 =	vadd.f32 v1, v30;
	v35 =	vld [tilespmem:s2+$0xC10];
	(pc) =	sbr.rel @p0 .LBB2_6-.Ltmp2, $4  }
0x275: {  	v31 =	vadd.f32 v2, v31;
	v36 =	vld [tilespmem:s2+$0xC20]  }
0x276: {  	v32 =	vadd.f32 v37, v32;
	v37 =	vld [tilespmem:s2+$0xC30]  }
0x277: {  	s4 =	sadd.s32 $0x80, s4;
	v33 =	vadd.f32 v38, v33;
	v38 =	vld [tilespmem:s2+$0xC40]  }
0x278: {  	s9 =	sand.u32 $0x7000, s8;
	s10 =	sand.u32 $0x380, s4;
	s8 =	sadd.s32 $0x200, s8;
	v34 =	vadd.f32 v0, v34;
	v39 =	vld [tilespmem:s2+$0xC50]  }
0x279: {  	s4 =	sor.u32 s10, s9  }
0x27a: {  	s8 =	sadd.s32 $0x10200, s4  }
0x27b: {  	v0 =	vld [tilespmem:s8+$0x830];
	_ =	sdelay $0x4  }
0x27c: {  	[tilespmem:$0x1FDC0] =	vst v0;
	v0 =	vld [tilespmem:s8+$0x850];
	_ =	sdelay $0x4  }
0x27d: {  	[tilespmem:$0x1FDD0] =	vst v0;
	v0 =	vld [tilespmem:s8+$0x860];
	_ =	sdelay $0x4  }
0x27e: {  	[tilespmem:$0x1FDE0] =	vst v0;
	v0 =	vld [tilespmem:s8+$0x870];
	_ =	sdelay $0x4  }
0x27f: {  	[tilespmem:$0x1FDF0] =	vst v0;
	v0 =	vld [tilespmem:s8+$0xC00];
	_ =	sdelay $0x4  }
0x280: {  	[tilespmem:$0x1FE00] =	vst v0;
	v0 =	vld [tilespmem:s8+$0xC10];
	_ =	sdelay $0x4  }
0x281: {  	[tilespmem:$0x1FE10] =	vst v0;
	v0 =	vld [tilespmem:s8+$0xC20]  }
0x282: {  	v43 =	vld [tilespmem:s2+$0xC60]  }
0x283: {  	v44 =	vld [tilespmem:s4+$0x10200]  }
0x284: {  	v42 =	vld [tilespmem:s8+$0xC70]  }
0x285: {  	v46 =	vld [tilespmem:s8+$0x10]  }
0x286: {  	[tilespmem:$0x1FE20] =	vst v0;
	v0 =	vld [tilespmem:s8+$0xC30]  }
0x287: {  	v45 =	vld [tilespmem:s8+$0x20]  }
0x288: {  	v48 =	vld [tilespmem:s8+$0x30]  }
0x289: {  	v47 =	vld [tilespmem:s8+$0x40]  }
0x28a: {  	v50 =	vld [tilespmem:s8+$0x50]  }
0x28b: {  	[tilespmem:$0x1FE30] =	vst v0;
	v0 =	vld [tilespmem:s8+$0xC40]  }
0x28c: {  	v49 =	vld [tilespmem:s8+$0x60]  }
0x28d: {  	v52 =	vld [tilespmem:s8+$0x70]  }
0x28e: {  	v51 =	vld [tilespmem:s8+$0x400]  }
0x28f: {  	v54 =	vld [tilespmem:s8+$0x410]  }
0x290: {  	[tilespmem:$0x1FE40] =	vst v0;
	v0 =	vld [tilespmem:s8+$0xC50]  }
0x291: {  	v53 =	vld [tilespmem:s8+$0x420]  }
0x292: {  	v56 =	vld [tilespmem:s8+$0x430]  }
0x293: {  	v55 =	vld [tilespmem:s8+$0x440]  }
0x294: {  	v58 =	vld [tilespmem:s8+$0x450]  }
0x295: {  	[tilespmem:$0x1FE50] =	vst v0;
	v0 =	vld [tilespmem:s8+$0xC60]  }
0x296: {  	v57 =	vld [tilespmem:s8+$0x460]  }
0x297: {  	v60 =	vld [tilespmem:s8+$0x470]  }
0x298: {  	v59 =	vld [tilespmem:s8+$0x800]  }
0x299: {  	v62 =	vld [tilespmem:s8+$0x810]  }
0x29a: {  	v61 =	vld [tilespmem:s8+$0x820];
	[tilespmem:$0x1FE60] =	vst v0  }
0x29b: {  	v63 =	vld [tilespmem:s8+$0x840];
	_ =	swait.ge [sflag:s31], $0x8000  }
0x29c: {  	[sflag:s31] =	ssyncset.done $0x0  }
0x29d: {  	[sflag:s31] =	ssyncadd.s32 $0xFFFF8000  }
0x29e: {  	v0 =	vld [tilespmem:$0x140];
	_ =	sdelay $0x2  }
0x29f: {  	v40 =	vld [tilespmem:$0x1FFD0];
	_ =	sdelay $0x1  }
0x2a0: {  	v2 =	vld [tilespmem:$0x1FFE0];
	v1 =	vshll.u32 v0, $0x2  }
0x2a1: {  	v0 =	vand.u32 $0x7, v0;
	v1 =	vand.u32 $0xFFFFFFE0, v1  }
0x2a2: {  	v41 =	vld [tilespmem:$0x1FFF0];
	v0 =	vor.u32 v0, v1  }
0x2a3: {  	v1 =	vperm.xlane v0, v40;
	_ =	sdelay $0x1  }
0x2a4: {  	v1 =	vadd.s32 v2, v1;
	_ =	sdelay $0x1  }
0x2a5: {  	v0 =	vperm.xlane v0, v41;
	_ =	sdelay $0x1  }
0x2a6: {  	s2 =	simm.s32 $0x0;
	v0 =	vadd.s32 v2, v0  }
0x2a7: {  	[tilespmem:s24], [sflag:$0x3] =	stream.indirect_vreg.gather [hbm4b:s1+s2], $0x80, v1, vm0, $0xb8;
	[tilespmem:$0x18400] =	vst v63  }
0x2a8: {  	s9 =	simm.s32 $0x10A00  }
0x2a9: {  	[tilespmem:s9], [sflag:$0x3] =	stream.indirect_vreg.gather [hbm4b:s5+s2], $0x80, v1, vm0, $0xb8;
	[tilespmem:$0x18400] =	vst v63  }
0x2aa: {  	s10 =	simm.s32 $0x11200  }
0x2ab: {  	[tilespmem:s10], [sflag:$0x3] =	stream.indirect_vreg.gather [hbm4b:s1+s2], $0x80, v0, vm0, $0xb8;
	[tilespmem:$0x18400] =	vst v63  }
0x2ac: {  	s8 =	simm.s32 $0x11A00  }
0x2ad: {  	[tilespmem:s8], [sflag:$0x3] =	stream.indirect_vreg.gather [hbm4b:s5+s2], $0x80, v0, vm0, $0xb8;
	[tilespmem:$0x18400] =	vst v63  }
0x2ae: {  	v0 =	vld [tilespmem:$0x150];
	_ =	sdelay $0x4  }
0x2af: {  	v1 =	vshll.u32 v0, $0x2  }
0x2b0: {  	v0 =	vand.u32 $0x7, v0;
	v1 =	vand.u32 $0xFFFFFFE0, v1  }
0x2b1: {  	v0 =	vor.u32 v0, v1  }
0x2b2: {  	v1 =	vperm.xlane v0, v40;
	_ =	sdelay $0x1  }
0x2b3: {  	v1 =	vadd.s32 v2, v1;
	_ =	sdelay $0x1  }
0x2b4: {  	v0 =	vperm.xlane v0, v41;
	_ =	sdelay $0x1  }
0x2b5: {  	s9 =	simm.s32 $0x12200;
	v0 =	vadd.s32 v2, v0  }
0x2b6: {  	[tilespmem:s9], [sflag:$0x3] =	stream.indirect_vreg.gather [hbm4b:s1+s2], $0x80, v1, vm0, $0xb8;
	[tilespmem:$0x18400] =	vst v63  }
0x2b7: {  	s10 =	simm.s32 $0x12A00  }
0x2b8: {  	[tilespmem:s10], [sflag:$0x3] =	stream.indirect_vreg.gather [hbm4b:s5+s2], $0x80, v1, vm0, $0xb8;
	[tilespmem:$0x18400] =	vst v63  }
0x2b9: {  	s8 =	simm.s32 $0x13200  }
0x2ba: {  	[tilespmem:s8], [sflag:$0x3] =	stream.indirect_vreg.gather [hbm4b:s1+s2], $0x80, v0, vm0, $0xb8;
	[tilespmem:$0x18400] =	vst v63  }
0x2bb: {  	s9 =	simm.s32 $0x13A00  }
0x2bc: {  	[tilespmem:s9], [sflag:$0x3] =	stream.indirect_vreg.gather [hbm4b:s5+s2], $0x80, v0, vm0, $0xb8;
	[tilespmem:$0x18400] =	vst v63  }
0x2bd: {  	v0 =	vld [tilespmem:$0x160];
	_ =	sdelay $0x4  }
0x2be: {  	v1 =	vshll.u32 v0, $0x2  }
0x2bf: {  	v0 =	vand.u32 $0x7, v0;
	v1 =	vand.u32 $0xFFFFFFE0, v1  }
0x2c0: {  	v0 =	vor.u32 v0, v1  }
0x2c1: {  	v1 =	vperm.xlane v0, v40;
	_ =	sdelay $0x1  }
0x2c2: {  	v1 =	vadd.s32 v2, v1;
	_ =	sdelay $0x1  }
0x2c3: {  	v0 =	vperm.xlane v0, v41;
	_ =	sdelay $0x1  }
0x2c4: {  	s10 =	simm.s32 $0x14200;
	v0 =	vadd.s32 v2, v0  }
0x2c5: {  	[tilespmem:s10], [sflag:$0x3] =	stream.indirect_vreg.gather [hbm4b:s1+s2], $0x80, v1, vm0, $0xb8;
	[tilespmem:$0x18400] =	vst v63  }
0x2c6: {  	s8 =	simm.s32 $0x14A00  }
0x2c7: {  	[tilespmem:s8], [sflag:$0x3] =	stream.indirect_vreg.gather [hbm4b:s5+s2], $0x80, v1, vm0, $0xb8;
	[tilespmem:$0x18400] =	vst v63  }
0x2c8: {  	s9 =	simm.s32 $0x15200  }
0x2c9: {  	[tilespmem:s9], [sflag:$0x3] =	stream.indirect_vreg.gather [hbm4b:s1+s2], $0x80, v0, vm0, $0xb8;
	[tilespmem:$0x18400] =	vst v63  }
0x2ca: {  	s10 =	simm.s32 $0x15A00  }
0x2cb: {  	[tilespmem:s10], [sflag:$0x3] =	stream.indirect_vreg.gather [hbm4b:s5+s2], $0x80, v0, vm0, $0xb8;
	[tilespmem:$0x18400] =	vst v63  }
0x2cc: {  	v0 =	vld [tilespmem:$0x170];
	_ =	sdelay $0x4  }
0x2cd: {  	v1 =	vshll.u32 v0, $0x2  }
0x2ce: {  	v0 =	vand.u32 $0x7, v0;
	v1 =	vand.u32 $0xFFFFFFE0, v1  }
0x2cf: {  	v0 =	vor.u32 v0, v1  }
0x2d0: {  	v1 =	vperm.xlane v0, v40;
	_ =	sdelay $0x1  }
0x2d1: {  	v1 =	vadd.s32 v2, v1;
	_ =	sdelay $0x1  }
0x2d2: {  	v0 =	vperm.xlane v0, v41;
	_ =	sdelay $0x1  }
0x2d3: {  	s8 =	simm.s32 $0x16200;
	v0 =	vadd.s32 v2, v0  }
0x2d4: {  	[tilespmem:s8], [sflag:$0x3] =	stream.indirect_vreg.gather [hbm4b:s1+s2], $0x80, v1, vm0, $0xb8;
	[tilespmem:$0x18400] =	vst v63  }
0x2d5: {  	s9 =	simm.s32 $0x16A00  }
0x2d6: {  	[tilespmem:s9], [sflag:$0x3] =	stream.indirect_vreg.gather [hbm4b:s5+s2], $0x80, v1, vm0, $0xb8;
	[tilespmem:$0x18400] =	vst v63  }
0x2d7: {  	s10 =	simm.s32 $0x17200  }
0x2d8: {  	[tilespmem:s10], [sflag:$0x3] =	stream.indirect_vreg.gather [hbm4b:s1+s2], $0x80, v0, vm0, $0xb8;
	[tilespmem:$0x18400] =	vst v63  }
0x2d9: {  	s8 =	simm.s32 $0x17A00  }
0x2da: {  	[tilespmem:s8], [sflag:$0x3] =	stream.indirect_vreg.gather [hbm4b:s5+s2], $0x80, v0, vm0, $0xb8;
	[tilespmem:$0x18400] =	vst v63  }
0x2db: {  	_ =	swait.ge [sflag:s25], $0x8000  }
0x2dc: {  	v0 =	vadd.f32 v35, v3;
	v3 =	vld [tilespmem:$0x1FDC0];
	_ =	sdelay $0x4  }
0x2dd: {  	v29 =	vadd.f32 v3, v29;
	v3 =	vld [tilespmem:$0x1FDD0];
	_ =	sdelay $0x2  }
0x2de: {  	[sflag:s25] =	ssyncset.done $0x0  }
0x2df: {  	s9 =	rddreg [dreg:$0xa];
	[sflag:s25] =	ssyncadd.s32 $0xFFFF8000  }
0x2e0: {  	[hbm4b:s9+s2] =	stream.linear.scatter [tilespmem:s18], [sflag:$0x4], $0x8000, $0x38;
	v31 =	vadd.f32 v3, v31;
	v3 =	vld [tilespmem:$0x1FDE0]  }
0x2e1: {  	s10 =	sand.u32 $0x7000, s2;
	s2 =	sand.u32 $0x380, s2  }
0x2e2: {  	v5 =	vadd.f32 v37, v5;
	v37 =	vadd.f32 v44, v9;
	v9 =	vld [tilespmem:$0x1FE50];
	s2 =	sor.u32 s2, s10  }
0x2e3: {  	v35 =	vld [tilespmem:s2+$0xE70]  }
0x2e4: {  	v1 =	vadd.f32 v36, v4;
	v36 =	vld [tilespmem:s2+$0x200]  }
0x2e5: {  	v32 =	vadd.f32 v3, v32;
	v3 =	vld [tilespmem:$0x1FDF0]  }
0x2e6: {  	v6 =	vadd.f32 v38, v6;
	v38 =	vld [tilespmem:s2+$0x210]  }
0x2e7: {  	v7 =	vadd.f32 v39, v7;
	v39 =	vld [tilespmem:s2+$0x220]  }
0x2e8: {  	v40 =	vld [tilespmem:s2+$0x230]  }
0x2e9: {  	v41 =	vld [tilespmem:s2+$0x240]  }
0x2ea: {  	v33 =	vadd.f32 v3, v33;
	v3 =	vld [tilespmem:$0x1FE00]  }
0x2eb: {  	v2 =	vadd.f32 v42, v10;
	v42 =	vld [tilespmem:s2+$0x250]  }
0x2ec: {  	v8 =	vadd.f32 v43, v8;
	v43 =	vld [tilespmem:s2+$0x260]  }
0x2ed: {  	v44 =	vld [tilespmem:s2+$0x270]  }
0x2ee: {  	v12 =	vadd.f32 v45, v12;
	v45 =	vld [tilespmem:s2+$0x600]  }
0x2ef: {  	v34 =	vadd.f32 v3, v34;
	v3 =	vld [tilespmem:$0x1FE10]  }
0x2f0: {  	v11 =	vadd.f32 v46, v11;
	v13 =	vadd.f32 v48, v13;
	v46 =	vld [tilespmem:s2+$0x610]  }
0x2f1: {  	v14 =	vadd.f32 v47, v14;
	v27 =	vadd.f32 v62, v27;
	v62 =	vld [tilespmem:s2+$0x620]  }
0x2f2: {  	v15 =	vadd.f32 v50, v15;
	v19 =	vadd.f32 v54, v19;
	v54 =	vld [tilespmem:s2+$0x630]  }
0x2f3: {  	v16 =	vadd.f32 v49, v16;
	v22 =	vadd.f32 v55, v22;
	v55 =	vld [tilespmem:s2+$0x640]  }
0x2f4: {  	v17 =	vadd.f32 v52, v17;
	v3 =	vadd.f32 v3, v0;
	v0 =	vld [tilespmem:$0x1FE20]  }
0x2f5: {  	v18 =	vadd.f32 v51, v18;
	v21 =	vadd.f32 v56, v21;
	v56 =	vld [tilespmem:s2+$0x650]  }
0x2f6: {  	v20 =	vadd.f32 v53, v20;
	v24 =	vadd.f32 v57, v24;
	v57 =	vld [tilespmem:s2+$0xA00]  }
0x2f7: {  	v23 =	vadd.f32 v58, v23;
	v25 =	vadd.f32 v60, v25;
	v58 =	vld [tilespmem:s2+$0xA20]  }
0x2f8: {  	v26 =	vadd.f32 v59, v26;
	v28 =	vadd.f32 v61, v28;
	v59 =	vld [tilespmem:s2+$0xA30]  }
0x2f9: {  	v30 =	vadd.f32 v63, v30;
	v4 =	vadd.f32 v0, v1;
	v1 =	vld [tilespmem:$0x1FE30]  }
0x2fa: {  	v60 =	vld [tilespmem:s2+$0xA40];
	v7 =	vadd.f32 v9, v7;
	v10 =	vadd.f32 v36, v37  }
0x2fb: {  	v61 =	vld [tilespmem:s2+$0xA50];
	v11 =	vadd.f32 v38, v11;
	v12 =	vadd.f32 v39, v12  }
0x2fc: {  	v9 =	vld [tilespmem:$0x1FE60];
	v13 =	vadd.f32 v40, v13;
	v14 =	vadd.f32 v41, v14  }
0x2fd: {  	v15 =	vadd.f32 v42, v15;
	v16 =	vadd.f32 v43, v16;
	v0 =	vld [tilespmem:s2+$0x660]  }
0x2fe: {  	v17 =	vadd.f32 v44, v17;
	v5 =	vadd.f32 v1, v5;
	v1 =	vld [tilespmem:$0x1FE40]  }
0x2ff: {  	v63 =	vld [tilespmem:s2+$0xA70];
	v18 =	vadd.f32 v45, v18;
	v19 =	vadd.f32 v46, v19  }
0x300: {  	v20 =	vadd.f32 v62, v20;
	v62 =	vld [tilespmem:s2+$0xA60];
	v21 =	vadd.f32 v54, v21  }
0x301: {  	v8 =	vadd.f32 v9, v8;
	v9 =	vadd.f32 v35, v2;
	v2 =	vld [tilespmem:s2+$0xA10]  }
0x302: {  	v22 =	vadd.f32 v55, v22;
	v24 =	vadd.f32 v0, v24;
	v0 =	vld [tilespmem:s2+$0xE00]  }
0x303: {  	v23 =	vadd.f32 v56, v23;
	v6 =	vadd.f32 v1, v6;
	v1 =	vld [tilespmem:s2+$0x670]  }
0x304: {  	v26 =	vadd.f32 v57, v26;
	v28 =	vadd.f32 v58, v28;
	v35 =	vld [tilespmem:s2+$0xE10]  }
0x305: {  	v36 =	vld [tilespmem:s2+$0xE20];
	v29 =	vadd.f32 v59, v29;
	v30 =	vadd.f32 v60, v30  }
0x306: {  	v37 =	vld [tilespmem:s2+$0xE30];
	v31 =	vadd.f32 v61, v31;
	v27 =	vadd.f32 v2, v27  }
0x307: {  	s4 =	simm.s32 $0x80;
	s8 =	simm.s32 $0x200;
	v38 =	vld [tilespmem:s2+$0xE40];
	v32 =	vadd.f32 v62, v32;
	v33 =	vadd.f32 v63, v33  }
0x308: {  	s9 =	sand.u32 $0x7000, s8;
	s8 =	simm.s32 $0x400;
	s10 =	sand.u32 $0x380, s4;
	v39 =	vld [tilespmem:s2+$0xE50];
	v34 =	vadd.f32 v0, v34;
	v25 =	vadd.f32 v1, v25  }
.LBB2_8:
0x309: {  	p0 =	sne.s32 s8, $0x7E00;
	v3 =	vadd.f32 v35, v3;
	v0 =	vld [tilespmem:s2+$0xE60];
	s2 =	sor.u32 s10, s9  }
0x30a: {  	v1 =	vld [tilespmem:s2+$0xE70];
	v4 =	vadd.f32 v36, v4  }
0x30b: {  	v2 =	vld [tilespmem:s2+$0x200];
	v5 =	vadd.f32 v37, v5  }
0x30c: {  	v35 =	vld [tilespmem:s2+$0x210];
	v6 =	vadd.f32 v38, v6  }
0x30d: {  	v36 =	vld [tilespmem:s2+$0x220];
	v7 =	vadd.f32 v39, v7  }
0x30e: {  	v37 =	vld [tilespmem:s2+$0x230];
	v8 =	vadd.f32 v0, v8  }
0x30f: {  	v0 =	vld [tilespmem:s2+$0x240];
	v9 =	vadd.f32 v1, v9  }
0x310: {  	v10 =	vadd.f32 v2, v10;
	v1 =	vld [tilespmem:s2+$0x250]  }
0x311: {  	v11 =	vadd.f32 v35, v11;
	v2 =	vld [tilespmem:s2+$0x260]  }
0x312: {  	v12 =	vadd.f32 v36, v12;
	v35 =	vld [tilespmem:s2+$0x270]  }
0x313: {  	v13 =	vadd.f32 v37, v13;
	v36 =	vld [tilespmem:s2+$0x600]  }
0x314: {  	v14 =	vadd.f32 v0, v14;
	v0 =	vld [tilespmem:s2+$0x610]  }
0x315: {  	v15 =	vadd.f32 v1, v15;
	v1 =	vld [tilespmem:s2+$0x620]  }
0x316: {  	v16 =	vadd.f32 v2, v16;
	v2 =	vld [tilespmem:s2+$0x630]  }
0x317: {  	v17 =	vadd.f32 v35, v17;
	v35 =	vld [tilespmem:s2+$0x640]  }
0x318: {  	v18 =	vadd.f32 v36, v18;
	v36 =	vld [tilespmem:s2+$0x650]  }
0x319: {  	v19 =	vadd.f32 v0, v19;
	v0 =	vld [tilespmem:s2+$0x660]  }
0x31a: {  	v20 =	vadd.f32 v1, v20;
	v1 =	vld [tilespmem:s2+$0x670]  }
0x31b: {  	v21 =	vadd.f32 v2, v21;
	v2 =	vld [tilespmem:s2+$0xA00]  }
0x31c: {  	v22 =	vadd.f32 v35, v22;
	v35 =	vld [tilespmem:s2+$0xA10]  }
0x31d: {  	v23 =	vadd.f32 v36, v23;
	v36 =	vld [tilespmem:s2+$0xA20]  }
0x31e: {  	v24 =	vadd.f32 v0, v24;
	v0 =	vld [tilespmem:s2+$0xA30]  }
0x31f: {  	v25 =	vadd.f32 v1, v25;
	v1 =	vld [tilespmem:s2+$0xA40]  }
0x320: {  	v26 =	vadd.f32 v2, v26;
	v2 =	vld [tilespmem:s2+$0xA50]  }
0x321: {  	v27 =	vadd.f32 v35, v27;
	v37 =	vld [tilespmem:s2+$0xA60]  }
0x322: {  	v28 =	vadd.f32 v36, v28;
	v38 =	vld [tilespmem:s2+$0xA70]  }
0x323: {  	v29 =	vadd.f32 v0, v29;
	v0 =	vld [tilespmem:s2+$0xE00]  }
.Ltmp3:
0x324: {  	v30 =	vadd.f32 v1, v30;
	v35 =	vld [tilespmem:s2+$0xE10];
	(pc) =	sbr.rel @p0 .LBB2_8-.Ltmp3, $4  }
0x325: {  	v31 =	vadd.f32 v2, v31;
	v36 =	vld [tilespmem:s2+$0xE20]  }
0x326: {  	v32 =	vadd.f32 v37, v32;
	v37 =	vld [tilespmem:s2+$0xE30]  }
0x327: {  	s4 =	sadd.s32 $0x80, s4;
	v33 =	vadd.f32 v38, v33;
	v38 =	vld [tilespmem:s2+$0xE40]  }
0x328: {  	s9 =	sand.u32 $0x7000, s8;
	s8 =	sadd.s32 $0x200, s8;
	s10 =	sand.u32 $0x380, s4;
	v34 =	vadd.f32 v0, v34;
	v39 =	vld [tilespmem:s2+$0xE50]  }
0x329: {  	s4 =	sor.u32 s10, s9  }
0x32a: {  	v0 =	vld [tilespmem:s4+$0xA30];
	_ =	sdelay $0x4  }
0x32b: {  	[tilespmem:$0x1FD10] =	vst v0;
	v0 =	vld [tilespmem:s4+$0xA50];
	_ =	sdelay $0x4  }
0x32c: {  	[tilespmem:$0x1FD20] =	vst v0;
	v0 =	vld [tilespmem:s4+$0xA60];
	_ =	sdelay $0x4  }
0x32d: {  	[tilespmem:$0x1FD30] =	vst v0;
	v0 =	vld [tilespmem:s4+$0xA70];
	_ =	sdelay $0x4  }
0x32e: {  	[tilespmem:$0x1FD40] =	vst v0;
	v0 =	vld [tilespmem:s4+$0xE00];
	_ =	sdelay $0x4  }
0x32f: {  	[tilespmem:$0x1FD50] =	vst v0;
	v0 =	vld [tilespmem:s4+$0xE10];
	_ =	sdelay $0x4  }
0x330: {  	[tilespmem:$0x1FD60] =	vst v0;
	v0 =	vld [tilespmem:s4+$0xE20]  }
0x331: {  	v42 =	vld [tilespmem:s2+$0xE60]  }
0x332: {  	v44 =	vld [tilespmem:s4+$0xE70]  }
0x333: {  	v43 =	vld [tilespmem:s4+$0x200]  }
0x334: {  	v46 =	vld [tilespmem:s4+$0x210]  }
0x335: {  	[tilespmem:$0x1FD70] =	vst v0;
	v0 =	vld [tilespmem:s4+$0xE30]  }
0x336: {  	v45 =	vld [tilespmem:s4+$0x220]  }
0x337: {  	v48 =	vld [tilespmem:s4+$0x230]  }
0x338: {  	v47 =	vld [tilespmem:s4+$0x240]  }
0x339: {  	v50 =	vld [tilespmem:s4+$0x250]  }
0x33a: {  	[tilespmem:$0x1FD80] =	vst v0;
	v0 =	vld [tilespmem:s4+$0xE40]  }
0x33b: {  	v49 =	vld [tilespmem:s4+$0x260]  }
0x33c: {  	v52 =	vld [tilespmem:s4+$0x270]  }
0x33d: {  	v51 =	vld [tilespmem:s4+$0x600]  }
0x33e: {  	v54 =	vld [tilespmem:s4+$0x610]  }
0x33f: {  	[tilespmem:$0x1FD90] =	vst v0;
	v0 =	vld [tilespmem:s4+$0xE50]  }
0x340: {  	v53 =	vld [tilespmem:s4+$0x620]  }
0x341: {  	v56 =	vld [tilespmem:s4+$0x630]  }
0x342: {  	v55 =	vld [tilespmem:s4+$0x640]  }
0x343: {  	v58 =	vld [tilespmem:s4+$0x650]  }
0x344: {  	[tilespmem:$0x1FDA0] =	vst v0;
	v0 =	vld [tilespmem:s4+$0xE60]  }
0x345: {  	v57 =	vld [tilespmem:s4+$0x660]  }
0x346: {  	v60 =	vld [tilespmem:s4+$0x670]  }
0x347: {  	v59 =	vld [tilespmem:s4+$0xA00]  }
0x348: {  	v62 =	vld [tilespmem:s4+$0xA10]  }
0x349: {  	v61 =	vld [tilespmem:s4+$0xA20];
	[tilespmem:$0x1FDB0] =	vst v0  }
0x34a: {  	v63 =	vld [tilespmem:s4+$0xA40];
	_ =	swait.ge [sflag:s26], $0x8000  }
0x34b: {  	[sflag:s26] =	ssyncset.done $0x0  }
0x34c: {  	[sflag:s26] =	ssyncadd.s32 $0xFFFF8000  }
0x34d: {  	v0 =	vld [tilespmem:$0x180];
	_ =	sdelay $0x2  }
0x34e: {  	v40 =	vld [tilespmem:$0x1FFD0];
	_ =	sdelay $0x1  }
0x34f: {  	v2 =	vld [tilespmem:$0x1FFE0];
	v1 =	vshll.u32 v0, $0x2  }
0x350: {  	v0 =	vand.u32 $0x7, v0;
	v1 =	vand.u32 $0xFFFFFFE0, v1  }
0x351: {  	v41 =	vld [tilespmem:$0x1FFF0];
	v0 =	vor.u32 v0, v1  }
0x352: {  	v1 =	vperm.xlane v0, v40;
	_ =	sdelay $0x1  }
0x353: {  	v1 =	vadd.s32 v2, v1;
	_ =	sdelay $0x1  }
0x354: {  	v0 =	vperm.xlane v0, v41;
	_ =	sdelay $0x1  }
0x355: {  	s2 =	simm.s32 $0x0;
	v0 =	vadd.s32 v2, v0  }
0x356: {  	[tilespmem:s18], [sflag:$0x1] =	stream.indirect_vreg.gather [hbm4b:s1+s2], $0x80, v1, vm0, $0xb8;
	[tilespmem:$0x18400] =	vst v63  }
0x357: {  	s9 =	simm.s32 $0xA00  }
0x358: {  	[tilespmem:s9], [sflag:$0x1] =	stream.indirect_vreg.gather [hbm4b:s5+s2], $0x80, v1, vm0, $0xb8;
	[tilespmem:$0x18400] =	vst v63  }
0x359: {  	s10 =	simm.s32 $0x1200  }
0x35a: {  	[tilespmem:s10], [sflag:$0x1] =	stream.indirect_vreg.gather [hbm4b:s1+s2], $0x80, v0, vm0, $0xb8;
	[tilespmem:$0x18400] =	vst v63  }
0x35b: {  	s8 =	simm.s32 $0x1A00  }
0x35c: {  	[tilespmem:s8], [sflag:$0x1] =	stream.indirect_vreg.gather [hbm4b:s5+s2], $0x80, v0, vm0, $0xb8;
	[tilespmem:$0x18400] =	vst v63  }
0x35d: {  	v0 =	vld [tilespmem:$0x190];
	_ =	sdelay $0x4  }
0x35e: {  	v1 =	vshll.u32 v0, $0x2  }
0x35f: {  	v0 =	vand.u32 $0x7, v0;
	v1 =	vand.u32 $0xFFFFFFE0, v1  }
0x360: {  	v0 =	vor.u32 v0, v1  }
0x361: {  	v1 =	vperm.xlane v0, v40;
	_ =	sdelay $0x1  }
0x362: {  	v1 =	vadd.s32 v2, v1;
	_ =	sdelay $0x1  }
0x363: {  	v0 =	vperm.xlane v0, v41;
	_ =	sdelay $0x1  }
0x364: {  	s9 =	simm.s32 $0x2200;
	v0 =	vadd.s32 v2, v0  }
0x365: {  	[tilespmem:s9], [sflag:$0x1] =	stream.indirect_vreg.gather [hbm4b:s1+s2], $0x80, v1, vm0, $0xb8;
	[tilespmem:$0x18400] =	vst v63  }
0x366: {  	s10 =	simm.s32 $0x2A00  }
0x367: {  	[tilespmem:s10], [sflag:$0x1] =	stream.indirect_vreg.gather [hbm4b:s5+s2], $0x80, v1, vm0, $0xb8;
	[tilespmem:$0x18400] =	vst v63  }
0x368: {  	s8 =	simm.s32 $0x3200  }
0x369: {  	[tilespmem:s8], [sflag:$0x1] =	stream.indirect_vreg.gather [hbm4b:s1+s2], $0x80, v0, vm0, $0xb8;
	[tilespmem:$0x18400] =	vst v63  }
0x36a: {  	s9 =	simm.s32 $0x3A00  }
0x36b: {  	[tilespmem:s9], [sflag:$0x1] =	stream.indirect_vreg.gather [hbm4b:s5+s2], $0x80, v0, vm0, $0xb8;
	[tilespmem:$0x18400] =	vst v63  }
0x36c: {  	v0 =	vld [tilespmem:$0x1A0];
	_ =	sdelay $0x4  }
0x36d: {  	v1 =	vshll.u32 v0, $0x2  }
0x36e: {  	v0 =	vand.u32 $0x7, v0;
	v1 =	vand.u32 $0xFFFFFFE0, v1  }
0x36f: {  	v0 =	vor.u32 v0, v1  }
0x370: {  	v1 =	vperm.xlane v0, v40;
	_ =	sdelay $0x1  }
0x371: {  	v1 =	vadd.s32 v2, v1;
	_ =	sdelay $0x1  }
0x372: {  	v0 =	vperm.xlane v0, v41;
	_ =	sdelay $0x1  }
0x373: {  	s10 =	simm.s32 $0x4200;
	v0 =	vadd.s32 v2, v0  }
0x374: {  	[tilespmem:s10], [sflag:$0x1] =	stream.indirect_vreg.gather [hbm4b:s1+s2], $0x80, v1, vm0, $0xb8;
	[tilespmem:$0x18400] =	vst v63  }
0x375: {  	s8 =	simm.s32 $0x4A00  }
0x376: {  	[tilespmem:s8], [sflag:$0x1] =	stream.indirect_vreg.gather [hbm4b:s5+s2], $0x80, v1, vm0, $0xb8;
	[tilespmem:$0x18400] =	vst v63  }
0x377: {  	s9 =	simm.s32 $0x5200  }
0x378: {  	[tilespmem:s9], [sflag:$0x1] =	stream.indirect_vreg.gather [hbm4b:s1+s2], $0x80, v0, vm0, $0xb8;
	[tilespmem:$0x18400] =	vst v63  }
0x379: {  	s10 =	simm.s32 $0x5A00  }
0x37a: {  	[tilespmem:s10], [sflag:$0x1] =	stream.indirect_vreg.gather [hbm4b:s5+s2], $0x80, v0, vm0, $0xb8;
	[tilespmem:$0x18400] =	vst v63  }
0x37b: {  	v0 =	vld [tilespmem:$0x1B0];
	_ =	sdelay $0x4  }
0x37c: {  	v1 =	vshll.u32 v0, $0x2  }
0x37d: {  	v0 =	vand.u32 $0x7, v0;
	v1 =	vand.u32 $0xFFFFFFE0, v1  }
0x37e: {  	v0 =	vor.u32 v0, v1  }
0x37f: {  	v1 =	vperm.xlane v0, v40;
	_ =	sdelay $0x1  }
0x380: {  	v1 =	vadd.s32 v2, v1;
	_ =	sdelay $0x1  }
0x381: {  	v0 =	vperm.xlane v0, v41;
	_ =	sdelay $0x1  }
0x382: {  	s8 =	simm.s32 $0x6200;
	v0 =	vadd.s32 v2, v0  }
0x383: {  	[tilespmem:s8], [sflag:$0x1] =	stream.indirect_vreg.gather [hbm4b:s1+s2], $0x80, v1, vm0, $0xb8;
	[tilespmem:$0x18400] =	vst v63  }
0x384: {  	s9 =	simm.s32 $0x6A00  }
0x385: {  	[tilespmem:s9], [sflag:$0x1] =	stream.indirect_vreg.gather [hbm4b:s5+s2], $0x80, v1, vm0, $0xb8;
	[tilespmem:$0x18400] =	vst v63  }
0x386: {  	s10 =	simm.s32 $0x7200  }
0x387: {  	[tilespmem:s10], [sflag:$0x1] =	stream.indirect_vreg.gather [hbm4b:s1+s2], $0x80, v0, vm0, $0xb8;
	[tilespmem:$0x18400] =	vst v63  }
0x388: {  	s8 =	simm.s32 $0x7A00  }
0x389: {  	[tilespmem:s8], [sflag:$0x1] =	stream.indirect_vreg.gather [hbm4b:s5+s2], $0x80, v0, vm0, $0xb8;
	[tilespmem:$0x18400] =	vst v63  }
0x38a: {  	v2 =	vadd.f32 v42, v8;
	v8 =	vadd.f32 v44, v9;
	_ =	swait.ge [sflag:s28], $0x8000  }
0x38b: {  	v9 =	vadd.f32 v43, v10;
	v43 =	vadd.f32 v61, v28;
	v28 =	vld [tilespmem:$0x1FD10];
	_ =	sdelay $0x4  }
0x38c: {  	v12 =	vadd.f32 v45, v12;
	v45 =	vadd.f32 v28, v29;
	v28 =	vld [tilespmem:$0x1FD20];
	_ =	sdelay $0x4  }
0x38d: {  	v13 =	vadd.f32 v48, v13;
	v48 =	vadd.f32 v28, v31;
	v28 =	vld [tilespmem:$0x1FD30];
	_ =	sdelay $0x3  }
0x38e: {  	[sflag:s28] =	ssyncset.done $0x0  }
0x38f: {  	s9 =	rddreg [dreg:$0xb];
	[sflag:s28] =	ssyncadd.s32 $0xFFFF8000;
	v32 =	vadd.f32 v28, v32;
	v28 =	vld [tilespmem:$0x1FD40]  }
0x390: {  	[hbm4b:s9+s2] =	stream.linear.scatter [tilespmem:s6], [sflag:$0x5], $0x8000, $0x38;
	[tilespmem:$0x18400] =	vst v63  }
0x391: {  	s10 =	sand.u32 $0x7000, s2;
	s2 =	sand.u32 $0x380, s2  }
0x392: {  	s2 =	sor.u32 s2, s10  }
0x393: {  	v0 =	vadd.f32 v35, v3;
	v3 =	vadd.f32 v37, v5;
	v5 =	vld [tilespmem:s2+$0x8E70]  }
0x394: {  	v1 =	vadd.f32 v36, v4;
	v33 =	vadd.f32 v28, v33;
	v28 =	vld [tilespmem:$0x1FD50]  }
0x395: {  	v4 =	vadd.f32 v38, v6;
	v6 =	vadd.f32 v39, v7;
	v7 =	vld [tilespmem:s2+$0x8200]  }
0x396: {  	v10 =	vld [tilespmem:s2+$0x8210]  }
0x397: {  	v35 =	vld [tilespmem:s2+$0x8220]  }
0x398: {  	v36 =	vld [tilespmem:s2+$0x8230]  }
0x399: {  	v34 =	vadd.f32 v28, v34;
	v28 =	vld [tilespmem:$0x1FD60]  }
0x39a: {  	v37 =	vld [tilespmem:s2+$0x8240]  }
0x39b: {  	v38 =	vld [tilespmem:s2+$0x8250]  }
0x39c: {  	v39 =	vld [tilespmem:s2+$0x8260]  }
0x39d: {  	v40 =	vld [tilespmem:s2+$0x8270]  }
0x39e: {  	v28 =	vadd.f32 v28, v0;
	v0 =	vld [tilespmem:$0x1FD70]  }
0x39f: {  	v41 =	vld [tilespmem:s2+$0x8600]  }
0x3a0: {  	v42 =	vld [tilespmem:s2+$0x8610]  }
0x3a1: {  	v11 =	vadd.f32 v46, v11;
	v27 =	vadd.f32 v62, v27;
	v62 =	vld [tilespmem:s2+$0x8620]  }
0x3a2: {  	v14 =	vadd.f32 v47, v14;
	v16 =	vadd.f32 v49, v16;
	v47 =	vld [tilespmem:s2+$0x8630]  }
0x3a3: {  	v20 =	vadd.f32 v53, v20;
	v29 =	vadd.f32 v0, v1;
	v1 =	vld [tilespmem:$0x1FD80]  }
0x3a4: {  	v23 =	vadd.f32 v58, v23;
	v46 =	vadd.f32 v63, v30;
	v63 =	vld [tilespmem:s2+$0x8640]  }
0x3a5: {  	v58 =	vld [tilespmem:s2+$0x8A20];
	v5 =	vadd.f32 v5, v8;
	v8 =	vadd.f32 v35, v12  }
0x3a6: {  	v12 =	vadd.f32 v39, v16;
	v16 =	vadd.f32 v62, v20;
	v62 =	vld [tilespmem:s2+$0x8A60]  }
0x3a7: {  	v15 =	vadd.f32 v50, v15;
	v0 =	vld [tilespmem:s2+$0x8660]  }
0x3a8: {  	v17 =	vadd.f32 v52, v17;
	v30 =	vadd.f32 v1, v3;
	v1 =	vld [tilespmem:$0x1FD90]  }
0x3a9: {  	v18 =	vadd.f32 v51, v18;
	v19 =	vadd.f32 v54, v19;
	v3 =	vld [tilespmem:$0x1FDA0]  }
0x3aa: {  	v21 =	vadd.f32 v56, v21;
	v22 =	vadd.f32 v55, v22;
	v56 =	vld [tilespmem:s2+$0x8650]  }
0x3ab: {  	v24 =	vadd.f32 v57, v24;
	v25 =	vadd.f32 v60, v25;
	v57 =	vld [tilespmem:s2+$0x8A10]  }
0x3ac: {  	v26 =	vadd.f32 v59, v26;
	v59 =	vld [tilespmem:s2+$0x8A30];
	v32 =	vadd.f32 v62, v32  }
0x3ad: {  	v60 =	vld [tilespmem:s2+$0x8A40];
	v20 =	vadd.f32 v0, v24;
	v24 =	vadd.f32 v58, v43  }
0x3ae: {  	v31 =	vadd.f32 v1, v4;
	v3 =	vadd.f32 v3, v6;
	v4 =	vld [tilespmem:$0x1FDB0]  }
0x3af: {  	v61 =	vld [tilespmem:s2+$0x8A50];
	v6 =	vadd.f32 v7, v9;
	v7 =	vadd.f32 v10, v11  }
0x3b0: {  	v0 =	vld [tilespmem:s2+$0x8E00];
	v9 =	vadd.f32 v36, v13;
	v10 =	vadd.f32 v37, v14  }
0x3b1: {  	v1 =	vld [tilespmem:s2+$0x8670];
	v11 =	vadd.f32 v38, v15;
	v13 =	vadd.f32 v40, v17  }
0x3b2: {  	v14 =	vadd.f32 v41, v18;
	v18 =	vadd.f32 v63, v22;
	v63 =	vld [tilespmem:s2+$0x8A70]  }
0x3b3: {  	v15 =	vadd.f32 v42, v19;
	v4 =	vadd.f32 v4, v2;
	v2 =	vld [tilespmem:s2+$0x8A00]  }
0x3b4: {  	v35 =	vld [tilespmem:s2+$0x8E10];
	v17 =	vadd.f32 v47, v21;
	v19 =	vadd.f32 v56, v23  }
0x3b5: {  	v23 =	vadd.f32 v57, v27;
	v36 =	vld [tilespmem:s2+$0x8E20];
	v27 =	vadd.f32 v61, v48  }
0x3b6: {  	v37 =	vld [tilespmem:s2+$0x8E30];
	v34 =	vadd.f32 v0, v34;
	v21 =	vadd.f32 v1, v25  }
0x3b7: {  	s4 =	simm.s32 $0x80;
	s8 =	simm.s32 $0x200;
	v38 =	vld [tilespmem:s2+$0x8E40];
	v25 =	vadd.f32 v59, v45;
	v33 =	vadd.f32 v63, v33  }
0x3b8: {  	s9 =	sand.u32 $0x7000, s8;
	s8 =	simm.s32 $0x400;
	s10 =	sand.u32 $0x380, s4;
	v39 =	vld [tilespmem:s2+$0x8E50];
	v22 =	vadd.f32 v2, v26;
	v26 =	vadd.f32 v60, v46  }
.LBB2_10:
0x3b9: {  	p0 =	sne.s32 s8, $0x7E00;
	v28 =	vadd.f32 v35, v28;
	v0 =	vld [tilespmem:s2+$0x8E60];
	s2 =	sor.u32 s10, s9  }
0x3ba: {  	v1 =	vld [tilespmem:s2+$0x8E70];
	v29 =	vadd.f32 v36, v29  }
0x3bb: {  	v2 =	vld [tilespmem:s2+$0x8200];
	v30 =	vadd.f32 v37, v30  }
0x3bc: {  	v35 =	vld [tilespmem:s2+$0x8210];
	v31 =	vadd.f32 v38, v31  }
0x3bd: {  	v36 =	vld [tilespmem:s2+$0x8220];
	v3 =	vadd.f32 v39, v3  }
0x3be: {  	v37 =	vld [tilespmem:s2+$0x8230];
	v4 =	vadd.f32 v0, v4  }
0x3bf: {  	v0 =	vld [tilespmem:s2+$0x8240];
	v5 =	vadd.f32 v1, v5  }
0x3c0: {  	v6 =	vadd.f32 v2, v6;
	v1 =	vld [tilespmem:s2+$0x8250]  }
0x3c1: {  	v7 =	vadd.f32 v35, v7;
	v2 =	vld [tilespmem:s2+$0x8260]  }
0x3c2: {  	v8 =	vadd.f32 v36, v8;
	v35 =	vld [tilespmem:s2+$0x8270]  }
0x3c3: {  	v9 =	vadd.f32 v37, v9;
	v36 =	vld [tilespmem:s2+$0x8600]  }
0x3c4: {  	v10 =	vadd.f32 v0, v10;
	v0 =	vld [tilespmem:s2+$0x8610]  }
0x3c5: {  	v11 =	vadd.f32 v1, v11;
	v1 =	vld [tilespmem:s2+$0x8620]  }
0x3c6: {  	v12 =	vadd.f32 v2, v12;
	v2 =	vld [tilespmem:s2+$0x8630]  }
0x3c7: {  	v13 =	vadd.f32 v35, v13;
	v35 =	vld [tilespmem:s2+$0x8640]  }
0x3c8: {  	v14 =	vadd.f32 v36, v14;
	v36 =	vld [tilespmem:s2+$0x8650]  }
0x3c9: {  	v15 =	vadd.f32 v0, v15;
	v0 =	vld [tilespmem:s2+$0x8660]  }
0x3ca: {  	v16 =	vadd.f32 v1, v16;
	v1 =	vld [tilespmem:s2+$0x8670]  }
0x3cb: {  	v17 =	vadd.f32 v2, v17;
	v2 =	vld [tilespmem:s2+$0x8A00]  }
0x3cc: {  	v18 =	vadd.f32 v35, v18;
	v35 =	vld [tilespmem:s2+$0x8A10]  }
0x3cd: {  	v19 =	vadd.f32 v36, v19;
	v36 =	vld [tilespmem:s2+$0x8A20]  }
0x3ce: {  	v20 =	vadd.f32 v0, v20;
	v0 =	vld [tilespmem:s2+$0x8A30]  }
0x3cf: {  	v21 =	vadd.f32 v1, v21;
	v1 =	vld [tilespmem:s2+$0x8A40]  }
0x3d0: {  	v22 =	vadd.f32 v2, v22;
	v2 =	vld [tilespmem:s2+$0x8A50]  }
0x3d1: {  	v23 =	vadd.f32 v35, v23;
	v37 =	vld [tilespmem:s2+$0x8A60]  }
0x3d2: {  	v24 =	vadd.f32 v36, v24;
	v38 =	vld [tilespmem:s2+$0x8A70]  }
0x3d3: {  	v25 =	vadd.f32 v0, v25;
	v0 =	vld [tilespmem:s2+$0x8E00]  }
.Ltmp4:
0x3d4: {  	v26 =	vadd.f32 v1, v26;
	v35 =	vld [tilespmem:s2+$0x8E10];
	(pc) =	sbr.rel @p0 .LBB2_10-.Ltmp4, $4  }
0x3d5: {  	v27 =	vadd.f32 v2, v27;
	v36 =	vld [tilespmem:s2+$0x8E20]  }
0x3d6: {  	v32 =	vadd.f32 v37, v32;
	v37 =	vld [tilespmem:s2+$0x8E30]  }
0x3d7: {  	s4 =	sadd.s32 $0x80, s4;
	v33 =	vadd.f32 v38, v33;
	v38 =	vld [tilespmem:s2+$0x8E40]  }
0x3d8: {  	s9 =	sand.u32 $0x7000, s8;
	s8 =	sadd.s32 $0x200, s8;
	s10 =	sand.u32 $0x380, s4;
	v34 =	vadd.f32 v0, v34;
	v39 =	vld [tilespmem:s2+$0x8E50]  }
0x3d9: {  	s4 =	sor.u32 s10, s9  }
0x3da: {  	v0 =	vld [tilespmem:s4+$0x8A40];
	_ =	sdelay $0x4  }
0x3db: {  	[tilespmem:$0x1FC60] =	vst v0;
	v0 =	vld [tilespmem:s4+$0x8A50];
	_ =	sdelay $0x4  }
0x3dc: {  	[tilespmem:$0x1FC70] =	vst v0;
	v0 =	vld [tilespmem:s4+$0x8A60];
	_ =	sdelay $0x4  }
0x3dd: {  	[tilespmem:$0x1FC80] =	vst v0;
	v0 =	vld [tilespmem:s4+$0x8A70];
	_ =	sdelay $0x4  }
0x3de: {  	[tilespmem:$0x1FC90] =	vst v0;
	v0 =	vld [tilespmem:s4+$0x8E00];
	_ =	sdelay $0x4  }
0x3df: {  	[tilespmem:$0x1FCA0] =	vst v0;
	v0 =	vld [tilespmem:s4+$0x8E10];
	_ =	sdelay $0x4  }
0x3e0: {  	[tilespmem:$0x1FCB0] =	vst v0;
	v0 =	vld [tilespmem:s4+$0x8E20]  }
0x3e1: {  	v40 =	vld [tilespmem:s2+$0x8E60]  }
0x3e2: {  	v42 =	vld [tilespmem:s4+$0x8E70]  }
0x3e3: {  	v41 =	vld [tilespmem:s4+$0x8200]  }
0x3e4: {  	v44 =	vld [tilespmem:s4+$0x8210]  }
0x3e5: {  	[tilespmem:$0x1FCC0] =	vst v0;
	v0 =	vld [tilespmem:s4+$0x8E30]  }
0x3e6: {  	v43 =	vld [tilespmem:s4+$0x8220]  }
0x3e7: {  	v46 =	vld [tilespmem:s4+$0x8230]  }
0x3e8: {  	v45 =	vld [tilespmem:s4+$0x8240]  }
0x3e9: {  	v48 =	vld [tilespmem:s4+$0x8250]  }
0x3ea: {  	[tilespmem:$0x1FCD0] =	vst v0;
	v0 =	vld [tilespmem:s4+$0x8E40]  }
0x3eb: {  	v47 =	vld [tilespmem:s4+$0x8260]  }
0x3ec: {  	v51 =	vld [tilespmem:s4+$0x8270]  }
0x3ed: {  	v49 =	vld [tilespmem:s4+$0x8600]  }
0x3ee: {  	v52 =	vld [tilespmem:s4+$0x8610]  }
0x3ef: {  	[tilespmem:$0x1FCE0] =	vst v0;
	v0 =	vld [tilespmem:s4+$0x8E50]  }
0x3f0: {  	v53 =	vld [tilespmem:s4+$0x8620]  }
0x3f1: {  	v54 =	vld [tilespmem:s4+$0x8630]  }
0x3f2: {  	v55 =	vld [tilespmem:s4+$0x8640]  }
0x3f3: {  	v56 =	vld [tilespmem:s4+$0x8650]  }
0x3f4: {  	[tilespmem:$0x1FCF0] =	vst v0;
	v0 =	vld [tilespmem:s4+$0x8E60]  }
0x3f5: {  	v57 =	vld [tilespmem:s4+$0x8660]  }
0x3f6: {  	v58 =	vld [tilespmem:s4+$0x8670]  }
0x3f7: {  	v59 =	vld [tilespmem:s4+$0x8A00]  }
0x3f8: {  	v60 =	vld [tilespmem:s4+$0x8A10]  }
0x3f9: {  	v61 =	vld [tilespmem:s4+$0x8A20];
	[tilespmem:$0x1FD00] =	vst v0  }
0x3fa: {  	v62 =	vld [tilespmem:s4+$0x8A30];
	_ =	swait.ge [sflag:s29], $0x8000  }
0x3fb: {  	[sflag:s29] =	ssyncset.done $0x0  }
0x3fc: {  	[sflag:s29] =	ssyncadd.s32 $0xFFFF8000  }
0x3fd: {  	v0 =	vld [tilespmem:$0x1C0];
	_ =	sdelay $0x2  }
0x3fe: {  	v50 =	vld [tilespmem:$0x1FFD0];
	_ =	sdelay $0x1  }
0x3ff: {  	v63 =	vld [tilespmem:$0x1FFE0];
	v1 =	vshll.u32 v0, $0x2  }
0x400: {  	v0 =	vand.u32 $0x7, v0;
	v1 =	vand.u32 $0xFFFFFFE0, v1  }
0x401: {  	v2 =	vld [tilespmem:$0x1FFF0];
	v0 =	vor.u32 v0, v1  }
0x402: {  	v1 =	vperm.xlane v0, v50;
	_ =	sdelay $0x1  }
0x403: {  	v1 =	vadd.s32 v63, v1;
	_ =	sdelay $0x1  }
0x404: {  	v0 =	vperm.xlane v0, v2;
	_ =	sdelay $0x1  }
0x405: {  	s2 =	simm.s32 $0x0;
	v0 =	vadd.s32 v63, v0  }
0x406: {  	[tilespmem:s6], [sflag:$0x2] =	stream.indirect_vreg.gather [hbm4b:s1+s2], $0x80, v1, vm0, $0xb8;
	[tilespmem:$0x18400] =	vst v63  }
0x407: {  	s9 =	simm.s32 $0x8A00  }
0x408: {  	[tilespmem:s9], [sflag:$0x2] =	stream.indirect_vreg.gather [hbm4b:s5+s2], $0x80, v1, vm0, $0xb8;
	[tilespmem:$0x18400] =	vst v63  }
0x409: {  	s10 =	simm.s32 $0x9200  }
0x40a: {  	[tilespmem:s10], [sflag:$0x2] =	stream.indirect_vreg.gather [hbm4b:s1+s2], $0x80, v0, vm0, $0xb8;
	[tilespmem:$0x18400] =	vst v63  }
0x40b: {  	s8 =	simm.s32 $0x9A00  }
0x40c: {  	[tilespmem:s8], [sflag:$0x2] =	stream.indirect_vreg.gather [hbm4b:s5+s2], $0x80, v0, vm0, $0xb8;
	[tilespmem:$0x18400] =	vst v63  }
0x40d: {  	v0 =	vld [tilespmem:$0x1D0];
	_ =	sdelay $0x4  }
0x40e: {  	v1 =	vshll.u32 v0, $0x2  }
0x40f: {  	v0 =	vand.u32 $0x7, v0;
	v1 =	vand.u32 $0xFFFFFFE0, v1  }
0x410: {  	v0 =	vor.u32 v0, v1  }
0x411: {  	v1 =	vperm.xlane v0, v50;
	_ =	sdelay $0x1  }
0x412: {  	v1 =	vadd.s32 v63, v1;
	_ =	sdelay $0x1  }
0x413: {  	v0 =	vperm.xlane v0, v2;
	_ =	sdelay $0x1  }
0x414: {  	v0 =	vadd.s32 v63, v0  }
0x415: {  	[tilespmem:s11], [sflag:$0x2] =	stream.indirect_vreg.gather [hbm4b:s1+s2], $0x80, v1, vm0, $0xb8;
	[tilespmem:$0x18400] =	vst v63  }
0x416: {  	_ = 	snop  }
0x417: {  	[tilespmem:s12], [sflag:$0x2] =	stream.indirect_vreg.gather [hbm4b:s5+s2], $0x80, v1, vm0, $0xb8;
	[tilespmem:$0x18400] =	vst v63  }
0x418: {  	_ = 	snop  }
0x419: {  	[tilespmem:s13], [sflag:$0x2] =	stream.indirect_vreg.gather [hbm4b:s1+s2], $0x80, v0, vm0, $0xb8;
	[tilespmem:$0x18400] =	vst v63  }
0x41a: {  	_ = 	snop  }
0x41b: {  	[tilespmem:s14], [sflag:$0x2] =	stream.indirect_vreg.gather [hbm4b:s5+s2], $0x80, v0, vm0, $0xb8;
	[tilespmem:$0x18400] =	vst v63  }
0x41c: {  	v0 =	vld [tilespmem:$0x1E0];
	_ =	sdelay $0x4  }
0x41d: {  	v1 =	vshll.u32 v0, $0x2  }
0x41e: {  	v0 =	vand.u32 $0x7, v0;
	v1 =	vand.u32 $0xFFFFFFE0, v1  }
0x41f: {  	v0 =	vor.u32 v0, v1  }
0x420: {  	v1 =	vperm.xlane v0, v50;
	_ =	sdelay $0x1  }
0x421: {  	v1 =	vadd.s32 v63, v1;
	_ =	sdelay $0x1  }
0x422: {  	v0 =	vperm.xlane v0, v2;
	_ =	sdelay $0x1  }
0x423: {  	v0 =	vadd.s32 v63, v0  }
0x424: {  	[tilespmem:s15], [sflag:$0x2] =	stream.indirect_vreg.gather [hbm4b:s1+s2], $0x80, v1, vm0, $0xb8;
	[tilespmem:$0x18400] =	vst v63  }
0x425: {  	_ = 	snop  }
0x426: {  	[tilespmem:s16], [sflag:$0x2] =	stream.indirect_vreg.gather [hbm4b:s5+s2], $0x80, v1, vm0, $0xb8;
	[tilespmem:$0x18400] =	vst v63  }
0x427: {  	_ = 	snop  }
0x428: {  	[tilespmem:s7], [sflag:$0x2] =	stream.indirect_vreg.gather [hbm4b:s1+s2], $0x80, v0, vm0, $0xb8;
	[tilespmem:$0x18400] =	vst v63  }
0x429: {  	_ = 	snop  }
0x42a: {  	[tilespmem:s19], [sflag:$0x2] =	stream.indirect_vreg.gather [hbm4b:s5+s2], $0x80, v0, vm0, $0xb8;
	[tilespmem:$0x18400] =	vst v63  }
0x42b: {  	v0 =	vld [tilespmem:$0x1F0];
	_ =	sdelay $0x4  }
0x42c: {  	v1 =	vshll.u32 v0, $0x2  }
0x42d: {  	v0 =	vand.u32 $0x7, v0;
	v1 =	vand.u32 $0xFFFFFFE0, v1  }
0x42e: {  	v0 =	vor.u32 v0, v1  }
0x42f: {  	v1 =	vperm.xlane v0, v50;
	_ =	sdelay $0x1  }
0x430: {  	v1 =	vadd.s32 v63, v1;
	_ =	sdelay $0x1  }
0x431: {  	v0 =	vperm.xlane v0, v2;
	_ =	sdelay $0x1  }
0x432: {  	v0 =	vadd.s32 v63, v0  }
0x433: {  	[tilespmem:s20], [sflag:$0x2] =	stream.indirect_vreg.gather [hbm4b:s1+s2], $0x80, v1, vm0, $0xb8;
	[tilespmem:$0x18400] =	vst v63  }
0x434: {  	_ = 	snop  }
0x435: {  	[tilespmem:s21], [sflag:$0x2] =	stream.indirect_vreg.gather [hbm4b:s5+s2], $0x80, v1, vm0, $0xb8;
	[tilespmem:$0x18400] =	vst v63  }
0x436: {  	_ = 	snop  }
0x437: {  	[tilespmem:s22], [sflag:$0x2] =	stream.indirect_vreg.gather [hbm4b:s1+s2], $0x80, v0, vm0, $0xb8;
	[tilespmem:$0x18400] =	vst v63  }
0x438: {  	_ = 	snop  }
0x439: {  	[tilespmem:s23], [sflag:$0x2] =	stream.indirect_vreg.gather [hbm4b:s5+s2], $0x80, v0, vm0, $0xb8;
	[tilespmem:$0x18400] =	vst v63  }
0x43a: {  	_ =	swait.ge [sflag:s30], $0x8000  }
0x43b: {  	v50 =	vadd.f32 v36, v29;
	v1 =	vld [tilespmem:$0x1FC60]  }
0x43c: {  	v29 =	vadd.f32 v38, v31;
	v31 =	vadd.f32 v39, v3;
	v3 =	vld [tilespmem:$0x1FC80]  }
0x43d: {  	v2 =	vadd.f32 v40, v4;
	[sflag:s30] =	ssyncset.done $0x0;
	v4 =	vld [tilespmem:$0x1FCC0]  }
0x43e: {  	v35 =	vadd.f32 v35, v28;
	v36 =	vadd.f32 v42, v5;
	s9 =	rddreg [dreg:$0xc];
	v5 =	vld [tilespmem:$0x1FCD0];
	[sflag:s30] =	ssyncadd.s32 $0xFFFF8000  }
0x43f: {  	v28 =	vadd.f32 v37, v30;
	v37 =	vadd.f32 v41, v6;
	v6 =	vld [tilespmem:$0x1FCE0];
	[hbm4b:s9+s2] =	stream.linear.scatter [tilespmem:s24], [sflag:$0x6], $0x8000, $0x38  }
0x440: {  	s10 =	sand.u32 $0x7000, s2;
	v39 =	vadd.f32 v44, v7;
	v7 =	vld [tilespmem:$0x1FCF0];
	s2 =	sand.u32 $0x380, s2  }
0x441: {  	v40 =	vadd.f32 v43, v8;
	v8 =	vld [tilespmem:$0x1FD00];
	s4 =	sor.u32 s2, s10  }
0x442: {  	s2 =	sadd.s32 $0x10200, s4;
	v63 =	vld [tilespmem:s4+$0x10200]  }
0x443: {  	v30 =	vld [tilespmem:s2+$0xC70]  }
0x444: {  	v38 =	vld [tilespmem:s2+$0x10]  }
0x445: {  	v41 =	vld [tilespmem:s2+$0x20]  }
0x446: {  	v44 =	vld [tilespmem:s2+$0x30]  }
0x447: {  	v42 =	vadd.f32 v46, v9;
	v46 =	vadd.f32 v47, v12;
	v47 =	vld [tilespmem:s2+$0x40]  }
0x448: {  	v43 =	vadd.f32 v45, v10;
	v45 =	vadd.f32 v48, v11;
	v0 =	vld [tilespmem:s2+$0x50]  }
0x449: {  	v48 =	vadd.f32 v51, v13;
	v51 =	vadd.f32 v53, v16;
	v16 =	vld [tilespmem:s2+$0x60]  }
0x44a: {  	v54 =	vadd.f32 v54, v17;
	v17 =	vld [tilespmem:s2+$0x70]  }
0x44b: {  	v53 =	vadd.f32 v55, v18;
	v18 =	vld [tilespmem:s2+$0x400]  }
0x44c: {  	v56 =	vadd.f32 v56, v19;
	v19 =	vld [tilespmem:s2+$0x410]  }
0x44d: {  	v55 =	vadd.f32 v57, v20;
	v20 =	vld [tilespmem:s2+$0x420]  }
0x44e: {  	v58 =	vadd.f32 v58, v21;
	v57 =	vadd.f32 v59, v22;
	v21 =	vld [tilespmem:s2+$0x430]  }
0x44f: {  	v59 =	vadd.f32 v61, v24;
	v61 =	vadd.f32 v1, v26;
	v1 =	vld [tilespmem:$0x1FC70]  }
0x450: {  	v22 =	vld [tilespmem:s2+$0x440]  }
0x451: {  	v49 =	vadd.f32 v49, v14;
	v32 =	vadd.f32 v3, v32;
	v3 =	vld [tilespmem:$0x1FC90]  }
0x452: {  	v52 =	vadd.f32 v52, v15;
	v60 =	vadd.f32 v60, v23;
	v23 =	vld [tilespmem:s2+$0x450]  }
0x453: {  	v62 =	vadd.f32 v62, v25;
	v4 =	vadd.f32 v4, v50;
	v24 =	vld [tilespmem:s2+$0x460]  }
0x454: {  	v5 =	vadd.f32 v5, v28;
	v6 =	vadd.f32 v6, v29;
	v25 =	vld [tilespmem:s2+$0x470]  }
0x455: {  	v7 =	vadd.f32 v7, v31;
	v8 =	vadd.f32 v8, v2;
	v2 =	vld [tilespmem:s2+$0x800]  }
0x456: {  	v9 =	vadd.f32 v63, v37;
	v33 =	vadd.f32 v3, v33;
	v3 =	vld [tilespmem:$0x1FCA0]  }
0x457: {  	v28 =	vld [tilespmem:s2+$0x820];
	v1 =	vadd.f32 v1, v27;
	v10 =	vadd.f32 v30, v36  }
0x458: {  	v29 =	vld [tilespmem:s2+$0x830];
	v11 =	vadd.f32 v38, v39;
	v12 =	vadd.f32 v41, v40  }
0x459: {  	v31 =	vld [tilespmem:s2+$0x850];
	v13 =	vadd.f32 v44, v42;
	v14 =	vadd.f32 v47, v43  }
0x45a: {  	v63 =	vld [tilespmem:s2+$0xC00];
	v15 =	vadd.f32 v0, v45;
	v16 =	vadd.f32 v16, v46  }
0x45b: {  	v17 =	vadd.f32 v17, v48;
	v34 =	vadd.f32 v3, v34;
	v3 =	vld [tilespmem:$0x1FCB0]  }
0x45c: {  	v27 =	vld [tilespmem:s2+$0x810];
	v18 =	vadd.f32 v18, v49;
	v19 =	vadd.f32 v19, v52  }
0x45d: {  	v0 =	vld [tilespmem:s2+$0x840];
	v20 =	vadd.f32 v20, v51;
	v21 =	vadd.f32 v21, v54  }
0x45e: {  	v52 =	vld [tilespmem:s2+$0x860];
	v22 =	vadd.f32 v22, v53;
	v23 =	vadd.f32 v23, v56  }
0x45f: {  	v54 =	vld [tilespmem:s2+$0x870];
	v24 =	vadd.f32 v24, v55;
	v25 =	vadd.f32 v25, v58  }
0x460: {  	v26 =	vadd.f32 v2, v57;
	v3 =	vadd.f32 v3, v35;
	v35 =	vld [tilespmem:s2+$0xC10]  }
0x461: {  	v28 =	vadd.f32 v28, v59;
	v36 =	vld [tilespmem:s2+$0xC20];
	v29 =	vadd.f32 v29, v62  }
0x462: {  	v37 =	vld [tilespmem:s2+$0xC30];
	v31 =	vadd.f32 v31, v1;
	v27 =	vadd.f32 v27, v60  }
0x463: {  	s8 =	simm.s32 $0x200;
	s4 =	simm.s32 $0x80;
	v38 =	vld [tilespmem:s2+$0xC40];
	v30 =	vadd.f32 v0, v61;
	v32 =	vadd.f32 v52, v32  }
0x464: {  	s9 =	sand.u32 $0x7000, s8;
	s8 =	simm.s32 $0x400;
	s10 =	sand.u32 $0x380, s4;
	v39 =	vld [tilespmem:s2+$0xC50];
	v33 =	vadd.f32 v54, v33;
	v34 =	vadd.f32 v63, v34  }
.LBB2_12:
0x465: {  	p0 =	sne.s32 s8, $0x7E00;
	s9 =	sor.u32 s10, s9;
	v3 =	vadd.f32 v35, v3;
	v0 =	vld [tilespmem:s2+$0xC60]  }
0x466: {  	s2 =	sadd.s32 $0x10200, s9;
	v1 =	vld [tilespmem:s9+$0x10200];
	v4 =	vadd.f32 v36, v4  }
0x467: {  	v2 =	vld [tilespmem:s2+$0xC70];
	v5 =	vadd.f32 v37, v5  }
0x468: {  	v35 =	vld [tilespmem:s2+$0x10];
	v6 =	vadd.f32 v38, v6  }
0x469: {  	v36 =	vld [tilespmem:s2+$0x20];
	v7 =	vadd.f32 v39, v7  }
0x46a: {  	v37 =	vld [tilespmem:s2+$0x30];
	v8 =	vadd.f32 v0, v8  }
0x46b: {  	v9 =	vadd.f32 v1, v9;
	v0 =	vld [tilespmem:s2+$0x40]  }
0x46c: {  	v1 =	vld [tilespmem:s2+$0x50];
	v10 =	vadd.f32 v2, v10  }
0x46d: {  	v11 =	vadd.f32 v35, v11;
	v2 =	vld [tilespmem:s2+$0x60]  }
0x46e: {  	v12 =	vadd.f32 v36, v12;
	v35 =	vld [tilespmem:s2+$0x70]  }
0x46f: {  	v13 =	vadd.f32 v37, v13;
	v36 =	vld [tilespmem:s2+$0x400]  }
0x470: {  	v14 =	vadd.f32 v0, v14;
	v0 =	vld [tilespmem:s2+$0x410]  }
0x471: {  	v15 =	vadd.f32 v1, v15;
	v1 =	vld [tilespmem:s2+$0x420]  }
0x472: {  	v16 =	vadd.f32 v2, v16;
	v2 =	vld [tilespmem:s2+$0x430]  }
0x473: {  	v17 =	vadd.f32 v35, v17;
	v35 =	vld [tilespmem:s2+$0x440]  }
0x474: {  	v18 =	vadd.f32 v36, v18;
	v36 =	vld [tilespmem:s2+$0x450]  }
0x475: {  	v19 =	vadd.f32 v0, v19;
	v0 =	vld [tilespmem:s2+$0x460]  }
0x476: {  	v20 =	vadd.f32 v1, v20;
	v1 =	vld [tilespmem:s2+$0x470]  }
0x477: {  	v21 =	vadd.f32 v2, v21;
	v2 =	vld [tilespmem:s2+$0x800]  }
0x478: {  	v22 =	vadd.f32 v35, v22;
	v35 =	vld [tilespmem:s2+$0x810]  }
0x479: {  	v23 =	vadd.f32 v36, v23;
	v36 =	vld [tilespmem:s2+$0x820]  }
0x47a: {  	v24 =	vadd.f32 v0, v24;
	v0 =	vld [tilespmem:s2+$0x830]  }
0x47b: {  	v25 =	vadd.f32 v1, v25;
	v1 =	vld [tilespmem:s2+$0x840]  }
0x47c: {  	v26 =	vadd.f32 v2, v26;
	v2 =	vld [tilespmem:s2+$0x850]  }
0x47d: {  	v27 =	vadd.f32 v35, v27;
	v37 =	vld [tilespmem:s2+$0x860]  }
0x47e: {  	v28 =	vadd.f32 v36, v28;
	v38 =	vld [tilespmem:s2+$0x870]  }
0x47f: {  	v29 =	vadd.f32 v0, v29;
	v0 =	vld [tilespmem:s2+$0xC00]  }
.Ltmp5:
0x480: {  	v30 =	vadd.f32 v1, v30;
	v35 =	vld [tilespmem:s2+$0xC10];
	(pc) =	sbr.rel @p0 .LBB2_12-.Ltmp5, $4  }
0x481: {  	v31 =	vadd.f32 v2, v31;
	v36 =	vld [tilespmem:s2+$0xC20]  }
0x482: {  	v32 =	vadd.f32 v37, v32;
	v37 =	vld [tilespmem:s2+$0xC30]  }
0x483: {  	s4 =	sadd.s32 $0x80, s4;
	v33 =	vadd.f32 v38, v33;
	v38 =	vld [tilespmem:s2+$0xC40]  }
0x484: {  	s9 =	sand.u32 $0x7000, s8;
	s10 =	sand.u32 $0x380, s4;
	s8 =	sadd.s32 $0x200, s8;
	v34 =	vadd.f32 v0, v34;
	v39 =	vld [tilespmem:s2+$0xC50]  }
0x485: {  	s4 =	sor.u32 s10, s9  }
0x486: {  	s10 =	sadd.s32 $0x10200, s4  }
0x487: {  	v62 =	vld [tilespmem:s10+$0x870];
	_ =	sdelay $0x4  }
0x488: {  	[tilespmem:$0x1FBF0] =	vst v62;
	v62 =	vld [tilespmem:s10+$0xC10]  }
0x489: {  	v0 =	vld [tilespmem:s2+$0xC60]  }
0x48a: {  	v1 =	vld [tilespmem:s4+$0x10200]  }
0x48b: {  	v2 =	vld [tilespmem:s10+$0xC70]  }
0x48c: {  	v40 =	vld [tilespmem:s10+$0x10]  }
0x48d: {  	[tilespmem:$0x1FC00] =	vst v62;
	v62 =	vld [tilespmem:s10+$0xC20]  }
0x48e: {  	v41 =	vld [tilespmem:s10+$0x20]  }
0x48f: {  	v42 =	vld [tilespmem:s10+$0x30]  }
0x490: {  	v43 =	vld [tilespmem:s10+$0x40]  }
0x491: {  	v44 =	vld [tilespmem:s10+$0x50]  }
0x492: {  	[tilespmem:$0x1FC10] =	vst v62;
	v62 =	vld [tilespmem:s10+$0xC30]  }
0x493: {  	v45 =	vld [tilespmem:s10+$0x60]  }
0x494: {  	v46 =	vld [tilespmem:s10+$0x70]  }
0x495: {  	v47 =	vld [tilespmem:s10+$0x400]  }
0x496: {  	v48 =	vld [tilespmem:s10+$0x410]  }
0x497: {  	[tilespmem:$0x1FC20] =	vst v62;
	v62 =	vld [tilespmem:s10+$0xC40]  }
0x498: {  	v49 =	vld [tilespmem:s10+$0x420]  }
0x499: {  	v50 =	vld [tilespmem:s10+$0x430]  }
0x49a: {  	v51 =	vld [tilespmem:s10+$0x440]  }
0x49b: {  	v52 =	vld [tilespmem:s10+$0x450]  }
0x49c: {  	[tilespmem:$0x1FC30] =	vst v62;
	v62 =	vld [tilespmem:s10+$0xC50]  }
0x49d: {  	v53 =	vld [tilespmem:s10+$0x460]  }
0x49e: {  	v54 =	vld [tilespmem:s10+$0x470]  }
0x49f: {  	v55 =	vld [tilespmem:s10+$0x800]  }
0x4a0: {  	v56 =	vld [tilespmem:s10+$0x810]  }
0x4a1: {  	[tilespmem:$0x1FC40] =	vst v62;
	v62 =	vld [tilespmem:s10+$0xC60]  }
0x4a2: {  	v57 =	vld [tilespmem:s10+$0x820]  }
0x4a3: {  	v58 =	vld [tilespmem:s10+$0x830]  }
0x4a4: {  	v59 =	vld [tilespmem:s10+$0x840]  }
0x4a5: {  	v60 =	vld [tilespmem:s10+$0x850]  }
0x4a6: {  	v61 =	vld [tilespmem:s10+$0x860];
	[tilespmem:$0x1FC50] =	vst v62  }
0x4a7: {  	v63 =	vld [tilespmem:s10+$0xC00];
	_ =	swait.ge [sflag:s25], $0x8000  }
0x4a8: {  	s8 =	simm.s32 $0x0;
	v0 =	vadd.f32 v0, v8;
	v8 =	vld [tilespmem:$0x1FBF0]  }
0x4a9: {  	s2 =	sand.u32 $0x380, s8;
	s10 =	sand.u32 $0x7000, s8;
	[sflag:s25] =	ssyncset.done $0x0  }
0x4aa: {  	s2 =	sor.u32 s2, s10;
	s9 =	rddreg [dreg:$0xd];
	[sflag:s25] =	ssyncadd.s32 $0xFFFF8000  }
0x4ab: {  	[hbm4b:s9+s8] =	stream.linear.scatter [tilespmem:s18], [sflag:$0x4], $0x8000, $0x38;
	[tilespmem:$0x18400] =	vst v63  }
0x4ac: {  	v3 =	vadd.f32 v35, v3;
	v35 =	vld [tilespmem:s2+$0xE70]  }
0x4ad: {  	v33 =	vadd.f32 v8, v33;
	v8 =	vld [tilespmem:$0x1FC00]  }
0x4ae: {  	v4 =	vadd.f32 v36, v4;
	v36 =	vld [tilespmem:s2+$0x200]  }
0x4af: {  	v5 =	vadd.f32 v37, v5;
	v37 =	vld [tilespmem:s2+$0x210]  }
0x4b0: {  	v6 =	vadd.f32 v38, v6;
	v38 =	vld [tilespmem:s2+$0x220]  }
0x4b1: {  	v7 =	vadd.f32 v39, v7;
	v39 =	vld [tilespmem:s2+$0x230]  }
0x4b2: {  	v3 =	vadd.f32 v8, v3;
	v8 =	vld [tilespmem:$0x1FC10]  }
0x4b3: {  	v11 =	vadd.f32 v40, v11;
	v40 =	vld [tilespmem:s2+$0x240]  }
0x4b4: {  	v12 =	vadd.f32 v41, v12;
	v41 =	vld [tilespmem:s2+$0x250]  }
0x4b5: {  	v13 =	vadd.f32 v42, v13;
	v42 =	vld [tilespmem:s2+$0x260]  }
0x4b6: {  	v14 =	vadd.f32 v43, v14;
	v43 =	vld [tilespmem:s2+$0x270]  }
0x4b7: {  	v1 =	vadd.f32 v1, v9;
	v4 =	vadd.f32 v8, v4;
	v8 =	vld [tilespmem:$0x1FC20]  }
0x4b8: {  	v2 =	vadd.f32 v2, v10;
	v15 =	vadd.f32 v44, v15;
	v44 =	vld [tilespmem:s2+$0x600]  }
0x4b9: {  	v16 =	vadd.f32 v45, v16;
	v17 =	vadd.f32 v46, v17;
	v45 =	vld [tilespmem:s2+$0x610]  }
0x4ba: {  	v18 =	vadd.f32 v47, v18;
	v19 =	vadd.f32 v48, v19;
	v46 =	vld [tilespmem:s2+$0x620]  }
0x4bb: {  	v20 =	vadd.f32 v49, v20;
	v21 =	vadd.f32 v50, v21;
	v62 =	vld [tilespmem:s2+$0x630]  }
0x4bc: {  	v22 =	vadd.f32 v51, v22;
	v5 =	vadd.f32 v8, v5;
	v8 =	vld [tilespmem:$0x1FC30]  }
0x4bd: {  	v23 =	vadd.f32 v52, v23;
	v25 =	vadd.f32 v54, v25;
	v54 =	vld [tilespmem:s2+$0x640]  }
0x4be: {  	v24 =	vadd.f32 v53, v24;
	v26 =	vadd.f32 v55, v26;
	v55 =	vld [tilespmem:s2+$0x650]  }
0x4bf: {  	v27 =	vadd.f32 v56, v27;
	v28 =	vadd.f32 v57, v28;
	v56 =	vld [tilespmem:s2+$0x660]  }
0x4c0: {  	v29 =	vadd.f32 v58, v29;
	v30 =	vadd.f32 v59, v30;
	v57 =	vld [tilespmem:s2+$0x670]  }
0x4c1: {  	v31 =	vadd.f32 v60, v31;
	v6 =	vadd.f32 v8, v6;
	v8 =	vld [tilespmem:$0x1FC40]  }
0x4c2: {  	v32 =	vadd.f32 v61, v32;
	v34 =	vadd.f32 v63, v34;
	v58 =	vld [tilespmem:s2+$0xA30]  }
0x4c3: {  	v59 =	vld [tilespmem:s2+$0xA40];
	v9 =	vadd.f32 v35, v2;
	v10 =	vadd.f32 v36, v1  }
0x4c4: {  	v60 =	vld [tilespmem:s2+$0xA50];
	v11 =	vadd.f32 v37, v11;
	v12 =	vadd.f32 v38, v12  }
0x4c5: {  	v61 =	vld [tilespmem:s2+$0xA60];
	v13 =	vadd.f32 v39, v13;
	v14 =	vadd.f32 v40, v14  }
0x4c6: {  	v15 =	vadd.f32 v41, v15;
	v7 =	vadd.f32 v8, v7;
	v8 =	vld [tilespmem:$0x1FC50]  }
0x4c7: {  	v63 =	vld [tilespmem:s2+$0xE00];
	v16 =	vadd.f32 v42, v16;
	v17 =	vadd.f32 v43, v17  }
0x4c8: {  	v1 =	vld [tilespmem:s2+$0xA10];
	v18 =	vadd.f32 v44, v18;
	v19 =	vadd.f32 v45, v19  }
0x4c9: {  	v2 =	vld [tilespmem:s2+$0xA20];
	v20 =	vadd.f32 v46, v20;
	v21 =	vadd.f32 v62, v21  }
0x4ca: {  	v22 =	vadd.f32 v54, v22;
	v62 =	vld [tilespmem:s2+$0xA70];
	v23 =	vadd.f32 v55, v23  }
0x4cb: {  	v24 =	vadd.f32 v56, v24;
	v8 =	vadd.f32 v8, v0;
	v0 =	vld [tilespmem:s2+$0xA00]  }
0x4cc: {  	v25 =	vadd.f32 v57, v25;
	v35 =	vld [tilespmem:s2+$0xE10];
	v29 =	vadd.f32 v58, v29  }
0x4cd: {  	v36 =	vld [tilespmem:s2+$0xE20];
	v30 =	vadd.f32 v59, v30;
	v31 =	vadd.f32 v60, v31  }
0x4ce: {  	v37 =	vld [tilespmem:s2+$0xE30];
	v32 =	vadd.f32 v61, v32;
	v34 =	vadd.f32 v63, v34  }
0x4cf: {  	s4 =	simm.s32 $0x80;
	s8 =	simm.s32 $0x200;
	v38 =	vld [tilespmem:s2+$0xE40];
	v27 =	vadd.f32 v1, v27;
	v28 =	vadd.f32 v2, v28  }
0x4d0: {  	s10 =	sand.u32 $0x380, s4;
	s9 =	sand.u32 $0x7000, s8;
	s8 =	simm.s32 $0x400;
	v39 =	vld [tilespmem:s2+$0xE50];
	v33 =	vadd.f32 v62, v33;
	v26 =	vadd.f32 v0, v26  }
.LBB2_14:
0x4d1: {  	p0 =	sne.s32 s8, $0x7E00;
	v3 =	vadd.f32 v35, v3;
	v0 =	vld [tilespmem:s2+$0xE60];
	s2 =	sor.u32 s10, s9  }
0x4d2: {  	v1 =	vld [tilespmem:s2+$0xE70];
	v4 =	vadd.f32 v36, v4  }
0x4d3: {  	v2 =	vld [tilespmem:s2+$0x200];
	v5 =	vadd.f32 v37, v5  }
0x4d4: {  	v35 =	vld [tilespmem:s2+$0x210];
	v6 =	vadd.f32 v38, v6  }
0x4d5: {  	v36 =	vld [tilespmem:s2+$0x220];
	v7 =	vadd.f32 v39, v7  }
0x4d6: {  	v37 =	vld [tilespmem:s2+$0x230];
	v8 =	vadd.f32 v0, v8  }
0x4d7: {  	v0 =	vld [tilespmem:s2+$0x240];
	v9 =	vadd.f32 v1, v9  }
0x4d8: {  	v10 =	vadd.f32 v2, v10;
	v1 =	vld [tilespmem:s2+$0x250]  }
0x4d9: {  	v11 =	vadd.f32 v35, v11;
	v2 =	vld [tilespmem:s2+$0x260]  }
0x4da: {  	v12 =	vadd.f32 v36, v12;
	v35 =	vld [tilespmem:s2+$0x270]  }
0x4db: {  	v13 =	vadd.f32 v37, v13;
	v36 =	vld [tilespmem:s2+$0x600]  }
0x4dc: {  	v14 =	vadd.f32 v0, v14;
	v0 =	vld [tilespmem:s2+$0x610]  }
0x4dd: {  	v15 =	vadd.f32 v1, v15;
	v1 =	vld [tilespmem:s2+$0x620]  }
0x4de: {  	v16 =	vadd.f32 v2, v16;
	v2 =	vld [tilespmem:s2+$0x630]  }
0x4df: {  	v17 =	vadd.f32 v35, v17;
	v35 =	vld [tilespmem:s2+$0x640]  }
0x4e0: {  	v18 =	vadd.f32 v36, v18;
	v36 =	vld [tilespmem:s2+$0x650]  }
0x4e1: {  	v19 =	vadd.f32 v0, v19;
	v0 =	vld [tilespmem:s2+$0x660]  }
0x4e2: {  	v20 =	vadd.f32 v1, v20;
	v1 =	vld [tilespmem:s2+$0x670]  }
0x4e3: {  	v21 =	vadd.f32 v2, v21;
	v2 =	vld [tilespmem:s2+$0xA00]  }
0x4e4: {  	v22 =	vadd.f32 v35, v22;
	v35 =	vld [tilespmem:s2+$0xA10]  }
0x4e5: {  	v23 =	vadd.f32 v36, v23;
	v36 =	vld [tilespmem:s2+$0xA20]  }
0x4e6: {  	v24 =	vadd.f32 v0, v24;
	v0 =	vld [tilespmem:s2+$0xA30]  }
0x4e7: {  	v25 =	vadd.f32 v1, v25;
	v1 =	vld [tilespmem:s2+$0xA40]  }
0x4e8: {  	v26 =	vadd.f32 v2, v26;
	v2 =	vld [tilespmem:s2+$0xA50]  }
0x4e9: {  	v27 =	vadd.f32 v35, v27;
	v37 =	vld [tilespmem:s2+$0xA60]  }
0x4ea: {  	v28 =	vadd.f32 v36, v28;
	v38 =	vld [tilespmem:s2+$0xA70]  }
0x4eb: {  	v29 =	vadd.f32 v0, v29;
	v0 =	vld [tilespmem:s2+$0xE00]  }
.Ltmp6:
0x4ec: {  	v30 =	vadd.f32 v1, v30;
	v35 =	vld [tilespmem:s2+$0xE10];
	(pc) =	sbr.rel @p0 .LBB2_14-.Ltmp6, $4  }
0x4ed: {  	v31 =	vadd.f32 v2, v31;
	v36 =	vld [tilespmem:s2+$0xE20]  }
0x4ee: {  	v32 =	vadd.f32 v37, v32;
	v37 =	vld [tilespmem:s2+$0xE30]  }
0x4ef: {  	s4 =	sadd.s32 $0x80, s4;
	v33 =	vadd.f32 v38, v33;
	v38 =	vld [tilespmem:s2+$0xE40]  }
0x4f0: {  	s9 =	sand.u32 $0x7000, s8;
	s8 =	sadd.s32 $0x200, s8;
	s10 =	sand.u32 $0x380, s4;
	v34 =	vadd.f32 v0, v34;
	v39 =	vld [tilespmem:s2+$0xE50]  }
0x4f1: {  	s4 =	sor.u32 s10, s9  }
0x4f2: {  	v62 =	vld [tilespmem:s4+$0xA70];
	_ =	sdelay $0x4  }
0x4f3: {  	[tilespmem:$0x1FB80] =	vst v62;
	v62 =	vld [tilespmem:s4+$0xE10]  }
0x4f4: {  	v0 =	vld [tilespmem:s2+$0xE60]  }
0x4f5: {  	v1 =	vld [tilespmem:s4+$0xE70]  }
0x4f6: {  	v2 =	vld [tilespmem:s4+$0x200]  }
0x4f7: {  	v40 =	vld [tilespmem:s4+$0x210]  }
0x4f8: {  	[tilespmem:$0x1FB90] =	vst v62;
	v62 =	vld [tilespmem:s4+$0xE20]  }
0x4f9: {  	v41 =	vld [tilespmem:s4+$0x220]  }
0x4fa: {  	v42 =	vld [tilespmem:s4+$0x230]  }
0x4fb: {  	v43 =	vld [tilespmem:s4+$0x240]  }
0x4fc: {  	v44 =	vld [tilespmem:s4+$0x250]  }
0x4fd: {  	[tilespmem:$0x1FBA0] =	vst v62;
	v62 =	vld [tilespmem:s4+$0xE30]  }
0x4fe: {  	v45 =	vld [tilespmem:s4+$0x260]  }
0x4ff: {  	v46 =	vld [tilespmem:s4+$0x270]  }
0x500: {  	v47 =	vld [tilespmem:s4+$0x600]  }
0x501: {  	v48 =	vld [tilespmem:s4+$0x610]  }
0x502: {  	[tilespmem:$0x1FBB0] =	vst v62;
	v62 =	vld [tilespmem:s4+$0xE40]  }
0x503: {  	v49 =	vld [tilespmem:s4+$0x620]  }
0x504: {  	v50 =	vld [tilespmem:s4+$0x630]  }
0x505: {  	v51 =	vld [tilespmem:s4+$0x640]  }
0x506: {  	v52 =	vld [tilespmem:s4+$0x650]  }
0x507: {  	[tilespmem:$0x1FBC0] =	vst v62;
	v62 =	vld [tilespmem:s4+$0xE50]  }
0x508: {  	v53 =	vld [tilespmem:s4+$0x660]  }
0x509: {  	v54 =	vld [tilespmem:s4+$0x670]  }
0x50a: {  	v55 =	vld [tilespmem:s4+$0xA00]  }
0x50b: {  	v56 =	vld [tilespmem:s4+$0xA10]  }
0x50c: {  	[tilespmem:$0x1FBD0] =	vst v62;
	v62 =	vld [tilespmem:s4+$0xE60]  }
0x50d: {  	v57 =	vld [tilespmem:s4+$0xA20]  }
0x50e: {  	v58 =	vld [tilespmem:s4+$0xA30]  }
0x50f: {  	v59 =	vld [tilespmem:s4+$0xA40]  }
0x510: {  	v60 =	vld [tilespmem:s4+$0xA50]  }
0x511: {  	v61 =	vld [tilespmem:s4+$0xA60];
	[tilespmem:$0x1FBE0] =	vst v62  }
0x512: {  	v63 =	vld [tilespmem:s4+$0xE00];
	_ =	swait.ge [sflag:s28], $0x8000  }
0x513: {  	v4 =	vadd.f32 v36, v4;
	v36 =	vadd.f32 v39, v7;
	v7 =	vld [tilespmem:$0x1FB80];
	_ =	sdelay $0x1  }
0x514: {  	s8 =	simm.s32 $0x0  }
0x515: {  	s10 =	sand.u32 $0x7000, s8;
	s2 =	sand.u32 $0x380, s8;
	[sflag:s28] =	ssyncset.done $0x0  }
0x516: {  	s2 =	sor.u32 s2, s10;
	v20 =	vadd.f32 v49, v20;
	s9 =	rddreg [dreg:$0xe];
	[sflag:s28] =	ssyncadd.s32 $0xFFFF8000  }
0x517: {  	v49 =	vadd.f32 v57, v28;
	[hbm4b:s9+s8] =	stream.linear.scatter [tilespmem:s6], [sflag:$0x5], $0x8000, $0x38;
	v57 =	vadd.f32 v7, v33;
	v7 =	vld [tilespmem:$0x1FB90]  }
0x518: {  	v3 =	vadd.f32 v35, v3;
	v35 =	vld [tilespmem:s2+$0x8E70]  }
0x519: {  	v5 =	vadd.f32 v37, v5;
	v37 =	vld [tilespmem:s2+$0x8200]  }
0x51a: {  	v2 =	vadd.f32 v2, v10;
	v10 =	vld [tilespmem:s2+$0x8210]  }
0x51b: {  	v6 =	vadd.f32 v38, v6;
	v38 =	vld [tilespmem:s2+$0x8220]  }
0x51c: {  	v1 =	vadd.f32 v1, v9;
	v9 =	vadd.f32 v7, v3;
	v3 =	vld [tilespmem:$0x1FBA0]  }
0x51d: {  	v39 =	vld [tilespmem:s2+$0x8230]  }
0x51e: {  	v11 =	vadd.f32 v40, v11;
	v40 =	vld [tilespmem:s2+$0x8240]  }
0x51f: {  	v12 =	vadd.f32 v41, v12;
	v41 =	vld [tilespmem:s2+$0x8250]  }
0x520: {  	v13 =	vadd.f32 v42, v13;
	v42 =	vld [tilespmem:s2+$0x8260]  }
0x521: {  	v0 =	vadd.f32 v0, v8;
	v8 =	vadd.f32 v3, v4;
	v3 =	vld [tilespmem:$0x1FBB0]  }
0x522: {  	v14 =	vadd.f32 v43, v14;
	v43 =	vld [tilespmem:s2+$0x8270]  }
0x523: {  	v15 =	vadd.f32 v44, v15;
	v44 =	vadd.f32 v52, v23;
	v23 =	vld [tilespmem:s2+$0x8600]  }
0x524: {  	v16 =	vadd.f32 v45, v16;
	v45 =	vadd.f32 v53, v24;
	v24 =	vld [tilespmem:s2+$0x8610]  }
0x525: {  	v21 =	vadd.f32 v50, v21;
	v50 =	vld [tilespmem:s2+$0x8620]  }
0x526: {  	v7 =	vadd.f32 v3, v5;
	v3 =	vld [tilespmem:$0x1FBC0]  }
0x527: {  	v17 =	vadd.f32 v46, v17;
	v53 =	vld [tilespmem:s2+$0x8630]  }
0x528: {  	v19 =	vadd.f32 v48, v19;
	v48 =	vadd.f32 v56, v27;
	v56 =	vld [tilespmem:s2+$0x8640]  }
0x529: {  	v18 =	vadd.f32 v47, v18;
	v52 =	vadd.f32 v59, v30;
	v59 =	vld [tilespmem:s2+$0x8650]  }
0x52a: {  	v46 =	vadd.f32 v54, v25;
	v54 =	vadd.f32 v60, v31;
	v60 =	vld [tilespmem:s2+$0x8660]  }
0x52b: {  	v22 =	vadd.f32 v51, v22;
	v6 =	vadd.f32 v3, v6;
	v3 =	vld [tilespmem:$0x1FBD0]  }
0x52c: {  	v47 =	vadd.f32 v55, v26;
	v55 =	vadd.f32 v61, v32;
	v61 =	vld [tilespmem:s2+$0x8670]  }
0x52d: {  	v51 =	vadd.f32 v58, v29;
	v58 =	vadd.f32 v63, v34;
	v63 =	vld [tilespmem:s2+$0x8E00]  }
0x52e: {  	v33 =	vadd.f32 v37, v2;
	v34 =	vadd.f32 v10, v11;
	v2 =	vld [tilespmem:s2+$0x8A20]  }
0x52f: {  	v31 =	vadd.f32 v38, v12;
	v32 =	vadd.f32 v39, v13;
	v10 =	vld [tilespmem:s2+$0x8A30]  }
0x530: {  	v29 =	vadd.f32 v40, v14;
	v5 =	vadd.f32 v3, v36;
	v3 =	vld [tilespmem:$0x1FBE0]  }
0x531: {  	v30 =	vadd.f32 v41, v15;
	v27 =	vadd.f32 v42, v16;
	v11 =	vld [tilespmem:s2+$0x8A40]  }
0x532: {  	v28 =	vadd.f32 v43, v17;
	v25 =	vadd.f32 v23, v18;
	v12 =	vld [tilespmem:s2+$0x8A50]  }
0x533: {  	v26 =	vadd.f32 v24, v19;
	v23 =	vadd.f32 v50, v20;
	v13 =	vld [tilespmem:s2+$0x8A60]  }
0x534: {  	v24 =	vadd.f32 v53, v21;
	v21 =	vadd.f32 v56, v22;
	v16 =	vld [tilespmem:s2+$0x8A70]  }
0x535: {  	v22 =	vadd.f32 v59, v44;
	v4 =	vadd.f32 v3, v0;
	v0 =	vld [tilespmem:s2+$0x8A00]  }
0x536: {  	v19 =	vadd.f32 v60, v45;
	v3 =	vadd.f32 v35, v1;
	v1 =	vld [tilespmem:s2+$0x8A10]  }
0x537: {  	v20 =	vadd.f32 v61, v46;
	v38 =	vld [tilespmem:s2+$0x8E10];
	v14 =	vadd.f32 v2, v49  }
0x538: {  	v15 =	vadd.f32 v10, v51;
	v10 =	vadd.f32 v11, v52;
	v35 =	vld [tilespmem:s2+$0x8E20]  }
0x539: {  	v11 =	vadd.f32 v12, v54;
	v12 =	vadd.f32 v13, v55;
	v36 =	vld [tilespmem:s2+$0x8E30]  }
0x53a: {  	s4 =	simm.s32 $0x80;
	s8 =	simm.s32 $0x200;
	v37 =	vld [tilespmem:s2+$0x8E40];
	v13 =	vadd.f32 v16, v57;
	v16 =	vadd.f32 v63, v58  }
0x53b: {  	s10 =	sand.u32 $0x380, s4;
	s9 =	sand.u32 $0x7000, s8;
	s8 =	simm.s32 $0x400;
	v39 =	vld [tilespmem:s2+$0x8E50];
	v17 =	vadd.f32 v0, v47;
	v18 =	vadd.f32 v1, v48  }
.LBB2_16:
0x53c: {  	p0 =	sne.s32 s8, $0x7E00;
	v9 =	vadd.f32 v38, v9;
	v0 =	vld [tilespmem:s2+$0x8E60];
	s2 =	sor.u32 s10, s9  }
0x53d: {  	v1 =	vld [tilespmem:s2+$0x8E70];
	v8 =	vadd.f32 v35, v8  }
0x53e: {  	v2 =	vld [tilespmem:s2+$0x8200];
	v7 =	vadd.f32 v36, v7  }
0x53f: {  	v35 =	vld [tilespmem:s2+$0x8210];
	v6 =	vadd.f32 v37, v6  }
0x540: {  	v36 =	vld [tilespmem:s2+$0x8220];
	v5 =	vadd.f32 v39, v5  }
0x541: {  	v37 =	vld [tilespmem:s2+$0x8230];
	v4 =	vadd.f32 v0, v4  }
0x542: {  	v0 =	vld [tilespmem:s2+$0x8240];
	v3 =	vadd.f32 v1, v3  }
0x543: {  	v33 =	vadd.f32 v2, v33;
	v1 =	vld [tilespmem:s2+$0x8250]  }
0x544: {  	v34 =	vadd.f32 v35, v34;
	v2 =	vld [tilespmem:s2+$0x8260]  }
0x545: {  	v31 =	vadd.f32 v36, v31;
	v35 =	vld [tilespmem:s2+$0x8270]  }
0x546: {  	v32 =	vadd.f32 v37, v32;
	v36 =	vld [tilespmem:s2+$0x8600]  }
0x547: {  	v29 =	vadd.f32 v0, v29;
	v0 =	vld [tilespmem:s2+$0x8610]  }
0x548: {  	v30 =	vadd.f32 v1, v30;
	v1 =	vld [tilespmem:s2+$0x8620]  }
0x549: {  	v27 =	vadd.f32 v2, v27;
	v2 =	vld [tilespmem:s2+$0x8630]  }
0x54a: {  	v28 =	vadd.f32 v35, v28;
	v35 =	vld [tilespmem:s2+$0x8640]  }
0x54b: {  	v25 =	vadd.f32 v36, v25;
	v36 =	vld [tilespmem:s2+$0x8650]  }
0x54c: {  	v26 =	vadd.f32 v0, v26;
	v0 =	vld [tilespmem:s2+$0x8660]  }
0x54d: {  	v23 =	vadd.f32 v1, v23;
	v1 =	vld [tilespmem:s2+$0x8670]  }
0x54e: {  	v24 =	vadd.f32 v2, v24;
	v2 =	vld [tilespmem:s2+$0x8A00]  }
0x54f: {  	v21 =	vadd.f32 v35, v21;
	v35 =	vld [tilespmem:s2+$0x8A10]  }
0x550: {  	v22 =	vadd.f32 v36, v22;
	v36 =	vld [tilespmem:s2+$0x8A20]  }
0x551: {  	v19 =	vadd.f32 v0, v19;
	v0 =	vld [tilespmem:s2+$0x8A30]  }
0x552: {  	v20 =	vadd.f32 v1, v20;
	v1 =	vld [tilespmem:s2+$0x8A40]  }
0x553: {  	v17 =	vadd.f32 v2, v17;
	v2 =	vld [tilespmem:s2+$0x8A50]  }
0x554: {  	v18 =	vadd.f32 v35, v18;
	v37 =	vld [tilespmem:s2+$0x8A60]  }
0x555: {  	v14 =	vadd.f32 v36, v14;
	v39 =	vld [tilespmem:s2+$0x8A70]  }
0x556: {  	v15 =	vadd.f32 v0, v15;
	v0 =	vld [tilespmem:s2+$0x8E00]  }
.Ltmp7:
0x557: {  	v10 =	vadd.f32 v1, v10;
	v38 =	vld [tilespmem:s2+$0x8E10];
	(pc) =	sbr.rel @p0 .LBB2_16-.Ltmp7, $4  }
0x558: {  	v11 =	vadd.f32 v2, v11;
	v35 =	vld [tilespmem:s2+$0x8E20]  }
0x559: {  	v12 =	vadd.f32 v37, v12;
	v36 =	vld [tilespmem:s2+$0x8E30]  }
0x55a: {  	s4 =	sadd.s32 $0x80, s4;
	v13 =	vadd.f32 v39, v13;
	v37 =	vld [tilespmem:s2+$0x8E40]  }
0x55b: {  	s9 =	sand.u32 $0x7000, s8;
	s8 =	sadd.s32 $0x200, s8;
	s10 =	sand.u32 $0x380, s4;
	v16 =	vadd.f32 v0, v16;
	v39 =	vld [tilespmem:s2+$0x8E50]  }
0x55c: {  	s4 =	sor.u32 s10, s9;
	v0 =	vld [tilespmem:s2+$0x8E60]  }
0x55d: {  	v41 =	vld [tilespmem:s4+$0x8E70]  }
0x55e: {  	v2 =	vld [tilespmem:s4+$0x8200]  }
0x55f: {  	v40 =	vld [tilespmem:s4+$0x8210]  }
0x560: {  	v42 =	vld [tilespmem:s4+$0x8230]  }
0x561: {  	v43 =	vld [tilespmem:s4+$0x8240]  }
0x562: {  	v44 =	vld [tilespmem:s4+$0x8250]  }
0x563: {  	v45 =	vld [tilespmem:s4+$0x8260]  }
0x564: {  	v46 =	vld [tilespmem:s4+$0x8270]  }
0x565: {  	v47 =	vld [tilespmem:s4+$0x8600]  }
0x566: {  	v48 =	vld [tilespmem:s4+$0x8610]  }
0x567: {  	v49 =	vld [tilespmem:s4+$0x8620]  }
0x568: {  	v50 =	vld [tilespmem:s4+$0x8630]  }
0x569: {  	v51 =	vld [tilespmem:s4+$0x8640]  }
0x56a: {  	v52 =	vld [tilespmem:s4+$0x8650]  }
0x56b: {  	v53 =	vld [tilespmem:s4+$0x8660]  }
0x56c: {  	v54 =	vld [tilespmem:s4+$0x8670]  }
0x56d: {  	v55 =	vld [tilespmem:s4+$0x8A00]  }
0x56e: {  	v56 =	vld [tilespmem:s4+$0x8A10]  }
0x56f: {  	v57 =	vld [tilespmem:s4+$0x8A20]  }
0x570: {  	v58 =	vld [tilespmem:s4+$0x8A30]  }
0x571: {  	v1 =	vld [tilespmem:s4+$0x8E20]  }
0x572: {  	v59 =	vld [tilespmem:s4+$0x8A40]  }
0x573: {  	v60 =	vld [tilespmem:s4+$0x8A50]  }
0x574: {  	v61 =	vld [tilespmem:s4+$0x8A60]  }
0x575: {  	v62 =	vld [tilespmem:s4+$0x8A70]  }
0x576: {  	[tilespmem:$0x1FB30] =	vst v1;
	v1 =	vld [tilespmem:s4+$0x8E30]  }
0x577: {  	v63 =	vld [tilespmem:s4+$0x8E00]  }
0x578: {  	[tilespmem:$0x1FB50] =	vst v0;
	v0 =	vld [tilespmem:s4+$0x8E10]  }
0x579: {  	[tilespmem:$0x1FB70] =	vst v41;
	v41 =	vld [tilespmem:s4+$0x8220]  }
0x57a: {  	v2 =	vadd.f32 v2, v33;
	v33 =	vld [tilespmem:s4+$0x8E50]  }
0x57b: {  	v34 =	vadd.f32 v40, v34;
	v40 =	vld [tilespmem:s4+$0x8E60];
	[tilespmem:$0x1FB40] =	vst v1  }
0x57c: {  	v42 =	vadd.f32 v42, v32;
	v1 =	vld [tilespmem:s4+$0x8E40];
	[tilespmem:$0x18200] =	vst v2  }
0x57d: {  	v29 =	vadd.f32 v43, v29;
	[tilespmem:$0x18210] =	vst v34  }
0x57e: {  	v30 =	vadd.f32 v44, v30;
	[tilespmem:$0x18230] =	vst v42  }
0x57f: {  	v44 =	vadd.f32 v45, v27;
	[tilespmem:$0x18240] =	vst v29  }
0x580: {  	v45 =	vadd.f32 v46, v28;
	[tilespmem:$0x18250] =	vst v30  }
0x581: {  	v25 =	vadd.f32 v47, v25;
	[tilespmem:$0x18260] =	vst v44  }
0x582: {  	v46 =	vadd.f32 v48, v26;
	[tilespmem:$0x18270] =	vst v45  }
0x583: {  	v23 =	vadd.f32 v49, v23;
	[tilespmem:$0x18280] =	vst v25  }
0x584: {  	v24 =	vadd.f32 v50, v24;
	[tilespmem:$0x18290] =	vst v46  }
0x585: {  	v47 =	vadd.f32 v51, v21;
	[tilespmem:$0x182A0] =	vst v23  }
0x586: {  	v48 =	vadd.f32 v52, v22;
	[tilespmem:$0x182B0] =	vst v24  }
0x587: {  	v19 =	vadd.f32 v53, v19;
	[tilespmem:$0x182C0] =	vst v47  }
0x588: {  	v49 =	vadd.f32 v54, v20;
	[tilespmem:$0x182D0] =	vst v48  }
0x589: {  	v17 =	vadd.f32 v55, v17;
	[tilespmem:$0x182E0] =	vst v19  }
0x58a: {  	v18 =	vadd.f32 v56, v18;
	[tilespmem:$0x182F0] =	vst v49  }
0x58b: {  	v50 =	vadd.f32 v57, v14;
	[tilespmem:$0x18300] =	vst v17  }
0x58c: {  	v51 =	vadd.f32 v58, v15;
	[tilespmem:$0x18310] =	vst v18  }
0x58d: {  	v10 =	vadd.f32 v59, v10;
	[tilespmem:$0x18320] =	vst v50  }
0x58e: {  	v52 =	vadd.f32 v60, v11;
	[tilespmem:$0x18330] =	vst v51  }
0x58f: {  	v53 =	vadd.f32 v61, v12;
	[tilespmem:$0x18340] =	vst v10  }
0x590: {  	v54 =	vadd.f32 v62, v13;
	v60 =	vld [tilespmem:$0x1FB50];
	[tilespmem:$0x18350] =	vst v52  }
0x591: {  	v9 =	vadd.f32 v38, v9;
	v56 =	vadd.f32 v63, v16;
	v63 =	vld [tilespmem:$0x1FB70];
	[tilespmem:$0x18360] =	vst v53  }
0x592: {  	[tilespmem:$0x18370] =	vst v54  }
0x593: {  	v58 =	vadd.f32 v39, v5;
	v57 =	vld [tilespmem:$0x1FB30];
	v0 =	vadd.f32 v0, v9;
	[tilespmem:$0x18380] =	vst v56  }
0x594: {  	v31 =	vadd.f32 v41, v31;
	v59 =	vld [tilespmem:$0x1FB40];
	[tilespmem:$0x1FB60] =	vst v1  }
0x595: {  	v62 =	vadd.f32 v33, v58;
	[tilespmem:$0x18390] =	vst v0;
	v0 =	vadd.f32 v60, v4;
	v61 =	vld [tilespmem:$0x1FB60]  }
0x596: {  	v55 =	vadd.f32 v35, v8;
	v2 =	vadd.f32 v63, v3;
	[tilespmem:$0x18220] =	vst v31  }
0x597: {  	v7 =	vadd.f32 v36, v7;
	[tilespmem:$0x183D0] =	vst v62;
	v0 =	vadd.f32 v40, v0  }
0x598: {  	v6 =	vadd.f32 v37, v6;
	[tilespmem:$0x183F0] =	vst v2;
	v1 =	vadd.f32 v57, v55  }
0x599: {  	[tilespmem:$0x183E0] =	vst v0;
	v5 =	vadd.f32 v59, v7  }
0x59a: {  	[tilespmem:$0x183A0] =	vst v1;
	v4 =	vadd.f32 v61, v6  }
0x59b: {  	s9 =	simm.s32 $0x80;
	[tilespmem:$0x183B0] =	vst v5  }
0x59c: {  	s8 =	simm.s32 $0x400;
	s10 =	simm.s32 $0x18200;
	s4 =	rddreg [dreg:$0xf];
	[tilespmem:$0x183C0] =	vst v4  }
0x59d: {  	[hbm4b:s4+s9] =	stream.strided.scatter [tilespmem:s10], [sflag:$0x1], $0x200, s8, s9, $0x38;
	[tilespmem:$0x18400] =	vst v63  }
0x59e: {  	_ =	swait.ge [sflag:s31], $0x8000  }
0x59f: {  	[sflag:s31] =	ssyncset.done $0x0  }
0x5a0: {  	[sflag:s31] =	ssyncadd.s32 $0xFFFF8000  }
0x5a1: {  	_ =	swait.ge [sflag:s26], $0x8000  }
0x5a2: {  	[sflag:s26] =	ssyncset.done $0x0  }
0x5a3: {  	[sflag:s26] =	ssyncadd.s32 $0xFFFF8000  }
0x5a4: {  	_ =	swait.ge [sflag:s29], $0x8000  }
0x5a5: {  	[sflag:s29] =	ssyncset.done $0x0  }
0x5a6: {  	[sflag:s29] =	ssyncadd.s32 $0xFFFF8000  }
0x5a7: {  	_ =	swait.ge [sflag:s25], $0x200  }
0x5a8: {  	s0 =	sadd.s32 $0x1, s0;
	s10 =	rddreg [dreg:$0x10]  }
0x5a9: {  	p0 =	sne.s32 s0, s10  }
.Ltmp8:
0x5aa: {  	_ = 	snop;
	(pc) =	sbr.rel @p0 .LBB2_1-.Ltmp8, $3  }
0x5ab: {  	_ =	sdelay $0x1  }
0x5ac: {  	[sflag:s25] =	ssyncset.done $0x0  }
0x5ad: {  	[sflag:s25] =	ssyncadd.s32 $0xFFFFFE00  }
0x5ae: {  	_ =	sfence.sel $0x180000  }
0x5af: {  	[bflag:$0x0] =	sbarrier.arrive $0xFFFF  }
0x5b0: {  	_ =	strace $0x90000047  }
0x5b1: {  	s0 =	stileid.u32;
	[bflag:$0x2] =	sbarrier.arrive $0xFFFF  }
0x5b2: {  	p0 =	sne.s32 s0, $0x0;
	s0 =	rddreg [dreg:$0x4]  }
0x5b3: {  	s0 =	sadd.s32 @!p0 $0x100000, s0  }
0x5b4: {  	[sflag:s0] =	ssyncadd.tile.s32 @!p0 $0x1;
	_ =	shalt  }
.Lfunc_end2:
_tile_overlayer_lowered:
.L_overlay_start_2:
0x5b5: {  	(tag) =	ssettag $0x2  }
0x5b6: {  	s0 =	rddreg [dreg:$0x0];
	s2 =	stileid.u32  }
0x5b7: {  	s1 =	rddreg [dreg:$0x1];
	p0 =	sne.s32 s2, $0x0  }
0x5b8: {  	s3 =	rddreg [dreg:$0x2];
	[bflag:$0x3] =	sbarrier.arrive $0xFFFF;
	s2 =	simm.s32 @!p0 $0x1C07  }
0x5b9: {  	[timem:s3], [sflag:s2] =	dma.local @!p0 [hbm:s0], s1  }
0x5ba: {  	s0 =	simm.s32 @!p0 $0x7  }
0x5bb: {  	_ =	swait.ge @!p0 [sflag:s0], s1  }
0x5bc: {  	s1 =	ssub.s32 @!p0 $0x0, s1;
	[sflag:s0] =	ssyncset.done @!p0 $0x0  }
0x5bd: {  	[sflag:s0] =	ssyncadd.s32 @!p0 s1  }
0x5be: {  	[bflag:$0x3] =	sbarrier.arrive $0xFFFF  }
0x5bf: {  	_ =	shalt  }

</sc_bundles>
